<compile_context>
chip_gen: v7x
topology: tpu7x:2x2x1
jax: 0.10.2.dev20260603
libtpu: 0.0.44.dev20260713+nightly
codegen_flags: <defaults>
</compile_context>

<pallas_src>
import functools

import jax
import jax.numpy as jnp
from jax import lax
from jax.experimental import pallas as pl
from jax.experimental.pallas import tpu as pltpu
from jax.experimental.pallas import tpu_sc as plsc

CAT = 1203
CATP = 1280
DIM = 256
N = 32768
T = 0.07

NC = 2
NS = 16
L = 16
ROWS_C = N // NC
CH = 1024
NCHUNK = ROWS_C // CH
NGRP = CH // L
SHARE = CH // NS


def _seg_sum_kernel(feats_hbm, tgts_hbm,
                    psums_hbm, pcnts_hbm,
                    feats_v, idx_v0, idx_v1, acc_v, cacc_v,
                    rows_v0, rows_v1, repack_v, stage_sh,
                    sem, rsem0, rsem1, isem0, isem1):
    c = lax.axis_index("c")
    s = lax.axis_index("s")

    @plsc.parallel_loop(0, CATP, unroll=8)
    def _zero(i):
        acc_v[pl.ds(i * L, L)] = jnp.zeros((L,), jnp.float32)
        cacc_v[pl.ds(i * L, L)] = jnp.zeros((L,), jnp.float32)

    iota = lax.iota(jnp.int32, L)
    ones = jnp.ones((L,), jnp.float32)
    base0 = c * ROWS_C
    bufs = ((idx_v0, rows_v0, isem0, rsem0),
            (idx_v1, rows_v1, isem1, rsem1))

    def prefetch(i, p):
        idx_v, rows_v, isem, rsem = bufs[p]
        nb = base0 + i * CH
        pltpu.async_copy(tgts_hbm.at[pl.ds(nb, CH)], idx_v, isem)
        pltpu.async_copy(feats_hbm.at[pl.ds(nb + s * SHARE, SHARE)],
                         rows_v, rsem)

    prefetch(0, 0)

    def do_chunk(i, p):
        idx_v, rows_v, isem, rsem = bufs[p]
        base = base0 + i * CH
        pbuf = 0
        pltpu.make_async_copy(tgts_hbm.at[pl.ds(base, CH)],
                              idx_v, isem).wait()
        pltpu.make_async_copy(feats_hbm.at[pl.ds(base + s * SHARE, SHARE)],
                              rows_v, rsem).wait()

        @pl.when(i + 1 < NCHUNK)
        def _pref():
            prefetch(i + 1, 1 - p)

        @plsc.parallel_loop(0, SHARE, unroll=2)
        def _repack(r):
            for t in range(NS):
                repack_v[t, pl.ds(r * L, L)] = rows_v[r, pl.ds(t * L, L)]

        copies = [
            pltpu.async_copy(
                repack_v.at[t],
                stage_sh.at[pl.ds(pbuf + t * (CH * L) + s * (SHARE * L),
                                  SHARE * L)],
                sem)
            for t in range(NS)
        ]
        for cp in copies:
            cp.wait()
        plsc.subcore_barrier()
        pltpu.sync_copy(stage_sh.at[pl.ds(pbuf + s * (CH * L), CH * L)],
                        feats_v)

        @pl.when(s == 0)
        def _count_loop():
            @plsc.parallel_loop(0, NGRP, unroll=4)
            def _count(g):
                idx_vec = idx_v[pl.ds(g * L, L)]
                plsc.addupdate_scatter(cacc_v, [idx_vec * L + iota], ones)

        @plsc.parallel_loop(0, NGRP, unroll=1)
        def _grp(g):
            addr = idx_v[pl.ds(g * L, L)] * L
            for j in range(L):
                asplat = jnp.broadcast_to(addr[j], (L,)) + iota
                x = feats_v[pl.ds((g * L + j) * L, L)]
                plsc.addupdate_scatter(acc_v, [asplat], x)

        plsc.subcore_barrier()

    def outer_body(i2, _):
        do_chunk(2 * i2, 0)
        do_chunk(2 * i2 + 1, 1)
        return 0

    lax.fori_loop(0, NCHUNK // 2, outer_body, 0)

    wid = c * NS + s
    pltpu.sync_copy(acc_v, psums_hbm.at[pl.ds(wid * (CATP * L), CATP * L)])

    @pl.when(s == 0)
    def _out_counts():
        pltpu.sync_copy(cacc_v, pcnts_hbm.at[pl.ds(c * (CATP * L), CATP * L)])


def _segment_sums(feats_flat, cls_targets):
    mesh = plsc.VectorSubcoreMesh(core_axis_name="c", subcore_axis_name="s")
    f = functools.partial(
        pl.kernel,
        out_type=[jax.ShapeDtypeStruct((NC * NS * CATP * L,), jnp.float32),
                  jax.ShapeDtypeStruct((NC * CATP * L,), jnp.float32)],
        mesh=mesh,
        compiler_params=pltpu.CompilerParams(needs_layout_passes=False),
        scratch_types=[
            pltpu.VMEM((CH * L,), jnp.float32),
            pltpu.VMEM((CH,), jnp.int32),
            pltpu.VMEM((CH,), jnp.int32),
            pltpu.VMEM((CATP * L,), jnp.float32),
            pltpu.VMEM((CATP * L,), jnp.float32),
            pltpu.VMEM((SHARE, DIM), jnp.float32),
            pltpu.VMEM((SHARE, DIM), jnp.float32),
            pltpu.VMEM((NS, SHARE * L), jnp.float32),
            pltpu.VMEM_SHARED((NS * CH * L,), jnp.float32),
            pltpu.SemaphoreType.DMA,
            pltpu.SemaphoreType.DMA,
            pltpu.SemaphoreType.DMA,
            pltpu.SemaphoreType.DMA,
            pltpu.SemaphoreType.DMA,
        ],
    )(_seg_sum_kernel)
    return f(feats_flat, cls_targets)


def _dense_kernel(psums_ref, pcnts_ref, protos_ref, dproto_ref, out_ref):
    sums = psums_ref[0] + psums_ref[1]
    cnt = jnp.sum(pcnts_ref[0] + pcnts_ref[1], axis=1,
                  keepdims=True)
    present = cnt > 0.0
    means = sums / jnp.maximum(cnt, 1.0)
    delta = jnp.where(present, means, dproto_ref[...])

    def rownorm(x):
        ss = jnp.sum(x * x, axis=1, keepdims=True)
        return x * lax.rsqrt(jnp.maximum(ss, 1e-30))

    v1 = rownorm(protos_ref[...])
    v2 = rownorm(delta)
    logits = lax.dot_general(
        v1, v2, (((1,), (1,)), ((), ())),
        preferred_element_type=jnp.float32,
        precision=lax.Precision.HIGHEST) * (1.0 / T)
    col1 = lax.broadcasted_iota(jnp.int32, (1, CATP), 1)
    lm = logits + jnp.where(col1 < CAT, 0.0, -1e30)
    mx = jnp.max(lm, axis=1, keepdims=True)
    lse = jnp.log(jnp.sum(jnp.exp(lm - mx), axis=1, keepdims=True)) + mx
    diag = jnp.sum(v1 * v2, axis=1, keepdims=True) * (1.0 / T)
    ce = lse - diag
    num = jnp.sum(jnp.where(present, ce, 0.0))
    den = jnp.maximum(jnp.sum(jnp.where(present, 1.0, 0.0)), 1.0)
    out_ref[0, 0] = num / den


def kernel(cls_feats, cls_targets, prototypes, delta_prototype):
    psums_flat, pcnts_flat = _segment_sums(cls_feats, cls_targets)
    psums = (psums_flat.reshape(NC, NS, CATP, L)
             .transpose(0, 2, 1, 3).reshape(NC, CATP, DIM))
    pcnts = pcnts_flat.reshape(NC, CATP, L)
    protos_p = jnp.pad(prototypes, ((0, CATP - CAT), (0, 0)))
    dproto_p = jnp.pad(delta_prototype, ((0, CATP - CAT), (0, 0)))
    out = pl.pallas_call(
        _dense_kernel,
        out_shape=jax.ShapeDtypeStruct((1, 1), jnp.float32),
        in_specs=[pl.BlockSpec(memory_space=pltpu.VMEM)] * 4,
        out_specs=pl.BlockSpec(memory_space=pltpu.SMEM),
    )(psums, pcnts, protos_p, dproto_p)
    return out[0, 0]

# --- scband reference (transcript-rebuilt; emitter-appended) ---
"""Pipeline reference for scband-fcosprototype-9990093931068 (READ-ONLY COPY).

The authoritative reference and input builder live on the scoring server;
editing this copy changes nothing except your own understanding.
"""

import jax, jax.numpy as jnp
import numpy as np

CAT_NUMS = 1203
DIM = 256
T = 0.07
N = 32768


def setup_inputs(seed: int = 0) -> dict:
    key = jax.random.key(seed)
    k1, k2, k3, k4 = jax.random.split(key, 4)
    cls_feats = jax.random.normal(k1, (N, DIM), dtype=jnp.float32)
    cls_targets = jax.random.randint(k2, (N,), 0, CAT_NUMS, dtype=jnp.int32)
    # learned parameter: prototypes ~ Normal(0, 0.01)
    prototypes = 0.01 * jax.random.normal(k3, (CAT_NUMS, DIM), dtype=jnp.float32)
    # non-learned buffer: delta_prototype initial values ~ Normal(0, 0.01)
    delta_prototype = 0.01 * jax.random.normal(k4, (CAT_NUMS, DIM), dtype=jnp.float32)
    return {
        "cls_feats": cls_feats,
        "cls_targets": cls_targets,
        "prototypes": prototypes,
        "delta_prototype": delta_prototype,
    }


def reference(cls_feats, cls_targets, prototypes, delta_prototype):
    # update_mem_bank + contrast_learning_update (mode='contrast', updates=0)
    # mem_bank[i] = feats of class i (detached); delta_prototype[i] = their mean
    feats = jax.lax.stop_gradient(cls_feats)  # torch stores feat.detach()
    sums = jax.ops.segment_sum(feats, cls_targets, num_segments=CAT_NUMS)
    counts = jax.ops.segment_sum(jnp.ones((feats.shape[0],), dtype=jnp.float32), cls_targets, num_segments=CAT_NUMS)
    present = counts > 0  # classes whose mem_bank is not None
    means = sums / jnp.maximum(counts, 1.0)[:, None]
    delta = jnp.where(present[:, None], means, delta_prototype)
    delta = jax.lax.stop_gradient(delta)  # delta_prototype carries no grad in torch
    # InfoNCELoss(t=0.07, reduction='none') between prototypes and delta
    v1 = prototypes / jnp.linalg.norm(prototypes, axis=-1, keepdims=True)
    v2 = delta / jnp.linalg.norm(delta, axis=-1, keepdims=True)
    logits = (v1 @ v2.T) / T
    # cross entropy with labels = arange(cat_nums), reduction='none'
    lse = jax.scipy.special.logsumexp(logits, axis=-1)
    diag = jnp.diagonal(logits)
    ce = lse - diag
    # loss over not_None_idx only, then mean
    m = present.astype(jnp.float32)
    loss = jnp.sum(ce * m) / jnp.maximum(jnp.sum(m), 1.0)
    return loss

if __name__ == "__main__":
    import jax
    _d = setup_inputs()
    print(jax.jit(kernel)(*tuple(_d.values())))

</pallas_src>

<mosaic_0001>
#map = affine_map<(d0, d1) -> (0, 0)>
#map1 = affine_map<(d0, d1) -> (0)>
module attributes {stable_mosaic.version = 14 : i64} {
  func.func @_seg_sum_kernel(%arg0: i32, %arg1: i32, %arg2: memref<32768x256xf32, #tpu.memory_space<hbm>>, %arg3: memref<32768xi32, #tpu.memory_space<hbm>>, %arg4: memref<655360xf32, #tpu.memory_space<hbm>>, %arg5: memref<40960xf32, #tpu.memory_space<hbm>>, %arg6: memref<16384xf32, #tpu.memory_space<vmem>>, %arg7: memref<1024xi32, #tpu.memory_space<vmem>>, %arg8: memref<1024xi32, #tpu.memory_space<vmem>>, %arg9: memref<20480xf32, #tpu.memory_space<vmem>>, %arg10: memref<20480xf32, #tpu.memory_space<vmem>>, %arg11: memref<64x256xf32, #tpu.memory_space<vmem>>, %arg12: memref<64x256xf32, #tpu.memory_space<vmem>>, %arg13: memref<16x1024xf32, #tpu.memory_space<vmem>>, %arg14: memref<262144xf32, #tpu.memory_space<vmem_shared>>, %arg15: memref<!tpu.dma_semaphore, #tpu.memory_space<semaphore_mem>>, %arg16: memref<!tpu.dma_semaphore, #tpu.memory_space<semaphore_mem>>, %arg17: memref<!tpu.dma_semaphore, #tpu.memory_space<semaphore_mem>>, %arg18: memref<!tpu.dma_semaphore, #tpu.memory_space<semaphore_mem>>, %arg19: memref<!tpu.dma_semaphore, #tpu.memory_space<semaphore_mem>>) attributes {dimension_semantics = [#tpu.dimension_semantics<core_parallel>, #tpu.dimension_semantics<subcore_parallel>], iteration_bounds = array<i64: 2, 16>, scalar_prefetch = 0 : i64, scratch_operands = 14 : i64, tpu.core_type = #tpu.core_type<sc_vector_subcore>, window_params = [{transform_indices = #map}, {transform_indices = #map1}, {transform_indices = #map1}, {transform_indices = #map1}]} {
    %parallel_loop3A = arith.constant 0 : i32
    %parallel_loop3A_0 = arith.constant 1280 : i32
    %parallel_loop3A_1 = arith.constant 1 : i32
    scf.for %parallel_loop3A_26 = %parallel_loop3A to %parallel_loop3A_0 step %parallel_loop3A_1  : i32 {
      %parallel_loop3A_27 = arith.constant 0.000000e+00 : f32
      %parallel_loop3A_28 = vector.broadcast %parallel_loop3A_27 : f32 to vector<16xf32>
      %parallel_loop3A_29 = arith.constant 16 : i32
      %parallel_loop3A_30 = arith.muli %parallel_loop3A_26, %parallel_loop3A_29 : i32
      %parallel_loop3A_31 = arith.index_cast %parallel_loop3A_30 : i32 to index
      %parallel_loop3A_32 = tpu.vector_load %arg9[%parallel_loop3A_31] {strides = array<i32>} : memref<20480xf32, #tpu.memory_space<vmem>>, vector<16xf32>,
      tpu.vector_store %arg9[%parallel_loop3A_31], %parallel_loop3A_28 {strides = array<i32>} : memref<20480xf32, #tpu.memory_space<vmem>>, vector<16xf32>,
      %parallel_loop3A_33 = arith.constant 0.000000e+00 : f32
      %parallel_loop3A_34 = vector.broadcast %parallel_loop3A_33 : f32 to vector<16xf32>
      %parallel_loop3A_35 = arith.constant 16 : i32
      %parallel_loop3A_36 = arith.muli %parallel_loop3A_26, %parallel_loop3A_35 : i32
      %parallel_loop3A_37 = arith.index_cast %parallel_loop3A_36 : i32 to index
      %parallel_loop3A_38 = tpu.vector_load %arg10[%parallel_loop3A_37] {strides = array<i32>} : memref<20480xf32, #tpu.memory_space<vmem>>, vector<16xf32>,
      tpu.vector_store %arg10[%parallel_loop3A_37], %parallel_loop3A_34 {strides = array<i32>} : memref<20480xf32, #tpu.memory_space<vmem>>, vector<16xf32>,
    } {sc.loop_unroll_factor = 8 : i64, sc.parallel_access}
    %iota3A = tpu.iota {dimensions = array<i32: 0>} : vector<16xi32>
    %broadcast_in_dim3A = arith.constant 1.000000e+00 : f32
    %broadcast_in_dim3A_2 = vector.broadcast %broadcast_in_dim3A : f32 to vector<16xf32>
    %mul3A = arith.constant 16384 : i32
    %mul3A_3 = arith.muli %arg0, %mul3A : i32
    %add3A = arith.constant 0 : i32
    %add3A_4 = arith.addi %mul3A_3, %add3A : i32
    %dma_start3A = tpu.memref_slice %arg3[%add3A_4] : memref<32768xi32, #tpu.memory_space<hbm>> -> memref<1024xi32, #tpu.memory_space<hbm>>
    %dma_start3A_5 = tpu.memref_slice %arg3[%add3A_4] : memref<32768xi32, #tpu.memory_space<hbm>> -> memref<1024xi32, #tpu.memory_space<hbm>>
    tpu.enqueue_dma source(%dma_start3A_5 : memref<1024xi32, #tpu.memory_space<hbm>>) target(%arg7 : memref<1024xi32, #tpu.memory_space<vmem>>) target_semaphore(%arg18 : memref<!tpu.dma_semaphore, #tpu.memory_space<semaphore_mem>>)
    %mul3A_6 = arith.constant 64 : i32
    %mul3A_7 = arith.muli %arg1, %mul3A_6 : i32
    %add3A_8 = arith.addi %add3A_4, %mul3A_7 : i32
    %dma_start3A_9 = arith.constant 0 : i32
    %dma_start3A_10 = tpu.memref_slice %arg2[%add3A_8, %dma_start3A_9] : memref<32768x256xf32, #tpu.memory_space<hbm>> -> memref<64x256xf32, #tpu.memory_space<hbm>>
    %dma_start3A_11 = arith.constant 0 : i32
    %dma_start3A_12 = tpu.memref_slice %arg2[%add3A_8, %dma_start3A_11] : memref<32768x256xf32, #tpu.memory_space<hbm>> -> memref<64x256xf32, #tpu.memory_space<hbm>>
    tpu.enqueue_dma source(%dma_start3A_12 : memref<64x256xf32, #tpu.memory_space<hbm>>) target(%arg11 : memref<64x256xf32, #tpu.memory_space<vmem>>) target_semaphore(%arg16 : memref<!tpu.dma_semaphore, #tpu.memory_space<semaphore_mem>>)
    %scan3A = arith.constant 0 : i32
    %scan3A_13 = arith.constant 0 : i32
    %scan3A_14 = arith.constant 8 : i32
    %scan3A_15 = arith.addi %scan3A_13, %scan3A_14 : i32
    %scan3A_16 = arith.constant 1 : i32
    %scan3A_17 = scf.for %scan3A_26 = %scan3A_13 to %scan3A_15 step %scan3A_16 iter_args(%scan3A_27 = %scan3A) -> (i32)  : i32 {
      %mul3A_28 = arith.constant 2 : i32
      %mul3A_29 = arith.muli %mul3A_28, %scan3A_26 : i32
      %mul3A_30 = arith.constant 1024 : i32
      %mul3A_31 = arith.muli %mul3A_29, %mul3A_30 : i32
      %add3A_32 = arith.addi %mul3A_3, %mul3A_31 : i32
      %dma_wait3A = tpu.memref_slice %arg3[%add3A_32] : memref<32768xi32, #tpu.memory_space<hbm>> -> memref<1024xi32, #tpu.memory_space<hbm>>
      %dma_wait3A_33 = tpu.memref_slice %arg3[%add3A_32] : memref<32768xi32, #tpu.memory_space<hbm>> -> memref<1024xi32, #tpu.memory_space<hbm>>
      tpu.wait_dma2 semaphore(%arg18 : memref<!tpu.dma_semaphore, #tpu.memory_space<semaphore_mem>>) src(%dma_wait3A_33 : memref<1024xi32, #tpu.memory_space<hbm>>) dst(%arg7 : memref<1024xi32, #tpu.memory_space<vmem>>)
      %mul3A_34 = arith.constant 64 : i32
      %mul3A_35 = arith.muli %arg1, %mul3A_34 : i32
      %add3A_36 = arith.addi %add3A_32, %mul3A_35 : i32
      %dma_wait3A_37 = arith.constant 0 : i32
      %dma_wait3A_38 = tpu.memref_slice %arg2[%add3A_36, %dma_wait3A_37] : memref<32768x256xf32, #tpu.memory_space<hbm>> -> memref<64x256xf32, #tpu.memory_space<hbm>>
      %dma_wait3A_39 = arith.constant 0 : i32
      %dma_wait3A_40 = tpu.memref_slice %arg2[%add3A_36, %dma_wait3A_39] : memref<32768x256xf32, #tpu.memory_space<hbm>> -> memref<64x256xf32, #tpu.memory_space<hbm>>
      tpu.wait_dma2 semaphore(%arg16 : memref<!tpu.dma_semaphore, #tpu.memory_space<semaphore_mem>>) src(%dma_wait3A_40 : memref<64x256xf32, #tpu.memory_space<hbm>>) dst(%arg11 : memref<64x256xf32, #tpu.memory_space<vmem>>)
      %add3A_41 = arith.constant 1 : i32
      %add3A_42 = arith.addi %mul3A_29, %add3A_41 : i32
      %lt3A = arith.constant 16 : i32
      %lt3A_43 = arith.cmpi slt, %add3A_42, %lt3A : i32
      %convert_element_type3A_44 = arith.extui %lt3A_43 : i1 to i32
      %cond3A_45 = arith.constant 0 : i32
      %cond3A_46 = arith.cmpi ne, %convert_element_type3A_44, %cond3A_45 : i32
      scf.if %cond3A_46 {
        %add3A_808 = arith.constant 1 : i32
        %add3A_809 = arith.addi %mul3A_29, %add3A_808 : i32
        %mul3A_810 = arith.constant 1024 : i32
        %mul3A_811 = arith.muli %add3A_809, %mul3A_810 : i32
        %add3A_812 = arith.addi %mul3A_3, %mul3A_811 : i32
        %dma_start3A_813 = tpu.memref_slice %arg3[%add3A_812] : memref<32768xi32, #tpu.memory_space<hbm>> -> memref<1024xi32, #tpu.memory_space<hbm>>
        %dma_start3A_814 = tpu.memref_slice %arg3[%add3A_812] : memref<32768xi32, #tpu.memory_space<hbm>> -> memref<1024xi32, #tpu.memory_space<hbm>>
        tpu.enqueue_dma source(%dma_start3A_814 : memref<1024xi32, #tpu.memory_space<hbm>>) target(%arg8 : memref<1024xi32, #tpu.memory_space<vmem>>) target_semaphore(%arg19 : memref<!tpu.dma_semaphore, #tpu.memory_space<semaphore_mem>>)
        %mul3A_815 = arith.constant 64 : i32
        %mul3A_816 = arith.muli %arg1, %mul3A_815 : i32
        %add3A_817 = arith.addi %add3A_812, %mul3A_816 : i32
        %dma_start3A_818 = arith.constant 0 : i32
        %dma_start3A_819 = tpu.memref_slice %arg2[%add3A_817, %dma_start3A_818] : memref<32768x256xf32, #tpu.memory_space<hbm>> -> memref<64x256xf32, #tpu.memory_space<hbm>>
        %dma_start3A_820 = arith.constant 0 : i32
        %dma_start3A_821 = tpu.memref_slice %arg2[%add3A_817, %dma_start3A_820] : memref<32768x256xf32, #tpu.memory_space<hbm>> -> memref<64x256xf32, #tpu.memory_space<hbm>>
        tpu.enqueue_dma source(%dma_start3A_821 : memref<64x256xf32, #tpu.memory_space<hbm>>) target(%arg12 : memref<64x256xf32, #tpu.memory_space<vmem>>) target_semaphore(%arg17 : memref<!tpu.dma_semaphore, #tpu.memory_space<semaphore_mem>>)
      } else {
      }
      %parallel_loop3A_47 = arith.constant 0 : i32
      %parallel_loop3A_48 = arith.constant 64 : i32
      %parallel_loop3A_49 = arith.constant 1 : i32
      scf.for %parallel_loop3A_808 = %parallel_loop3A_47 to %parallel_loop3A_48 step %parallel_loop3A_49  : i32 {
        %parallel_loop3A_809 = arith.index_cast %parallel_loop3A_808 : i32 to index
        %parallel_loop3A_810 = arith.constant 0 : index
        %parallel_loop3A_811 = tpu.vector_load %arg11[%parallel_loop3A_809, %parallel_loop3A_810] {strides = array<i32>} : memref<64x256xf32, #tpu.memory_space<vmem>>, vector<16xf32>,
        %parallel_loop3A_812 = arith.constant 16 : i32
        %parallel_loop3A_813 = arith.muli %parallel_loop3A_808, %parallel_loop3A_812 : i32
        %parallel_loop3A_814 = arith.constant 0 : i32
        %parallel_loop3A_815 = arith.index_cast %parallel_loop3A_814 : i32 to index
        %parallel_loop3A_816 = arith.index_cast %parallel_loop3A_813 : i32 to index
        %parallel_loop3A_817 = tpu.vector_load %arg13[%parallel_loop3A_815, %parallel_loop3A_816] {strides = array<i32>} : memref<16x1024xf32, #tpu.memory_space<vmem>>, vector<16xf32>,
        tpu.vector_store %arg13[%parallel_loop3A_815, %parallel_loop3A_816], %parallel_loop3A_811 {strides = array<i32>} : memref<16x1024xf32, #tpu.memory_space<vmem>>, vector<16xf32>,
        %parallel_loop3A_818 = arith.index_cast %parallel_loop3A_808 : i32 to index
        %parallel_loop3A_819 = arith.constant 16 : index
        %parallel_loop3A_820 = tpu.vector_load %arg11[%parallel_loop3A_818, %parallel_loop3A_819] {strides = array<i32>} : memref<64x256xf32, #tpu.memory_space<vmem>>, vector<16xf32>,
        %parallel_loop3A_821 = arith.constant 16 : i32
        %parallel_loop3A_822 = arith.muli %parallel_loop3A_808, %parallel_loop3A_821 : i32
        %parallel_loop3A_823 = arith.constant 1 : i32
        %parallel_loop3A_824 = arith.index_cast %parallel_loop3A_823 : i32 to index
        %parallel_loop3A_825 = arith.index_cast %parallel_loop3A_822 : i32 to index
        %parallel_loop3A_826 = tpu.vector_load %arg13[%parallel_loop3A_824, %parallel_loop3A_825] {strides = array<i32>} : memref<16x1024xf32, #tpu.memory_space<vmem>>, vector<16xf32>,
        tpu.vector_store %arg13[%parallel_loop3A_824, %parallel_loop3A_825], %parallel_loop3A_820 {strides = array<i32>} : memref<16x1024xf32, #tpu.memory_space<vmem>>, vector<16xf32>,
        %parallel_loop3A_827 = arith.index_cast %parallel_loop3A_808 : i32 to index
        %parallel_loop3A_828 = arith.constant 32 : index
        %parallel_loop3A_829 = tpu.vector_load %arg11[%parallel_loop3A_827, %parallel_loop3A_828] {strides = array<i32>} : memref<64x256xf32, #tpu.memory_space<vmem>>, vector<16xf32>,
        %parallel_loop3A_830 = arith.constant 16 : i32
        %parallel_loop3A_831 = arith.muli %parallel_loop3A_808, %parallel_loop3A_830 : i32
        %parallel_loop3A_832 = arith.constant 2 : i32
        %parallel_loop3A_833 = arith.index_cast %parallel_loop3A_832 : i32 to index
        %parallel_loop3A_834 = arith.index_cast %parallel_loop3A_831 : i32 to index
        %parallel_loop3A_835 = tpu.vector_load %arg13[%parallel_loop3A_833, %parallel_loop3A_834] {strides = array<i32>} : memref<16x1024xf32, #tpu.memory_space<vmem>>, vector<16xf32>,
        tpu.vector_store %arg13[%parallel_loop3A_833, %parallel_loop3A_834], %parallel_loop3A_829 {strides = array<i32>} : memref<16x1024xf32, #tpu.memory_space<vmem>>, vector<16xf32>,
        %parallel_loop3A_836 = arith.index_cast %parallel_loop3A_808 : i32 to index
        %parallel_loop3A_837 = arith.constant 48 : index
        %parallel_loop3A_838 = tpu.vector_load %arg11[%parallel_loop3A_836, %parallel_loop3A_837] {strides = array<i32>} : memref<64x256xf32, #tpu.memory_space<vmem>>, vector<16xf32>,
        %parallel_loop3A_839 = arith.constant 16 : i32
        %parallel_loop3A_840 = arith.muli %parallel_loop3A_808, %parallel_loop3A_839 : i32
        %parallel_loop3A_841 = arith.constant 3 : i32
        %parallel_loop3A_842 = arith.index_cast %parallel_loop3A_841 : i32 to index
        %parallel_loop3A_843 = arith.index_cast %parallel_loop3A_840 : i32 to index
        %parallel_loop3A_844 = tpu.vector_load %arg13[%parallel_loop3A_842, %parallel_loop3A_843] {strides = array<i32>} : memref<16x1024xf32, #tpu.memory_space<vmem>>, vector<16xf32>,
        tpu.vector_store %arg13[%parallel_loop3A_842, %parallel_loop3A_843], %parallel_loop3A_838 {strides = array<i32>} : memref<16x1024xf32, #tpu.memory_space<vmem>>, vector<16xf32>,
        %parallel_loop3A_845 = arith.index_cast %parallel_loop3A_808 : i32 to index
        %parallel_loop3A_846 = arith.constant 64 : index
        %parallel_loop3A_847 = tpu.vector_load %arg11[%parallel_loop3A_845, %parallel_loop3A_846] {strides = array<i32>} : memref<64x256xf32, #tpu.memory_space<vmem>>, vector<16xf32>,
        %parallel_loop3A_848 = arith.constant 16 : i32
        %parallel_loop3A_849 = arith.muli %parallel_loop3A_808, %parallel_loop3A_848 : i32
        %parallel_loop3A_850 = arith.constant 4 : i32
        %parallel_loop3A_851 = arith.index_cast %parallel_loop3A_850 : i32 to index
        %parallel_loop3A_852 = arith.index_cast %parallel_loop3A_849 : i32 to index
        %parallel_loop3A_853 = tpu.vector_load %arg13[%parallel_loop3A_851, %parallel_loop3A_852] {strides = array<i32>} : memref<16x1024xf32, #tpu.memory_space<vmem>>, vector<16xf32>,
        tpu.vector_store %arg13[%parallel_loop3A_851, %parallel_loop3A_852], %parallel_loop3A_847 {strides = array<i32>} : memref<16x1024xf32, #tpu.memory_space<vmem>>, vector<16xf32>,
        %parallel_loop3A_854 = arith.index_cast %parallel_loop3A_808 : i32 to index
        %parallel_loop3A_855 = arith.constant 80 : index
        %parallel_loop3A_856 = tpu.vector_load %arg11[%parallel_loop3A_854, %parallel_loop3A_855] {strides = array<i32>} : memref<64x256xf32, #tpu.memory_space<vmem>>, vector<16xf32>,
        %parallel_loop3A_857 = arith.constant 16 : i32
        %parallel_loop3A_858 = arith.muli %parallel_loop3A_808, %parallel_loop3A_857 : i32
        %parallel_loop3A_859 = arith.constant 5 : i32
        %parallel_loop3A_860 = arith.index_cast %parallel_loop3A_859 : i32 to index
        %parallel_loop3A_861 = arith.index_cast %parallel_loop3A_858 : i32 to index
        %parallel_loop3A_862 = tpu.vector_load %arg13[%parallel_loop3A_860, %parallel_loop3A_861] {strides = array<i32>} : memref<16x1024xf32, #tpu.memory_space<vmem>>, vector<16xf32>,
        tpu.vector_store %arg13[%parallel_loop3A_860, %parallel_loop3A_861], %parallel_loop3A_856 {strides = array<i32>} : memref<16x1024xf32, #tpu.memory_space<vmem>>, vector<16xf32>,
        %parallel_loop3A_863 = arith.index_cast %parallel_loop3A_808 : i32 to index
        %parallel_loop3A_864 = arith.constant 96 : index
        %parallel_loop3A_865 = tpu.vector_load %arg11[%parallel_loop3A_863, %parallel_loop3A_864] {strides = array<i32>} : memref<64x256xf32, #tpu.memory_space<vmem>>, vector<16xf32>,
        %parallel_loop3A_866 = arith.constant 16 : i32
        %parallel_loop3A_867 = arith.muli %parallel_loop3A_808, %parallel_loop3A_866 : i32
        %parallel_loop3A_868 = arith.constant 6 : i32
        %parallel_loop3A_869 = arith.index_cast %parallel_loop3A_868 : i32 to index
        %parallel_loop3A_870 = arith.index_cast %parallel_loop3A_867 : i32 to index
        %parallel_loop3A_871 = tpu.vector_load %arg13[%parallel_loop3A_869, %parallel_loop3A_870] {strides = array<i32>} : memref<16x1024xf32, #tpu.memory_space<vmem>>, vector<16xf32>,
        tpu.vector_store %arg13[%parallel_loop3A_869, %parallel_loop3A_870], %parallel_loop3A_865 {strides = array<i32>} : memref<16x1024xf32, #tpu.memory_space<vmem>>, vector<16xf32>,
        %parallel_loop3A_872 = arith.index_cast %parallel_loop3A_808 : i32 to index
        %parallel_loop3A_873 = arith.constant 112 : index
        %parallel_loop3A_874 = tpu.vector_load %arg11[%parallel_loop3A_872, %parallel_loop3A_873] {strides = array<i32>} : memref<64x256xf32, #tpu.memory_space<vmem>>, vector<16xf32>,
        %parallel_loop3A_875 = arith.constant 16 : i32
        %parallel_loop3A_876 = arith.muli %parallel_loop3A_808, %parallel_loop3A_875 : i32
        %parallel_loop3A_877 = arith.constant 7 : i32
        %parallel_loop3A_878 = arith.index_cast %parallel_loop3A_877 : i32 to index
        %parallel_loop3A_879 = arith.index_cast %parallel_loop3A_876 : i32 to index
        %parallel_loop3A_880 = tpu.vector_load %arg13[%parallel_loop3A_878, %parallel_loop3A_879] {strides = array<i32>} : memref<16x1024xf32, #tpu.memory_space<vmem>>, vector<16xf32>,
        tpu.vector_store %arg13[%parallel_loop3A_878, %parallel_loop3A_879], %parallel_loop3A_874 {strides = array<i32>} : memref<16x1024xf32, #tpu.memory_space<vmem>>, vector<16xf32>,
        %parallel_loop3A_881 = arith.index_cast %parallel_loop3A_808 : i32 to index
        %parallel_loop3A_882 = arith.constant 128 : index
        %parallel_loop3A_883 = tpu.vector_load %arg11[%parallel_loop3A_881, %parallel_loop3A_882] {strides = array<i32>} : memref<64x256xf32, #tpu.memory_space<vmem>>, vector<16xf32>,
        %parallel_loop3A_884 = arith.constant 16 : i32
        %parallel_loop3A_885 = arith.muli %parallel_loop3A_808, %parallel_loop3A_884 : i32
        %parallel_loop3A_886 = arith.constant 8 : i32
        %parallel_loop3A_887 = arith.index_cast %parallel_loop3A_886 : i32 to index
        %parallel_loop3A_888 = arith.index_cast %parallel_loop3A_885 : i32 to index
        %parallel_loop3A_889 = tpu.vector_load %arg13[%parallel_loop3A_887, %parallel_loop3A_888] {strides = array<i32>} : memref<16x1024xf32, #tpu.memory_space<vmem>>, vector<16xf32>,
        tpu.vector_store %arg13[%parallel_loop3A_887, %parallel_loop3A_888], %parallel_loop3A_883 {strides = array<i32>} : memref<16x1024xf32, #tpu.memory_space<vmem>>, vector<16xf32>,
        %parallel_loop3A_890 = arith.index_cast %parallel_loop3A_808 : i32 to index
        %parallel_loop3A_891 = arith.constant 144 : index
        %parallel_loop3A_892 = tpu.vector_load %arg11[%parallel_loop3A_890, %parallel_loop3A_891] {strides = array<i32>} : memref<64x256xf32, #tpu.memory_space<vmem>>, vector<16xf32>,
        %parallel_loop3A_893 = arith.constant 16 : i32
        %parallel_loop3A_894 = arith.muli %parallel_loop3A_808, %parallel_loop3A_893 : i32
        %parallel_loop3A_895 = arith.constant 9 : i32
        %parallel_loop3A_896 = arith.index_cast %parallel_loop3A_895 : i32 to index
        %parallel_loop3A_897 = arith.index_cast %parallel_loop3A_894 : i32 to index
        %parallel_loop3A_898 = tpu.vector_load %arg13[%parallel_loop3A_896, %parallel_loop3A_897] {strides = array<i32>} : memref<16x1024xf32, #tpu.memory_space<vmem>>, vector<16xf32>,
        tpu.vector_store %arg13[%parallel_loop3A_896, %parallel_loop3A_897], %parallel_loop3A_892 {strides = array<i32>} : memref<16x1024xf32, #tpu.memory_space<vmem>>, vector<16xf32>,
        %parallel_loop3A_899 = arith.index_cast %parallel_loop3A_808 : i32 to index
        %parallel_loop3A_900 = arith.constant 160 : index
        %parallel_loop3A_901 = tpu.vector_load %arg11[%parallel_loop3A_899, %parallel_loop3A_900] {strides = array<i32>} : memref<64x256xf32, #tpu.memory_space<vmem>>, vector<16xf32>,
        %parallel_loop3A_902 = arith.constant 16 : i32
        %parallel_loop3A_903 = arith.muli %parallel_loop3A_808, %parallel_loop3A_902 : i32
        %parallel_loop3A_904 = arith.constant 10 : i32
        %parallel_loop3A_905 = arith.index_cast %parallel_loop3A_904 : i32 to index
        %parallel_loop3A_906 = arith.index_cast %parallel_loop3A_903 : i32 to index
        %parallel_loop3A_907 = tpu.vector_load %arg13[%parallel_loop3A_905, %parallel_loop3A_906] {strides = array<i32>} : memref<16x1024xf32, #tpu.memory_space<vmem>>, vector<16xf32>,
        tpu.vector_store %arg13[%parallel_loop3A_905, %parallel_loop3A_906], %parallel_loop3A_901 {strides = array<i32>} : memref<16x1024xf32, #tpu.memory_space<vmem>>, vector<16xf32>,
        %parallel_loop3A_908 = arith.index_cast %parallel_loop3A_808 : i32 to index
        %parallel_loop3A_909 = arith.constant 176 : index
        %parallel_loop3A_910 = tpu.vector_load %arg11[%parallel_loop3A_908, %parallel_loop3A_909] {strides = array<i32>} : memref<64x256xf32, #tpu.memory_space<vmem>>, vector<16xf32>,
        %parallel_loop3A_911 = arith.constant 16 : i32
        %parallel_loop3A_912 = arith.muli %parallel_loop3A_808, %parallel_loop3A_911 : i32
        %parallel_loop3A_913 = arith.constant 11 : i32
        %parallel_loop3A_914 = arith.index_cast %parallel_loop3A_913 : i32 to index
        %parallel_loop3A_915 = arith.index_cast %parallel_loop3A_912 : i32 to index
        %parallel_loop3A_916 = tpu.vector_load %arg13[%parallel_loop3A_914, %parallel_loop3A_915] {strides = array<i32>} : memref<16x1024xf32, #tpu.memory_space<vmem>>, vector<16xf32>,
        tpu.vector_store %arg13[%parallel_loop3A_914, %parallel_loop3A_915], %parallel_loop3A_910 {strides = array<i32>} : memref<16x1024xf32, #tpu.memory_space<vmem>>, vector<16xf32>,
        %parallel_loop3A_917 = arith.index_cast %parallel_loop3A_808 : i32 to index
        %parallel_loop3A_918 = arith.constant 192 : index
        %parallel_loop3A_919 = tpu.vector_load %arg11[%parallel_loop3A_917, %parallel_loop3A_918] {strides = array<i32>} : memref<64x256xf32, #tpu.memory_space<vmem>>, vector<16xf32>,
        %parallel_loop3A_920 = arith.constant 16 : i32
        %parallel_loop3A_921 = arith.muli %parallel_loop3A_808, %parallel_loop3A_920 : i32
        %parallel_loop3A_922 = arith.constant 12 : i32
        %parallel_loop3A_923 = arith.index_cast %parallel_loop3A_922 : i32 to index
        %parallel_loop3A_924 = arith.index_cast %parallel_loop3A_921 : i32 to index
        %parallel_loop3A_925 = tpu.vector_load %arg13[%parallel_loop3A_923, %parallel_loop3A_924] {strides = array<i32>} : memref<16x1024xf32, #tpu.memory_space<vmem>>, vector<16xf32>,
        tpu.vector_store %arg13[%parallel_loop3A_923, %parallel_loop3A_924], %parallel_loop3A_919 {strides = array<i32>} : memref<16x1024xf32, #tpu.memory_space<vmem>>, vector<16xf32>,
        %parallel_loop3A_926 = arith.index_cast %parallel_loop3A_808 : i32 to index
        %parallel_loop3A_927 = arith.constant 208 : index
        %parallel_loop3A_928 = tpu.vector_load %arg11[%parallel_loop3A_926, %parallel_loop3A_927] {strides = array<i32>} : memref<64x256xf32, #tpu.memory_space<vmem>>, vector<16xf32>,
        %parallel_loop3A_929 = arith.constant 16 : i32
        %parallel_loop3A_930 = arith.muli %parallel_loop3A_808, %parallel_loop3A_929 : i32
        %parallel_loop3A_931 = arith.constant 13 : i32
        %parallel_loop3A_932 = arith.index_cast %parallel_loop3A_931 : i32 to index
        %parallel_loop3A_933 = arith.index_cast %parallel_loop3A_930 : i32 to index
        %parallel_loop3A_934 = tpu.vector_load %arg13[%parallel_loop3A_932, %parallel_loop3A_933] {strides = array<i32>} : memref<16x1024xf32, #tpu.memory_space<vmem>>, vector<16xf32>,
        tpu.vector_store %arg13[%parallel_loop3A_932, %parallel_loop3A_933], %parallel_loop3A_928 {strides = array<i32>} : memref<16x1024xf32, #tpu.memory_space<vmem>>, vector<16xf32>,
        %parallel_loop3A_935 = arith.index_cast %parallel_loop3A_808 : i32 to index
        %parallel_loop3A_936 = arith.constant 224 : index
        %parallel_loop3A_937 = tpu.vector_load %arg11[%parallel_loop3A_935, %parallel_loop3A_936] {strides = array<i32>} : memref<64x256xf32, #tpu.memory_space<vmem>>, vector<16xf32>,
        %parallel_loop3A_938 = arith.constant 16 : i32
        %parallel_loop3A_939 = arith.muli %parallel_loop3A_808, %parallel_loop3A_938 : i32
        %parallel_loop3A_940 = arith.constant 14 : i32
        %parallel_loop3A_941 = arith.index_cast %parallel_loop3A_940 : i32 to index
        %parallel_loop3A_942 = arith.index_cast %parallel_loop3A_939 : i32 to index
        %parallel_loop3A_943 = tpu.vector_load %arg13[%parallel_loop3A_941, %parallel_loop3A_942] {strides = array<i32>} : memref<16x1024xf32, #tpu.memory_space<vmem>>, vector<16xf32>,
        tpu.vector_store %arg13[%parallel_loop3A_941, %parallel_loop3A_942], %parallel_loop3A_937 {strides = array<i32>} : memref<16x1024xf32, #tpu.memory_space<vmem>>, vector<16xf32>,
        %parallel_loop3A_944 = arith.index_cast %parallel_loop3A_808 : i32 to index
        %parallel_loop3A_945 = arith.constant 240 : index
        %parallel_loop3A_946 = tpu.vector_load %arg11[%parallel_loop3A_944, %parallel_loop3A_945] {strides = array<i32>} : memref<64x256xf32, #tpu.memory_space<vmem>>, vector<16xf32>,
        %parallel_loop3A_947 = arith.constant 16 : i32
        %parallel_loop3A_948 = arith.muli %parallel_loop3A_808, %parallel_loop3A_947 : i32
        %parallel_loop3A_949 = arith.constant 15 : i32
        %parallel_loop3A_950 = arith.index_cast %parallel_loop3A_949 : i32 to index
        %parallel_loop3A_951 = arith.index_cast %parallel_loop3A_948 : i32 to index
        %parallel_loop3A_952 = tpu.vector_load %arg13[%parallel_loop3A_950, %parallel_loop3A_951] {strides = array<i32>} : memref<16x1024xf32, #tpu.memory_space<vmem>>, vector<16xf32>,
        tpu.vector_store %arg13[%parallel_loop3A_950, %parallel_loop3A_951], %parallel_loop3A_946 {strides = array<i32>} : memref<16x1024xf32, #tpu.memory_space<vmem>>, vector<16xf32>,
      } {sc.loop_unroll_factor = 2 : i64, sc.parallel_access}
      %mul3A_50 = arith.constant 1024 : i32
      %mul3A_51 = arith.muli %arg1, %mul3A_50 : i32
      %add3A_52 = arith.constant 0 : i32
      %add3A_53 = arith.addi %add3A_52, %mul3A_51 : i32
      %dma_start3A_54 = arith.constant 0 : i32
      %dma_start3A_55 = arith.constant 0 : i32
      %dma_start3A_56 = tpu.memref_slice %arg13[%dma_start3A_54, %dma_start3A_55] : memref<16x1024xf32, #tpu.memory_space<vmem>> -> memref<1x1024xf32, #tpu.memory_space<vmem>>
      %dma_start3A_57 = tpu.memref_squeeze %dma_start3A_56 : memref<1x1024xf32, #tpu.memory_space<vmem>> -> memref<1024xf32, #tpu.memory_space<vmem>>
      %dma_start3A_58 = tpu.memref_slice %arg14[%add3A_53] : memref<262144xf32, #tpu.memory_space<vmem_shared>> -> memref<1024xf32, #tpu.memory_space<vmem_shared>>
      %dma_start3A_59 = tpu.memref_slice %arg14[%add3A_53] : memref<262144xf32, #tpu.memory_space<vmem_shared>> -> memref<1024xf32, #tpu.memory_space<vmem_shared>>
      %dma_start3A_60 = arith.constant 0 : i32
      %dma_start3A_61 = tpu.memref_slice %arg13[%dma_start3A_54, %dma_start3A_60] : memref<16x1024xf32, #tpu.memory_space<vmem>> -> memref<1x1024xf32, #tpu.memory_space<vmem>>
      %dma_start3A_62 = tpu.memref_squeeze %dma_start3A_61 : memref<1x1024xf32, #tpu.memory_space<vmem>> -> memref<1024xf32, #tpu.memory_space<vmem>>
      tpu.enqueue_dma source(%dma_start3A_62 : memref<1024xf32, #tpu.memory_space<vmem>>) target(%dma_start3A_59 : memref<1024xf32, #tpu.memory_space<vmem_shared>>) target_semaphore(%arg15 : memref<!tpu.dma_semaphore, #tpu.memory_space<semaphore_mem>>)
      %mul3A_63 = arith.constant 1024 : i32
      %mul3A_64 = arith.muli %arg1, %mul3A_63 : i32
      %add3A_65 = arith.constant 16384 : i32
      %add3A_66 = arith.addi %add3A_65, %mul3A_64 : i32
      %dma_start3A_67 = arith.constant 1 : i32
      %dma_start3A_68 = arith.constant 0 : i32
      %dma_start3A_69 = tpu.memref_slice %arg13[%dma_start3A_67, %dma_start3A_68] : memref<16x1024xf32, #tpu.memory_space<vmem>> -> memref<1x1024xf32, #tpu.memory_space<vmem>>
      %dma_start3A_70 = tpu.memref_squeeze %dma_start3A_69 : memref<1x1024xf32, #tpu.memory_space<vmem>> -> memref<1024xf32, #tpu.memory_space<vmem>>
      %dma_start3A_71 = tpu.memref_slice %arg14[%add3A_66] : memref<262144xf32, #tpu.memory_space<vmem_shared>> -> memref<1024xf32, #tpu.memory_space<vmem_shared>>
      %dma_start3A_72 = tpu.memref_slice %arg14[%add3A_66] : memref<262144xf32, #tpu.memory_space<vmem_shared>> -> memref<1024xf32, #tpu.memory_space<vmem_shared>>
      %dma_start3A_73 = arith.constant 0 : i32
      %dma_start3A_74 = tpu.memref_slice %arg13[%dma_start3A_67, %dma_start3A_73] : memref<16x1024xf32, #tpu.memory_space<vmem>> -> memref<1x1024xf32, #tpu.memory_space<vmem>>
      %dma_start3A_75 = tpu.memref_squeeze %dma_start3A_74 : memref<1x1024xf32, #tpu.memory_space<vmem>> -> memref<1024xf32, #tpu.memory_space<vmem>>
      tpu.enqueue_dma source(%dma_start3A_75 : memref<1024xf32, #tpu.memory_space<vmem>>) target(%dma_start3A_72 : memref<1024xf32, #tpu.memory_space<vmem_shared>>) target_semaphore(%arg15 : memref<!tpu.dma_semaphore, #tpu.memory_space<semaphore_mem>>)
      %mul3A_76 = arith.constant 1024 : i32
      %mul3A_77 = arith.muli %arg1, %mul3A_76 : i32
      %add3A_78 = arith.constant 32768 : i32
      %add3A_79 = arith.addi %add3A_78, %mul3A_77 : i32
      %dma_start3A_80 = arith.constant 2 : i32
      %dma_start3A_81 = arith.constant 0 : i32
      %dma_start3A_82 = tpu.memref_slice %arg13[%dma_start3A_80, %dma_start3A_81] : memref<16x1024xf32, #tpu.memory_space<vmem>> -> memref<1x1024xf32, #tpu.memory_space<vmem>>
      %dma_start3A_83 = tpu.memref_squeeze %dma_start3A_82 : memref<1x1024xf32, #tpu.memory_space<vmem>> -> memref<1024xf32, #tpu.memory_space<vmem>>
      %dma_start3A_84 = tpu.memref_slice %arg14[%add3A_79] : memref<262144xf32, #tpu.memory_space<vmem_shared>> -> memref<1024xf32, #tpu.memory_space<vmem_shared>>
      %dma_start3A_85 = tpu.memref_slice %arg14[%add3A_79] : memref<262144xf32, #tpu.memory_space<vmem_shared>> -> memref<1024xf32, #tpu.memory_space<vmem_shared>>
      %dma_start3A_86 = arith.constant 0 : i32
      %dma_start3A_87 = tpu.memref_slice %arg13[%dma_start3A_80, %dma_start3A_86] : memref<16x1024xf32, #tpu.memory_space<vmem>> -> memref<1x1024xf32, #tpu.memory_space<vmem>>
      %dma_start3A_88 = tpu.memref_squeeze %dma_start3A_87 : memref<1x1024xf32, #tpu.memory_space<vmem>> -> memref<1024xf32, #tpu.memory_space<vmem>>
      tpu.enqueue_dma source(%dma_start3A_88 : memref<1024xf32, #tpu.memory_space<vmem>>) target(%dma_start3A_85 : memref<1024xf32, #tpu.memory_space<vmem_shared>>) target_semaphore(%arg15 : memref<!tpu.dma_semaphore, #tpu.memory_space<semaphore_mem>>)
      %mul3A_89 = arith.constant 1024 : i32
      %mul3A_90 = arith.muli %arg1, %mul3A_89 : i32
      %add3A_91 = arith.constant 49152 : i32
      %add3A_92 = arith.addi %add3A_91, %mul3A_90 : i32
      %dma_start3A_93 = arith.constant 3 : i32
      %dma_start3A_94 = arith.constant 0 : i32
      %dma_start3A_95 = tpu.memref_slice %arg13[%dma_start3A_93, %dma_start3A_94] : memref<16x1024xf32, #tpu.memory_space<vmem>> -> memref<1x1024xf32, #tpu.memory_space<vmem>>
      %dma_start3A_96 = tpu.memref_squeeze %dma_start3A_95 : memref<1x1024xf32, #tpu.memory_space<vmem>> -> memref<1024xf32, #tpu.memory_space<vmem>>
      %dma_start3A_97 = tpu.memref_slice %arg14[%add3A_92] : memref<262144xf32, #tpu.memory_space<vmem_shared>> -> memref<1024xf32, #tpu.memory_space<vmem_shared>>
      %dma_start3A_98 = tpu.memref_slice %arg14[%add3A_92] : memref<262144xf32, #tpu.memory_space<vmem_shared>> -> memref<1024xf32, #tpu.memory_space<vmem_shared>>
      %dma_start3A_99 = arith.constant 0 : i32
      %dma_start3A_100 = tpu.memref_slice %arg13[%dma_start3A_93, %dma_start3A_99] : memref<16x1024xf32, #tpu.memory_space<vmem>> -> memref<1x1024xf32, #tpu.memory_space<vmem>>
      %dma_start3A_101 = tpu.memref_squeeze %dma_start3A_100 : memref<1x1024xf32, #tpu.memory_space<vmem>> -> memref<1024xf32, #tpu.memory_space<vmem>>
      tpu.enqueue_dma source(%dma_start3A_101 : memref<1024xf32, #tpu.memory_space<vmem>>) target(%dma_start3A_98 : memref<1024xf32, #tpu.memory_space<vmem_shared>>) target_semaphore(%arg15 : memref<!tpu.dma_semaphore, #tpu.memory_space<semaphore_mem>>)
      %mul3A_102 = arith.constant 1024 : i32
      %mul3A_103 = arith.muli %arg1, %mul3A_102 : i32
      %add3A_104 = arith.constant 65536 : i32
      %add3A_105 = arith.addi %add3A_104, %mul3A_103 : i32
      %dma_start3A_106 = arith.constant 4 : i32
      %dma_start3A_107 = arith.constant 0 : i32
      %dma_start3A_108 = tpu.memref_slice %arg13[%dma_start3A_106, %dma_start3A_107] : memref<16x1024xf32, #tpu.memory_space<vmem>> -> memref<1x1024xf32, #tpu.memory_space<vmem>>
      %dma_start3A_109 = tpu.memref_squeeze %dma_start3A_108 : memref<1x1024xf32, #tpu.memory_space<vmem>> -> memref<1024xf32, #tpu.memory_space<vmem>>
      %dma_start3A_110 = tpu.memref_slice %arg14[%add3A_105] : memref<262144xf32, #tpu.memory_space<vmem_shared>> -> memref<1024xf32, #tpu.memory_space<vmem_shared>>
      %dma_start3A_111 = tpu.memref_slice %arg14[%add3A_105] : memref<262144xf32, #tpu.memory_space<vmem_shared>> -> memref<1024xf32, #tpu.memory_space<vmem_shared>>
      %dma_start3A_112 = arith.constant 0 : i32
      %dma_start3A_113 = tpu.memref_slice %arg13[%dma_start3A_106, %dma_start3A_112] : memref<16x1024xf32, #tpu.memory_space<vmem>> -> memref<1x1024xf32, #tpu.memory_space<vmem>>
      %dma_start3A_114 = tpu.memref_squeeze %dma_start3A_113 : memref<1x1024xf32, #tpu.memory_space<vmem>> -> memref<1024xf32, #tpu.memory_space<vmem>>
      tpu.enqueue_dma source(%dma_start3A_114 : memref<1024xf32, #tpu.memory_space<vmem>>) target(%dma_start3A_111 : memref<1024xf32, #tpu.memory_space<vmem_shared>>) target_semaphore(%arg15 : memref<!tpu.dma_semaphore, #tpu.memory_space<semaphore_mem>>)
      %mul3A_115 = arith.constant 1024 : i32
      %mul3A_116 = arith.muli %arg1, %mul3A_115 : i32
      %add3A_117 = arith.constant 81920 : i32
      %add3A_118 = arith.addi %add3A_117, %mul3A_116 : i32
      %dma_start3A_119 = arith.constant 5 : i32
      %dma_start3A_120 = arith.constant 0 : i32
      %dma_start3A_121 = tpu.memref_slice %arg13[%dma_start3A_119, %dma_start3A_120] : memref<16x1024xf32, #tpu.memory_space<vmem>> -> memref<1x1024xf32, #tpu.memory_space<vmem>>
      %dma_start3A_122 = tpu.memref_squeeze %dma_start3A_121 : memref<1x1024xf32, #tpu.memory_space<vmem>> -> memref<1024xf32, #tpu.memory_space<vmem>>
      %dma_start3A_123 = tpu.memref_slice %arg14[%add3A_118] : memref<262144xf32, #tpu.memory_space<vmem_shared>> -> memref<1024xf32, #tpu.memory_space<vmem_shared>>
      %dma_start3A_124 = tpu.memref_slice %arg14[%add3A_118] : memref<262144xf32, #tpu.memory_space<vmem_shared>> -> memref<1024xf32, #tpu.memory_space<vmem_shared>>
      %dma_start3A_125 = arith.constant 0 : i32
      %dma_start3A_126 = tpu.memref_slice %arg13[%dma_start3A_119, %dma_start3A_125] : memref<16x1024xf32, #tpu.memory_space<vmem>> -> memref<1x1024xf32, #tpu.memory_space<vmem>>
      %dma_start3A_127 = tpu.memref_squeeze %dma_start3A_126 : memref<1x1024xf32, #tpu.memory_space<vmem>> -> memref<1024xf32, #tpu.memory_space<vmem>>
      tpu.enqueue_dma source(%dma_start3A_127 : memref<1024xf32, #tpu.memory_space<vmem>>) target(%dma_start3A_124 : memref<1024xf32, #tpu.memory_space<vmem_shared>>) target_semaphore(%arg15 : memref<!tpu.dma_semaphore, #tpu.memory_space<semaphore_mem>>)
      %mul3A_128 = arith.constant 1024 : i32
      %mul3A_129 = arith.muli %arg1, %mul3A_128 : i32
      %add3A_130 = arith.constant 98304 : i32
      %add3A_131 = arith.addi %add3A_130, %mul3A_129 : i32
      %dma_start3A_132 = arith.constant 6 : i32
      %dma_start3A_133 = arith.constant 0 : i32
      %dma_start3A_134 = tpu.memref_slice %arg13[%dma_start3A_132, %dma_start3A_133] : memref<16x1024xf32, #tpu.memory_space<vmem>> -> memref<1x1024xf32, #tpu.memory_space<vmem>>
      %dma_start3A_135 = tpu.memref_squeeze %dma_start3A_134 : memref<1x1024xf32, #tpu.memory_space<vmem>> -> memref<1024xf32, #tpu.memory_space<vmem>>
      %dma_start3A_136 = tpu.memref_slice %arg14[%add3A_131] : memref<262144xf32, #tpu.memory_space<vmem_shared>> -> memref<1024xf32, #tpu.memory_space<vmem_shared>>
      %dma_start3A_137 = tpu.memref_slice %arg14[%add3A_131] : memref<262144xf32, #tpu.memory_space<vmem_shared>> -> memref<1024xf32, #tpu.memory_space<vmem_shared>>
      %dma_start3A_138 = arith.constant 0 : i32
      %dma_start3A_139 = tpu.memref_slice %arg13[%dma_start3A_132, %dma_start3A_138] : memref<16x1024xf32, #tpu.memory_space<vmem>> -> memref<1x1024xf32, #tpu.memory_space<vmem>>
      %dma_start3A_140 = tpu.memref_squeeze %dma_start3A_139 : memref<1x1024xf32, #tpu.memory_space<vmem>> -> memref<1024xf32, #tpu.memory_space<vmem>>
      tpu.enqueue_dma source(%dma_start3A_140 : memref<1024xf32, #tpu.memory_space<vmem>>) target(%dma_start3A_137 : memref<1024xf32, #tpu.memory_space<vmem_shared>>) target_semaphore(%arg15 : memref<!tpu.dma_semaphore, #tpu.memory_space<semaphore_mem>>)
      %mul3A_141 = arith.constant 1024 : i32
      %mul3A_142 = arith.muli %arg1, %mul3A_141 : i32
      %add3A_143 = arith.constant 114688 : i32
      %add3A_144 = arith.addi %add3A_143, %mul3A_142 : i32
      %dma_start3A_145 = arith.constant 7 : i32
      %dma_start3A_146 = arith.constant 0 : i32
      %dma_start3A_147 = tpu.memref_slice %arg13[%dma_start3A_145, %dma_start3A_146] : memref<16x1024xf32, #tpu.memory_space<vmem>> -> memref<1x1024xf32, #tpu.memory_space<vmem>>
      %dma_start3A_148 = tpu.memref_squeeze %dma_start3A_147 : memref<1x1024xf32, #tpu.memory_space<vmem>> -> memref<1024xf32, #tpu.memory_space<vmem>>
      %dma_start3A_149 = tpu.memref_slice %arg14[%add3A_144] : memref<262144xf32, #tpu.memory_space<vmem_shared>> -> memref<1024xf32, #tpu.memory_space<vmem_shared>>
      %dma_start3A_150 = tpu.memref_slice %arg14[%add3A_144] : memref<262144xf32, #tpu.memory_space<vmem_shared>> -> memref<1024xf32, #tpu.memory_space<vmem_shared>>
      %dma_start3A_151 = arith.constant 0 : i32
      %dma_start3A_152 = tpu.memref_slice %arg13[%dma_start3A_145, %dma_start3A_151] : memref<16x1024xf32, #tpu.memory_space<vmem>> -> memref<1x1024xf32, #tpu.memory_space<vmem>>
      %dma_start3A_153 = tpu.memref_squeeze %dma_start3A_152 : memref<1x1024xf32, #tpu.memory_space<vmem>> -> memref<1024xf32, #tpu.memory_space<vmem>>
      tpu.enqueue_dma source(%dma_start3A_153 : memref<1024xf32, #tpu.memory_space<vmem>>) target(%dma_start3A_150 : memref<1024xf32, #tpu.memory_space<vmem_shared>>) target_semaphore(%arg15 : memref<!tpu.dma_semaphore, #tpu.memory_space<semaphore_mem>>)
      %mul3A_154 = arith.constant 1024 : i32
      %mul3A_155 = arith.muli %arg1, %mul3A_154 : i32
      %add3A_156 = arith.constant 131072 : i32
      %add3A_157 = arith.addi %add3A_156, %mul3A_155 : i32
      %dma_start3A_158 = arith.constant 8 : i32
      %dma_start3A_159 = arith.constant 0 : i32
      %dma_start3A_160 = tpu.memref_slice %arg13[%dma_start3A_158, %dma_start3A_159] : memref<16x1024xf32, #tpu.memory_space<vmem>> -> memref<1x1024xf32, #tpu.memory_space<vmem>>
      %dma_start3A_161 = tpu.memref_squeeze %dma_start3A_160 : memref<1x1024xf32, #tpu.memory_space<vmem>> -> memref<1024xf32, #tpu.memory_space<vmem>>
      %dma_start3A_162 = tpu.memref_slice %arg14[%add3A_157] : memref<262144xf32, #tpu.memory_space<vmem_shared>> -> memref<1024xf32, #tpu.memory_space<vmem_shared>>
      %dma_start3A_163 = tpu.memref_slice %arg14[%add3A_157] : memref<262144xf32, #tpu.memory_space<vmem_shared>> -> memref<1024xf32, #tpu.memory_space<vmem_shared>>
      %dma_start3A_164 = arith.constant 0 : i32
      %dma_start3A_165 = tpu.memref_slice %arg13[%dma_start3A_158, %dma_start3A_164] : memref<16x1024xf32, #tpu.memory_space<vmem>> -> memref<1x1024xf32, #tpu.memory_space<vmem>>
      %dma_start3A_166 = tpu.memref_squeeze %dma_start3A_165 : memref<1x1024xf32, #tpu.memory_space<vmem>> -> memref<1024xf32, #tpu.memory_space<vmem>>
      tpu.enqueue_dma source(%dma_start3A_166 : memref<1024xf32, #tpu.memory_space<vmem>>) target(%dma_start3A_163 : memref<1024xf32, #tpu.memory_space<vmem_shared>>) target_semaphore(%arg15 : memref<!tpu.dma_semaphore, #tpu.memory_space<semaphore_mem>>)
      %mul3A_167 = arith.constant 1024 : i32
      %mul3A_168 = arith.muli %arg1, %mul3A_167 : i32
      %add3A_169 = arith.constant 147456 : i32
      %add3A_170 = arith.addi %add3A_169, %mul3A_168 : i32
      %dma_start3A_171 = arith.constant 9 : i32
      %dma_start3A_172 = arith.constant 0 : i32
      %dma_start3A_173 = tpu.memref_slice %arg13[%dma_start3A_171, %dma_start3A_172] : memref<16x1024xf32, #tpu.memory_space<vmem>> -> memref<1x1024xf32, #tpu.memory_space<vmem>>
      %dma_start3A_174 = tpu.memref_squeeze %dma_start3A_173 : memref<1x1024xf32, #tpu.memory_space<vmem>> -> memref<1024xf32, #tpu.memory_space<vmem>>
      %dma_start3A_175 = tpu.memref_slice %arg14[%add3A_170] : memref<262144xf32, #tpu.memory_space<vmem_shared>> -> memref<1024xf32, #tpu.memory_space<vmem_shared>>
      %dma_start3A_176 = tpu.memref_slice %arg14[%add3A_170] : memref<262144xf32, #tpu.memory_space<vmem_shared>> -> memref<1024xf32, #tpu.memory_space<vmem_shared>>
      %dma_start3A_177 = arith.constant 0 : i32
      %dma_start3A_178 = tpu.memref_slice %arg13[%dma_start3A_171, %dma_start3A_177] : memref<16x1024xf32, #tpu.memory_space<vmem>> -> memref<1x1024xf32, #tpu.memory_space<vmem>>
      %dma_start3A_179 = tpu.memref_squeeze %dma_start3A_178 : memref<1x1024xf32, #tpu.memory_space<vmem>> -> memref<1024xf32, #tpu.memory_space<vmem>>
      tpu.enqueue_dma source(%dma_start3A_179 : memref<1024xf32, #tpu.memory_space<vmem>>) target(%dma_start3A_176 : memref<1024xf32, #tpu.memory_space<vmem_shared>>) target_semaphore(%arg15 : memref<!tpu.dma_semaphore, #tpu.memory_space<semaphore_mem>>)
      %mul3A_180 = arith.constant 1024 : i32
      %mul3A_181 = arith.muli %arg1, %mul3A_180 : i32
      %add3A_182 = arith.constant 163840 : i32
      %add3A_183 = arith.addi %add3A_182, %mul3A_181 : i32
      %dma_start3A_184 = arith.constant 10 : i32
      %dma_start3A_185 = arith.constant 0 : i32
      %dma_start3A_186 = tpu.memref_slice %arg13[%dma_start3A_184, %dma_start3A_185] : memref<16x1024xf32, #tpu.memory_space<vmem>> -> memref<1x1024xf32, #tpu.memory_space<vmem>>
      %dma_start3A_187 = tpu.memref_squeeze %dma_start3A_186 : memref<1x1024xf32, #tpu.memory_space<vmem>> -> memref<1024xf32, #tpu.memory_space<vmem>>
      %dma_start3A_188 = tpu.memref_slice %arg14[%add3A_183] : memref<262144xf32, #tpu.memory_space<vmem_shared>> -> memref<1024xf32, #tpu.memory_space<vmem_shared>>
      %dma_start3A_189 = tpu.memref_slice %arg14[%add3A_183] : memref<262144xf32, #tpu.memory_space<vmem_shared>> -> memref<1024xf32, #tpu.memory_space<vmem_shared>>
      %dma_start3A_190 = arith.constant 0 : i32
      %dma_start3A_191 = tpu.memref_slice %arg13[%dma_start3A_184, %dma_start3A_190] : memref<16x1024xf32, #tpu.memory_space<vmem>> -> memref<1x1024xf32, #tpu.memory_space<vmem>>
      %dma_start3A_192 = tpu.memref_squeeze %dma_start3A_191 : memref<1x1024xf32, #tpu.memory_space<vmem>> -> memref<1024xf32, #tpu.memory_space<vmem>>
      tpu.enqueue_dma source(%dma_start3A_192 : memref<1024xf32, #tpu.memory_space<vmem>>) target(%dma_start3A_189 : memref<1024xf32, #tpu.memory_space<vmem_shared>>) target_semaphore(%arg15 : memref<!tpu.dma_semaphore, #tpu.memory_space<semaphore_mem>>)
      %mul3A_193 = arith.constant 1024 : i32
      %mul3A_194 = arith.muli %arg1, %mul3A_193 : i32
      %add3A_195 = arith.constant 180224 : i32
      %add3A_196 = arith.addi %add3A_195, %mul3A_194 : i32
      %dma_start3A_197 = arith.constant 11 : i32
      %dma_start3A_198 = arith.constant 0 : i32
      %dma_start3A_199 = tpu.memref_slice %arg13[%dma_start3A_197, %dma_start3A_198] : memref<16x1024xf32, #tpu.memory_space<vmem>> -> memref<1x1024xf32, #tpu.memory_space<vmem>>
      %dma_start3A_200 = tpu.memref_squeeze %dma_start3A_199 : memref<1x1024xf32, #tpu.memory_space<vmem>> -> memref<1024xf32, #tpu.memory_space<vmem>>
      %dma_start3A_201 = tpu.memref_slice %arg14[%add3A_196] : memref<262144xf32, #tpu.memory_space<vmem_shared>> -> memref<1024xf32, #tpu.memory_space<vmem_shared>>
      %dma_start3A_202 = tpu.memref_slice %arg14[%add3A_196] : memref<262144xf32, #tpu.memory_space<vmem_shared>> -> memref<1024xf32, #tpu.memory_space<vmem_shared>>
      %dma_start3A_203 = arith.constant 0 : i32
      %dma_start3A_204 = tpu.memref_slice %arg13[%dma_start3A_197, %dma_start3A_203] : memref<16x1024xf32, #tpu.memory_space<vmem>> -> memref<1x1024xf32, #tpu.memory_space<vmem>>
      %dma_start3A_205 = tpu.memref_squeeze %dma_start3A_204 : memref<1x1024xf32, #tpu.memory_space<vmem>> -> memref<1024xf32, #tpu.memory_space<vmem>>
      tpu.enqueue_dma source(%dma_start3A_205 : memref<1024xf32, #tpu.memory_space<vmem>>) target(%dma_start3A_202 : memref<1024xf32, #tpu.memory_space<vmem_shared>>) target_semaphore(%arg15 : memref<!tpu.dma_semaphore, #tpu.memory_space<semaphore_mem>>)
      %mul3A_206 = arith.constant 1024 : i32
      %mul3A_207 = arith.muli %arg1, %mul3A_206 : i32
      %add3A_208 = arith.constant 196608 : i32
      %add3A_209 = arith.addi %add3A_208, %mul3A_207 : i32
      %dma_start3A_210 = arith.constant 12 : i32
      %dma_start3A_211 = arith.constant 0 : i32
      %dma_start3A_212 = tpu.memref_slice %arg13[%dma_start3A_210, %dma_start3A_211] : memref<16x1024xf32, #tpu.memory_space<vmem>> -> memref<1x1024xf32, #tpu.memory_space<vmem>>
      %dma_start3A_213 = tpu.memref_squeeze %dma_start3A_212 : memref<1x1024xf32, #tpu.memory_space<vmem>> -> memref<1024xf32, #tpu.memory_space<vmem>>
      %dma_start3A_214 = tpu.memref_slice %arg14[%add3A_209] : memref<262144xf32, #tpu.memory_space<vmem_shared>> -> memref<1024xf32, #tpu.memory_space<vmem_shared>>
      %dma_start3A_215 = tpu.memref_slice %arg14[%add3A_209] : memref<262144xf32, #tpu.memory_space<vmem_shared>> -> memref<1024xf32, #tpu.memory_space<vmem_shared>>
      %dma_start3A_216 = arith.constant 0 : i32
      %dma_start3A_217 = tpu.memref_slice %arg13[%dma_start3A_210, %dma_start3A_216] : memref<16x1024xf32, #tpu.memory_space<vmem>> -> memref<1x1024xf32, #tpu.memory_space<vmem>>
      %dma_start3A_218 = tpu.memref_squeeze %dma_start3A_217 : memref<1x1024xf32, #tpu.memory_space<vmem>> -> memref<1024xf32, #tpu.memory_space<vmem>>
      tpu.enqueue_dma source(%dma_start3A_218 : memref<1024xf32, #tpu.memory_space<vmem>>) target(%dma_start3A_215 : memref<1024xf32, #tpu.memory_space<vmem_shared>>) target_semaphore(%arg15 : memref<!tpu.dma_semaphore, #tpu.memory_space<semaphore_mem>>)
      %mul3A_219 = arith.constant 1024 : i32
      %mul3A_220 = arith.muli %arg1, %mul3A_219 : i32
      %add3A_221 = arith.constant 212992 : i32
      %add3A_222 = arith.addi %add3A_221, %mul3A_220 : i32
      %dma_start3A_223 = arith.constant 13 : i32
      %dma_start3A_224 = arith.constant 0 : i32
      %dma_start3A_225 = tpu.memref_slice %arg13[%dma_start3A_223, %dma_start3A_224] : memref<16x1024xf32, #tpu.memory_space<vmem>> -> memref<1x1024xf32, #tpu.memory_space<vmem>>
      %dma_start3A_226 = tpu.memref_squeeze %dma_start3A_225 : memref<1x1024xf32, #tpu.memory_space<vmem>> -> memref<1024xf32, #tpu.memory_space<vmem>>
      %dma_start3A_227 = tpu.memref_slice %arg14[%add3A_222] : memref<262144xf32, #tpu.memory_space<vmem_shared>> -> memref<1024xf32, #tpu.memory_space<vmem_shared>>
      %dma_start3A_228 = tpu.memref_slice %arg14[%add3A_222] : memref<262144xf32, #tpu.memory_space<vmem_shared>> -> memref<1024xf32, #tpu.memory_space<vmem_shared>>
      %dma_start3A_229 = arith.constant 0 : i32
      %dma_start3A_230 = tpu.memref_slice %arg13[%dma_start3A_223, %dma_start3A_229] : memref<16x1024xf32, #tpu.memory_space<vmem>> -> memref<1x1024xf32, #tpu.memory_space<vmem>>
      %dma_start3A_231 = tpu.memref_squeeze %dma_start3A_230 : memref<1x1024xf32, #tpu.memory_space<vmem>> -> memref<1024xf32, #tpu.memory_space<vmem>>
      tpu.enqueue_dma source(%dma_start3A_231 : memref<1024xf32, #tpu.memory_space<vmem>>) target(%dma_start3A_228 : memref<1024xf32, #tpu.memory_space<vmem_shared>>) target_semaphore(%arg15 : memref<!tpu.dma_semaphore, #tpu.memory_space<semaphore_mem>>)
      %mul3A_232 = arith.constant 1024 : i32
      %mul3A_233 = arith.muli %arg1, %mul3A_232 : i32
      %add3A_234 = arith.constant 229376 : i32
      %add3A_235 = arith.addi %add3A_234, %mul3A_233 : i32
      %dma_start3A_236 = arith.constant 14 : i32
      %dma_start3A_237 = arith.constant 0 : i32
      %dma_start3A_238 = tpu.memref_slice %arg13[%dma_start3A_236, %dma_start3A_237] : memref<16x1024xf32, #tpu.memory_space<vmem>> -> memref<1x1024xf32, #tpu.memory_space<vmem>>
      %dma_start3A_239 = tpu.memref_squeeze %dma_start3A_238 : memref<1x1024xf32, #tpu.memory_space<vmem>> -> memref<1024xf32, #tpu.memory_space<vmem>>
      %dma_start3A_240 = tpu.memref_slice %arg14[%add3A_235] : memref<262144xf32, #tpu.memory_space<vmem_shared>> -> memref<1024xf32, #tpu.memory_space<vmem_shared>>
      %dma_start3A_241 = tpu.memref_slice %arg14[%add3A_235] : memref<262144xf32, #tpu.memory_space<vmem_shared>> -> memref<1024xf32, #tpu.memory_space<vmem_shared>>
      %dma_start3A_242 = arith.constant 0 : i32
      %dma_start3A_243 = tpu.memref_slice %arg13[%dma_start3A_236, %dma_start3A_242] : memref<16x1024xf32, #tpu.memory_space<vmem>> -> memref<1x1024xf32, #tpu.memory_space<vmem>>
      %dma_start3A_244 = tpu.memref_squeeze %dma_start3A_243 : memref<1x1024xf32, #tpu.memory_space<vmem>> -> memref<1024xf32, #tpu.memory_space<vmem>>
      tpu.enqueue_dma source(%dma_start3A_244 : memref<1024xf32, #tpu.memory_space<vmem>>) target(%dma_start3A_241 : memref<1024xf32, #tpu.memory_space<vmem_shared>>) target_semaphore(%arg15 : memref<!tpu.dma_semaphore, #tpu.memory_space<semaphore_mem>>)
      %mul3A_245 = arith.constant 1024 : i32
      %mul3A_246 = arith.muli %arg1, %mul3A_245 : i32
      %add3A_247 = arith.constant 245760 : i32
      %add3A_248 = arith.addi %add3A_247, %mul3A_246 : i32
      %dma_start3A_249 = arith.constant 15 : i32
      %dma_start3A_250 = arith.constant 0 : i32
      %dma_start3A_251 = tpu.memref_slice %arg13[%dma_start3A_249, %dma_start3A_250] : memref<16x1024xf32, #tpu.memory_space<vmem>> -> memref<1x1024xf32, #tpu.memory_space<vmem>>
      %dma_start3A_252 = tpu.memref_squeeze %dma_start3A_251 : memref<1x1024xf32, #tpu.memory_space<vmem>> -> memref<1024xf32, #tpu.memory_space<vmem>>
      %dma_start3A_253 = tpu.memref_slice %arg14[%add3A_248] : memref<262144xf32, #tpu.memory_space<vmem_shared>> -> memref<1024xf32, #tpu.memory_space<vmem_shared>>
      %dma_start3A_254 = tpu.memref_slice %arg14[%add3A_248] : memref<262144xf32, #tpu.memory_space<vmem_shared>> -> memref<1024xf32, #tpu.memory_space<vmem_shared>>
      %dma_start3A_255 = arith.constant 0 : i32
      %dma_start3A_256 = tpu.memref_slice %arg13[%dma_start3A_249, %dma_start3A_255] : memref<16x1024xf32, #tpu.memory_space<vmem>> -> memref<1x1024xf32, #tpu.memory_space<vmem>>
      %dma_start3A_257 = tpu.memref_squeeze %dma_start3A_256 : memref<1x1024xf32, #tpu.memory_space<vmem>> -> memref<1024xf32, #tpu.memory_space<vmem>>
      tpu.enqueue_dma source(%dma_start3A_257 : memref<1024xf32, #tpu.memory_space<vmem>>) target(%dma_start3A_254 : memref<1024xf32, #tpu.memory_space<vmem_shared>>) target_semaphore(%arg15 : memref<!tpu.dma_semaphore, #tpu.memory_space<semaphore_mem>>)
      %dma_wait3A_258 = arith.constant 0 : i32
      %dma_wait3A_259 = arith.constant 0 : i32
      %dma_wait3A_260 = tpu.memref_slice %arg13[%dma_wait3A_258, %dma_wait3A_259] : memref<16x1024xf32, #tpu.memory_space<vmem>> -> memref<1x1024xf32, #tpu.memory_space<vmem>>
      %dma_wait3A_261 = tpu.memref_squeeze %dma_wait3A_260 : memref<1x1024xf32, #tpu.memory_space<vmem>> -> memref<1024xf32, #tpu.memory_space<vmem>>
      %dma_wait3A_262 = tpu.memref_slice %arg14[%add3A_53] : memref<262144xf32, #tpu.memory_space<vmem_shared>> -> memref<1024xf32, #tpu.memory_space<vmem_shared>>
      %dma_wait3A_263 = tpu.memref_slice %arg14[%add3A_53] : memref<262144xf32, #tpu.memory_space<vmem_shared>> -> memref<1024xf32, #tpu.memory_space<vmem_shared>>
      %dma_wait3A_264 = arith.constant 0 : i32
      %dma_wait3A_265 = tpu.memref_slice %arg13[%dma_wait3A_258, %dma_wait3A_264] : memref<16x1024xf32, #tpu.memory_space<vmem>> -> memref<1x1024xf32, #tpu.memory_space<vmem>>
      %dma_wait3A_266 = tpu.memref_squeeze %dma_wait3A_265 : memref<1x1024xf32, #tpu.memory_space<vmem>> -> memref<1024xf32, #tpu.memory_space<vmem>>
      tpu.wait_dma2 semaphore(%arg15 : memref<!tpu.dma_semaphore, #tpu.memory_space<semaphore_mem>>) src(%dma_wait3A_266 : memref<1024xf32, #tpu.memory_space<vmem>>) dst(%dma_wait3A_263 : memref<1024xf32, #tpu.memory_space<vmem_shared>>)
      %dma_wait3A_267 = arith.constant 1 : i32
      %dma_wait3A_268 = arith.constant 0 : i32
      %dma_wait3A_269 = tpu.memref_slice %arg13[%dma_wait3A_267, %dma_wait3A_268] : memref<16x1024xf32, #tpu.memory_space<vmem>> -> memref<1x1024xf32, #tpu.memory_space<vmem>>
      %dma_wait3A_270 = tpu.memref_squeeze %dma_wait3A_269 : memref<1x1024xf32, #tpu.memory_space<vmem>> -> memref<1024xf32, #tpu.memory_space<vmem>>
      %dma_wait3A_271 = tpu.memref_slice %arg14[%add3A_66] : memref<262144xf32, #tpu.memory_space<vmem_shared>> -> memref<1024xf32, #tpu.memory_space<vmem_shared>>
      %dma_wait3A_272 = tpu.memref_slice %arg14[%add3A_66] : memref<262144xf32, #tpu.memory_space<vmem_shared>> -> memref<1024xf32, #tpu.memory_space<vmem_shared>>
      %dma_wait3A_273 = arith.constant 0 : i32
      %dma_wait3A_274 = tpu.memref_slice %arg13[%dma_wait3A_267, %dma_wait3A_273] : memref<16x1024xf32, #tpu.memory_space<vmem>> -> memref<1x1024xf32, #tpu.memory_space<vmem>>
      %dma_wait3A_275 = tpu.memref_squeeze %dma_wait3A_274 : memref<1x1024xf32, #tpu.memory_space<vmem>> -> memref<1024xf32, #tpu.memory_space<vmem>>
      tpu.wait_dma2 semaphore(%arg15 : memref<!tpu.dma_semaphore, #tpu.memory_space<semaphore_mem>>) src(%dma_wait3A_275 : memref<1024xf32, #tpu.memory_space<vmem>>) dst(%dma_wait3A_272 : memref<1024xf32, #tpu.memory_space<vmem_shared>>)
      %dma_wait3A_276 = arith.constant 2 : i32
      %dma_wait3A_277 = arith.constant 0 : i32
      %dma_wait3A_278 = tpu.memref_slice %arg13[%dma_wait3A_276, %dma_wait3A_277] : memref<16x1024xf32, #tpu.memory_space<vmem>> -> memref<1x1024xf32, #tpu.memory_space<vmem>>
      %dma_wait3A_279 = tpu.memref_squeeze %dma_wait3A_278 : memref<1x1024xf32, #tpu.memory_space<vmem>> -> memref<1024xf32, #tpu.memory_space<vmem>>
      %dma_wait3A_280 = tpu.memref_slice %arg14[%add3A_79] : memref<262144xf32, #tpu.memory_space<vmem_shared>> -> memref<1024xf32, #tpu.memory_space<vmem_shared>>
      %dma_wait3A_281 = tpu.memref_slice %arg14[%add3A_79] : memref<262144xf32, #tpu.memory_space<vmem_shared>> -> memref<1024xf32, #tpu.memory_space<vmem_shared>>
      %dma_wait3A_282 = arith.constant 0 : i32
      %dma_wait3A_283 = tpu.memref_slice %arg13[%dma_wait3A_276, %dma_wait3A_282] : memref<16x1024xf32, #tpu.memory_space<vmem>> -> memref<1x1024xf32, #tpu.memory_space<vmem>>
      %dma_wait3A_284 = tpu.memref_squeeze %dma_wait3A_283 : memref<1x1024xf32, #tpu.memory_space<vmem>> -> memref<1024xf32, #tpu.memory_space<vmem>>
      tpu.wait_dma2 semaphore(%arg15 : memref<!tpu.dma_semaphore, #tpu.memory_space<semaphore_mem>>) src(%dma_wait3A_284 : memref<1024xf32, #tpu.memory_space<vmem>>) dst(%dma_wait3A_281 : memref<1024xf32, #tpu.memory_space<vmem_shared>>)
      %dma_wait3A_285 = arith.constant 3 : i32
      %dma_wait3A_286 = arith.constant 0 : i32
      %dma_wait3A_287 = tpu.memref_slice %arg13[%dma_wait3A_285, %dma_wait3A_286] : memref<16x1024xf32, #tpu.memory_space<vmem>> -> memref<1x1024xf32, #tpu.memory_space<vmem>>
      %dma_wait3A_288 = tpu.memref_squeeze %dma_wait3A_287 : memref<1x1024xf32, #tpu.memory_space<vmem>> -> memref<1024xf32, #tpu.memory_space<vmem>>
      %dma_wait3A_289 = tpu.memref_slice %arg14[%add3A_92] : memref<262144xf32, #tpu.memory_space<vmem_shared>> -> memref<1024xf32, #tpu.memory_space<vmem_shared>>
      %dma_wait3A_290 = tpu.memref_slice %arg14[%add3A_92] : memref<262144xf32, #tpu.memory_space<vmem_shared>> -> memref<1024xf32, #tpu.memory_space<vmem_shared>>
      %dma_wait3A_291 = arith.constant 0 : i32
      %dma_wait3A_292 = tpu.memref_slice %arg13[%dma_wait3A_285, %dma_wait3A_291] : memref<16x1024xf32, #tpu.memory_space<vmem>> -> memref<1x1024xf32, #tpu.memory_space<vmem>>
      %dma_wait3A_293 = tpu.memref_squeeze %dma_wait3A_292 : memref<1x1024xf32, #tpu.memory_space<vmem>> -> memref<1024xf32, #tpu.memory_space<vmem>>
      tpu.wait_dma2 semaphore(%arg15 : memref<!tpu.dma_semaphore, #tpu.memory_space<semaphore_mem>>) src(%dma_wait3A_293 : memref<1024xf32, #tpu.memory_space<vmem>>) dst(%dma_wait3A_290 : memref<1024xf32, #tpu.memory_space<vmem_shared>>)
      %dma_wait3A_294 = arith.constant 4 : i32
      %dma_wait3A_295 = arith.constant 0 : i32
      %dma_wait3A_296 = tpu.memref_slice %arg13[%dma_wait3A_294, %dma_wait3A_295] : memref<16x1024xf32, #tpu.memory_space<vmem>> -> memref<1x1024xf32, #tpu.memory_space<vmem>>
      %dma_wait3A_297 = tpu.memref_squeeze %dma_wait3A_296 : memref<1x1024xf32, #tpu.memory_space<vmem>> -> memref<1024xf32, #tpu.memory_space<vmem>>
      %dma_wait3A_298 = tpu.memref_slice %arg14[%add3A_105] : memref<262144xf32, #tpu.memory_space<vmem_shared>> -> memref<1024xf32, #tpu.memory_space<vmem_shared>>
      %dma_wait3A_299 = tpu.memref_slice %arg14[%add3A_105] : memref<262144xf32, #tpu.memory_space<vmem_shared>> -> memref<1024xf32, #tpu.memory_space<vmem_shared>>
      %dma_wait3A_300 = arith.constant 0 : i32
      %dma_wait3A_301 = tpu.memref_slice %arg13[%dma_wait3A_294, %dma_wait3A_300] : memref<16x1024xf32, #tpu.memory_space<vmem>> -> memref<1x1024xf32, #tpu.memory_space<vmem>>
      %dma_wait3A_302 = tpu.memref_squeeze %dma_wait3A_301 : memref<1x1024xf32, #tpu.memory_space<vmem>> -> memref<1024xf32, #tpu.memory_space<vmem>>
      tpu.wait_dma2 semaphore(%arg15 : memref<!tpu.dma_semaphore, #tpu.memory_space<semaphore_mem>>) src(%dma_wait3A_302 : memref<1024xf32, #tpu.memory_space<vmem>>) dst(%dma_wait3A_299 : memref<1024xf32, #tpu.memory_space<vmem_shared>>)
      %dma_wait3A_303 = arith.constant 5 : i32
      %dma_wait3A_304 = arith.constant 0 : i32
      %dma_wait3A_305 = tpu.memref_slice %arg13[%dma_wait3A_303, %dma_wait3A_304] : memref<16x1024xf32, #tpu.memory_space<vmem>> -> memref<1x1024xf32, #tpu.memory_space<vmem>>
      %dma_wait3A_306 = tpu.memref_squeeze %dma_wait3A_305 : memref<1x1024xf32, #tpu.memory_space<vmem>> -> memref<1024xf32, #tpu.memory_space<vmem>>
      %dma_wait3A_307 = tpu.memref_slice %arg14[%add3A_118] : memref<262144xf32, #tpu.memory_space<vmem_shared>> -> memref<1024xf32, #tpu.memory_space<vmem_shared>>
      %dma_wait3A_308 = tpu.memref_slice %arg14[%add3A_118] : memref<262144xf32, #tpu.memory_space<vmem_shared>> -> memref<1024xf32, #tpu.memory_space<vmem_shared>>
      %dma_wait3A_309 = arith.constant 0 : i32
      %dma_wait3A_310 = tpu.memref_slice %arg13[%dma_wait3A_303, %dma_wait3A_309] : memref<16x1024xf32, #tpu.memory_space<vmem>> -> memref<1x1024xf32, #tpu.memory_space<vmem>>
      %dma_wait3A_311 = tpu.memref_squeeze %dma_wait3A_310 : memref<1x1024xf32, #tpu.memory_space<vmem>> -> memref<1024xf32, #tpu.memory_space<vmem>>
      tpu.wait_dma2 semaphore(%arg15 : memref<!tpu.dma_semaphore, #tpu.memory_space<semaphore_mem>>) src(%dma_wait3A_311 : memref<1024xf32, #tpu.memory_space<vmem>>) dst(%dma_wait3A_308 : memref<1024xf32, #tpu.memory_space<vmem_shared>>)
      %dma_wait3A_312 = arith.constant 6 : i32
      %dma_wait3A_313 = arith.constant 0 : i32
      %dma_wait3A_314 = tpu.memref_slice %arg13[%dma_wait3A_312, %dma_wait3A_313] : memref<16x1024xf32, #tpu.memory_space<vmem>> -> memref<1x1024xf32, #tpu.memory_space<vmem>>
      %dma_wait3A_315 = tpu.memref_squeeze %dma_wait3A_314 : memref<1x1024xf32, #tpu.memory_space<vmem>> -> memref<1024xf32, #tpu.memory_space<vmem>>
      %dma_wait3A_316 = tpu.memref_slice %arg14[%add3A_131] : memref<262144xf32, #tpu.memory_space<vmem_shared>> -> memref<1024xf32, #tpu.memory_space<vmem_shared>>
      %dma_wait3A_317 = tpu.memref_slice %arg14[%add3A_131] : memref<262144xf32, #tpu.memory_space<vmem_shared>> -> memref<1024xf32, #tpu.memory_space<vmem_shared>>
      %dma_wait3A_318 = arith.constant 0 : i32
      %dma_wait3A_319 = tpu.memref_slice %arg13[%dma_wait3A_312, %dma_wait3A_318] : memref<16x1024xf32, #tpu.memory_space<vmem>> -> memref<1x1024xf32, #tpu.memory_space<vmem>>
      %dma_wait3A_320 = tpu.memref_squeeze %dma_wait3A_319 : memref<1x1024xf32, #tpu.memory_space<vmem>> -> memref<1024xf32, #tpu.memory_space<vmem>>
      tpu.wait_dma2 semaphore(%arg15 : memref<!tpu.dma_semaphore, #tpu.memory_space<semaphore_mem>>) src(%dma_wait3A_320 : memref<1024xf32, #tpu.memory_space<vmem>>) dst(%dma_wait3A_317 : memref<1024xf32, #tpu.memory_space<vmem_shared>>)
      %dma_wait3A_321 = arith.constant 7 : i32
      %dma_wait3A_322 = arith.constant 0 : i32
      %dma_wait3A_323 = tpu.memref_slice %arg13[%dma_wait3A_321, %dma_wait3A_322] : memref<16x1024xf32, #tpu.memory_space<vmem>> -> memref<1x1024xf32, #tpu.memory_space<vmem>>
      %dma_wait3A_324 = tpu.memref_squeeze %dma_wait3A_323 : memref<1x1024xf32, #tpu.memory_space<vmem>> -> memref<1024xf32, #tpu.memory_space<vmem>>
      %dma_wait3A_325 = tpu.memref_slice %arg14[%add3A_144] : memref<262144xf32, #tpu.memory_space<vmem_shared>> -> memref<1024xf32, #tpu.memory_space<vmem_shared>>
      %dma_wait3A_326 = tpu.memref_slice %arg14[%add3A_144] : memref<262144xf32, #tpu.memory_space<vmem_shared>> -> memref<1024xf32, #tpu.memory_space<vmem_shared>>
      %dma_wait3A_327 = arith.constant 0 : i32
      %dma_wait3A_328 = tpu.memref_slice %arg13[%dma_wait3A_321, %dma_wait3A_327] : memref<16x1024xf32, #tpu.memory_space<vmem>> -> memref<1x1024xf32, #tpu.memory_space<vmem>>
      %dma_wait3A_329 = tpu.memref_squeeze %dma_wait3A_328 : memref<1x1024xf32, #tpu.memory_space<vmem>> -> memref<1024xf32, #tpu.memory_space<vmem>>
      tpu.wait_dma2 semaphore(%arg15 : memref<!tpu.dma_semaphore, #tpu.memory_space<semaphore_mem>>) src(%dma_wait3A_329 : memref<1024xf32, #tpu.memory_space<vmem>>) dst(%dma_wait3A_326 : memref<1024xf32, #tpu.memory_space<vmem_shared>>)
      %dma_wait3A_330 = arith.constant 8 : i32
      %dma_wait3A_331 = arith.constant 0 : i32
      %dma_wait3A_332 = tpu.memref_slice %arg13[%dma_wait3A_330, %dma_wait3A_331] : memref<16x1024xf32, #tpu.memory_space<vmem>> -> memref<1x1024xf32, #tpu.memory_space<vmem>>
      %dma_wait3A_333 = tpu.memref_squeeze %dma_wait3A_332 : memref<1x1024xf32, #tpu.memory_space<vmem>> -> memref<1024xf32, #tpu.memory_space<vmem>>
      %dma_wait3A_334 = tpu.memref_slice %arg14[%add3A_157] : memref<262144xf32, #tpu.memory_space<vmem_shared>> -> memref<1024xf32, #tpu.memory_space<vmem_shared>>
      %dma_wait3A_335 = tpu.memref_slice %arg14[%add3A_157] : memref<262144xf32, #tpu.memory_space<vmem_shared>> -> memref<1024xf32, #tpu.memory_space<vmem_shared>>
      %dma_wait3A_336 = arith.constant 0 : i32
      %dma_wait3A_337 = tpu.memref_slice %arg13[%dma_wait3A_330, %dma_wait3A_336] : memref<16x1024xf32, #tpu.memory_space<vmem>> -> memref<1x1024xf32, #tpu.memory_space<vmem>>
      %dma_wait3A_338 = tpu.memref_squeeze %dma_wait3A_337 : memref<1x1024xf32, #tpu.memory_space<vmem>> -> memref<1024xf32, #tpu.memory_space<vmem>>
      tpu.wait_dma2 semaphore(%arg15 : memref<!tpu.dma_semaphore, #tpu.memory_space<semaphore_mem>>) src(%dma_wait3A_338 : memref<1024xf32, #tpu.memory_space<vmem>>) dst(%dma_wait3A_335 : memref<1024xf32, #tpu.memory_space<vmem_shared>>)
      %dma_wait3A_339 = arith.constant 9 : i32
      %dma_wait3A_340 = arith.constant 0 : i32
      %dma_wait3A_341 = tpu.memref_slice %arg13[%dma_wait3A_339, %dma_wait3A_340] : memref<16x1024xf32, #tpu.memory_space<vmem>> -> memref<1x1024xf32, #tpu.memory_space<vmem>>
      %dma_wait3A_342 = tpu.memref_squeeze %dma_wait3A_341 : memref<1x1024xf32, #tpu.memory_space<vmem>> -> memref<1024xf32, #tpu.memory_space<vmem>>
      %dma_wait3A_343 = tpu.memref_slice %arg14[%add3A_170] : memref<262144xf32, #tpu.memory_space<vmem_shared>> -> memref<1024xf32, #tpu.memory_space<vmem_shared>>
      %dma_wait3A_344 = tpu.memref_slice %arg14[%add3A_170] : memref<262144xf32, #tpu.memory_space<vmem_shared>> -> memref<1024xf32, #tpu.memory_space<vmem_shared>>
      %dma_wait3A_345 = arith.constant 0 : i32
      %dma_wait3A_346 = tpu.memref_slice %arg13[%dma_wait3A_339, %dma_wait3A_345] : memref<16x1024xf32, #tpu.memory_space<vmem>> -> memref<1x1024xf32, #tpu.memory_space<vmem>>
      %dma_wait3A_347 = tpu.memref_squeeze %dma_wait3A_346 : memref<1x1024xf32, #tpu.memory_space<vmem>> -> memref<1024xf32, #tpu.memory_space<vmem>>
      tpu.wait_dma2 semaphore(%arg15 : memref<!tpu.dma_semaphore, #tpu.memory_space<semaphore_mem>>) src(%dma_wait3A_347 : memref<1024xf32, #tpu.memory_space<vmem>>) dst(%dma_wait3A_344 : memref<1024xf32, #tpu.memory_space<vmem_shared>>)
      %dma_wait3A_348 = arith.constant 10 : i32
      %dma_wait3A_349 = arith.constant 0 : i32
      %dma_wait3A_350 = tpu.memref_slice %arg13[%dma_wait3A_348, %dma_wait3A_349] : memref<16x1024xf32, #tpu.memory_space<vmem>> -> memref<1x1024xf32, #tpu.memory_space<vmem>>
      %dma_wait3A_351 = tpu.memref_squeeze %dma_wait3A_350 : memref<1x1024xf32, #tpu.memory_space<vmem>> -> memref<1024xf32, #tpu.memory_space<vmem>>
      %dma_wait3A_352 = tpu.memref_slice %arg14[%add3A_183] : memref<262144xf32, #tpu.memory_space<vmem_shared>> -> memref<1024xf32, #tpu.memory_space<vmem_shared>>
      %dma_wait3A_353 = tpu.memref_slice %arg14[%add3A_183] : memref<262144xf32, #tpu.memory_space<vmem_shared>> -> memref<1024xf32, #tpu.memory_space<vmem_shared>>
      %dma_wait3A_354 = arith.constant 0 : i32
      %dma_wait3A_355 = tpu.memref_slice %arg13[%dma_wait3A_348, %dma_wait3A_354] : memref<16x1024xf32, #tpu.memory_space<vmem>> -> memref<1x1024xf32, #tpu.memory_space<vmem>>
      %dma_wait3A_356 = tpu.memref_squeeze %dma_wait3A_355 : memref<1x1024xf32, #tpu.memory_space<vmem>> -> memref<1024xf32, #tpu.memory_space<vmem>>
      tpu.wait_dma2 semaphore(%arg15 : memref<!tpu.dma_semaphore, #tpu.memory_space<semaphore_mem>>) src(%dma_wait3A_356 : memref<1024xf32, #tpu.memory_space<vmem>>) dst(%dma_wait3A_353 : memref<1024xf32, #tpu.memory_space<vmem_shared>>)
      %dma_wait3A_357 = arith.constant 11 : i32
      %dma_wait3A_358 = arith.constant 0 : i32
      %dma_wait3A_359 = tpu.memref_slice %arg13[%dma_wait3A_357, %dma_wait3A_358] : memref<16x1024xf32, #tpu.memory_space<vmem>> -> memref<1x1024xf32, #tpu.memory_space<vmem>>
      %dma_wait3A_360 = tpu.memref_squeeze %dma_wait3A_359 : memref<1x1024xf32, #tpu.memory_space<vmem>> -> memref<1024xf32, #tpu.memory_space<vmem>>
      %dma_wait3A_361 = tpu.memref_slice %arg14[%add3A_196] : memref<262144xf32, #tpu.memory_space<vmem_shared>> -> memref<1024xf32, #tpu.memory_space<vmem_shared>>
      %dma_wait3A_362 = tpu.memref_slice %arg14[%add3A_196] : memref<262144xf32, #tpu.memory_space<vmem_shared>> -> memref<1024xf32, #tpu.memory_space<vmem_shared>>
      %dma_wait3A_363 = arith.constant 0 : i32
      %dma_wait3A_364 = tpu.memref_slice %arg13[%dma_wait3A_357, %dma_wait3A_363] : memref<16x1024xf32, #tpu.memory_space<vmem>> -> memref<1x1024xf32, #tpu.memory_space<vmem>>
      %dma_wait3A_365 = tpu.memref_squeeze %dma_wait3A_364 : memref<1x1024xf32, #tpu.memory_space<vmem>> -> memref<1024xf32, #tpu.memory_space<vmem>>
      tpu.wait_dma2 semaphore(%arg15 : memref<!tpu.dma_semaphore, #tpu.memory_space<semaphore_mem>>) src(%dma_wait3A_365 : memref<1024xf32, #tpu.memory_space<vmem>>) dst(%dma_wait3A_362 : memref<1024xf32, #tpu.memory_space<vmem_shared>>)
      %dma_wait3A_366 = arith.constant 12 : i32
      %dma_wait3A_367 = arith.constant 0 : i32
      %dma_wait3A_368 = tpu.memref_slice %arg13[%dma_wait3A_366, %dma_wait3A_367] : memref<16x1024xf32, #tpu.memory_space<vmem>> -> memref<1x1024xf32, #tpu.memory_space<vmem>>
      %dma_wait3A_369 = tpu.memref_squeeze %dma_wait3A_368 : memref<1x1024xf32, #tpu.memory_space<vmem>> -> memref<1024xf32, #tpu.memory_space<vmem>>
      %dma_wait3A_370 = tpu.memref_slice %arg14[%add3A_209] : memref<262144xf32, #tpu.memory_space<vmem_shared>> -> memref<1024xf32, #tpu.memory_space<vmem_shared>>
      %dma_wait3A_371 = tpu.memref_slice %arg14[%add3A_209] : memref<262144xf32, #tpu.memory_space<vmem_shared>> -> memref<1024xf32, #tpu.memory_space<vmem_shared>>
      %dma_wait3A_372 = arith.constant 0 : i32
      %dma_wait3A_373 = tpu.memref_slice %arg13[%dma_wait3A_366, %dma_wait3A_372] : memref<16x1024xf32, #tpu.memory_space<vmem>> -> memref<1x1024xf32, #tpu.memory_space<vmem>>
      %dma_wait3A_374 = tpu.memref_squeeze %dma_wait3A_373 : memref<1x1024xf32, #tpu.memory_space<vmem>> -> memref<1024xf32, #tpu.memory_space<vmem>>
      tpu.wait_dma2 semaphore(%arg15 : memref<!tpu.dma_semaphore, #tpu.memory_space<semaphore_mem>>) src(%dma_wait3A_374 : memref<1024xf32, #tpu.memory_space<vmem>>) dst(%dma_wait3A_371 : memref<1024xf32, #tpu.memory_space<vmem_shared>>)
      %dma_wait3A_375 = arith.constant 13 : i32
      %dma_wait3A_376 = arith.constant 0 : i32
      %dma_wait3A_377 = tpu.memref_slice %arg13[%dma_wait3A_375, %dma_wait3A_376] : memref<16x1024xf32, #tpu.memory_space<vmem>> -> memref<1x1024xf32, #tpu.memory_space<vmem>>
      %dma_wait3A_378 = tpu.memref_squeeze %dma_wait3A_377 : memref<1x1024xf32, #tpu.memory_space<vmem>> -> memref<1024xf32, #tpu.memory_space<vmem>>
      %dma_wait3A_379 = tpu.memref_slice %arg14[%add3A_222] : memref<262144xf32, #tpu.memory_space<vmem_shared>> -> memref<1024xf32, #tpu.memory_space<vmem_shared>>
      %dma_wait3A_380 = tpu.memref_slice %arg14[%add3A_222] : memref<262144xf32, #tpu.memory_space<vmem_shared>> -> memref<1024xf32, #tpu.memory_space<vmem_shared>>
      %dma_wait3A_381 = arith.constant 0 : i32
      %dma_wait3A_382 = tpu.memref_slice %arg13[%dma_wait3A_375, %dma_wait3A_381] : memref<16x1024xf32, #tpu.memory_space<vmem>> -> memref<1x1024xf32, #tpu.memory_space<vmem>>
      %dma_wait3A_383 = tpu.memref_squeeze %dma_wait3A_382 : memref<1x1024xf32, #tpu.memory_space<vmem>> -> memref<1024xf32, #tpu.memory_space<vmem>>
      tpu.wait_dma2 semaphore(%arg15 : memref<!tpu.dma_semaphore, #tpu.memory_space<semaphore_mem>>) src(%dma_wait3A_383 : memref<1024xf32, #tpu.memory_space<vmem>>) dst(%dma_wait3A_380 : memref<1024xf32, #tpu.memory_space<vmem_shared>>)
      %dma_wait3A_384 = arith.constant 14 : i32
      %dma_wait3A_385 = arith.constant 0 : i32
      %dma_wait3A_386 = tpu.memref_slice %arg13[%dma_wait3A_384, %dma_wait3A_385] : memref<16x1024xf32, #tpu.memory_space<vmem>> -> memref<1x1024xf32, #tpu.memory_space<vmem>>
      %dma_wait3A_387 = tpu.memref_squeeze %dma_wait3A_386 : memref<1x1024xf32, #tpu.memory_space<vmem>> -> memref<1024xf32, #tpu.memory_space<vmem>>
      %dma_wait3A_388 = tpu.memref_slice %arg14[%add3A_235] : memref<262144xf32, #tpu.memory_space<vmem_shared>> -> memref<1024xf32, #tpu.memory_space<vmem_shared>>
      %dma_wait3A_389 = tpu.memref_slice %arg14[%add3A_235] : memref<262144xf32, #tpu.memory_space<vmem_shared>> -> memref<1024xf32, #tpu.memory_space<vmem_shared>>
      %dma_wait3A_390 = arith.constant 0 : i32
      %dma_wait3A_391 = tpu.memref_slice %arg13[%dma_wait3A_384, %dma_wait3A_390] : memref<16x1024xf32, #tpu.memory_space<vmem>> -> memref<1x1024xf32, #tpu.memory_space<vmem>>
      %dma_wait3A_392 = tpu.memref_squeeze %dma_wait3A_391 : memref<1x1024xf32, #tpu.memory_space<vmem>> -> memref<1024xf32, #tpu.memory_space<vmem>>
      tpu.wait_dma2 semaphore(%arg15 : memref<!tpu.dma_semaphore, #tpu.memory_space<semaphore_mem>>) src(%dma_wait3A_392 : memref<1024xf32, #tpu.memory_space<vmem>>) dst(%dma_wait3A_389 : memref<1024xf32, #tpu.memory_space<vmem_shared>>)
      %dma_wait3A_393 = arith.constant 15 : i32
      %dma_wait3A_394 = arith.constant 0 : i32
      %dma_wait3A_395 = tpu.memref_slice %arg13[%dma_wait3A_393, %dma_wait3A_394] : memref<16x1024xf32, #tpu.memory_space<vmem>> -> memref<1x1024xf32, #tpu.memory_space<vmem>>
      %dma_wait3A_396 = tpu.memref_squeeze %dma_wait3A_395 : memref<1x1024xf32, #tpu.memory_space<vmem>> -> memref<1024xf32, #tpu.memory_space<vmem>>
      %dma_wait3A_397 = tpu.memref_slice %arg14[%add3A_248] : memref<262144xf32, #tpu.memory_space<vmem_shared>> -> memref<1024xf32, #tpu.memory_space<vmem_shared>>
      %dma_wait3A_398 = tpu.memref_slice %arg14[%add3A_248] : memref<262144xf32, #tpu.memory_space<vmem_shared>> -> memref<1024xf32, #tpu.memory_space<vmem_shared>>
      %dma_wait3A_399 = arith.constant 0 : i32
      %dma_wait3A_400 = tpu.memref_slice %arg13[%dma_wait3A_393, %dma_wait3A_399] : memref<16x1024xf32, #tpu.memory_space<vmem>> -> memref<1x1024xf32, #tpu.memory_space<vmem>>
      %dma_wait3A_401 = tpu.memref_squeeze %dma_wait3A_400 : memref<1x1024xf32, #tpu.memory_space<vmem>> -> memref<1024xf32, #tpu.memory_space<vmem>>
      tpu.wait_dma2 semaphore(%arg15 : memref<!tpu.dma_semaphore, #tpu.memory_space<semaphore_mem>>) src(%dma_wait3A_401 : memref<1024xf32, #tpu.memory_space<vmem>>) dst(%dma_wait3A_398 : memref<1024xf32, #tpu.memory_space<vmem_shared>>)
      %barrier3A = arith.constant 0 : index
      tpu.barrier barrier_id(%barrier3A)
      %mul3A_402 = arith.constant 16384 : i32
      %mul3A_403 = arith.muli %arg1, %mul3A_402 : i32
      %add3A_404 = arith.constant 0 : i32
      %add3A_405 = arith.addi %add3A_404, %mul3A_403 : i32
      "tpu.region"() ({
        %run_scoped3A = tpu.sem_alloc : memref<!tpu.dma_semaphore, #tpu.memory_space<semaphore_mem>>
        %dma_start3A_808 = tpu.memref_slice %arg14[%add3A_405] : memref<262144xf32, #tpu.memory_space<vmem_shared>> -> memref<16384xf32, #tpu.memory_space<vmem_shared>>
        %dma_start3A_809 = tpu.memref_slice %arg14[%add3A_405] : memref<262144xf32, #tpu.memory_space<vmem_shared>> -> memref<16384xf32, #tpu.memory_space<vmem_shared>>
        tpu.enqueue_dma source(%dma_start3A_809 : memref<16384xf32, #tpu.memory_space<vmem_shared>>) target(%arg6 : memref<16384xf32, #tpu.memory_space<vmem>>) target_semaphore(%run_scoped3A : memref<!tpu.dma_semaphore, #tpu.memory_space<semaphore_mem>>)
        %dma_wait3A_810 = tpu.memref_slice %arg14[%add3A_405] : memref<262144xf32, #tpu.memory_space<vmem_shared>> -> memref<16384xf32, #tpu.memory_space<vmem_shared>>
        %dma_wait3A_811 = tpu.memref_slice %arg14[%add3A_405] : memref<262144xf32, #tpu.memory_space<vmem_shared>> -> memref<16384xf32, #tpu.memory_space<vmem_shared>>
        tpu.wait_dma2 semaphore(%run_scoped3A : memref<!tpu.dma_semaphore, #tpu.memory_space<semaphore_mem>>) src(%dma_wait3A_811 : memref<16384xf32, #tpu.memory_space<vmem_shared>>) dst(%arg6 : memref<16384xf32, #tpu.memory_space<vmem>>)
        tpu.yield
      }) : () -> ()
      %eq3A_406 = arith.constant 0 : i32
      %eq3A_407 = arith.cmpi eq, %arg1, %eq3A_406 : i32
      %convert_element_type3A_408 = arith.extui %eq3A_407 : i1 to i32
      %cond3A_409 = arith.constant 0 : i32
      %cond3A_410 = arith.cmpi ne, %convert_element_type3A_408, %cond3A_409 : i32
      scf.if %cond3A_410 {
        %parallel_loop3A_808 = arith.constant 0 : i32
        %parallel_loop3A_809 = arith.constant 64 : i32
        %parallel_loop3A_810 = arith.constant 1 : i32
        scf.for %parallel_loop3A_811 = %parallel_loop3A_808 to %parallel_loop3A_809 step %parallel_loop3A_810  : i32 {
          %parallel_loop3A_812 = arith.constant 16 : i32
          %parallel_loop3A_813 = arith.muli %parallel_loop3A_811, %parallel_loop3A_812 : i32
          %parallel_loop3A_814 = arith.index_cast %parallel_loop3A_813 : i32 to index
          %parallel_loop3A_815 = tpu.vector_load %arg7[%parallel_loop3A_814] {strides = array<i32>} : memref<1024xi32, #tpu.memory_space<vmem>>, vector<16xi32>,
          %parallel_loop3A_816 = arith.constant 16 : i32
          %parallel_loop3A_817 = vector.broadcast %parallel_loop3A_816 : i32 to vector<16xi32>
          %parallel_loop3A_818 = arith.muli %parallel_loop3A_815, %parallel_loop3A_817 : vector<16xi32>
          %parallel_loop3A_819 = arith.addi %parallel_loop3A_818, %iota3A : vector<16xi32>
          tpu.vector_store_idx %arg10[%parallel_loop3A_819], %broadcast_in_dim3A_2 {add = true} : memref<20480xf32, #tpu.memory_space<vmem>>[vector<16xi32>], vector<16xf32>,
        } {sc.loop_unroll_factor = 4 : i64, sc.parallel_access}
      } else {
      }
      %parallel_loop3A_411 = arith.constant 0 : i32
      %parallel_loop3A_412 = arith.constant 64 : i32
      %parallel_loop3A_413 = arith.constant 1 : i32
      scf.for %parallel_loop3A_808 = %parallel_loop3A_411 to %parallel_loop3A_412 step %parallel_loop3A_413  : i32 {
        %parallel_loop3A_809 = arith.constant 16 : i32
        %parallel_loop3A_810 = arith.muli %parallel_loop3A_808, %parallel_loop3A_809 : i32
        %parallel_loop3A_811 = arith.index_cast %parallel_loop3A_810 : i32 to index
        %parallel_loop3A_812 = tpu.vector_load %arg7[%parallel_loop3A_811] {strides = array<i32>} : memref<1024xi32, #tpu.memory_space<vmem>>, vector<16xi32>,
        %parallel_loop3A_813 = arith.constant 16 : i32
        %parallel_loop3A_814 = vector.broadcast %parallel_loop3A_813 : i32 to vector<16xi32>
        %parallel_loop3A_815 = arith.muli %parallel_loop3A_812, %parallel_loop3A_814 : vector<16xi32>
        %parallel_loop3A_816 = vector.extract_strided_slice %parallel_loop3A_815 {offsets = [0], sizes = [1], strides = [1]} : vector<16xi32> to vector<1xi32>
        %parallel_loop3A_817 = vector.extract %parallel_loop3A_816[0] : i32 from vector<1xi32>
        %parallel_loop3A_818 = vector.broadcast %parallel_loop3A_817 : i32 to vector<16xi32>
        %parallel_loop3A_819 = arith.addi %parallel_loop3A_818, %iota3A : vector<16xi32>
        %parallel_loop3A_820 = arith.constant 16 : i32
        %parallel_loop3A_821 = arith.muli %parallel_loop3A_808, %parallel_loop3A_820 : i32
        %parallel_loop3A_822 = arith.constant 0 : i32
        %parallel_loop3A_823 = arith.addi %parallel_loop3A_821, %parallel_loop3A_822 : i32
        %parallel_loop3A_824 = arith.constant 16 : i32
        %parallel_loop3A_825 = arith.muli %parallel_loop3A_823, %parallel_loop3A_824 : i32
        %parallel_loop3A_826 = arith.index_cast %parallel_loop3A_825 : i32 to index
        %parallel_loop3A_827 = tpu.vector_load %arg6[%parallel_loop3A_826] {strides = array<i32>} : memref<16384xf32, #tpu.memory_space<vmem>>, vector<16xf32>,
        tpu.vector_store_idx %arg9[%parallel_loop3A_819], %parallel_loop3A_827 {add = true} : memref<20480xf32, #tpu.memory_space<vmem>>[vector<16xi32>], vector<16xf32>,
        %parallel_loop3A_828 = vector.extract_strided_slice %parallel_loop3A_815 {offsets = [1], sizes = [1], strides = [1]} : vector<16xi32> to vector<1xi32>
        %parallel_loop3A_829 = vector.extract %parallel_loop3A_828[0] : i32 from vector<1xi32>
        %parallel_loop3A_830 = vector.broadcast %parallel_loop3A_829 : i32 to vector<16xi32>
        %parallel_loop3A_831 = arith.addi %parallel_loop3A_830, %iota3A : vector<16xi32>
        %parallel_loop3A_832 = arith.constant 16 : i32
        %parallel_loop3A_833 = arith.muli %parallel_loop3A_808, %parallel_loop3A_832 : i32
        %parallel_loop3A_834 = arith.constant 1 : i32
        %parallel_loop3A_835 = arith.addi %parallel_loop3A_833, %parallel_loop3A_834 : i32
        %parallel_loop3A_836 = arith.constant 16 : i32
        %parallel_loop3A_837 = arith.muli %parallel_loop3A_835, %parallel_loop3A_836 : i32
        %parallel_loop3A_838 = arith.index_cast %parallel_loop3A_837 : i32 to index
        %parallel_loop3A_839 = tpu.vector_load %arg6[%parallel_loop3A_838] {strides = array<i32>} : memref<16384xf32, #tpu.memory_space<vmem>>, vector<16xf32>,
        tpu.vector_store_idx %arg9[%parallel_loop3A_831], %parallel_loop3A_839 {add = true} : memref<20480xf32, #tpu.memory_space<vmem>>[vector<16xi32>], vector<16xf32>,
        %parallel_loop3A_840 = vector.extract_strided_slice %parallel_loop3A_815 {offsets = [2], sizes = [1], strides = [1]} : vector<16xi32> to vector<1xi32>
        %parallel_loop3A_841 = vector.extract %parallel_loop3A_840[0] : i32 from vector<1xi32>
        %parallel_loop3A_842 = vector.broadcast %parallel_loop3A_841 : i32 to vector<16xi32>
        %parallel_loop3A_843 = arith.addi %parallel_loop3A_842, %iota3A : vector<16xi32>
        %parallel_loop3A_844 = arith.constant 16 : i32
        %parallel_loop3A_845 = arith.muli %parallel_loop3A_808, %parallel_loop3A_844 : i32
        %parallel_loop3A_846 = arith.constant 2 : i32
        %parallel_loop3A_847 = arith.addi %parallel_loop3A_845, %parallel_loop3A_846 : i32
        %parallel_loop3A_848 = arith.constant 16 : i32
        %parallel_loop3A_849 = arith.muli %parallel_loop3A_847, %parallel_loop3A_848 : i32
        %parallel_loop3A_850 = arith.index_cast %parallel_loop3A_849 : i32 to index
        %parallel_loop3A_851 = tpu.vector_load %arg6[%parallel_loop3A_850] {strides = array<i32>} : memref<16384xf32, #tpu.memory_space<vmem>>, vector<16xf32>,
        tpu.vector_store_idx %arg9[%parallel_loop3A_843], %parallel_loop3A_851 {add = true} : memref<20480xf32, #tpu.memory_space<vmem>>[vector<16xi32>], vector<16xf32>,
        %parallel_loop3A_852 = vector.extract_strided_slice %parallel_loop3A_815 {offsets = [3], sizes = [1], strides = [1]} : vector<16xi32> to vector<1xi32>
        %parallel_loop3A_853 = vector.extract %parallel_loop3A_852[0] : i32 from vector<1xi32>
        %parallel_loop3A_854 = vector.broadcast %parallel_loop3A_853 : i32 to vector<16xi32>
        %parallel_loop3A_855 = arith.addi %parallel_loop3A_854, %iota3A : vector<16xi32>
        %parallel_loop3A_856 = arith.constant 16 : i32
        %parallel_loop3A_857 = arith.muli %parallel_loop3A_808, %parallel_loop3A_856 : i32
        %parallel_loop3A_858 = arith.constant 3 : i32
        %parallel_loop3A_859 = arith.addi %parallel_loop3A_857, %parallel_loop3A_858 : i32
        %parallel_loop3A_860 = arith.constant 16 : i32
        %parallel_loop3A_861 = arith.muli %parallel_loop3A_859, %parallel_loop3A_860 : i32
        %parallel_loop3A_862 = arith.index_cast %parallel_loop3A_861 : i32 to index
        %parallel_loop3A_863 = tpu.vector_load %arg6[%parallel_loop3A_862] {strides = array<i32>} : memref<16384xf32, #tpu.memory_space<vmem>>, vector<16xf32>,
        tpu.vector_store_idx %arg9[%parallel_loop3A_855], %parallel_loop3A_863 {add = true} : memref<20480xf32, #tpu.memory_space<vmem>>[vector<16xi32>], vector<16xf32>,
        %parallel_loop3A_864 = vector.extract_strided_slice %parallel_loop3A_815 {offsets = [4], sizes = [1], strides = [1]} : vector<16xi32> to vector<1xi32>
        %parallel_loop3A_865 = vector.extract %parallel_loop3A_864[0] : i32 from vector<1xi32>
        %parallel_loop3A_866 = vector.broadcast %parallel_loop3A_865 : i32 to vector<16xi32>
        %parallel_loop3A_867 = arith.addi %parallel_loop3A_866, %iota3A : vector<16xi32>
        %parallel_loop3A_868 = arith.constant 16 : i32
        %parallel_loop3A_869 = arith.muli %parallel_loop3A_808, %parallel_loop3A_868 : i32
        %parallel_loop3A_870 = arith.constant 4 : i32
        %parallel_loop3A_871 = arith.addi %parallel_loop3A_869, %parallel_loop3A_870 : i32
        %parallel_loop3A_872 = arith.constant 16 : i32
        %parallel_loop3A_873 = arith.muli %parallel_loop3A_871, %parallel_loop3A_872 : i32
        %parallel_loop3A_874 = arith.index_cast %parallel_loop3A_873 : i32 to index
        %parallel_loop3A_875 = tpu.vector_load %arg6[%parallel_loop3A_874] {strides = array<i32>} : memref<16384xf32, #tpu.memory_space<vmem>>, vector<16xf32>,
        tpu.vector_store_idx %arg9[%parallel_loop3A_867], %parallel_loop3A_875 {add = true} : memref<20480xf32, #tpu.memory_space<vmem>>[vector<16xi32>], vector<16xf32>,
        %parallel_loop3A_876 = vector.extract_strided_slice %parallel_loop3A_815 {offsets = [5], sizes = [1], strides = [1]} : vector<16xi32> to vector<1xi32>
        %parallel_loop3A_877 = vector.extract %parallel_loop3A_876[0] : i32 from vector<1xi32>
        %parallel_loop3A_878 = vector.broadcast %parallel_loop3A_877 : i32 to vector<16xi32>
        %parallel_loop3A_879 = arith.addi %parallel_loop3A_878, %iota3A : vector<16xi32>
        %parallel_loop3A_880 = arith.constant 16 : i32
        %parallel_loop3A_881 = arith.muli %parallel_loop3A_808, %parallel_loop3A_880 : i32
        %parallel_loop3A_882 = arith.constant 5 : i32
        %parallel_loop3A_883 = arith.addi %parallel_loop3A_881, %parallel_loop3A_882 : i32
        %parallel_loop3A_884 = arith.constant 16 : i32
        %parallel_loop3A_885 = arith.muli %parallel_loop3A_883, %parallel_loop3A_884 : i32
        %parallel_loop3A_886 = arith.index_cast %parallel_loop3A_885 : i32 to index
        %parallel_loop3A_887 = tpu.vector_load %arg6[%parallel_loop3A_886] {strides = array<i32>} : memref<16384xf32, #tpu.memory_space<vmem>>, vector<16xf32>,
        tpu.vector_store_idx %arg9[%parallel_loop3A_879], %parallel_loop3A_887 {add = true} : memref<20480xf32, #tpu.memory_space<vmem>>[vector<16xi32>], vector<16xf32>,
        %parallel_loop3A_888 = vector.extract_strided_slice %parallel_loop3A_815 {offsets = [6], sizes = [1], strides = [1]} : vector<16xi32> to vector<1xi32>
        %parallel_loop3A_889 = vector.extract %parallel_loop3A_888[0] : i32 from vector<1xi32>
        %parallel_loop3A_890 = vector.broadcast %parallel_loop3A_889 : i32 to vector<16xi32>
        %parallel_loop3A_891 = arith.addi %parallel_loop3A_890, %iota3A : vector<16xi32>
        %parallel_loop3A_892 = arith.constant 16 : i32
        %parallel_loop3A_893 = arith.muli %parallel_loop3A_808, %parallel_loop3A_892 : i32
        %parallel_loop3A_894 = arith.constant 6 : i32
        %parallel_loop3A_895 = arith.addi %parallel_loop3A_893, %parallel_loop3A_894 : i32
        %parallel_loop3A_896 = arith.constant 16 : i32
        %parallel_loop3A_897 = arith.muli %parallel_loop3A_895, %parallel_loop3A_896 : i32
        %parallel_loop3A_898 = arith.index_cast %parallel_loop3A_897 : i32 to index
        %parallel_loop3A_899 = tpu.vector_load %arg6[%parallel_loop3A_898] {strides = array<i32>} : memref<16384xf32, #tpu.memory_space<vmem>>, vector<16xf32>,
        tpu.vector_store_idx %arg9[%parallel_loop3A_891], %parallel_loop3A_899 {add = true} : memref<20480xf32, #tpu.memory_space<vmem>>[vector<16xi32>], vector<16xf32>,
        %parallel_loop3A_900 = vector.extract_strided_slice %parallel_loop3A_815 {offsets = [7], sizes = [1], strides = [1]} : vector<16xi32> to vector<1xi32>
        %parallel_loop3A_901 = vector.extract %parallel_loop3A_900[0] : i32 from vector<1xi32>
        %parallel_loop3A_902 = vector.broadcast %parallel_loop3A_901 : i32 to vector<16xi32>
        %parallel_loop3A_903 = arith.addi %parallel_loop3A_902, %iota3A : vector<16xi32>
        %parallel_loop3A_904 = arith.constant 16 : i32
        %parallel_loop3A_905 = arith.muli %parallel_loop3A_808, %parallel_loop3A_904 : i32
        %parallel_loop3A_906 = arith.constant 7 : i32
        %parallel_loop3A_907 = arith.addi %parallel_loop3A_905, %parallel_loop3A_906 : i32
        %parallel_loop3A_908 = arith.constant 16 : i32
        %parallel_loop3A_909 = arith.muli %parallel_loop3A_907, %parallel_loop3A_908 : i32
        %parallel_loop3A_910 = arith.index_cast %parallel_loop3A_909 : i32 to index
        %parallel_loop3A_911 = tpu.vector_load %arg6[%parallel_loop3A_910] {strides = array<i32>} : memref<16384xf32, #tpu.memory_space<vmem>>, vector<16xf32>,
        tpu.vector_store_idx %arg9[%parallel_loop3A_903], %parallel_loop3A_911 {add = true} : memref<20480xf32, #tpu.memory_space<vmem>>[vector<16xi32>], vector<16xf32>,
        %parallel_loop3A_912 = vector.extract_strided_slice %parallel_loop3A_815 {offsets = [8], sizes = [1], strides = [1]} : vector<16xi32> to vector<1xi32>
        %parallel_loop3A_913 = vector.extract %parallel_loop3A_912[0] : i32 from vector<1xi32>
        %parallel_loop3A_914 = vector.broadcast %parallel_loop3A_913 : i32 to vector<16xi32>
        %parallel_loop3A_915 = arith.addi %parallel_loop3A_914, %iota3A : vector<16xi32>
        %parallel_loop3A_916 = arith.constant 16 : i32
        %parallel_loop3A_917 = arith.muli %parallel_loop3A_808, %parallel_loop3A_916 : i32
        %parallel_loop3A_918 = arith.constant 8 : i32
        %parallel_loop3A_919 = arith.addi %parallel_loop3A_917, %parallel_loop3A_918 : i32
        %parallel_loop3A_920 = arith.constant 16 : i32
        %parallel_loop3A_921 = arith.muli %parallel_loop3A_919, %parallel_loop3A_920 : i32
        %parallel_loop3A_922 = arith.index_cast %parallel_loop3A_921 : i32 to index
        %parallel_loop3A_923 = tpu.vector_load %arg6[%parallel_loop3A_922] {strides = array<i32>} : memref<16384xf32, #tpu.memory_space<vmem>>, vector<16xf32>,
        tpu.vector_store_idx %arg9[%parallel_loop3A_915], %parallel_loop3A_923 {add = true} : memref<20480xf32, #tpu.memory_space<vmem>>[vector<16xi32>], vector<16xf32>,
        %parallel_loop3A_924 = vector.extract_strided_slice %parallel_loop3A_815 {offsets = [9], sizes = [1], strides = [1]} : vector<16xi32> to vector<1xi32>
        %parallel_loop3A_925 = vector.extract %parallel_loop3A_924[0] : i32 from vector<1xi32>
        %parallel_loop3A_926 = vector.broadcast %parallel_loop3A_925 : i32 to vector<16xi32>
        %parallel_loop3A_927 = arith.addi %parallel_loop3A_926, %iota3A : vector<16xi32>
        %parallel_loop3A_928 = arith.constant 16 : i32
        %parallel_loop3A_929 = arith.muli %parallel_loop3A_808, %parallel_loop3A_928 : i32
        %parallel_loop3A_930 = arith.constant 9 : i32
        %parallel_loop3A_931 = arith.addi %parallel_loop3A_929, %parallel_loop3A_930 : i32
        %parallel_loop3A_932 = arith.constant 16 : i32
        %parallel_loop3A_933 = arith.muli %parallel_loop3A_931, %parallel_loop3A_932 : i32
        %parallel_loop3A_934 = arith.index_cast %parallel_loop3A_933 : i32 to index
        %parallel_loop3A_935 = tpu.vector_load %arg6[%parallel_loop3A_934] {strides = array<i32>} : memref<16384xf32, #tpu.memory_space<vmem>>, vector<16xf32>,
        tpu.vector_store_idx %arg9[%parallel_loop3A_927], %parallel_loop3A_935 {add = true} : memref<20480xf32, #tpu.memory_space<vmem>>[vector<16xi32>], vector<16xf32>,
        %parallel_loop3A_936 = vector.extract_strided_slice %parallel_loop3A_815 {offsets = [10], sizes = [1], strides = [1]} : vector<16xi32> to vector<1xi32>
        %parallel_loop3A_937 = vector.extract %parallel_loop3A_936[0] : i32 from vector<1xi32>
        %parallel_loop3A_938 = vector.broadcast %parallel_loop3A_937 : i32 to vector<16xi32>
        %parallel_loop3A_939 = arith.addi %parallel_loop3A_938, %iota3A : vector<16xi32>
        %parallel_loop3A_940 = arith.constant 16 : i32
        %parallel_loop3A_941 = arith.muli %parallel_loop3A_808, %parallel_loop3A_940 : i32
        %parallel_loop3A_942 = arith.constant 10 : i32
        %parallel_loop3A_943 = arith.addi %parallel_loop3A_941, %parallel_loop3A_942 : i32
        %parallel_loop3A_944 = arith.constant 16 : i32
        %parallel_loop3A_945 = arith.muli %parallel_loop3A_943, %parallel_loop3A_944 : i32
        %parallel_loop3A_946 = arith.index_cast %parallel_loop3A_945 : i32 to index
        %parallel_loop3A_947 = tpu.vector_load %arg6[%parallel_loop3A_946] {strides = array<i32>} : memref<16384xf32, #tpu.memory_space<vmem>>, vector<16xf32>,
        tpu.vector_store_idx %arg9[%parallel_loop3A_939], %parallel_loop3A_947 {add = true} : memref<20480xf32, #tpu.memory_space<vmem>>[vector<16xi32>], vector<16xf32>,
        %parallel_loop3A_948 = vector.extract_strided_slice %parallel_loop3A_815 {offsets = [11], sizes = [1], strides = [1]} : vector<16xi32> to vector<1xi32>
        %parallel_loop3A_949 = vector.extract %parallel_loop3A_948[0] : i32 from vector<1xi32>
        %parallel_loop3A_950 = vector.broadcast %parallel_loop3A_949 : i32 to vector<16xi32>
        %parallel_loop3A_951 = arith.addi %parallel_loop3A_950, %iota3A : vector<16xi32>
        %parallel_loop3A_952 = arith.constant 16 : i32
        %parallel_loop3A_953 = arith.muli %parallel_loop3A_808, %parallel_loop3A_952 : i32
        %parallel_loop3A_954 = arith.constant 11 : i32
        %parallel_loop3A_955 = arith.addi %parallel_loop3A_953, %parallel_loop3A_954 : i32
        %parallel_loop3A_956 = arith.constant 16 : i32
        %parallel_loop3A_957 = arith.muli %parallel_loop3A_955, %parallel_loop3A_956 : i32
        %parallel_loop3A_958 = arith.index_cast %parallel_loop3A_957 : i32 to index
        %parallel_loop3A_959 = tpu.vector_load %arg6[%parallel_loop3A_958] {strides = array<i32>} : memref<16384xf32, #tpu.memory_space<vmem>>, vector<16xf32>,
        tpu.vector_store_idx %arg9[%parallel_loop3A_951], %parallel_loop3A_959 {add = true} : memref<20480xf32, #tpu.memory_space<vmem>>[vector<16xi32>], vector<16xf32>,
        %parallel_loop3A_960 = vector.extract_strided_slice %parallel_loop3A_815 {offsets = [12], sizes = [1], strides = [1]} : vector<16xi32> to vector<1xi32>
        %parallel_loop3A_961 = vector.extract %parallel_loop3A_960[0] : i32 from vector<1xi32>
        %parallel_loop3A_962 = vector.broadcast %parallel_loop3A_961 : i32 to vector<16xi32>
        %parallel_loop3A_963 = arith.addi %parallel_loop3A_962, %iota3A : vector<16xi32>
        %parallel_loop3A_964 = arith.constant 16 : i32
        %parallel_loop3A_965 = arith.muli %parallel_loop3A_808, %parallel_loop3A_964 : i32
        %parallel_loop3A_966 = arith.constant 12 : i32
        %parallel_loop3A_967 = arith.addi %parallel_loop3A_965, %parallel_loop3A_966 : i32
        %parallel_loop3A_968 = arith.constant 16 : i32
        %parallel_loop3A_969 = arith.muli %parallel_loop3A_967, %parallel_loop3A_968 : i32
        %parallel_loop3A_970 = arith.index_cast %parallel_loop3A_969 : i32 to index
        %parallel_loop3A_971 = tpu.vector_load %arg6[%parallel_loop3A_970] {strides = array<i32>} : memref<16384xf32, #tpu.memory_space<vmem>>, vector<16xf32>,
        tpu.vector_store_idx %arg9[%parallel_loop3A_963], %parallel_loop3A_971 {add = true} : memref<20480xf32, #tpu.memory_space<vmem>>[vector<16xi32>], vector<16xf32>,
        %parallel_loop3A_972 = vector.extract_strided_slice %parallel_loop3A_815 {offsets = [13], sizes = [1], strides = [1]} : vector<16xi32> to vector<1xi32>
        %parallel_loop3A_973 = vector.extract %parallel_loop3A_972[0] : i32 from vector<1xi32>
        %parallel_loop3A_974 = vector.broadcast %parallel_loop3A_973 : i32 to vector<16xi32>
        %parallel_loop3A_975 = arith.addi %parallel_loop3A_974, %iota3A : vector<16xi32>
        %parallel_loop3A_976 = arith.constant 16 : i32
        %parallel_loop3A_977 = arith.muli %parallel_loop3A_808, %parallel_loop3A_976 : i32
        %parallel_loop3A_978 = arith.constant 13 : i32
        %parallel_loop3A_979 = arith.addi %parallel_loop3A_977, %parallel_loop3A_978 : i32
        %parallel_loop3A_980 = arith.constant 16 : i32
        %parallel_loop3A_981 = arith.muli %parallel_loop3A_979, %parallel_loop3A_980 : i32
        %parallel_loop3A_982 = arith.index_cast %parallel_loop3A_981 : i32 to index
        %parallel_loop3A_983 = tpu.vector_load %arg6[%parallel_loop3A_982] {strides = array<i32>} : memref<16384xf32, #tpu.memory_space<vmem>>, vector<16xf32>,
        tpu.vector_store_idx %arg9[%parallel_loop3A_975], %parallel_loop3A_983 {add = true} : memref<20480xf32, #tpu.memory_space<vmem>>[vector<16xi32>], vector<16xf32>,
        %parallel_loop3A_984 = vector.extract_strided_slice %parallel_loop3A_815 {offsets = [14], sizes = [1], strides = [1]} : vector<16xi32> to vector<1xi32>
        %parallel_loop3A_985 = vector.extract %parallel_loop3A_984[0] : i32 from vector<1xi32>
        %parallel_loop3A_986 = vector.broadcast %parallel_loop3A_985 : i32 to vector<16xi32>
        %parallel_loop3A_987 = arith.addi %parallel_loop3A_986, %iota3A : vector<16xi32>
        %parallel_loop3A_988 = arith.constant 16 : i32
        %parallel_loop3A_989 = arith.muli %parallel_loop3A_808, %parallel_loop3A_988 : i32
        %parallel_loop3A_990 = arith.constant 14 : i32
        %parallel_loop3A_991 = arith.addi %parallel_loop3A_989, %parallel_loop3A_990 : i32
        %parallel_loop3A_992 = arith.constant 16 : i32
        %parallel_loop3A_993 = arith.muli %parallel_loop3A_991, %parallel_loop3A_992 : i32
        %parallel_loop3A_994 = arith.index_cast %parallel_loop3A_993 : i32 to index
        %parallel_loop3A_995 = tpu.vector_load %arg6[%parallel_loop3A_994] {strides = array<i32>} : memref<16384xf32, #tpu.memory_space<vmem>>, vector<16xf32>,
        tpu.vector_store_idx %arg9[%parallel_loop3A_987], %parallel_loop3A_995 {add = true} : memref<20480xf32, #tpu.memory_space<vmem>>[vector<16xi32>], vector<16xf32>,
        %parallel_loop3A_996 = vector.extract_strided_slice %parallel_loop3A_815 {offsets = [15], sizes = [1], strides = [1]} : vector<16xi32> to vector<1xi32>
        %parallel_loop3A_997 = vector.extract %parallel_loop3A_996[0] : i32 from vector<1xi32>
        %parallel_loop3A_998 = vector.broadcast %parallel_loop3A_997 : i32 to vector<16xi32>
        %parallel_loop3A_999 = arith.addi %parallel_loop3A_998, %iota3A : vector<16xi32>
        %parallel_loop3A_1000 = arith.constant 16 : i32
        %parallel_loop3A_1001 = arith.muli %parallel_loop3A_808, %parallel_loop3A_1000 : i32
        %parallel_loop3A_1002 = arith.constant 15 : i32
        %parallel_loop3A_1003 = arith.addi %parallel_loop3A_1001, %parallel_loop3A_1002 : i32
        %parallel_loop3A_1004 = arith.constant 16 : i32
        %parallel_loop3A_1005 = arith.muli %parallel_loop3A_1003, %parallel_loop3A_1004 : i32
        %parallel_loop3A_1006 = arith.index_cast %parallel_loop3A_1005 : i32 to index
        %parallel_loop3A_1007 = tpu.vector_load %arg6[%parallel_loop3A_1006] {strides = array<i32>} : memref<16384xf32, #tpu.memory_space<vmem>>, vector<16xf32>,
        tpu.vector_store_idx %arg9[%parallel_loop3A_999], %parallel_loop3A_1007 {add = true} : memref<20480xf32, #tpu.memory_space<vmem>>[vector<16xi32>], vector<16xf32>,
      } {sc.loop_unroll_factor = 1 : i64, sc.parallel_access}
      %barrier3A_414 = arith.constant 0 : index
      tpu.barrier barrier_id(%barrier3A_414)
      %mul3A_415 = arith.constant 2 : i32
      %mul3A_416 = arith.muli %mul3A_415, %scan3A_26 : i32
      %add3A_417 = arith.constant 1 : i32
      %add3A_418 = arith.addi %mul3A_416, %add3A_417 : i32
      %mul3A_419 = arith.constant 1024 : i32
      %mul3A_420 = arith.muli %add3A_418, %mul3A_419 : i32
      %add3A_421 = arith.addi %mul3A_3, %mul3A_420 : i32
      %dma_wait3A_422 = tpu.memref_slice %arg3[%add3A_421] : memref<32768xi32, #tpu.memory_space<hbm>> -> memref<1024xi32, #tpu.memory_space<hbm>>
      %dma_wait3A_423 = tpu.memref_slice %arg3[%add3A_421] : memref<32768xi32, #tpu.memory_space<hbm>> -> memref<1024xi32, #tpu.memory_space<hbm>>
      tpu.wait_dma2 semaphore(%arg19 : memref<!tpu.dma_semaphore, #tpu.memory_space<semaphore_mem>>) src(%dma_wait3A_423 : memref<1024xi32, #tpu.memory_space<hbm>>) dst(%arg8 : memref<1024xi32, #tpu.memory_space<vmem>>)
      %mul3A_424 = arith.constant 64 : i32
      %mul3A_425 = arith.muli %arg1, %mul3A_424 : i32
      %add3A_426 = arith.addi %add3A_421, %mul3A_425 : i32
      %dma_wait3A_427 = arith.constant 0 : i32
      %dma_wait3A_428 = tpu.memref_slice %arg2[%add3A_426, %dma_wait3A_427] : memref<32768x256xf32, #tpu.memory_space<hbm>> -> memref<64x256xf32, #tpu.memory_space<hbm>>
      %dma_wait3A_429 = arith.constant 0 : i32
      %dma_wait3A_430 = tpu.memref_slice %arg2[%add3A_426, %dma_wait3A_429] : memref<32768x256xf32, #tpu.memory_space<hbm>> -> memref<64x256xf32, #tpu.memory_space<hbm>>
      tpu.wait_dma2 semaphore(%arg17 : memref<!tpu.dma_semaphore, #tpu.memory_space<semaphore_mem>>) src(%dma_wait3A_430 : memref<64x256xf32, #tpu.memory_space<hbm>>) dst(%arg12 : memref<64x256xf32, #tpu.memory_space<vmem>>)
      %add3A_431 = arith.constant 1 : i32
      %add3A_432 = arith.addi %add3A_418, %add3A_431 : i32
      %lt3A_433 = arith.constant 16 : i32
      %lt3A_434 = arith.cmpi slt, %add3A_432, %lt3A_433 : i32
      %convert_element_type3A_435 = arith.extui %lt3A_434 : i1 to i32
      %cond3A_436 = arith.constant 0 : i32
      %cond3A_437 = arith.cmpi ne, %convert_element_type3A_435, %cond3A_436 : i32
      scf.if %cond3A_437 {
        %add3A_808 = arith.constant 1 : i32
        %add3A_809 = arith.addi %add3A_418, %add3A_808 : i32
        %mul3A_810 = arith.constant 1024 : i32
        %mul3A_811 = arith.muli %add3A_809, %mul3A_810 : i32
        %add3A_812 = arith.addi %mul3A_3, %mul3A_811 : i32
        %dma_start3A_813 = tpu.memref_slice %arg3[%add3A_812] : memref<32768xi32, #tpu.memory_space<hbm>> -> memref<1024xi32, #tpu.memory_space<hbm>>
        %dma_start3A_814 = tpu.memref_slice %arg3[%add3A_812] : memref<32768xi32, #tpu.memory_space<hbm>> -> memref<1024xi32, #tpu.memory_space<hbm>>
        tpu.enqueue_dma source(%dma_start3A_814 : memref<1024xi32, #tpu.memory_space<hbm>>) target(%arg7 : memref<1024xi32, #tpu.memory_space<vmem>>) target_semaphore(%arg18 : memref<!tpu.dma_semaphore, #tpu.memory_space<semaphore_mem>>)
        %mul3A_815 = arith.constant 64 : i32
        %mul3A_816 = arith.muli %arg1, %mul3A_815 : i32
        %add3A_817 = arith.addi %add3A_812, %mul3A_816 : i32
        %dma_start3A_818 = arith.constant 0 : i32
        %dma_start3A_819 = tpu.memref_slice %arg2[%add3A_817, %dma_start3A_818] : memref<32768x256xf32, #tpu.memory_space<hbm>> -> memref<64x256xf32, #tpu.memory_space<hbm>>
        %dma_start3A_820 = arith.constant 0 : i32
        %dma_start3A_821 = tpu.memref_slice %arg2[%add3A_817, %dma_start3A_820] : memref<32768x256xf32, #tpu.memory_space<hbm>> -> memref<64x256xf32, #tpu.memory_space<hbm>>
        tpu.enqueue_dma source(%dma_start3A_821 : memref<64x256xf32, #tpu.memory_space<hbm>>) target(%arg11 : memref<64x256xf32, #tpu.memory_space<vmem>>) target_semaphore(%arg16 : memref<!tpu.dma_semaphore, #tpu.memory_space<semaphore_mem>>)
      } else {
      }
      %parallel_loop3A_438 = arith.constant 0 : i32
      %parallel_loop3A_439 = arith.constant 64 : i32
      %parallel_loop3A_440 = arith.constant 1 : i32
      scf.for %parallel_loop3A_808 = %parallel_loop3A_438 to %parallel_loop3A_439 step %parallel_loop3A_440  : i32 {
        %parallel_loop3A_809 = arith.index_cast %parallel_loop3A_808 : i32 to index
        %parallel_loop3A_810 = arith.constant 0 : index
        %parallel_loop3A_811 = tpu.vector_load %arg12[%parallel_loop3A_809, %parallel_loop3A_810] {strides = array<i32>} : memref<64x256xf32, #tpu.memory_space<vmem>>, vector<16xf32>,
        %parallel_loop3A_812 = arith.constant 16 : i32
        %parallel_loop3A_813 = arith.muli %parallel_loop3A_808, %parallel_loop3A_812 : i32
        %parallel_loop3A_814 = arith.constant 0 : i32
        %parallel_loop3A_815 = arith.index_cast %parallel_loop3A_814 : i32 to index
        %parallel_loop3A_816 = arith.index_cast %parallel_loop3A_813 : i32 to index
        %parallel_loop3A_817 = tpu.vector_load %arg13[%parallel_loop3A_815, %parallel_loop3A_816] {strides = array<i32>} : memref<16x1024xf32, #tpu.memory_space<vmem>>, vector<16xf32>,
        tpu.vector_store %arg13[%parallel_loop3A_815, %parallel_loop3A_816], %parallel_loop3A_811 {strides = array<i32>} : memref<16x1024xf32, #tpu.memory_space<vmem>>, vector<16xf32>,
        %parallel_loop3A_818 = arith.index_cast %parallel_loop3A_808 : i32 to index
        %parallel_loop3A_819 = arith.constant 16 : index
        %parallel_loop3A_820 = tpu.vector_load %arg12[%parallel_loop3A_818, %parallel_loop3A_819] {strides = array<i32>} : memref<64x256xf32, #tpu.memory_space<vmem>>, vector<16xf32>,
        %parallel_loop3A_821 = arith.constant 16 : i32
        %parallel_loop3A_822 = arith.muli %parallel_loop3A_808, %parallel_loop3A_821 : i32
        %parallel_loop3A_823 = arith.constant 1 : i32
        %parallel_loop3A_824 = arith.index_cast %parallel_loop3A_823 : i32 to index
        %parallel_loop3A_825 = arith.index_cast %parallel_loop3A_822 : i32 to index
        %parallel_loop3A_826 = tpu.vector_load %arg13[%parallel_loop3A_824, %parallel_loop3A_825] {strides = array<i32>} : memref<16x1024xf32, #tpu.memory_space<vmem>>, vector<16xf32>,
        tpu.vector_store %arg13[%parallel_loop3A_824, %parallel_loop3A_825], %parallel_loop3A_820 {strides = array<i32>} : memref<16x1024xf32, #tpu.memory_space<vmem>>, vector<16xf32>,
        %parallel_loop3A_827 = arith.index_cast %parallel_loop3A_808 : i32 to index
        %parallel_loop3A_828 = arith.constant 32 : index
        %parallel_loop3A_829 = tpu.vector_load %arg12[%parallel_loop3A_827, %parallel_loop3A_828] {strides = array<i32>} : memref<64x256xf32, #tpu.memory_space<vmem>>, vector<16xf32>,
        %parallel_loop3A_830 = arith.constant 16 : i32
        %parallel_loop3A_831 = arith.muli %parallel_loop3A_808, %parallel_loop3A_830 : i32
        %parallel_loop3A_832 = arith.constant 2 : i32
        %parallel_loop3A_833 = arith.index_cast %parallel_loop3A_832 : i32 to index
        %parallel_loop3A_834 = arith.index_cast %parallel_loop3A_831 : i32 to index
        %parallel_loop3A_835 = tpu.vector_load %arg13[%parallel_loop3A_833, %parallel_loop3A_834] {strides = array<i32>} : memref<16x1024xf32, #tpu.memory_space<vmem>>, vector<16xf32>,
        tpu.vector_store %arg13[%parallel_loop3A_833, %parallel_loop3A_834], %parallel_loop3A_829 {strides = array<i32>} : memref<16x1024xf32, #tpu.memory_space<vmem>>, vector<16xf32>,
        %parallel_loop3A_836 = arith.index_cast %parallel_loop3A_808 : i32 to index
        %parallel_loop3A_837 = arith.constant 48 : index
        %parallel_loop3A_838 = tpu.vector_load %arg12[%parallel_loop3A_836, %parallel_loop3A_837] {strides = array<i32>} : memref<64x256xf32, #tpu.memory_space<vmem>>, vector<16xf32>,
        %parallel_loop3A_839 = arith.constant 16 : i32
        %parallel_loop3A_840 = arith.muli %parallel_loop3A_808, %parallel_loop3A_839 : i32
        %parallel_loop3A_841 = arith.constant 3 : i32
        %parallel_loop3A_842 = arith.index_cast %parallel_loop3A_841 : i32 to index
        %parallel_loop3A_843 = arith.index_cast %parallel_loop3A_840 : i32 to index
        %parallel_loop3A_844 = tpu.vector_load %arg13[%parallel_loop3A_842, %parallel_loop3A_843] {strides = array<i32>} : memref<16x1024xf32, #tpu.memory_space<vmem>>, vector<16xf32>,
        tpu.vector_store %arg13[%parallel_loop3A_842, %parallel_loop3A_843], %parallel_loop3A_838 {strides = array<i32>} : memref<16x1024xf32, #tpu.memory_space<vmem>>, vector<16xf32>,
        %parallel_loop3A_845 = arith.index_cast %parallel_loop3A_808 : i32 to index
        %parallel_loop3A_846 = arith.constant 64 : index
        %parallel_loop3A_847 = tpu.vector_load %arg12[%parallel_loop3A_845, %parallel_loop3A_846] {strides = array<i32>} : memref<64x256xf32, #tpu.memory_space<vmem>>, vector<16xf32>,
        %parallel_loop3A_848 = arith.constant 16 : i32
        %parallel_loop3A_849 = arith.muli %parallel_loop3A_808, %parallel_loop3A_848 : i32
        %parallel_loop3A_850 = arith.constant 4 : i32
        %parallel_loop3A_851 = arith.index_cast %parallel_loop3A_850 : i32 to index
        %parallel_loop3A_852 = arith.index_cast %parallel_loop3A_849 : i32 to index
        %parallel_loop3A_853 = tpu.vector_load %arg13[%parallel_loop3A_851, %parallel_loop3A_852] {strides = array<i32>} : memref<16x1024xf32, #tpu.memory_space<vmem>>, vector<16xf32>,
        tpu.vector_store %arg13[%parallel_loop3A_851, %parallel_loop3A_852], %parallel_loop3A_847 {strides = array<i32>} : memref<16x1024xf32, #tpu.memory_space<vmem>>, vector<16xf32>,
        %parallel_loop3A_854 = arith.index_cast %parallel_loop3A_808 : i32 to index
        %parallel_loop3A_855 = arith.constant 80 : index
        %parallel_loop3A_856 = tpu.vector_load %arg12[%parallel_loop3A_854, %parallel_loop3A_855] {strides = array<i32>} : memref<64x256xf32, #tpu.memory_space<vmem>>, vector<16xf32>,
        %parallel_loop3A_857 = arith.constant 16 : i32
        %parallel_loop3A_858 = arith.muli %parallel_loop3A_808, %parallel_loop3A_857 : i32
        %parallel_loop3A_859 = arith.constant 5 : i32
        %parallel_loop3A_860 = arith.index_cast %parallel_loop3A_859 : i32 to index
        %parallel_loop3A_861 = arith.index_cast %parallel_loop3A_858 : i32 to index
        %parallel_loop3A_862 = tpu.vector_load %arg13[%parallel_loop3A_860, %parallel_loop3A_861] {strides = array<i32>} : memref<16x1024xf32, #tpu.memory_space<vmem>>, vector<16xf32>,
        tpu.vector_store %arg13[%parallel_loop3A_860, %parallel_loop3A_861], %parallel_loop3A_856 {strides = array<i32>} : memref<16x1024xf32, #tpu.memory_space<vmem>>, vector<16xf32>,
        %parallel_loop3A_863 = arith.index_cast %parallel_loop3A_808 : i32 to index
        %parallel_loop3A_864 = arith.constant 96 : index
        %parallel_loop3A_865 = tpu.vector_load %arg12[%parallel_loop3A_863, %parallel_loop3A_864] {strides = array<i32>} : memref<64x256xf32, #tpu.memory_space<vmem>>, vector<16xf32>,
        %parallel_loop3A_866 = arith.constant 16 : i32
        %parallel_loop3A_867 = arith.muli %parallel_loop3A_808, %parallel_loop3A_866 : i32
        %parallel_loop3A_868 = arith.constant 6 : i32
        %parallel_loop3A_869 = arith.index_cast %parallel_loop3A_868 : i32 to index
        %parallel_loop3A_870 = arith.index_cast %parallel_loop3A_867 : i32 to index
        %parallel_loop3A_871 = tpu.vector_load %arg13[%parallel_loop3A_869, %parallel_loop3A_870] {strides = array<i32>} : memref<16x1024xf32, #tpu.memory_space<vmem>>, vector<16xf32>,
        tpu.vector_store %arg13[%parallel_loop3A_869, %parallel_loop3A_870], %parallel_loop3A_865 {strides = array<i32>} : memref<16x1024xf32, #tpu.memory_space<vmem>>, vector<16xf32>,
        %parallel_loop3A_872 = arith.index_cast %parallel_loop3A_808 : i32 to index
        %parallel_loop3A_873 = arith.constant 112 : index
        %parallel_loop3A_874 = tpu.vector_load %arg12[%parallel_loop3A_872, %parallel_loop3A_873] {strides = array<i32>} : memref<64x256xf32, #tpu.memory_space<vmem>>, vector<16xf32>,
        %parallel_loop3A_875 = arith.constant 16 : i32
        %parallel_loop3A_876 = arith.muli %parallel_loop3A_808, %parallel_loop3A_875 : i32
        %parallel_loop3A_877 = arith.constant 7 : i32
        %parallel_loop3A_878 = arith.index_cast %parallel_loop3A_877 : i32 to index
        %parallel_loop3A_879 = arith.index_cast %parallel_loop3A_876 : i32 to index
        %parallel_loop3A_880 = tpu.vector_load %arg13[%parallel_loop3A_878, %parallel_loop3A_879] {strides = array<i32>} : memref<16x1024xf32, #tpu.memory_space<vmem>>, vector<16xf32>,
        tpu.vector_store %arg13[%parallel_loop3A_878, %parallel_loop3A_879], %parallel_loop3A_874 {strides = array<i32>} : memref<16x1024xf32, #tpu.memory_space<vmem>>, vector<16xf32>,
        %parallel_loop3A_881 = arith.index_cast %parallel_loop3A_808 : i32 to index
        %parallel_loop3A_882 = arith.constant 128 : index
        %parallel_loop3A_883 = tpu.vector_load %arg12[%parallel_loop3A_881, %parallel_loop3A_882] {strides = array<i32>} : memref<64x256xf32, #tpu.memory_space<vmem>>, vector<16xf32>,
        %parallel_loop3A_884 = arith.constant 16 : i32
        %parallel_loop3A_885 = arith.muli %parallel_loop3A_808, %parallel_loop3A_884 : i32
        %parallel_loop3A_886 = arith.constant 8 : i32
        %parallel_loop3A_887 = arith.index_cast %parallel_loop3A_886 : i32 to index
        %parallel_loop3A_888 = arith.index_cast %parallel_loop3A_885 : i32 to index
        %parallel_loop3A_889 = tpu.vector_load %arg13[%parallel_loop3A_887, %parallel_loop3A_888] {strides = array<i32>} : memref<16x1024xf32, #tpu.memory_space<vmem>>, vector<16xf32>,
        tpu.vector_store %arg13[%parallel_loop3A_887, %parallel_loop3A_888], %parallel_loop3A_883 {strides = array<i32>} : memref<16x1024xf32, #tpu.memory_space<vmem>>, vector<16xf32>,
        %parallel_loop3A_890 = arith.index_cast %parallel_loop3A_808 : i32 to index
        %parallel_loop3A_891 = arith.constant 144 : index
        %parallel_loop3A_892 = tpu.vector_load %arg12[%parallel_loop3A_890, %parallel_loop3A_891] {strides = array<i32>} : memref<64x256xf32, #tpu.memory_space<vmem>>, vector<16xf32>,
        %parallel_loop3A_893 = arith.constant 16 : i32
        %parallel_loop3A_894 = arith.muli %parallel_loop3A_808, %parallel_loop3A_893 : i32
        %parallel_loop3A_895 = arith.constant 9 : i32
        %parallel_loop3A_896 = arith.index_cast %parallel_loop3A_895 : i32 to index
        %parallel_loop3A_897 = arith.index_cast %parallel_loop3A_894 : i32 to index
        %parallel_loop3A_898 = tpu.vector_load %arg13[%parallel_loop3A_896, %parallel_loop3A_897] {strides = array<i32>} : memref<16x1024xf32, #tpu.memory_space<vmem>>, vector<16xf32>,
        tpu.vector_store %arg13[%parallel_loop3A_896, %parallel_loop3A_897], %parallel_loop3A_892 {strides = array<i32>} : memref<16x1024xf32, #tpu.memory_space<vmem>>, vector<16xf32>,
        %parallel_loop3A_899 = arith.index_cast %parallel_loop3A_808 : i32 to index
        %parallel_loop3A_900 = arith.constant 160 : index
        %parallel_loop3A_901 = tpu.vector_load %arg12[%parallel_loop3A_899, %parallel_loop3A_900] {strides = array<i32>} : memref<64x256xf32, #tpu.memory_space<vmem>>, vector<16xf32>,
        %parallel_loop3A_902 = arith.constant 16 : i32
        %parallel_loop3A_903 = arith.muli %parallel_loop3A_808, %parallel_loop3A_902 : i32
        %parallel_loop3A_904 = arith.constant 10 : i32
        %parallel_loop3A_905 = arith.index_cast %parallel_loop3A_904 : i32 to index
        %parallel_loop3A_906 = arith.index_cast %parallel_loop3A_903 : i32 to index
        %parallel_loop3A_907 = tpu.vector_load %arg13[%parallel_loop3A_905, %parallel_loop3A_906] {strides = array<i32>} : memref<16x1024xf32, #tpu.memory_space<vmem>>, vector<16xf32>,
        tpu.vector_store %arg13[%parallel_loop3A_905, %parallel_loop3A_906], %parallel_loop3A_901 {strides = array<i32>} : memref<16x1024xf32, #tpu.memory_space<vmem>>, vector<16xf32>,
        %parallel_loop3A_908 = arith.index_cast %parallel_loop3A_808 : i32 to index
        %parallel_loop3A_909 = arith.constant 176 : index
        %parallel_loop3A_910 = tpu.vector_load %arg12[%parallel_loop3A_908, %parallel_loop3A_909] {strides = array<i32>} : memref<64x256xf32, #tpu.memory_space<vmem>>, vector<16xf32>,
        %parallel_loop3A_911 = arith.constant 16 : i32
        %parallel_loop3A_912 = arith.muli %parallel_loop3A_808, %parallel_loop3A_911 : i32
        %parallel_loop3A_913 = arith.constant 11 : i32
        %parallel_loop3A_914 = arith.index_cast %parallel_loop3A_913 : i32 to index
        %parallel_loop3A_915 = arith.index_cast %parallel_loop3A_912 : i32 to index
        %parallel_loop3A_916 = tpu.vector_load %arg13[%parallel_loop3A_914, %parallel_loop3A_915] {strides = array<i32>} : memref<16x1024xf32, #tpu.memory_space<vmem>>, vector<16xf32>,
        tpu.vector_store %arg13[%parallel_loop3A_914, %parallel_loop3A_915], %parallel_loop3A_910 {strides = array<i32>} : memref<16x1024xf32, #tpu.memory_space<vmem>>, vector<16xf32>,
        %parallel_loop3A_917 = arith.index_cast %parallel_loop3A_808 : i32 to index
        %parallel_loop3A_918 = arith.constant 192 : index
        %parallel_loop3A_919 = tpu.vector_load %arg12[%parallel_loop3A_917, %parallel_loop3A_918] {strides = array<i32>} : memref<64x256xf32, #tpu.memory_space<vmem>>, vector<16xf32>,
        %parallel_loop3A_920 = arith.constant 16 : i32
        %parallel_loop3A_921 = arith.muli %parallel_loop3A_808, %parallel_loop3A_920 : i32
        %parallel_loop3A_922 = arith.constant 12 : i32
        %parallel_loop3A_923 = arith.index_cast %parallel_loop3A_922 : i32 to index
        %parallel_loop3A_924 = arith.index_cast %parallel_loop3A_921 : i32 to index
        %parallel_loop3A_925 = tpu.vector_load %arg13[%parallel_loop3A_923, %parallel_loop3A_924] {strides = array<i32>} : memref<16x1024xf32, #tpu.memory_space<vmem>>, vector<16xf32>,
        tpu.vector_store %arg13[%parallel_loop3A_923, %parallel_loop3A_924], %parallel_loop3A_919 {strides = array<i32>} : memref<16x1024xf32, #tpu.memory_space<vmem>>, vector<16xf32>,
        %parallel_loop3A_926 = arith.index_cast %parallel_loop3A_808 : i32 to index
        %parallel_loop3A_927 = arith.constant 208 : index
        %parallel_loop3A_928 = tpu.vector_load %arg12[%parallel_loop3A_926, %parallel_loop3A_927] {strides = array<i32>} : memref<64x256xf32, #tpu.memory_space<vmem>>, vector<16xf32>,
        %parallel_loop3A_929 = arith.constant 16 : i32
        %parallel_loop3A_930 = arith.muli %parallel_loop3A_808, %parallel_loop3A_929 : i32
        %parallel_loop3A_931 = arith.constant 13 : i32
        %parallel_loop3A_932 = arith.index_cast %parallel_loop3A_931 : i32 to index
        %parallel_loop3A_933 = arith.index_cast %parallel_loop3A_930 : i32 to index
        %parallel_loop3A_934 = tpu.vector_load %arg13[%parallel_loop3A_932, %parallel_loop3A_933] {strides = array<i32>} : memref<16x1024xf32, #tpu.memory_space<vmem>>, vector<16xf32>,
        tpu.vector_store %arg13[%parallel_loop3A_932, %parallel_loop3A_933], %parallel_loop3A_928 {strides = array<i32>} : memref<16x1024xf32, #tpu.memory_space<vmem>>, vector<16xf32>,
        %parallel_loop3A_935 = arith.index_cast %parallel_loop3A_808 : i32 to index
        %parallel_loop3A_936 = arith.constant 224 : index
        %parallel_loop3A_937 = tpu.vector_load %arg12[%parallel_loop3A_935, %parallel_loop3A_936] {strides = array<i32>} : memref<64x256xf32, #tpu.memory_space<vmem>>, vector<16xf32>,
        %parallel_loop3A_938 = arith.constant 16 : i32
        %parallel_loop3A_939 = arith.muli %parallel_loop3A_808, %parallel_loop3A_938 : i32
        %parallel_loop3A_940 = arith.constant 14 : i32
        %parallel_loop3A_941 = arith.index_cast %parallel_loop3A_940 : i32 to index
        %parallel_loop3A_942 = arith.index_cast %parallel_loop3A_939 : i32 to index
        %parallel_loop3A_943 = tpu.vector_load %arg13[%parallel_loop3A_941, %parallel_loop3A_942] {strides = array<i32>} : memref<16x1024xf32, #tpu.memory_space<vmem>>, vector<16xf32>,
        tpu.vector_store %arg13[%parallel_loop3A_941, %parallel_loop3A_942], %parallel_loop3A_937 {strides = array<i32>} : memref<16x1024xf32, #tpu.memory_space<vmem>>, vector<16xf32>,
        %parallel_loop3A_944 = arith.index_cast %parallel_loop3A_808 : i32 to index
        %parallel_loop3A_945 = arith.constant 240 : index
        %parallel_loop3A_946 = tpu.vector_load %arg12[%parallel_loop3A_944, %parallel_loop3A_945] {strides = array<i32>} : memref<64x256xf32, #tpu.memory_space<vmem>>, vector<16xf32>,
        %parallel_loop3A_947 = arith.constant 16 : i32
        %parallel_loop3A_948 = arith.muli %parallel_loop3A_808, %parallel_loop3A_947 : i32
        %parallel_loop3A_949 = arith.constant 15 : i32
        %parallel_loop3A_950 = arith.index_cast %parallel_loop3A_949 : i32 to index
        %parallel_loop3A_951 = arith.index_cast %parallel_loop3A_948 : i32 to index
        %parallel_loop3A_952 = tpu.vector_load %arg13[%parallel_loop3A_950, %parallel_loop3A_951] {strides = array<i32>} : memref<16x1024xf32, #tpu.memory_space<vmem>>, vector<16xf32>,
        tpu.vector_store %arg13[%parallel_loop3A_950, %parallel_loop3A_951], %parallel_loop3A_946 {strides = array<i32>} : memref<16x1024xf32, #tpu.memory_space<vmem>>, vector<16xf32>,
      } {sc.loop_unroll_factor = 2 : i64, sc.parallel_access}
      %mul3A_441 = arith.constant 1024 : i32
      %mul3A_442 = arith.muli %arg1, %mul3A_441 : i32
      %add3A_443 = arith.constant 0 : i32
      %add3A_444 = arith.addi %add3A_443, %mul3A_442 : i32
      %dma_start3A_445 = arith.constant 0 : i32
      %dma_start3A_446 = arith.constant 0 : i32
      %dma_start3A_447 = tpu.memref_slice %arg13[%dma_start3A_445, %dma_start3A_446] : memref<16x1024xf32, #tpu.memory_space<vmem>> -> memref<1x1024xf32, #tpu.memory_space<vmem>>
      %dma_start3A_448 = tpu.memref_squeeze %dma_start3A_447 : memref<1x1024xf32, #tpu.memory_space<vmem>> -> memref<1024xf32, #tpu.memory_space<vmem>>
      %dma_start3A_449 = tpu.memref_slice %arg14[%add3A_444] : memref<262144xf32, #tpu.memory_space<vmem_shared>> -> memref<1024xf32, #tpu.memory_space<vmem_shared>>
      %dma_start3A_450 = tpu.memref_slice %arg14[%add3A_444] : memref<262144xf32, #tpu.memory_space<vmem_shared>> -> memref<1024xf32, #tpu.memory_space<vmem_shared>>
      %dma_start3A_451 = arith.constant 0 : i32
      %dma_start3A_452 = tpu.memref_slice %arg13[%dma_start3A_445, %dma_start3A_451] : memref<16x1024xf32, #tpu.memory_space<vmem>> -> memref<1x1024xf32, #tpu.memory_space<vmem>>
      %dma_start3A_453 = tpu.memref_squeeze %dma_start3A_452 : memref<1x1024xf32, #tpu.memory_space<vmem>> -> memref<1024xf32, #tpu.memory_space<vmem>>
      tpu.enqueue_dma source(%dma_start3A_453 : memref<1024xf32, #tpu.memory_space<vmem>>) target(%dma_start3A_450 : memref<1024xf32, #tpu.memory_space<vmem_shared>>) target_semaphore(%arg15 : memref<!tpu.dma_semaphore, #tpu.memory_space<semaphore_mem>>)
      %mul3A_454 = arith.constant 1024 : i32
      %mul3A_455 = arith.muli %arg1, %mul3A_454 : i32
      %add3A_456 = arith.constant 16384 : i32
      %add3A_457 = arith.addi %add3A_456, %mul3A_455 : i32
      %dma_start3A_458 = arith.constant 1 : i32
      %dma_start3A_459 = arith.constant 0 : i32
      %dma_start3A_460 = tpu.memref_slice %arg13[%dma_start3A_458, %dma_start3A_459] : memref<16x1024xf32, #tpu.memory_space<vmem>> -> memref<1x1024xf32, #tpu.memory_space<vmem>>
      %dma_start3A_461 = tpu.memref_squeeze %dma_start3A_460 : memref<1x1024xf32, #tpu.memory_space<vmem>> -> memref<1024xf32, #tpu.memory_space<vmem>>
      %dma_start3A_462 = tpu.memref_slice %arg14[%add3A_457] : memref<262144xf32, #tpu.memory_space<vmem_shared>> -> memref<1024xf32, #tpu.memory_space<vmem_shared>>
      %dma_start3A_463 = tpu.memref_slice %arg14[%add3A_457] : memref<262144xf32, #tpu.memory_space<vmem_shared>> -> memref<1024xf32, #tpu.memory_space<vmem_shared>>
      %dma_start3A_464 = arith.constant 0 : i32
      %dma_start3A_465 = tpu.memref_slice %arg13[%dma_start3A_458, %dma_start3A_464] : memref<16x1024xf32, #tpu.memory_space<vmem>> -> memref<1x1024xf32, #tpu.memory_space<vmem>>
      %dma_start3A_466 = tpu.memref_squeeze %dma_start3A_465 : memref<1x1024xf32, #tpu.memory_space<vmem>> -> memref<1024xf32, #tpu.memory_space<vmem>>
      tpu.enqueue_dma source(%dma_start3A_466 : memref<1024xf32, #tpu.memory_space<vmem>>) target(%dma_start3A_463 : memref<1024xf32, #tpu.memory_space<vmem_shared>>) target_semaphore(%arg15 : memref<!tpu.dma_semaphore, #tpu.memory_space<semaphore_mem>>)
      %mul3A_467 = arith.constant 1024 : i32
      %mul3A_468 = arith.muli %arg1, %mul3A_467 : i32
      %add3A_469 = arith.constant 32768 : i32
      %add3A_470 = arith.addi %add3A_469, %mul3A_468 : i32
      %dma_start3A_471 = arith.constant 2 : i32
      %dma_start3A_472 = arith.constant 0 : i32
      %dma_start3A_473 = tpu.memref_slice %arg13[%dma_start3A_471, %dma_start3A_472] : memref<16x1024xf32, #tpu.memory_space<vmem>> -> memref<1x1024xf32, #tpu.memory_space<vmem>>
      %dma_start3A_474 = tpu.memref_squeeze %dma_start3A_473 : memref<1x1024xf32, #tpu.memory_space<vmem>> -> memref<1024xf32, #tpu.memory_space<vmem>>
      %dma_start3A_475 = tpu.memref_slice %arg14[%add3A_470] : memref<262144xf32, #tpu.memory_space<vmem_shared>> -> memref<1024xf32, #tpu.memory_space<vmem_shared>>
      %dma_start3A_476 = tpu.memref_slice %arg14[%add3A_470] : memref<262144xf32, #tpu.memory_space<vmem_shared>> -> memref<1024xf32, #tpu.memory_space<vmem_shared>>
      %dma_start3A_477 = arith.constant 0 : i32
      %dma_start3A_478 = tpu.memref_slice %arg13[%dma_start3A_471, %dma_start3A_477] : memref<16x1024xf32, #tpu.memory_space<vmem>> -> memref<1x1024xf32, #tpu.memory_space<vmem>>
      %dma_start3A_479 = tpu.memref_squeeze %dma_start3A_478 : memref<1x1024xf32, #tpu.memory_space<vmem>> -> memref<1024xf32, #tpu.memory_space<vmem>>
      tpu.enqueue_dma source(%dma_start3A_479 : memref<1024xf32, #tpu.memory_space<vmem>>) target(%dma_start3A_476 : memref<1024xf32, #tpu.memory_space<vmem_shared>>) target_semaphore(%arg15 : memref<!tpu.dma_semaphore, #tpu.memory_space<semaphore_mem>>)
      %mul3A_480 = arith.constant 1024 : i32
      %mul3A_481 = arith.muli %arg1, %mul3A_480 : i32
      %add3A_482 = arith.constant 49152 : i32
      %add3A_483 = arith.addi %add3A_482, %mul3A_481 : i32
      %dma_start3A_484 = arith.constant 3 : i32
      %dma_start3A_485 = arith.constant 0 : i32
      %dma_start3A_486 = tpu.memref_slice %arg13[%dma_start3A_484, %dma_start3A_485] : memref<16x1024xf32, #tpu.memory_space<vmem>> -> memref<1x1024xf32, #tpu.memory_space<vmem>>
      %dma_start3A_487 = tpu.memref_squeeze %dma_start3A_486 : memref<1x1024xf32, #tpu.memory_space<vmem>> -> memref<1024xf32, #tpu.memory_space<vmem>>
      %dma_start3A_488 = tpu.memref_slice %arg14[%add3A_483] : memref<262144xf32, #tpu.memory_space<vmem_shared>> -> memref<1024xf32, #tpu.memory_space<vmem_shared>>
      %dma_start3A_489 = tpu.memref_slice %arg14[%add3A_483] : memref<262144xf32, #tpu.memory_space<vmem_shared>> -> memref<1024xf32, #tpu.memory_space<vmem_shared>>
      %dma_start3A_490 = arith.constant 0 : i32
      %dma_start3A_491 = tpu.memref_slice %arg13[%dma_start3A_484, %dma_start3A_490] : memref<16x1024xf32, #tpu.memory_space<vmem>> -> memref<1x1024xf32, #tpu.memory_space<vmem>>
      %dma_start3A_492 = tpu.memref_squeeze %dma_start3A_491 : memref<1x1024xf32, #tpu.memory_space<vmem>> -> memref<1024xf32, #tpu.memory_space<vmem>>
      tpu.enqueue_dma source(%dma_start3A_492 : memref<1024xf32, #tpu.memory_space<vmem>>) target(%dma_start3A_489 : memref<1024xf32, #tpu.memory_space<vmem_shared>>) target_semaphore(%arg15 : memref<!tpu.dma_semaphore, #tpu.memory_space<semaphore_mem>>)
      %mul3A_493 = arith.constant 1024 : i32
      %mul3A_494 = arith.muli %arg1, %mul3A_493 : i32
      %add3A_495 = arith.constant 65536 : i32
      %add3A_496 = arith.addi %add3A_495, %mul3A_494 : i32
      %dma_start3A_497 = arith.constant 4 : i32
      %dma_start3A_498 = arith.constant 0 : i32
      %dma_start3A_499 = tpu.memref_slice %arg13[%dma_start3A_497, %dma_start3A_498] : memref<16x1024xf32, #tpu.memory_space<vmem>> -> memref<1x1024xf32, #tpu.memory_space<vmem>>
      %dma_start3A_500 = tpu.memref_squeeze %dma_start3A_499 : memref<1x1024xf32, #tpu.memory_space<vmem>> -> memref<1024xf32, #tpu.memory_space<vmem>>
      %dma_start3A_501 = tpu.memref_slice %arg14[%add3A_496] : memref<262144xf32, #tpu.memory_space<vmem_shared>> -> memref<1024xf32, #tpu.memory_space<vmem_shared>>
      %dma_start3A_502 = tpu.memref_slice %arg14[%add3A_496] : memref<262144xf32, #tpu.memory_space<vmem_shared>> -> memref<1024xf32, #tpu.memory_space<vmem_shared>>
      %dma_start3A_503 = arith.constant 0 : i32
      %dma_start3A_504 = tpu.memref_slice %arg13[%dma_start3A_497, %dma_start3A_503] : memref<16x1024xf32, #tpu.memory_space<vmem>> -> memref<1x1024xf32, #tpu.memory_space<vmem>>
      %dma_start3A_505 = tpu.memref_squeeze %dma_start3A_504 : memref<1x1024xf32, #tpu.memory_space<vmem>> -> memref<1024xf32, #tpu.memory_space<vmem>>
      tpu.enqueue_dma source(%dma_start3A_505 : memref<1024xf32, #tpu.memory_space<vmem>>) target(%dma_start3A_502 : memref<1024xf32, #tpu.memory_space<vmem_shared>>) target_semaphore(%arg15 : memref<!tpu.dma_semaphore, #tpu.memory_space<semaphore_mem>>)
      %mul3A_506 = arith.constant 1024 : i32
      %mul3A_507 = arith.muli %arg1, %mul3A_506 : i32
      %add3A_508 = arith.constant 81920 : i32
      %add3A_509 = arith.addi %add3A_508, %mul3A_507 : i32
      %dma_start3A_510 = arith.constant 5 : i32
      %dma_start3A_511 = arith.constant 0 : i32
      %dma_start3A_512 = tpu.memref_slice %arg13[%dma_start3A_510, %dma_start3A_511] : memref<16x1024xf32, #tpu.memory_space<vmem>> -> memref<1x1024xf32, #tpu.memory_space<vmem>>
      %dma_start3A_513 = tpu.memref_squeeze %dma_start3A_512 : memref<1x1024xf32, #tpu.memory_space<vmem>> -> memref<1024xf32, #tpu.memory_space<vmem>>
      %dma_start3A_514 = tpu.memref_slice %arg14[%add3A_509] : memref<262144xf32, #tpu.memory_space<vmem_shared>> -> memref<1024xf32, #tpu.memory_space<vmem_shared>>
      %dma_start3A_515 = tpu.memref_slice %arg14[%add3A_509] : memref<262144xf32, #tpu.memory_space<vmem_shared>> -> memref<1024xf32, #tpu.memory_space<vmem_shared>>
      %dma_start3A_516 = arith.constant 0 : i32
      %dma_start3A_517 = tpu.memref_slice %arg13[%dma_start3A_510, %dma_start3A_516] : memref<16x1024xf32, #tpu.memory_space<vmem>> -> memref<1x1024xf32, #tpu.memory_space<vmem>>
      %dma_start3A_518 = tpu.memref_squeeze %dma_start3A_517 : memref<1x1024xf32, #tpu.memory_space<vmem>> -> memref<1024xf32, #tpu.memory_space<vmem>>
      tpu.enqueue_dma source(%dma_start3A_518 : memref<1024xf32, #tpu.memory_space<vmem>>) target(%dma_start3A_515 : memref<1024xf32, #tpu.memory_space<vmem_shared>>) target_semaphore(%arg15 : memref<!tpu.dma_semaphore, #tpu.memory_space<semaphore_mem>>)
      %mul3A_519 = arith.constant 1024 : i32
      %mul3A_520 = arith.muli %arg1, %mul3A_519 : i32
      %add3A_521 = arith.constant 98304 : i32
      %add3A_522 = arith.addi %add3A_521, %mul3A_520 : i32
      %dma_start3A_523 = arith.constant 6 : i32
      %dma_start3A_524 = arith.constant 0 : i32
      %dma_start3A_525 = tpu.memref_slice %arg13[%dma_start3A_523, %dma_start3A_524] : memref<16x1024xf32, #tpu.memory_space<vmem>> -> memref<1x1024xf32, #tpu.memory_space<vmem>>
      %dma_start3A_526 = tpu.memref_squeeze %dma_start3A_525 : memref<1x1024xf32, #tpu.memory_space<vmem>> -> memref<1024xf32, #tpu.memory_space<vmem>>
      %dma_start3A_527 = tpu.memref_slice %arg14[%add3A_522] : memref<262144xf32, #tpu.memory_space<vmem_shared>> -> memref<1024xf32, #tpu.memory_space<vmem_shared>>
      %dma_start3A_528 = tpu.memref_slice %arg14[%add3A_522] : memref<262144xf32, #tpu.memory_space<vmem_shared>> -> memref<1024xf32, #tpu.memory_space<vmem_shared>>
      %dma_start3A_529 = arith.constant 0 : i32
      %dma_start3A_530 = tpu.memref_slice %arg13[%dma_start3A_523, %dma_start3A_529] : memref<16x1024xf32, #tpu.memory_space<vmem>> -> memref<1x1024xf32, #tpu.memory_space<vmem>>
      %dma_start3A_531 = tpu.memref_squeeze %dma_start3A_530 : memref<1x1024xf32, #tpu.memory_space<vmem>> -> memref<1024xf32, #tpu.memory_space<vmem>>
      tpu.enqueue_dma source(%dma_start3A_531 : memref<1024xf32, #tpu.memory_space<vmem>>) target(%dma_start3A_528 : memref<1024xf32, #tpu.memory_space<vmem_shared>>) target_semaphore(%arg15 : memref<!tpu.dma_semaphore, #tpu.memory_space<semaphore_mem>>)
      %mul3A_532 = arith.constant 1024 : i32
      %mul3A_533 = arith.muli %arg1, %mul3A_532 : i32
      %add3A_534 = arith.constant 114688 : i32
      %add3A_535 = arith.addi %add3A_534, %mul3A_533 : i32
      %dma_start3A_536 = arith.constant 7 : i32
      %dma_start3A_537 = arith.constant 0 : i32
      %dma_start3A_538 = tpu.memref_slice %arg13[%dma_start3A_536, %dma_start3A_537] : memref<16x1024xf32, #tpu.memory_space<vmem>> -> memref<1x1024xf32, #tpu.memory_space<vmem>>
      %dma_start3A_539 = tpu.memref_squeeze %dma_start3A_538 : memref<1x1024xf32, #tpu.memory_space<vmem>> -> memref<1024xf32, #tpu.memory_space<vmem>>
      %dma_start3A_540 = tpu.memref_slice %arg14[%add3A_535] : memref<262144xf32, #tpu.memory_space<vmem_shared>> -> memref<1024xf32, #tpu.memory_space<vmem_shared>>
      %dma_start3A_541 = tpu.memref_slice %arg14[%add3A_535] : memref<262144xf32, #tpu.memory_space<vmem_shared>> -> memref<1024xf32, #tpu.memory_space<vmem_shared>>
      %dma_start3A_542 = arith.constant 0 : i32
      %dma_start3A_543 = tpu.memref_slice %arg13[%dma_start3A_536, %dma_start3A_542] : memref<16x1024xf32, #tpu.memory_space<vmem>> -> memref<1x1024xf32, #tpu.memory_space<vmem>>
      %dma_start3A_544 = tpu.memref_squeeze %dma_start3A_543 : memref<1x1024xf32, #tpu.memory_space<vmem>> -> memref<1024xf32, #tpu.memory_space<vmem>>
      tpu.enqueue_dma source(%dma_start3A_544 : memref<1024xf32, #tpu.memory_space<vmem>>) target(%dma_start3A_541 : memref<1024xf32, #tpu.memory_space<vmem_shared>>) target_semaphore(%arg15 : memref<!tpu.dma_semaphore, #tpu.memory_space<semaphore_mem>>)
      %mul3A_545 = arith.constant 1024 : i32
      %mul3A_546 = arith.muli %arg1, %mul3A_545 : i32
      %add3A_547 = arith.constant 131072 : i32
      %add3A_548 = arith.addi %add3A_547, %mul3A_546 : i32
      %dma_start3A_549 = arith.constant 8 : i32
      %dma_start3A_550 = arith.constant 0 : i32
      %dma_start3A_551 = tpu.memref_slice %arg13[%dma_start3A_549, %dma_start3A_550] : memref<16x1024xf32, #tpu.memory_space<vmem>> -> memref<1x1024xf32, #tpu.memory_space<vmem>>
      %dma_start3A_552 = tpu.memref_squeeze %dma_start3A_551 : memref<1x1024xf32, #tpu.memory_space<vmem>> -> memref<1024xf32, #tpu.memory_space<vmem>>
      %dma_start3A_553 = tpu.memref_slice %arg14[%add3A_548] : memref<262144xf32, #tpu.memory_space<vmem_shared>> -> memref<1024xf32, #tpu.memory_space<vmem_shared>>
      %dma_start3A_554 = tpu.memref_slice %arg14[%add3A_548] : memref<262144xf32, #tpu.memory_space<vmem_shared>> -> memref<1024xf32, #tpu.memory_space<vmem_shared>>
      %dma_start3A_555 = arith.constant 0 : i32
      %dma_start3A_556 = tpu.memref_slice %arg13[%dma_start3A_549, %dma_start3A_555] : memref<16x1024xf32, #tpu.memory_space<vmem>> -> memref<1x1024xf32, #tpu.memory_space<vmem>>
      %dma_start3A_557 = tpu.memref_squeeze %dma_start3A_556 : memref<1x1024xf32, #tpu.memory_space<vmem>> -> memref<1024xf32, #tpu.memory_space<vmem>>
      tpu.enqueue_dma source(%dma_start3A_557 : memref<1024xf32, #tpu.memory_space<vmem>>) target(%dma_start3A_554 : memref<1024xf32, #tpu.memory_space<vmem_shared>>) target_semaphore(%arg15 : memref<!tpu.dma_semaphore, #tpu.memory_space<semaphore_mem>>)
      %mul3A_558 = arith.constant 1024 : i32
      %mul3A_559 = arith.muli %arg1, %mul3A_558 : i32
      %add3A_560 = arith.constant 147456 : i32
      %add3A_561 = arith.addi %add3A_560, %mul3A_559 : i32
      %dma_start3A_562 = arith.constant 9 : i32
      %dma_start3A_563 = arith.constant 0 : i32
      %dma_start3A_564 = tpu.memref_slice %arg13[%dma_start3A_562, %dma_start3A_563] : memref<16x1024xf32, #tpu.memory_space<vmem>> -> memref<1x1024xf32, #tpu.memory_space<vmem>>
      %dma_start3A_565 = tpu.memref_squeeze %dma_start3A_564 : memref<1x1024xf32, #tpu.memory_space<vmem>> -> memref<1024xf32, #tpu.memory_space<vmem>>
      %dma_start3A_566 = tpu.memref_slice %arg14[%add3A_561] : memref<262144xf32, #tpu.memory_space<vmem_shared>> -> memref<1024xf32, #tpu.memory_space<vmem_shared>>
      %dma_start3A_567 = tpu.memref_slice %arg14[%add3A_561] : memref<262144xf32, #tpu.memory_space<vmem_shared>> -> memref<1024xf32, #tpu.memory_space<vmem_shared>>
      %dma_start3A_568 = arith.constant 0 : i32
      %dma_start3A_569 = tpu.memref_slice %arg13[%dma_start3A_562, %dma_start3A_568] : memref<16x1024xf32, #tpu.memory_space<vmem>> -> memref<1x1024xf32, #tpu.memory_space<vmem>>
      %dma_start3A_570 = tpu.memref_squeeze %dma_start3A_569 : memref<1x1024xf32, #tpu.memory_space<vmem>> -> memref<1024xf32, #tpu.memory_space<vmem>>
      tpu.enqueue_dma source(%dma_start3A_570 : memref<1024xf32, #tpu.memory_space<vmem>>) target(%dma_start3A_567 : memref<1024xf32, #tpu.memory_space<vmem_shared>>) target_semaphore(%arg15 : memref<!tpu.dma_semaphore, #tpu.memory_space<semaphore_mem>>)
      %mul3A_571 = arith.constant 1024 : i32
      %mul3A_572 = arith.muli %arg1, %mul3A_571 : i32
      %add3A_573 = arith.constant 163840 : i32
      %add3A_574 = arith.addi %add3A_573, %mul3A_572 : i32
      %dma_start3A_575 = arith.constant 10 : i32
      %dma_start3A_576 = arith.constant 0 : i32
      %dma_start3A_577 = tpu.memref_slice %arg13[%dma_start3A_575, %dma_start3A_576] : memref<16x1024xf32, #tpu.memory_space<vmem>> -> memref<1x1024xf32, #tpu.memory_space<vmem>>
      %dma_start3A_578 = tpu.memref_squeeze %dma_start3A_577 : memref<1x1024xf32, #tpu.memory_space<vmem>> -> memref<1024xf32, #tpu.memory_space<vmem>>
      %dma_start3A_579 = tpu.memref_slice %arg14[%add3A_574] : memref<262144xf32, #tpu.memory_space<vmem_shared>> -> memref<1024xf32, #tpu.memory_space<vmem_shared>>
      %dma_start3A_580 = tpu.memref_slice %arg14[%add3A_574] : memref<262144xf32, #tpu.memory_space<vmem_shared>> -> memref<1024xf32, #tpu.memory_space<vmem_shared>>
      %dma_start3A_581 = arith.constant 0 : i32
      %dma_start3A_582 = tpu.memref_slice %arg13[%dma_start3A_575, %dma_start3A_581] : memref<16x1024xf32, #tpu.memory_space<vmem>> -> memref<1x1024xf32, #tpu.memory_space<vmem>>
      %dma_start3A_583 = tpu.memref_squeeze %dma_start3A_582 : memref<1x1024xf32, #tpu.memory_space<vmem>> -> memref<1024xf32, #tpu.memory_space<vmem>>
      tpu.enqueue_dma source(%dma_start3A_583 : memref<1024xf32, #tpu.memory_space<vmem>>) target(%dma_start3A_580 : memref<1024xf32, #tpu.memory_space<vmem_shared>>) target_semaphore(%arg15 : memref<!tpu.dma_semaphore, #tpu.memory_space<semaphore_mem>>)
      %mul3A_584 = arith.constant 1024 : i32
      %mul3A_585 = arith.muli %arg1, %mul3A_584 : i32
      %add3A_586 = arith.constant 180224 : i32
      %add3A_587 = arith.addi %add3A_586, %mul3A_585 : i32
      %dma_start3A_588 = arith.constant 11 : i32
      %dma_start3A_589 = arith.constant 0 : i32
      %dma_start3A_590 = tpu.memref_slice %arg13[%dma_start3A_588, %dma_start3A_589] : memref<16x1024xf32, #tpu.memory_space<vmem>> -> memref<1x1024xf32, #tpu.memory_space<vmem>>
      %dma_start3A_591 = tpu.memref_squeeze %dma_start3A_590 : memref<1x1024xf32, #tpu.memory_space<vmem>> -> memref<1024xf32, #tpu.memory_space<vmem>>
      %dma_start3A_592 = tpu.memref_slice %arg14[%add3A_587] : memref<262144xf32, #tpu.memory_space<vmem_shared>> -> memref<1024xf32, #tpu.memory_space<vmem_shared>>
      %dma_start3A_593 = tpu.memref_slice %arg14[%add3A_587] : memref<262144xf32, #tpu.memory_space<vmem_shared>> -> memref<1024xf32, #tpu.memory_space<vmem_shared>>
      %dma_start3A_594 = arith.constant 0 : i32
      %dma_start3A_595 = tpu.memref_slice %arg13[%dma_start3A_588, %dma_start3A_594] : memref<16x1024xf32, #tpu.memory_space<vmem>> -> memref<1x1024xf32, #tpu.memory_space<vmem>>
      %dma_start3A_596 = tpu.memref_squeeze %dma_start3A_595 : memref<1x1024xf32, #tpu.memory_space<vmem>> -> memref<1024xf32, #tpu.memory_space<vmem>>
      tpu.enqueue_dma source(%dma_start3A_596 : memref<1024xf32, #tpu.memory_space<vmem>>) target(%dma_start3A_593 : memref<1024xf32, #tpu.memory_space<vmem_shared>>) target_semaphore(%arg15 : memref<!tpu.dma_semaphore, #tpu.memory_space<semaphore_mem>>)
      %mul3A_597 = arith.constant 1024 : i32
      %mul3A_598 = arith.muli %arg1, %mul3A_597 : i32
      %add3A_599 = arith.constant 196608 : i32
      %add3A_600 = arith.addi %add3A_599, %mul3A_598 : i32
      %dma_start3A_601 = arith.constant 12 : i32
      %dma_start3A_602 = arith.constant 0 : i32
      %dma_start3A_603 = tpu.memref_slice %arg13[%dma_start3A_601, %dma_start3A_602] : memref<16x1024xf32, #tpu.memory_space<vmem>> -> memref<1x1024xf32, #tpu.memory_space<vmem>>
      %dma_start3A_604 = tpu.memref_squeeze %dma_start3A_603 : memref<1x1024xf32, #tpu.memory_space<vmem>> -> memref<1024xf32, #tpu.memory_space<vmem>>
      %dma_start3A_605 = tpu.memref_slice %arg14[%add3A_600] : memref<262144xf32, #tpu.memory_space<vmem_shared>> -> memref<1024xf32, #tpu.memory_space<vmem_shared>>
      %dma_start3A_606 = tpu.memref_slice %arg14[%add3A_600] : memref<262144xf32, #tpu.memory_space<vmem_shared>> -> memref<1024xf32, #tpu.memory_space<vmem_shared>>
      %dma_start3A_607 = arith.constant 0 : i32
      %dma_start3A_608 = tpu.memref_slice %arg13[%dma_start3A_601, %dma_start3A_607] : memref<16x1024xf32, #tpu.memory_space<vmem>> -> memref<1x1024xf32, #tpu.memory_space<vmem>>
      %dma_start3A_609 = tpu.memref_squeeze %dma_start3A_608 : memref<1x1024xf32, #tpu.memory_space<vmem>> -> memref<1024xf32, #tpu.memory_space<vmem>>
      tpu.enqueue_dma source(%dma_start3A_609 : memref<1024xf32, #tpu.memory_space<vmem>>) target(%dma_start3A_606 : memref<1024xf32, #tpu.memory_space<vmem_shared>>) target_semaphore(%arg15 : memref<!tpu.dma_semaphore, #tpu.memory_space<semaphore_mem>>)
      %mul3A_610 = arith.constant 1024 : i32
      %mul3A_611 = arith.muli %arg1, %mul3A_610 : i32
      %add3A_612 = arith.constant 212992 : i32
      %add3A_613 = arith.addi %add3A_612, %mul3A_611 : i32
      %dma_start3A_614 = arith.constant 13 : i32
      %dma_start3A_615 = arith.constant 0 : i32
      %dma_start3A_616 = tpu.memref_slice %arg13[%dma_start3A_614, %dma_start3A_615] : memref<16x1024xf32, #tpu.memory_space<vmem>> -> memref<1x1024xf32, #tpu.memory_space<vmem>>
      %dma_start3A_617 = tpu.memref_squeeze %dma_start3A_616 : memref<1x1024xf32, #tpu.memory_space<vmem>> -> memref<1024xf32, #tpu.memory_space<vmem>>
      %dma_start3A_618 = tpu.memref_slice %arg14[%add3A_613] : memref<262144xf32, #tpu.memory_space<vmem_shared>> -> memref<1024xf32, #tpu.memory_space<vmem_shared>>
      %dma_start3A_619 = tpu.memref_slice %arg14[%add3A_613] : memref<262144xf32, #tpu.memory_space<vmem_shared>> -> memref<1024xf32, #tpu.memory_space<vmem_shared>>
      %dma_start3A_620 = arith.constant 0 : i32
      %dma_start3A_621 = tpu.memref_slice %arg13[%dma_start3A_614, %dma_start3A_620] : memref<16x1024xf32, #tpu.memory_space<vmem>> -> memref<1x1024xf32, #tpu.memory_space<vmem>>
      %dma_start3A_622 = tpu.memref_squeeze %dma_start3A_621 : memref<1x1024xf32, #tpu.memory_space<vmem>> -> memref<1024xf32, #tpu.memory_space<vmem>>
      tpu.enqueue_dma source(%dma_start3A_622 : memref<1024xf32, #tpu.memory_space<vmem>>) target(%dma_start3A_619 : memref<1024xf32, #tpu.memory_space<vmem_shared>>) target_semaphore(%arg15 : memref<!tpu.dma_semaphore, #tpu.memory_space<semaphore_mem>>)
      %mul3A_623 = arith.constant 1024 : i32
      %mul3A_624 = arith.muli %arg1, %mul3A_623 : i32
      %add3A_625 = arith.constant 229376 : i32
      %add3A_626 = arith.addi %add3A_625, %mul3A_624 : i32
      %dma_start3A_627 = arith.constant 14 : i32
      %dma_start3A_628 = arith.constant 0 : i32
      %dma_start3A_629 = tpu.memref_slice %arg13[%dma_start3A_627, %dma_start3A_628] : memref<16x1024xf32, #tpu.memory_space<vmem>> -> memref<1x1024xf32, #tpu.memory_space<vmem>>
      %dma_start3A_630 = tpu.memref_squeeze %dma_start3A_629 : memref<1x1024xf32, #tpu.memory_space<vmem>> -> memref<1024xf32, #tpu.memory_space<vmem>>
      %dma_start3A_631 = tpu.memref_slice %arg14[%add3A_626] : memref<262144xf32, #tpu.memory_space<vmem_shared>> -> memref<1024xf32, #tpu.memory_space<vmem_shared>>
      %dma_start3A_632 = tpu.memref_slice %arg14[%add3A_626] : memref<262144xf32, #tpu.memory_space<vmem_shared>> -> memref<1024xf32, #tpu.memory_space<vmem_shared>>
      %dma_start3A_633 = arith.constant 0 : i32
      %dma_start3A_634 = tpu.memref_slice %arg13[%dma_start3A_627, %dma_start3A_633] : memref<16x1024xf32, #tpu.memory_space<vmem>> -> memref<1x1024xf32, #tpu.memory_space<vmem>>
      %dma_start3A_635 = tpu.memref_squeeze %dma_start3A_634 : memref<1x1024xf32, #tpu.memory_space<vmem>> -> memref<1024xf32, #tpu.memory_space<vmem>>
      tpu.enqueue_dma source(%dma_start3A_635 : memref<1024xf32, #tpu.memory_space<vmem>>) target(%dma_start3A_632 : memref<1024xf32, #tpu.memory_space<vmem_shared>>) target_semaphore(%arg15 : memref<!tpu.dma_semaphore, #tpu.memory_space<semaphore_mem>>)
      %mul3A_636 = arith.constant 1024 : i32
      %mul3A_637 = arith.muli %arg1, %mul3A_636 : i32
      %add3A_638 = arith.constant 245760 : i32
      %add3A_639 = arith.addi %add3A_638, %mul3A_637 : i32
      %dma_start3A_640 = arith.constant 15 : i32
      %dma_start3A_641 = arith.constant 0 : i32
      %dma_start3A_642 = tpu.memref_slice %arg13[%dma_start3A_640, %dma_start3A_641] : memref<16x1024xf32, #tpu.memory_space<vmem>> -> memref<1x1024xf32, #tpu.memory_space<vmem>>
      %dma_start3A_643 = tpu.memref_squeeze %dma_start3A_642 : memref<1x1024xf32, #tpu.memory_space<vmem>> -> memref<1024xf32, #tpu.memory_space<vmem>>
      %dma_start3A_644 = tpu.memref_slice %arg14[%add3A_639] : memref<262144xf32, #tpu.memory_space<vmem_shared>> -> memref<1024xf32, #tpu.memory_space<vmem_shared>>
      %dma_start3A_645 = tpu.memref_slice %arg14[%add3A_639] : memref<262144xf32, #tpu.memory_space<vmem_shared>> -> memref<1024xf32, #tpu.memory_space<vmem_shared>>
      %dma_start3A_646 = arith.constant 0 : i32
      %dma_start3A_647 = tpu.memref_slice %arg13[%dma_start3A_640, %dma_start3A_646] : memref<16x1024xf32, #tpu.memory_space<vmem>> -> memref<1x1024xf32, #tpu.memory_space<vmem>>
      %dma_start3A_648 = tpu.memref_squeeze %dma_start3A_647 : memref<1x1024xf32, #tpu.memory_space<vmem>> -> memref<1024xf32, #tpu.memory_space<vmem>>
      tpu.enqueue_dma source(%dma_start3A_648 : memref<1024xf32, #tpu.memory_space<vmem>>) target(%dma_start3A_645 : memref<1024xf32, #tpu.memory_space<vmem_shared>>) target_semaphore(%arg15 : memref<!tpu.dma_semaphore, #tpu.memory_space<semaphore_mem>>)
      %dma_wait3A_649 = arith.constant 0 : i32
      %dma_wait3A_650 = arith.constant 0 : i32
      %dma_wait3A_651 = tpu.memref_slice %arg13[%dma_wait3A_649, %dma_wait3A_650] : memref<16x1024xf32, #tpu.memory_space<vmem>> -> memref<1x1024xf32, #tpu.memory_space<vmem>>
      %dma_wait3A_652 = tpu.memref_squeeze %dma_wait3A_651 : memref<1x1024xf32, #tpu.memory_space<vmem>> -> memref<1024xf32, #tpu.memory_space<vmem>>
      %dma_wait3A_653 = tpu.memref_slice %arg14[%add3A_444] : memref<262144xf32, #tpu.memory_space<vmem_shared>> -> memref<1024xf32, #tpu.memory_space<vmem_shared>>
      %dma_wait3A_654 = tpu.memref_slice %arg14[%add3A_444] : memref<262144xf32, #tpu.memory_space<vmem_shared>> -> memref<1024xf32, #tpu.memory_space<vmem_shared>>
      %dma_wait3A_655 = arith.constant 0 : i32
      %dma_wait3A_656 = tpu.memref_slice %arg13[%dma_wait3A_649, %dma_wait3A_655] : memref<16x1024xf32, #tpu.memory_space<vmem>> -> memref<1x1024xf32, #tpu.memory_space<vmem>>
      %dma_wait3A_657 = tpu.memref_squeeze %dma_wait3A_656 : memref<1x1024xf32, #tpu.memory_space<vmem>> -> memref<1024xf32, #tpu.memory_space<vmem>>
      tpu.wait_dma2 semaphore(%arg15 : memref<!tpu.dma_semaphore, #tpu.memory_space<semaphore_mem>>) src(%dma_wait3A_657 : memref<1024xf32, #tpu.memory_space<vmem>>) dst(%dma_wait3A_654 : memref<1024xf32, #tpu.memory_space<vmem_shared>>)
      %dma_wait3A_658 = arith.constant 1 : i32
      %dma_wait3A_659 = arith.constant 0 : i32
      %dma_wait3A_660 = tpu.memref_slice %arg13[%dma_wait3A_658, %dma_wait3A_659] : memref<16x1024xf32, #tpu.memory_space<vmem>> -> memref<1x1024xf32, #tpu.memory_space<vmem>>
      %dma_wait3A_661 = tpu.memref_squeeze %dma_wait3A_660 : memref<1x1024xf32, #tpu.memory_space<vmem>> -> memref<1024xf32, #tpu.memory_space<vmem>>
      %dma_wait3A_662 = tpu.memref_slice %arg14[%add3A_457] : memref<262144xf32, #tpu.memory_space<vmem_shared>> -> memref<1024xf32, #tpu.memory_space<vmem_shared>>
      %dma_wait3A_663 = tpu.memref_slice %arg14[%add3A_457] : memref<262144xf32, #tpu.memory_space<vmem_shared>> -> memref<1024xf32, #tpu.memory_space<vmem_shared>>
      %dma_wait3A_664 = arith.constant 0 : i32
      %dma_wait3A_665 = tpu.memref_slice %arg13[%dma_wait3A_658, %dma_wait3A_664] : memref<16x1024xf32, #tpu.memory_space<vmem>> -> memref<1x1024xf32, #tpu.memory_space<vmem>>
      %dma_wait3A_666 = tpu.memref_squeeze %dma_wait3A_665 : memref<1x1024xf32, #tpu.memory_space<vmem>> -> memref<1024xf32, #tpu.memory_space<vmem>>
      tpu.wait_dma2 semaphore(%arg15 : memref<!tpu.dma_semaphore, #tpu.memory_space<semaphore_mem>>) src(%dma_wait3A_666 : memref<1024xf32, #tpu.memory_space<vmem>>) dst(%dma_wait3A_663 : memref<1024xf32, #tpu.memory_space<vmem_shared>>)
      %dma_wait3A_667 = arith.constant 2 : i32
      %dma_wait3A_668 = arith.constant 0 : i32
      %dma_wait3A_669 = tpu.memref_slice %arg13[%dma_wait3A_667, %dma_wait3A_668] : memref<16x1024xf32, #tpu.memory_space<vmem>> -> memref<1x1024xf32, #tpu.memory_space<vmem>>
      %dma_wait3A_670 = tpu.memref_squeeze %dma_wait3A_669 : memref<1x1024xf32, #tpu.memory_space<vmem>> -> memref<1024xf32, #tpu.memory_space<vmem>>
      %dma_wait3A_671 = tpu.memref_slice %arg14[%add3A_470] : memref<262144xf32, #tpu.memory_space<vmem_shared>> -> memref<1024xf32, #tpu.memory_space<vmem_shared>>
      %dma_wait3A_672 = tpu.memref_slice %arg14[%add3A_470] : memref<262144xf32, #tpu.memory_space<vmem_shared>> -> memref<1024xf32, #tpu.memory_space<vmem_shared>>
      %dma_wait3A_673 = arith.constant 0 : i32
      %dma_wait3A_674 = tpu.memref_slice %arg13[%dma_wait3A_667, %dma_wait3A_673] : memref<16x1024xf32, #tpu.memory_space<vmem>> -> memref<1x1024xf32, #tpu.memory_space<vmem>>
      %dma_wait3A_675 = tpu.memref_squeeze %dma_wait3A_674 : memref<1x1024xf32, #tpu.memory_space<vmem>> -> memref<1024xf32, #tpu.memory_space<vmem>>
      tpu.wait_dma2 semaphore(%arg15 : memref<!tpu.dma_semaphore, #tpu.memory_space<semaphore_mem>>) src(%dma_wait3A_675 : memref<1024xf32, #tpu.memory_space<vmem>>) dst(%dma_wait3A_672 : memref<1024xf32, #tpu.memory_space<vmem_shared>>)
      %dma_wait3A_676 = arith.constant 3 : i32
      %dma_wait3A_677 = arith.constant 0 : i32
      %dma_wait3A_678 = tpu.memref_slice %arg13[%dma_wait3A_676, %dma_wait3A_677] : memref<16x1024xf32, #tpu.memory_space<vmem>> -> memref<1x1024xf32, #tpu.memory_space<vmem>>
      %dma_wait3A_679 = tpu.memref_squeeze %dma_wait3A_678 : memref<1x1024xf32, #tpu.memory_space<vmem>> -> memref<1024xf32, #tpu.memory_space<vmem>>
      %dma_wait3A_680 = tpu.memref_slice %arg14[%add3A_483] : memref<262144xf32, #tpu.memory_space<vmem_shared>> -> memref<1024xf32, #tpu.memory_space<vmem_shared>>
      %dma_wait3A_681 = tpu.memref_slice %arg14[%add3A_483] : memref<262144xf32, #tpu.memory_space<vmem_shared>> -> memref<1024xf32, #tpu.memory_space<vmem_shared>>
      %dma_wait3A_682 = arith.constant 0 : i32
      %dma_wait3A_683 = tpu.memref_slice %arg13[%dma_wait3A_676, %dma_wait3A_682] : memref<16x1024xf32, #tpu.memory_space<vmem>> -> memref<1x1024xf32, #tpu.memory_space<vmem>>
      %dma_wait3A_684 = tpu.memref_squeeze %dma_wait3A_683 : memref<1x1024xf32, #tpu.memory_space<vmem>> -> memref<1024xf32, #tpu.memory_space<vmem>>
      tpu.wait_dma2 semaphore(%arg15 : memref<!tpu.dma_semaphore, #tpu.memory_space<semaphore_mem>>) src(%dma_wait3A_684 : memref<1024xf32, #tpu.memory_space<vmem>>) dst(%dma_wait3A_681 : memref<1024xf32, #tpu.memory_space<vmem_shared>>)
      %dma_wait3A_685 = arith.constant 4 : i32
      %dma_wait3A_686 = arith.constant 0 : i32
      %dma_wait3A_687 = tpu.memref_slice %arg13[%dma_wait3A_685, %dma_wait3A_686] : memref<16x1024xf32, #tpu.memory_space<vmem>> -> memref<1x1024xf32, #tpu.memory_space<vmem>>
      %dma_wait3A_688 = tpu.memref_squeeze %dma_wait3A_687 : memref<1x1024xf32, #tpu.memory_space<vmem>> -> memref<1024xf32, #tpu.memory_space<vmem>>
      %dma_wait3A_689 = tpu.memref_slice %arg14[%add3A_496] : memref<262144xf32, #tpu.memory_space<vmem_shared>> -> memref<1024xf32, #tpu.memory_space<vmem_shared>>
      %dma_wait3A_690 = tpu.memref_slice %arg14[%add3A_496] : memref<262144xf32, #tpu.memory_space<vmem_shared>> -> memref<1024xf32, #tpu.memory_space<vmem_shared>>
      %dma_wait3A_691 = arith.constant 0 : i32
      %dma_wait3A_692 = tpu.memref_slice %arg13[%dma_wait3A_685, %dma_wait3A_691] : memref<16x1024xf32, #tpu.memory_space<vmem>> -> memref<1x1024xf32, #tpu.memory_space<vmem>>
      %dma_wait3A_693 = tpu.memref_squeeze %dma_wait3A_692 : memref<1x1024xf32, #tpu.memory_space<vmem>> -> memref<1024xf32, #tpu.memory_space<vmem>>
      tpu.wait_dma2 semaphore(%arg15 : memref<!tpu.dma_semaphore, #tpu.memory_space<semaphore_mem>>) src(%dma_wait3A_693 : memref<1024xf32, #tpu.memory_space<vmem>>) dst(%dma_wait3A_690 : memref<1024xf32, #tpu.memory_space<vmem_shared>>)
      %dma_wait3A_694 = arith.constant 5 : i32
      %dma_wait3A_695 = arith.constant 0 : i32
      %dma_wait3A_696 = tpu.memref_slice %arg13[%dma_wait3A_694, %dma_wait3A_695] : memref<16x1024xf32, #tpu.memory_space<vmem>> -> memref<1x1024xf32, #tpu.memory_space<vmem>>
      %dma_wait3A_697 = tpu.memref_squeeze %dma_wait3A_696 : memref<1x1024xf32, #tpu.memory_space<vmem>> -> memref<1024xf32, #tpu.memory_space<vmem>>
      %dma_wait3A_698 = tpu.memref_slice %arg14[%add3A_509] : memref<262144xf32, #tpu.memory_space<vmem_shared>> -> memref<1024xf32, #tpu.memory_space<vmem_shared>>
      %dma_wait3A_699 = tpu.memref_slice %arg14[%add3A_509] : memref<262144xf32, #tpu.memory_space<vmem_shared>> -> memref<1024xf32, #tpu.memory_space<vmem_shared>>
      %dma_wait3A_700 = arith.constant 0 : i32
      %dma_wait3A_701 = tpu.memref_slice %arg13[%dma_wait3A_694, %dma_wait3A_700] : memref<16x1024xf32, #tpu.memory_space<vmem>> -> memref<1x1024xf32, #tpu.memory_space<vmem>>
      %dma_wait3A_702 = tpu.memref_squeeze %dma_wait3A_701 : memref<1x1024xf32, #tpu.memory_space<vmem>> -> memref<1024xf32, #tpu.memory_space<vmem>>
      tpu.wait_dma2 semaphore(%arg15 : memref<!tpu.dma_semaphore, #tpu.memory_space<semaphore_mem>>) src(%dma_wait3A_702 : memref<1024xf32, #tpu.memory_space<vmem>>) dst(%dma_wait3A_699 : memref<1024xf32, #tpu.memory_space<vmem_shared>>)
      %dma_wait3A_703 = arith.constant 6 : i32
      %dma_wait3A_704 = arith.constant 0 : i32
      %dma_wait3A_705 = tpu.memref_slice %arg13[%dma_wait3A_703, %dma_wait3A_704] : memref<16x1024xf32, #tpu.memory_space<vmem>> -> memref<1x1024xf32, #tpu.memory_space<vmem>>
      %dma_wait3A_706 = tpu.memref_squeeze %dma_wait3A_705 : memref<1x1024xf32, #tpu.memory_space<vmem>> -> memref<1024xf32, #tpu.memory_space<vmem>>
      %dma_wait3A_707 = tpu.memref_slice %arg14[%add3A_522] : memref<262144xf32, #tpu.memory_space<vmem_shared>> -> memref<1024xf32, #tpu.memory_space<vmem_shared>>
      %dma_wait3A_708 = tpu.memref_slice %arg14[%add3A_522] : memref<262144xf32, #tpu.memory_space<vmem_shared>> -> memref<1024xf32, #tpu.memory_space<vmem_shared>>
      %dma_wait3A_709 = arith.constant 0 : i32
      %dma_wait3A_710 = tpu.memref_slice %arg13[%dma_wait3A_703, %dma_wait3A_709] : memref<16x1024xf32, #tpu.memory_space<vmem>> -> memref<1x1024xf32, #tpu.memory_space<vmem>>
      %dma_wait3A_711 = tpu.memref_squeeze %dma_wait3A_710 : memref<1x1024xf32, #tpu.memory_space<vmem>> -> memref<1024xf32, #tpu.memory_space<vmem>>
      tpu.wait_dma2 semaphore(%arg15 : memref<!tpu.dma_semaphore, #tpu.memory_space<semaphore_mem>>) src(%dma_wait3A_711 : memref<1024xf32, #tpu.memory_space<vmem>>) dst(%dma_wait3A_708 : memref<1024xf32, #tpu.memory_space<vmem_shared>>)
      %dma_wait3A_712 = arith.constant 7 : i32
      %dma_wait3A_713 = arith.constant 0 : i32
      %dma_wait3A_714 = tpu.memref_slice %arg13[%dma_wait3A_712, %dma_wait3A_713] : memref<16x1024xf32, #tpu.memory_space<vmem>> -> memref<1x1024xf32, #tpu.memory_space<vmem>>
      %dma_wait3A_715 = tpu.memref_squeeze %dma_wait3A_714 : memref<1x1024xf32, #tpu.memory_space<vmem>> -> memref<1024xf32, #tpu.memory_space<vmem>>
      %dma_wait3A_716 = tpu.memref_slice %arg14[%add3A_535] : memref<262144xf32, #tpu.memory_space<vmem_shared>> -> memref<1024xf32, #tpu.memory_space<vmem_shared>>
      %dma_wait3A_717 = tpu.memref_slice %arg14[%add3A_535] : memref<262144xf32, #tpu.memory_space<vmem_shared>> -> memref<1024xf32, #tpu.memory_space<vmem_shared>>
      %dma_wait3A_718 = arith.constant 0 : i32
      %dma_wait3A_719 = tpu.memref_slice %arg13[%dma_wait3A_712, %dma_wait3A_718] : memref<16x1024xf32, #tpu.memory_space<vmem>> -> memref<1x1024xf32, #tpu.memory_space<vmem>>
      %dma_wait3A_720 = tpu.memref_squeeze %dma_wait3A_719 : memref<1x1024xf32, #tpu.memory_space<vmem>> -> memref<1024xf32, #tpu.memory_space<vmem>>
      tpu.wait_dma2 semaphore(%arg15 : memref<!tpu.dma_semaphore, #tpu.memory_space<semaphore_mem>>) src(%dma_wait3A_720 : memref<1024xf32, #tpu.memory_space<vmem>>) dst(%dma_wait3A_717 : memref<1024xf32, #tpu.memory_space<vmem_shared>>)
      %dma_wait3A_721 = arith.constant 8 : i32
      %dma_wait3A_722 = arith.constant 0 : i32
      %dma_wait3A_723 = tpu.memref_slice %arg13[%dma_wait3A_721, %dma_wait3A_722] : memref<16x1024xf32, #tpu.memory_space<vmem>> -> memref<1x1024xf32, #tpu.memory_space<vmem>>
      %dma_wait3A_724 = tpu.memref_squeeze %dma_wait3A_723 : memref<1x1024xf32, #tpu.memory_space<vmem>> -> memref<1024xf32, #tpu.memory_space<vmem>>
      %dma_wait3A_725 = tpu.memref_slice %arg14[%add3A_548] : memref<262144xf32, #tpu.memory_space<vmem_shared>> -> memref<1024xf32, #tpu.memory_space<vmem_shared>>
      %dma_wait3A_726 = tpu.memref_slice %arg14[%add3A_548] : memref<262144xf32, #tpu.memory_space<vmem_shared>> -> memref<1024xf32, #tpu.memory_space<vmem_shared>>
      %dma_wait3A_727 = arith.constant 0 : i32
      %dma_wait3A_728 = tpu.memref_slice %arg13[%dma_wait3A_721, %dma_wait3A_727] : memref<16x1024xf32, #tpu.memory_space<vmem>> -> memref<1x1024xf32, #tpu.memory_space<vmem>>
      %dma_wait3A_729 = tpu.memref_squeeze %dma_wait3A_728 : memref<1x1024xf32, #tpu.memory_space<vmem>> -> memref<1024xf32, #tpu.memory_space<vmem>>
      tpu.wait_dma2 semaphore(%arg15 : memref<!tpu.dma_semaphore, #tpu.memory_space<semaphore_mem>>) src(%dma_wait3A_729 : memref<1024xf32, #tpu.memory_space<vmem>>) dst(%dma_wait3A_726 : memref<1024xf32, #tpu.memory_space<vmem_shared>>)
      %dma_wait3A_730 = arith.constant 9 : i32
      %dma_wait3A_731 = arith.constant 0 : i32
      %dma_wait3A_732 = tpu.memref_slice %arg13[%dma_wait3A_730, %dma_wait3A_731] : memref<16x1024xf32, #tpu.memory_space<vmem>> -> memref<1x1024xf32, #tpu.memory_space<vmem>>
      %dma_wait3A_733 = tpu.memref_squeeze %dma_wait3A_732 : memref<1x1024xf32, #tpu.memory_space<vmem>> -> memref<1024xf32, #tpu.memory_space<vmem>>
      %dma_wait3A_734 = tpu.memref_slice %arg14[%add3A_561] : memref<262144xf32, #tpu.memory_space<vmem_shared>> -> memref<1024xf32, #tpu.memory_space<vmem_shared>>
      %dma_wait3A_735 = tpu.memref_slice %arg14[%add3A_561] : memref<262144xf32, #tpu.memory_space<vmem_shared>> -> memref<1024xf32, #tpu.memory_space<vmem_shared>>
      %dma_wait3A_736 = arith.constant 0 : i32
      %dma_wait3A_737 = tpu.memref_slice %arg13[%dma_wait3A_730, %dma_wait3A_736] : memref<16x1024xf32, #tpu.memory_space<vmem>> -> memref<1x1024xf32, #tpu.memory_space<vmem>>
      %dma_wait3A_738 = tpu.memref_squeeze %dma_wait3A_737 : memref<1x1024xf32, #tpu.memory_space<vmem>> -> memref<1024xf32, #tpu.memory_space<vmem>>
      tpu.wait_dma2 semaphore(%arg15 : memref<!tpu.dma_semaphore, #tpu.memory_space<semaphore_mem>>) src(%dma_wait3A_738 : memref<1024xf32, #tpu.memory_space<vmem>>) dst(%dma_wait3A_735 : memref<1024xf32, #tpu.memory_space<vmem_shared>>)
      %dma_wait3A_739 = arith.constant 10 : i32
      %dma_wait3A_740 = arith.constant 0 : i32
      %dma_wait3A_741 = tpu.memref_slice %arg13[%dma_wait3A_739, %dma_wait3A_740] : memref<16x1024xf32, #tpu.memory_space<vmem>> -> memref<1x1024xf32, #tpu.memory_space<vmem>>
      %dma_wait3A_742 = tpu.memref_squeeze %dma_wait3A_741 : memref<1x1024xf32, #tpu.memory_space<vmem>> -> memref<1024xf32, #tpu.memory_space<vmem>>
      %dma_wait3A_743 = tpu.memref_slice %arg14[%add3A_574] : memref<262144xf32, #tpu.memory_space<vmem_shared>> -> memref<1024xf32, #tpu.memory_space<vmem_shared>>
      %dma_wait3A_744 = tpu.memref_slice %arg14[%add3A_574] : memref<262144xf32, #tpu.memory_space<vmem_shared>> -> memref<1024xf32, #tpu.memory_space<vmem_shared>>
      %dma_wait3A_745 = arith.constant 0 : i32
      %dma_wait3A_746 = tpu.memref_slice %arg13[%dma_wait3A_739, %dma_wait3A_745] : memref<16x1024xf32, #tpu.memory_space<vmem>> -> memref<1x1024xf32, #tpu.memory_space<vmem>>
      %dma_wait3A_747 = tpu.memref_squeeze %dma_wait3A_746 : memref<1x1024xf32, #tpu.memory_space<vmem>> -> memref<1024xf32, #tpu.memory_space<vmem>>
      tpu.wait_dma2 semaphore(%arg15 : memref<!tpu.dma_semaphore, #tpu.memory_space<semaphore_mem>>) src(%dma_wait3A_747 : memref<1024xf32, #tpu.memory_space<vmem>>) dst(%dma_wait3A_744 : memref<1024xf32, #tpu.memory_space<vmem_shared>>)
      %dma_wait3A_748 = arith.constant 11 : i32
      %dma_wait3A_749 = arith.constant 0 : i32
      %dma_wait3A_750 = tpu.memref_slice %arg13[%dma_wait3A_748, %dma_wait3A_749] : memref<16x1024xf32, #tpu.memory_space<vmem>> -> memref<1x1024xf32, #tpu.memory_space<vmem>>
      %dma_wait3A_751 = tpu.memref_squeeze %dma_wait3A_750 : memref<1x1024xf32, #tpu.memory_space<vmem>> -> memref<1024xf32, #tpu.memory_space<vmem>>
      %dma_wait3A_752 = tpu.memref_slice %arg14[%add3A_587] : memref<262144xf32, #tpu.memory_space<vmem_shared>> -> memref<1024xf32, #tpu.memory_space<vmem_shared>>
      %dma_wait3A_753 = tpu.memref_slice %arg14[%add3A_587] : memref<262144xf32, #tpu.memory_space<vmem_shared>> -> memref<1024xf32, #tpu.memory_space<vmem_shared>>
      %dma_wait3A_754 = arith.constant 0 : i32
      %dma_wait3A_755 = tpu.memref_slice %arg13[%dma_wait3A_748, %dma_wait3A_754] : memref<16x1024xf32, #tpu.memory_space<vmem>> -> memref<1x1024xf32, #tpu.memory_space<vmem>>
      %dma_wait3A_756 = tpu.memref_squeeze %dma_wait3A_755 : memref<1x1024xf32, #tpu.memory_space<vmem>> -> memref<1024xf32, #tpu.memory_space<vmem>>
      tpu.wait_dma2 semaphore(%arg15 : memref<!tpu.dma_semaphore, #tpu.memory_space<semaphore_mem>>) src(%dma_wait3A_756 : memref<1024xf32, #tpu.memory_space<vmem>>) dst(%dma_wait3A_753 : memref<1024xf32, #tpu.memory_space<vmem_shared>>)
      %dma_wait3A_757 = arith.constant 12 : i32
      %dma_wait3A_758 = arith.constant 0 : i32
      %dma_wait3A_759 = tpu.memref_slice %arg13[%dma_wait3A_757, %dma_wait3A_758] : memref<16x1024xf32, #tpu.memory_space<vmem>> -> memref<1x1024xf32, #tpu.memory_space<vmem>>
      %dma_wait3A_760 = tpu.memref_squeeze %dma_wait3A_759 : memref<1x1024xf32, #tpu.memory_space<vmem>> -> memref<1024xf32, #tpu.memory_space<vmem>>
      %dma_wait3A_761 = tpu.memref_slice %arg14[%add3A_600] : memref<262144xf32, #tpu.memory_space<vmem_shared>> -> memref<1024xf32, #tpu.memory_space<vmem_shared>>
      %dma_wait3A_762 = tpu.memref_slice %arg14[%add3A_600] : memref<262144xf32, #tpu.memory_space<vmem_shared>> -> memref<1024xf32, #tpu.memory_space<vmem_shared>>
      %dma_wait3A_763 = arith.constant 0 : i32
      %dma_wait3A_764 = tpu.memref_slice %arg13[%dma_wait3A_757, %dma_wait3A_763] : memref<16x1024xf32, #tpu.memory_space<vmem>> -> memref<1x1024xf32, #tpu.memory_space<vmem>>
      %dma_wait3A_765 = tpu.memref_squeeze %dma_wait3A_764 : memref<1x1024xf32, #tpu.memory_space<vmem>> -> memref<1024xf32, #tpu.memory_space<vmem>>
      tpu.wait_dma2 semaphore(%arg15 : memref<!tpu.dma_semaphore, #tpu.memory_space<semaphore_mem>>) src(%dma_wait3A_765 : memref<1024xf32, #tpu.memory_space<vmem>>) dst(%dma_wait3A_762 : memref<1024xf32, #tpu.memory_space<vmem_shared>>)
      %dma_wait3A_766 = arith.constant 13 : i32
      %dma_wait3A_767 = arith.constant 0 : i32
      %dma_wait3A_768 = tpu.memref_slice %arg13[%dma_wait3A_766, %dma_wait3A_767] : memref<16x1024xf32, #tpu.memory_space<vmem>> -> memref<1x1024xf32, #tpu.memory_space<vmem>>
      %dma_wait3A_769 = tpu.memref_squeeze %dma_wait3A_768 : memref<1x1024xf32, #tpu.memory_space<vmem>> -> memref<1024xf32, #tpu.memory_space<vmem>>
      %dma_wait3A_770 = tpu.memref_slice %arg14[%add3A_613] : memref<262144xf32, #tpu.memory_space<vmem_shared>> -> memref<1024xf32, #tpu.memory_space<vmem_shared>>
      %dma_wait3A_771 = tpu.memref_slice %arg14[%add3A_613] : memref<262144xf32, #tpu.memory_space<vmem_shared>> -> memref<1024xf32, #tpu.memory_space<vmem_shared>>
      %dma_wait3A_772 = arith.constant 0 : i32
      %dma_wait3A_773 = tpu.memref_slice %arg13[%dma_wait3A_766, %dma_wait3A_772] : memref<16x1024xf32, #tpu.memory_space<vmem>> -> memref<1x1024xf32, #tpu.memory_space<vmem>>
      %dma_wait3A_774 = tpu.memref_squeeze %dma_wait3A_773 : memref<1x1024xf32, #tpu.memory_space<vmem>> -> memref<1024xf32, #tpu.memory_space<vmem>>
      tpu.wait_dma2 semaphore(%arg15 : memref<!tpu.dma_semaphore, #tpu.memory_space<semaphore_mem>>) src(%dma_wait3A_774 : memref<1024xf32, #tpu.memory_space<vmem>>) dst(%dma_wait3A_771 : memref<1024xf32, #tpu.memory_space<vmem_shared>>)
      %dma_wait3A_775 = arith.constant 14 : i32
      %dma_wait3A_776 = arith.constant 0 : i32
      %dma_wait3A_777 = tpu.memref_slice %arg13[%dma_wait3A_775, %dma_wait3A_776] : memref<16x1024xf32, #tpu.memory_space<vmem>> -> memref<1x1024xf32, #tpu.memory_space<vmem>>
      %dma_wait3A_778 = tpu.memref_squeeze %dma_wait3A_777 : memref<1x1024xf32, #tpu.memory_space<vmem>> -> memref<1024xf32, #tpu.memory_space<vmem>>
      %dma_wait3A_779 = tpu.memref_slice %arg14[%add3A_626] : memref<262144xf32, #tpu.memory_space<vmem_shared>> -> memref<1024xf32, #tpu.memory_space<vmem_shared>>
      %dma_wait3A_780 = tpu.memref_slice %arg14[%add3A_626] : memref<262144xf32, #tpu.memory_space<vmem_shared>> -> memref<1024xf32, #tpu.memory_space<vmem_shared>>
      %dma_wait3A_781 = arith.constant 0 : i32
      %dma_wait3A_782 = tpu.memref_slice %arg13[%dma_wait3A_775, %dma_wait3A_781] : memref<16x1024xf32, #tpu.memory_space<vmem>> -> memref<1x1024xf32, #tpu.memory_space<vmem>>
      %dma_wait3A_783 = tpu.memref_squeeze %dma_wait3A_782 : memref<1x1024xf32, #tpu.memory_space<vmem>> -> memref<1024xf32, #tpu.memory_space<vmem>>
      tpu.wait_dma2 semaphore(%arg15 : memref<!tpu.dma_semaphore, #tpu.memory_space<semaphore_mem>>) src(%dma_wait3A_783 : memref<1024xf32, #tpu.memory_space<vmem>>) dst(%dma_wait3A_780 : memref<1024xf32, #tpu.memory_space<vmem_shared>>)
      %dma_wait3A_784 = arith.constant 15 : i32
      %dma_wait3A_785 = arith.constant 0 : i32
      %dma_wait3A_786 = tpu.memref_slice %arg13[%dma_wait3A_784, %dma_wait3A_785] : memref<16x1024xf32, #tpu.memory_space<vmem>> -> memref<1x1024xf32, #tpu.memory_space<vmem>>
      %dma_wait3A_787 = tpu.memref_squeeze %dma_wait3A_786 : memref<1x1024xf32, #tpu.memory_space<vmem>> -> memref<1024xf32, #tpu.memory_space<vmem>>
      %dma_wait3A_788 = tpu.memref_slice %arg14[%add3A_639] : memref<262144xf32, #tpu.memory_space<vmem_shared>> -> memref<1024xf32, #tpu.memory_space<vmem_shared>>
      %dma_wait3A_789 = tpu.memref_slice %arg14[%add3A_639] : memref<262144xf32, #tpu.memory_space<vmem_shared>> -> memref<1024xf32, #tpu.memory_space<vmem_shared>>
      %dma_wait3A_790 = arith.constant 0 : i32
      %dma_wait3A_791 = tpu.memref_slice %arg13[%dma_wait3A_784, %dma_wait3A_790] : memref<16x1024xf32, #tpu.memory_space<vmem>> -> memref<1x1024xf32, #tpu.memory_space<vmem>>
      %dma_wait3A_792 = tpu.memref_squeeze %dma_wait3A_791 : memref<1x1024xf32, #tpu.memory_space<vmem>> -> memref<1024xf32, #tpu.memory_space<vmem>>
      tpu.wait_dma2 semaphore(%arg15 : memref<!tpu.dma_semaphore, #tpu.memory_space<semaphore_mem>>) src(%dma_wait3A_792 : memref<1024xf32, #tpu.memory_space<vmem>>) dst(%dma_wait3A_789 : memref<1024xf32, #tpu.memory_space<vmem_shared>>)
      %barrier3A_793 = arith.constant 0 : index
      tpu.barrier barrier_id(%barrier3A_793)
      %mul3A_794 = arith.constant 16384 : i32
      %mul3A_795 = arith.muli %arg1, %mul3A_794 : i32
      %add3A_796 = arith.constant 0 : i32
      %add3A_797 = arith.addi %add3A_796, %mul3A_795 : i32
      "tpu.region"() ({
        %run_scoped3A = tpu.sem_alloc : memref<!tpu.dma_semaphore, #tpu.memory_space<semaphore_mem>>
        %dma_start3A_808 = tpu.memref_slice %arg14[%add3A_797] : memref<262144xf32, #tpu.memory_space<vmem_shared>> -> memref<16384xf32, #tpu.memory_space<vmem_shared>>
        %dma_start3A_809 = tpu.memref_slice %arg14[%add3A_797] : memref<262144xf32, #tpu.memory_space<vmem_shared>> -> memref<16384xf32, #tpu.memory_space<vmem_shared>>
        tpu.enqueue_dma source(%dma_start3A_809 : memref<16384xf32, #tpu.memory_space<vmem_shared>>) target(%arg6 : memref<16384xf32, #tpu.memory_space<vmem>>) target_semaphore(%run_scoped3A : memref<!tpu.dma_semaphore, #tpu.memory_space<semaphore_mem>>)
        %dma_wait3A_810 = tpu.memref_slice %arg14[%add3A_797] : memref<262144xf32, #tpu.memory_space<vmem_shared>> -> memref<16384xf32, #tpu.memory_space<vmem_shared>>
        %dma_wait3A_811 = tpu.memref_slice %arg14[%add3A_797] : memref<262144xf32, #tpu.memory_space<vmem_shared>> -> memref<16384xf32, #tpu.memory_space<vmem_shared>>
        tpu.wait_dma2 semaphore(%run_scoped3A : memref<!tpu.dma_semaphore, #tpu.memory_space<semaphore_mem>>) src(%dma_wait3A_811 : memref<16384xf32, #tpu.memory_space<vmem_shared>>) dst(%arg6 : memref<16384xf32, #tpu.memory_space<vmem>>)
        tpu.yield
      }) : () -> ()
      %eq3A_798 = arith.constant 0 : i32
      %eq3A_799 = arith.cmpi eq, %arg1, %eq3A_798 : i32
      %convert_element_type3A_800 = arith.extui %eq3A_799 : i1 to i32
      %cond3A_801 = arith.constant 0 : i32
      %cond3A_802 = arith.cmpi ne, %convert_element_type3A_800, %cond3A_801 : i32
      scf.if %cond3A_802 {
        %parallel_loop3A_808 = arith.constant 0 : i32
        %parallel_loop3A_809 = arith.constant 64 : i32
        %parallel_loop3A_810 = arith.constant 1 : i32
        scf.for %parallel_loop3A_811 = %parallel_loop3A_808 to %parallel_loop3A_809 step %parallel_loop3A_810  : i32 {
          %parallel_loop3A_812 = arith.constant 16 : i32
          %parallel_loop3A_813 = arith.muli %parallel_loop3A_811, %parallel_loop3A_812 : i32
          %parallel_loop3A_814 = arith.index_cast %parallel_loop3A_813 : i32 to index
          %parallel_loop3A_815 = tpu.vector_load %arg8[%parallel_loop3A_814] {strides = array<i32>} : memref<1024xi32, #tpu.memory_space<vmem>>, vector<16xi32>,
          %parallel_loop3A_816 = arith.constant 16 : i32
          %parallel_loop3A_817 = vector.broadcast %parallel_loop3A_816 : i32 to vector<16xi32>
          %parallel_loop3A_818 = arith.muli %parallel_loop3A_815, %parallel_loop3A_817 : vector<16xi32>
          %parallel_loop3A_819 = arith.addi %parallel_loop3A_818, %iota3A : vector<16xi32>
          tpu.vector_store_idx %arg10[%parallel_loop3A_819], %broadcast_in_dim3A_2 {add = true} : memref<20480xf32, #tpu.memory_space<vmem>>[vector<16xi32>], vector<16xf32>,
        } {sc.loop_unroll_factor = 4 : i64, sc.parallel_access}
      } else {
      }
      %parallel_loop3A_803 = arith.constant 0 : i32
      %parallel_loop3A_804 = arith.constant 64 : i32
      %parallel_loop3A_805 = arith.constant 1 : i32
      scf.for %parallel_loop3A_808 = %parallel_loop3A_803 to %parallel_loop3A_804 step %parallel_loop3A_805  : i32 {
        %parallel_loop3A_809 = arith.constant 16 : i32
        %parallel_loop3A_810 = arith.muli %parallel_loop3A_808, %parallel_loop3A_809 : i32
        %parallel_loop3A_811 = arith.index_cast %parallel_loop3A_810 : i32 to index
        %parallel_loop3A_812 = tpu.vector_load %arg8[%parallel_loop3A_811] {strides = array<i32>} : memref<1024xi32, #tpu.memory_space<vmem>>, vector<16xi32>,
        %parallel_loop3A_813 = arith.constant 16 : i32
        %parallel_loop3A_814 = vector.broadcast %parallel_loop3A_813 : i32 to vector<16xi32>
        %parallel_loop3A_815 = arith.muli %parallel_loop3A_812, %parallel_loop3A_814 : vector<16xi32>
        %parallel_loop3A_816 = vector.extract_strided_slice %parallel_loop3A_815 {offsets = [0], sizes = [1], strides = [1]} : vector<16xi32> to vector<1xi32>
        %parallel_loop3A_817 = vector.extract %parallel_loop3A_816[0] : i32 from vector<1xi32>
        %parallel_loop3A_818 = vector.broadcast %parallel_loop3A_817 : i32 to vector<16xi32>
        %parallel_loop3A_819 = arith.addi %parallel_loop3A_818, %iota3A : vector<16xi32>
        %parallel_loop3A_820 = arith.constant 16 : i32
        %parallel_loop3A_821 = arith.muli %parallel_loop3A_808, %parallel_loop3A_820 : i32
        %parallel_loop3A_822 = arith.constant 0 : i32
        %parallel_loop3A_823 = arith.addi %parallel_loop3A_821, %parallel_loop3A_822 : i32
        %parallel_loop3A_824 = arith.constant 16 : i32
        %parallel_loop3A_825 = arith.muli %parallel_loop3A_823, %parallel_loop3A_824 : i32
        %parallel_loop3A_826 = arith.index_cast %parallel_loop3A_825 : i32 to index
        %parallel_loop3A_827 = tpu.vector_load %arg6[%parallel_loop3A_826] {strides = array<i32>} : memref<16384xf32, #tpu.memory_space<vmem>>, vector<16xf32>,
        tpu.vector_store_idx %arg9[%parallel_loop3A_819], %parallel_loop3A_827 {add = true} : memref<20480xf32, #tpu.memory_space<vmem>>[vector<16xi32>], vector<16xf32>,
        %parallel_loop3A_828 = vector.extract_strided_slice %parallel_loop3A_815 {offsets = [1], sizes = [1], strides = [1]} : vector<16xi32> to vector<1xi32>
        %parallel_loop3A_829 = vector.extract %parallel_loop3A_828[0] : i32 from vector<1xi32>
        %parallel_loop3A_830 = vector.broadcast %parallel_loop3A_829 : i32 to vector<16xi32>
        %parallel_loop3A_831 = arith.addi %parallel_loop3A_830, %iota3A : vector<16xi32>
        %parallel_loop3A_832 = arith.constant 16 : i32
        %parallel_loop3A_833 = arith.muli %parallel_loop3A_808, %parallel_loop3A_832 : i32
        %parallel_loop3A_834 = arith.constant 1 : i32
        %parallel_loop3A_835 = arith.addi %parallel_loop3A_833, %parallel_loop3A_834 : i32
        %parallel_loop3A_836 = arith.constant 16 : i32
        %parallel_loop3A_837 = arith.muli %parallel_loop3A_835, %parallel_loop3A_836 : i32
        %parallel_loop3A_838 = arith.index_cast %parallel_loop3A_837 : i32 to index
        %parallel_loop3A_839 = tpu.vector_load %arg6[%parallel_loop3A_838] {strides = array<i32>} : memref<16384xf32, #tpu.memory_space<vmem>>, vector<16xf32>,
        tpu.vector_store_idx %arg9[%parallel_loop3A_831], %parallel_loop3A_839 {add = true} : memref<20480xf32, #tpu.memory_space<vmem>>[vector<16xi32>], vector<16xf32>,
        %parallel_loop3A_840 = vector.extract_strided_slice %parallel_loop3A_815 {offsets = [2], sizes = [1], strides = [1]} : vector<16xi32> to vector<1xi32>
        %parallel_loop3A_841 = vector.extract %parallel_loop3A_840[0] : i32 from vector<1xi32>
        %parallel_loop3A_842 = vector.broadcast %parallel_loop3A_841 : i32 to vector<16xi32>
        %parallel_loop3A_843 = arith.addi %parallel_loop3A_842, %iota3A : vector<16xi32>
        %parallel_loop3A_844 = arith.constant 16 : i32
        %parallel_loop3A_845 = arith.muli %parallel_loop3A_808, %parallel_loop3A_844 : i32
        %parallel_loop3A_846 = arith.constant 2 : i32
        %parallel_loop3A_847 = arith.addi %parallel_loop3A_845, %parallel_loop3A_846 : i32
        %parallel_loop3A_848 = arith.constant 16 : i32
        %parallel_loop3A_849 = arith.muli %parallel_loop3A_847, %parallel_loop3A_848 : i32
        %parallel_loop3A_850 = arith.index_cast %parallel_loop3A_849 : i32 to index
        %parallel_loop3A_851 = tpu.vector_load %arg6[%parallel_loop3A_850] {strides = array<i32>} : memref<16384xf32, #tpu.memory_space<vmem>>, vector<16xf32>,
        tpu.vector_store_idx %arg9[%parallel_loop3A_843], %parallel_loop3A_851 {add = true} : memref<20480xf32, #tpu.memory_space<vmem>>[vector<16xi32>], vector<16xf32>,
        %parallel_loop3A_852 = vector.extract_strided_slice %parallel_loop3A_815 {offsets = [3], sizes = [1], strides = [1]} : vector<16xi32> to vector<1xi32>
        %parallel_loop3A_853 = vector.extract %parallel_loop3A_852[0] : i32 from vector<1xi32>
        %parallel_loop3A_854 = vector.broadcast %parallel_loop3A_853 : i32 to vector<16xi32>
        %parallel_loop3A_855 = arith.addi %parallel_loop3A_854, %iota3A : vector<16xi32>
        %parallel_loop3A_856 = arith.constant 16 : i32
        %parallel_loop3A_857 = arith.muli %parallel_loop3A_808, %parallel_loop3A_856 : i32
        %parallel_loop3A_858 = arith.constant 3 : i32
        %parallel_loop3A_859 = arith.addi %parallel_loop3A_857, %parallel_loop3A_858 : i32
        %parallel_loop3A_860 = arith.constant 16 : i32
        %parallel_loop3A_861 = arith.muli %parallel_loop3A_859, %parallel_loop3A_860 : i32
        %parallel_loop3A_862 = arith.index_cast %parallel_loop3A_861 : i32 to index
        %parallel_loop3A_863 = tpu.vector_load %arg6[%parallel_loop3A_862] {strides = array<i32>} : memref<16384xf32, #tpu.memory_space<vmem>>, vector<16xf32>,
        tpu.vector_store_idx %arg9[%parallel_loop3A_855], %parallel_loop3A_863 {add = true} : memref<20480xf32, #tpu.memory_space<vmem>>[vector<16xi32>], vector<16xf32>,
        %parallel_loop3A_864 = vector.extract_strided_slice %parallel_loop3A_815 {offsets = [4], sizes = [1], strides = [1]} : vector<16xi32> to vector<1xi32>
        %parallel_loop3A_865 = vector.extract %parallel_loop3A_864[0] : i32 from vector<1xi32>
        %parallel_loop3A_866 = vector.broadcast %parallel_loop3A_865 : i32 to vector<16xi32>
        %parallel_loop3A_867 = arith.addi %parallel_loop3A_866, %iota3A : vector<16xi32>
        %parallel_loop3A_868 = arith.constant 16 : i32
        %parallel_loop3A_869 = arith.muli %parallel_loop3A_808, %parallel_loop3A_868 : i32
        %parallel_loop3A_870 = arith.constant 4 : i32
        %parallel_loop3A_871 = arith.addi %parallel_loop3A_869, %parallel_loop3A_870 : i32
        %parallel_loop3A_872 = arith.constant 16 : i32
        %parallel_loop3A_873 = arith.muli %parallel_loop3A_871, %parallel_loop3A_872 : i32
        %parallel_loop3A_874 = arith.index_cast %parallel_loop3A_873 : i32 to index
        %parallel_loop3A_875 = tpu.vector_load %arg6[%parallel_loop3A_874] {strides = array<i32>} : memref<16384xf32, #tpu.memory_space<vmem>>, vector<16xf32>,
        tpu.vector_store_idx %arg9[%parallel_loop3A_867], %parallel_loop3A_875 {add = true} : memref<20480xf32, #tpu.memory_space<vmem>>[vector<16xi32>], vector<16xf32>,
        %parallel_loop3A_876 = vector.extract_strided_slice %parallel_loop3A_815 {offsets = [5], sizes = [1], strides = [1]} : vector<16xi32> to vector<1xi32>
        %parallel_loop3A_877 = vector.extract %parallel_loop3A_876[0] : i32 from vector<1xi32>
        %parallel_loop3A_878 = vector.broadcast %parallel_loop3A_877 : i32 to vector<16xi32>
        %parallel_loop3A_879 = arith.addi %parallel_loop3A_878, %iota3A : vector<16xi32>
        %parallel_loop3A_880 = arith.constant 16 : i32
        %parallel_loop3A_881 = arith.muli %parallel_loop3A_808, %parallel_loop3A_880 : i32
        %parallel_loop3A_882 = arith.constant 5 : i32
        %parallel_loop3A_883 = arith.addi %parallel_loop3A_881, %parallel_loop3A_882 : i32
        %parallel_loop3A_884 = arith.constant 16 : i32
        %parallel_loop3A_885 = arith.muli %parallel_loop3A_883, %parallel_loop3A_884 : i32
        %parallel_loop3A_886 = arith.index_cast %parallel_loop3A_885 : i32 to index
        %parallel_loop3A_887 = tpu.vector_load %arg6[%parallel_loop3A_886] {strides = array<i32>} : memref<16384xf32, #tpu.memory_space<vmem>>, vector<16xf32>,
        tpu.vector_store_idx %arg9[%parallel_loop3A_879], %parallel_loop3A_887 {add = true} : memref<20480xf32, #tpu.memory_space<vmem>>[vector<16xi32>], vector<16xf32>,
        %parallel_loop3A_888 = vector.extract_strided_slice %parallel_loop3A_815 {offsets = [6], sizes = [1], strides = [1]} : vector<16xi32> to vector<1xi32>
        %parallel_loop3A_889 = vector.extract %parallel_loop3A_888[0] : i32 from vector<1xi32>
        %parallel_loop3A_890 = vector.broadcast %parallel_loop3A_889 : i32 to vector<16xi32>
        %parallel_loop3A_891 = arith.addi %parallel_loop3A_890, %iota3A : vector<16xi32>
        %parallel_loop3A_892 = arith.constant 16 : i32
        %parallel_loop3A_893 = arith.muli %parallel_loop3A_808, %parallel_loop3A_892 : i32
        %parallel_loop3A_894 = arith.constant 6 : i32
        %parallel_loop3A_895 = arith.addi %parallel_loop3A_893, %parallel_loop3A_894 : i32
        %parallel_loop3A_896 = arith.constant 16 : i32
        %parallel_loop3A_897 = arith.muli %parallel_loop3A_895, %parallel_loop3A_896 : i32
        %parallel_loop3A_898 = arith.index_cast %parallel_loop3A_897 : i32 to index
        %parallel_loop3A_899 = tpu.vector_load %arg6[%parallel_loop3A_898] {strides = array<i32>} : memref<16384xf32, #tpu.memory_space<vmem>>, vector<16xf32>,
        tpu.vector_store_idx %arg9[%parallel_loop3A_891], %parallel_loop3A_899 {add = true} : memref<20480xf32, #tpu.memory_space<vmem>>[vector<16xi32>], vector<16xf32>,
        %parallel_loop3A_900 = vector.extract_strided_slice %parallel_loop3A_815 {offsets = [7], sizes = [1], strides = [1]} : vector<16xi32> to vector<1xi32>
        %parallel_loop3A_901 = vector.extract %parallel_loop3A_900[0] : i32 from vector<1xi32>
        %parallel_loop3A_902 = vector.broadcast %parallel_loop3A_901 : i32 to vector<16xi32>
        %parallel_loop3A_903 = arith.addi %parallel_loop3A_902, %iota3A : vector<16xi32>
        %parallel_loop3A_904 = arith.constant 16 : i32
        %parallel_loop3A_905 = arith.muli %parallel_loop3A_808, %parallel_loop3A_904 : i32
        %parallel_loop3A_906 = arith.constant 7 : i32
        %parallel_loop3A_907 = arith.addi %parallel_loop3A_905, %parallel_loop3A_906 : i32
        %parallel_loop3A_908 = arith.constant 16 : i32
        %parallel_loop3A_909 = arith.muli %parallel_loop3A_907, %parallel_loop3A_908 : i32
        %parallel_loop3A_910 = arith.index_cast %parallel_loop3A_909 : i32 to index
        %parallel_loop3A_911 = tpu.vector_load %arg6[%parallel_loop3A_910] {strides = array<i32>} : memref<16384xf32, #tpu.memory_space<vmem>>, vector<16xf32>,
        tpu.vector_store_idx %arg9[%parallel_loop3A_903], %parallel_loop3A_911 {add = true} : memref<20480xf32, #tpu.memory_space<vmem>>[vector<16xi32>], vector<16xf32>,
        %parallel_loop3A_912 = vector.extract_strided_slice %parallel_loop3A_815 {offsets = [8], sizes = [1], strides = [1]} : vector<16xi32> to vector<1xi32>
        %parallel_loop3A_913 = vector.extract %parallel_loop3A_912[0] : i32 from vector<1xi32>
        %parallel_loop3A_914 = vector.broadcast %parallel_loop3A_913 : i32 to vector<16xi32>
        %parallel_loop3A_915 = arith.addi %parallel_loop3A_914, %iota3A : vector<16xi32>
        %parallel_loop3A_916 = arith.constant 16 : i32
        %parallel_loop3A_917 = arith.muli %parallel_loop3A_808, %parallel_loop3A_916 : i32
        %parallel_loop3A_918 = arith.constant 8 : i32
        %parallel_loop3A_919 = arith.addi %parallel_loop3A_917, %parallel_loop3A_918 : i32
        %parallel_loop3A_920 = arith.constant 16 : i32
        %parallel_loop3A_921 = arith.muli %parallel_loop3A_919, %parallel_loop3A_920 : i32
        %parallel_loop3A_922 = arith.index_cast %parallel_loop3A_921 : i32 to index
        %parallel_loop3A_923 = tpu.vector_load %arg6[%parallel_loop3A_922] {strides = array<i32>} : memref<16384xf32, #tpu.memory_space<vmem>>, vector<16xf32>,
        tpu.vector_store_idx %arg9[%parallel_loop3A_915], %parallel_loop3A_923 {add = true} : memref<20480xf32, #tpu.memory_space<vmem>>[vector<16xi32>], vector<16xf32>,
        %parallel_loop3A_924 = vector.extract_strided_slice %parallel_loop3A_815 {offsets = [9], sizes = [1], strides = [1]} : vector<16xi32> to vector<1xi32>
        %parallel_loop3A_925 = vector.extract %parallel_loop3A_924[0] : i32 from vector<1xi32>
        %parallel_loop3A_926 = vector.broadcast %parallel_loop3A_925 : i32 to vector<16xi32>
        %parallel_loop3A_927 = arith.addi %parallel_loop3A_926, %iota3A : vector<16xi32>
        %parallel_loop3A_928 = arith.constant 16 : i32
        %parallel_loop3A_929 = arith.muli %parallel_loop3A_808, %parallel_loop3A_928 : i32
        %parallel_loop3A_930 = arith.constant 9 : i32
        %parallel_loop3A_931 = arith.addi %parallel_loop3A_929, %parallel_loop3A_930 : i32
        %parallel_loop3A_932 = arith.constant 16 : i32
        %parallel_loop3A_933 = arith.muli %parallel_loop3A_931, %parallel_loop3A_932 : i32
        %parallel_loop3A_934 = arith.index_cast %parallel_loop3A_933 : i32 to index
        %parallel_loop3A_935 = tpu.vector_load %arg6[%parallel_loop3A_934] {strides = array<i32>} : memref<16384xf32, #tpu.memory_space<vmem>>, vector<16xf32>,
        tpu.vector_store_idx %arg9[%parallel_loop3A_927], %parallel_loop3A_935 {add = true} : memref<20480xf32, #tpu.memory_space<vmem>>[vector<16xi32>], vector<16xf32>,
        %parallel_loop3A_936 = vector.extract_strided_slice %parallel_loop3A_815 {offsets = [10], sizes = [1], strides = [1]} : vector<16xi32> to vector<1xi32>
        %parallel_loop3A_937 = vector.extract %parallel_loop3A_936[0] : i32 from vector<1xi32>
        %parallel_loop3A_938 = vector.broadcast %parallel_loop3A_937 : i32 to vector<16xi32>
        %parallel_loop3A_939 = arith.addi %parallel_loop3A_938, %iota3A : vector<16xi32>
        %parallel_loop3A_940 = arith.constant 16 : i32
        %parallel_loop3A_941 = arith.muli %parallel_loop3A_808, %parallel_loop3A_940 : i32
        %parallel_loop3A_942 = arith.constant 10 : i32
        %parallel_loop3A_943 = arith.addi %parallel_loop3A_941, %parallel_loop3A_942 : i32
        %parallel_loop3A_944 = arith.constant 16 : i32
        %parallel_loop3A_945 = arith.muli %parallel_loop3A_943, %parallel_loop3A_944 : i32
        %parallel_loop3A_946 = arith.index_cast %parallel_loop3A_945 : i32 to index
        %parallel_loop3A_947 = tpu.vector_load %arg6[%parallel_loop3A_946] {strides = array<i32>} : memref<16384xf32, #tpu.memory_space<vmem>>, vector<16xf32>,
        tpu.vector_store_idx %arg9[%parallel_loop3A_939], %parallel_loop3A_947 {add = true} : memref<20480xf32, #tpu.memory_space<vmem>>[vector<16xi32>], vector<16xf32>,
        %parallel_loop3A_948 = vector.extract_strided_slice %parallel_loop3A_815 {offsets = [11], sizes = [1], strides = [1]} : vector<16xi32> to vector<1xi32>
        %parallel_loop3A_949 = vector.extract %parallel_loop3A_948[0] : i32 from vector<1xi32>
        %parallel_loop3A_950 = vector.broadcast %parallel_loop3A_949 : i32 to vector<16xi32>
        %parallel_loop3A_951 = arith.addi %parallel_loop3A_950, %iota3A : vector<16xi32>
        %parallel_loop3A_952 = arith.constant 16 : i32
        %parallel_loop3A_953 = arith.muli %parallel_loop3A_808, %parallel_loop3A_952 : i32
        %parallel_loop3A_954 = arith.constant 11 : i32
        %parallel_loop3A_955 = arith.addi %parallel_loop3A_953, %parallel_loop3A_954 : i32
        %parallel_loop3A_956 = arith.constant 16 : i32
        %parallel_loop3A_957 = arith.muli %parallel_loop3A_955, %parallel_loop3A_956 : i32
        %parallel_loop3A_958 = arith.index_cast %parallel_loop3A_957 : i32 to index
        %parallel_loop3A_959 = tpu.vector_load %arg6[%parallel_loop3A_958] {strides = array<i32>} : memref<16384xf32, #tpu.memory_space<vmem>>, vector<16xf32>,
        tpu.vector_store_idx %arg9[%parallel_loop3A_951], %parallel_loop3A_959 {add = true} : memref<20480xf32, #tpu.memory_space<vmem>>[vector<16xi32>], vector<16xf32>,
        %parallel_loop3A_960 = vector.extract_strided_slice %parallel_loop3A_815 {offsets = [12], sizes = [1], strides = [1]} : vector<16xi32> to vector<1xi32>
        %parallel_loop3A_961 = vector.extract %parallel_loop3A_960[0] : i32 from vector<1xi32>
        %parallel_loop3A_962 = vector.broadcast %parallel_loop3A_961 : i32 to vector<16xi32>
        %parallel_loop3A_963 = arith.addi %parallel_loop3A_962, %iota3A : vector<16xi32>
        %parallel_loop3A_964 = arith.constant 16 : i32
        %parallel_loop3A_965 = arith.muli %parallel_loop3A_808, %parallel_loop3A_964 : i32
        %parallel_loop3A_966 = arith.constant 12 : i32
        %parallel_loop3A_967 = arith.addi %parallel_loop3A_965, %parallel_loop3A_966 : i32
        %parallel_loop3A_968 = arith.constant 16 : i32
        %parallel_loop3A_969 = arith.muli %parallel_loop3A_967, %parallel_loop3A_968 : i32
        %parallel_loop3A_970 = arith.index_cast %parallel_loop3A_969 : i32 to index
        %parallel_loop3A_971 = tpu.vector_load %arg6[%parallel_loop3A_970] {strides = array<i32>} : memref<16384xf32, #tpu.memory_space<vmem>>, vector<16xf32>,
        tpu.vector_store_idx %arg9[%parallel_loop3A_963], %parallel_loop3A_971 {add = true} : memref<20480xf32, #tpu.memory_space<vmem>>[vector<16xi32>], vector<16xf32>,
        %parallel_loop3A_972 = vector.extract_strided_slice %parallel_loop3A_815 {offsets = [13], sizes = [1], strides = [1]} : vector<16xi32> to vector<1xi32>
        %parallel_loop3A_973 = vector.extract %parallel_loop3A_972[0] : i32 from vector<1xi32>
        %parallel_loop3A_974 = vector.broadcast %parallel_loop3A_973 : i32 to vector<16xi32>
        %parallel_loop3A_975 = arith.addi %parallel_loop3A_974, %iota3A : vector<16xi32>
        %parallel_loop3A_976 = arith.constant 16 : i32
        %parallel_loop3A_977 = arith.muli %parallel_loop3A_808, %parallel_loop3A_976 : i32
        %parallel_loop3A_978 = arith.constant 13 : i32
        %parallel_loop3A_979 = arith.addi %parallel_loop3A_977, %parallel_loop3A_978 : i32
        %parallel_loop3A_980 = arith.constant 16 : i32
        %parallel_loop3A_981 = arith.muli %parallel_loop3A_979, %parallel_loop3A_980 : i32
        %parallel_loop3A_982 = arith.index_cast %parallel_loop3A_981 : i32 to index
        %parallel_loop3A_983 = tpu.vector_load %arg6[%parallel_loop3A_982] {strides = array<i32>} : memref<16384xf32, #tpu.memory_space<vmem>>, vector<16xf32>,
        tpu.vector_store_idx %arg9[%parallel_loop3A_975], %parallel_loop3A_983 {add = true} : memref<20480xf32, #tpu.memory_space<vmem>>[vector<16xi32>], vector<16xf32>,
        %parallel_loop3A_984 = vector.extract_strided_slice %parallel_loop3A_815 {offsets = [14], sizes = [1], strides = [1]} : vector<16xi32> to vector<1xi32>
        %parallel_loop3A_985 = vector.extract %parallel_loop3A_984[0] : i32 from vector<1xi32>
        %parallel_loop3A_986 = vector.broadcast %parallel_loop3A_985 : i32 to vector<16xi32>
        %parallel_loop3A_987 = arith.addi %parallel_loop3A_986, %iota3A : vector<16xi32>
        %parallel_loop3A_988 = arith.constant 16 : i32
        %parallel_loop3A_989 = arith.muli %parallel_loop3A_808, %parallel_loop3A_988 : i32
        %parallel_loop3A_990 = arith.constant 14 : i32
        %parallel_loop3A_991 = arith.addi %parallel_loop3A_989, %parallel_loop3A_990 : i32
        %parallel_loop3A_992 = arith.constant 16 : i32
        %parallel_loop3A_993 = arith.muli %parallel_loop3A_991, %parallel_loop3A_992 : i32
        %parallel_loop3A_994 = arith.index_cast %parallel_loop3A_993 : i32 to index
        %parallel_loop3A_995 = tpu.vector_load %arg6[%parallel_loop3A_994] {strides = array<i32>} : memref<16384xf32, #tpu.memory_space<vmem>>, vector<16xf32>,
        tpu.vector_store_idx %arg9[%parallel_loop3A_987], %parallel_loop3A_995 {add = true} : memref<20480xf32, #tpu.memory_space<vmem>>[vector<16xi32>], vector<16xf32>,
        %parallel_loop3A_996 = vector.extract_strided_slice %parallel_loop3A_815 {offsets = [15], sizes = [1], strides = [1]} : vector<16xi32> to vector<1xi32>
        %parallel_loop3A_997 = vector.extract %parallel_loop3A_996[0] : i32 from vector<1xi32>
        %parallel_loop3A_998 = vector.broadcast %parallel_loop3A_997 : i32 to vector<16xi32>
        %parallel_loop3A_999 = arith.addi %parallel_loop3A_998, %iota3A : vector<16xi32>
        %parallel_loop3A_1000 = arith.constant 16 : i32
        %parallel_loop3A_1001 = arith.muli %parallel_loop3A_808, %parallel_loop3A_1000 : i32
        %parallel_loop3A_1002 = arith.constant 15 : i32
        %parallel_loop3A_1003 = arith.addi %parallel_loop3A_1001, %parallel_loop3A_1002 : i32
        %parallel_loop3A_1004 = arith.constant 16 : i32
        %parallel_loop3A_1005 = arith.muli %parallel_loop3A_1003, %parallel_loop3A_1004 : i32
        %parallel_loop3A_1006 = arith.index_cast %parallel_loop3A_1005 : i32 to index
        %parallel_loop3A_1007 = tpu.vector_load %arg6[%parallel_loop3A_1006] {strides = array<i32>} : memref<16384xf32, #tpu.memory_space<vmem>>, vector<16xf32>,
        tpu.vector_store_idx %arg9[%parallel_loop3A_999], %parallel_loop3A_1007 {add = true} : memref<20480xf32, #tpu.memory_space<vmem>>[vector<16xi32>], vector<16xf32>,
      } {sc.loop_unroll_factor = 1 : i64, sc.parallel_access}
      %barrier3A_806 = arith.constant 0 : index
      tpu.barrier barrier_id(%barrier3A_806)
      %scan3A_807 = arith.constant 0 : i32
      scf.yield %scan3A_807 : i32
    }
    %scan3A_18 = arith.constant 8 : i32
    %mul3A_19 = arith.constant 16 : i32
    %mul3A_20 = arith.muli %arg0, %mul3A_19 : i32
    %add3A_21 = arith.addi %mul3A_20, %arg1 : i32
    %mul3A_22 = arith.constant 20480 : i32
    %mul3A_23 = arith.muli %add3A_21, %mul3A_22 : i32
    "tpu.region"() ({
      %run_scoped3A = tpu.sem_alloc : memref<!tpu.dma_semaphore, #tpu.memory_space<semaphore_mem>>
      %dma_start3A_26 = tpu.memref_slice %arg4[%mul3A_23] : memref<655360xf32, #tpu.memory_space<hbm>> -> memref<20480xf32, #tpu.memory_space<hbm>>
      %dma_start3A_27 = tpu.memref_slice %arg4[%mul3A_23] : memref<655360xf32, #tpu.memory_space<hbm>> -> memref<20480xf32, #tpu.memory_space<hbm>>
      tpu.enqueue_dma source(%arg9 : memref<20480xf32, #tpu.memory_space<vmem>>) target(%dma_start3A_27 : memref<20480xf32, #tpu.memory_space<hbm>>) target_semaphore(%run_scoped3A : memref<!tpu.dma_semaphore, #tpu.memory_space<semaphore_mem>>)
      %dma_wait3A = tpu.memref_slice %arg4[%mul3A_23] : memref<655360xf32, #tpu.memory_space<hbm>> -> memref<20480xf32, #tpu.memory_space<hbm>>
      %dma_wait3A_28 = tpu.memref_slice %arg4[%mul3A_23] : memref<655360xf32, #tpu.memory_space<hbm>> -> memref<20480xf32, #tpu.memory_space<hbm>>
      tpu.wait_dma2 semaphore(%run_scoped3A : memref<!tpu.dma_semaphore, #tpu.memory_space<semaphore_mem>>) src(%arg9 : memref<20480xf32, #tpu.memory_space<vmem>>) dst(%dma_wait3A_28 : memref<20480xf32, #tpu.memory_space<hbm>>)
      tpu.yield
    }) : () -> ()
    %eq3A = arith.constant 0 : i32
    %eq3A_24 = arith.cmpi eq, %arg1, %eq3A : i32
    %convert_element_type3A = arith.extui %eq3A_24 : i1 to i32
    %cond3A = arith.constant 0 : i32
    %cond3A_25 = arith.cmpi ne, %convert_element_type3A, %cond3A : i32
    scf.if %cond3A_25 {
      %mul3A_26 = arith.constant 20480 : i32
      %mul3A_27 = arith.muli %arg0, %mul3A_26 : i32
      "tpu.region"() ({
        %run_scoped3A = tpu.sem_alloc : memref<!tpu.dma_semaphore, #tpu.memory_space<semaphore_mem>>
        %dma_start3A_28 = tpu.memref_slice %arg5[%mul3A_27] : memref<40960xf32, #tpu.memory_space<hbm>> -> memref<20480xf32, #tpu.memory_space<hbm>>
        %dma_start3A_29 = tpu.memref_slice %arg5[%mul3A_27] : memref<40960xf32, #tpu.memory_space<hbm>> -> memref<20480xf32, #tpu.memory_space<hbm>>
        tpu.enqueue_dma source(%arg10 : memref<20480xf32, #tpu.memory_space<vmem>>) target(%dma_start3A_29 : memref<20480xf32, #tpu.memory_space<hbm>>) target_semaphore(%run_scoped3A : memref<!tpu.dma_semaphore, #tpu.memory_space<semaphore_mem>>)
        %dma_wait3A = tpu.memref_slice %arg5[%mul3A_27] : memref<40960xf32, #tpu.memory_space<hbm>> -> memref<20480xf32, #tpu.memory_space<hbm>>
        %dma_wait3A_30 = tpu.memref_slice %arg5[%mul3A_27] : memref<40960xf32, #tpu.memory_space<hbm>> -> memref<20480xf32, #tpu.memory_space<hbm>>
        tpu.wait_dma2 semaphore(%run_scoped3A : memref<!tpu.dma_semaphore, #tpu.memory_space<semaphore_mem>>) src(%arg10 : memref<20480xf32, #tpu.memory_space<vmem>>) dst(%dma_wait3A_30 : memref<20480xf32, #tpu.memory_space<hbm>>)
        tpu.yield
      }) : () -> ()
    } else {
    }
    return
  }
}

module attributes {stable_mosaic.version = 14 : i64} {
  func.func @_dense_kernel(%arg0: memref<2x1280x256xf32, #tpu.memory_space<vmem>>, %arg1: memref<2x1280x16xf32, #tpu.memory_space<vmem>>, %arg2: memref<1280x256xf32, #tpu.memory_space<vmem>>, %arg3: memref<1280x256xf32, #tpu.memory_space<vmem>>, %arg4: memref<1x1xf32, #tpu.memory_space<smem>>) attributes {dimension_semantics = [], scalar_prefetch = 0 : i64, scratch_operands = 0 : i64, tpu.core_type = #tpu.core_type<tc>} {
    %get3A = arith.constant 0 : index
    %get3A_0 = arith.constant 0 : index
    %get3A_1 = arith.constant 0 : index
    %get3A_2 = vector.load %arg0[%get3A, %get3A_0, %get3A_1] : memref<2x1280x256xf32, #tpu.memory_space<vmem>>, vector<1x1280x256xf32>
    %get3A_3 = vector.shape_cast %get3A_2 : vector<1x1280x256xf32> to vector<1280x256xf32>
    %get3A_4 = arith.constant 1 : index
    %get3A_5 = arith.constant 0 : index
    %get3A_6 = arith.constant 0 : index
    %get3A_7 = vector.load %arg0[%get3A_4, %get3A_5, %get3A_6] : memref<2x1280x256xf32, #tpu.memory_space<vmem>>, vector<1x1280x256xf32>
    %get3A_8 = vector.shape_cast %get3A_7 : vector<1x1280x256xf32> to vector<1280x256xf32>
    %add3A = arith.addf %get3A_3, %get3A_8 : vector<1280x256xf32>
    %get3A_9 = arith.constant 0 : index
    %get3A_10 = arith.constant 0 : index
    %get3A_11 = arith.constant 0 : index
    %get3A_12 = vector.load %arg1[%get3A_9, %get3A_10, %get3A_11] : memref<2x1280x16xf32, #tpu.memory_space<vmem>>, vector<1x1280x16xf32>
    %get3A_13 = vector.shape_cast %get3A_12 : vector<1x1280x16xf32> to vector<1280x16xf32>
    %get3A_14 = arith.constant 1 : index
    %get3A_15 = arith.constant 0 : index
    %get3A_16 = arith.constant 0 : index
    %get3A_17 = vector.load %arg1[%get3A_14, %get3A_15, %get3A_16] : memref<2x1280x16xf32, #tpu.memory_space<vmem>>, vector<1x1280x16xf32>
    %get3A_18 = vector.shape_cast %get3A_17 : vector<1x1280x16xf32> to vector<1280x16xf32>
    %add3A_19 = arith.addf %get3A_13, %get3A_18 : vector<1280x16xf32>
    %reduce_sum3A = arith.constant dense<0.000000e+00> : vector<1280xf32>
    %reduce_sum3A_20 = vector.multi_reduction <add>, %add3A_19, %reduce_sum3A [1] : vector<1280x16xf32> to vector<1280xf32>
    %broadcast_in_dim3A = vector.shape_cast %reduce_sum3A_20 : vector<1280xf32> to vector<1280x1xf32>
    %gt3A = arith.constant 0.000000e+00 : f32
    %gt3A_21 = vector.broadcast %gt3A : f32 to vector<1280x1xf32>
    %gt3A_22 = arith.cmpf ogt, %broadcast_in_dim3A, %gt3A_21 : vector<1280x1xf32>
    %max3A = arith.constant 1.000000e+00 : f32
    %max3A_23 = vector.broadcast %max3A : f32 to vector<1280x1xf32>
    %max3A_24 = arith.maximumf %broadcast_in_dim3A, %max3A_23 : vector<1280x1xf32>
    %div3A = vector.broadcast %max3A_24 : vector<1280x1xf32> to vector<1280x256xf32>
    %div3A_25 = arith.divf %add3A, %div3A : vector<1280x256xf32>
    %get3A_26 = arith.constant 0 : index
    %get3A_27 = arith.constant 0 : index
    %get3A_28 = vector.load %arg3[%get3A_26, %get3A_27] : memref<1280x256xf32, #tpu.memory_space<vmem>>, vector<1280x256xf32>
    %broadcast_in_dim3A_29 = vector.shape_cast %gt3A_22 : vector<1280x1xi1> to vector<1280x1xi1>
    %broadcast_in_dim3A_30 = vector.broadcast %broadcast_in_dim3A_29 : vector<1280x1xi1> to vector<1280x256xi1>
    %select_n3A = arith.select %broadcast_in_dim3A_30, %div3A_25, %get3A_28 : vector<1280x256xi1>, vector<1280x256xf32>
    %get3A_31 = arith.constant 0 : index
    %get3A_32 = arith.constant 0 : index
    %get3A_33 = vector.load %arg2[%get3A_31, %get3A_32] : memref<1280x256xf32, #tpu.memory_space<vmem>>, vector<1280x256xf32>
    %mul3A = arith.mulf %get3A_33, %get3A_33 : vector<1280x256xf32>
    %reduce_sum3A_34 = arith.constant dense<0.000000e+00> : vector<1280xf32>
    %reduce_sum3A_35 = vector.multi_reduction <add>, %mul3A, %reduce_sum3A_34 [1] : vector<1280x256xf32> to vector<1280xf32>
    %broadcast_in_dim3A_36 = vector.shape_cast %reduce_sum3A_35 : vector<1280xf32> to vector<1280x1xf32>
    %max3A_37 = arith.constant 1.000000e-30 : f32
    %max3A_38 = vector.broadcast %max3A_37 : f32 to vector<1280x1xf32>
    %max3A_39 = arith.maximumf %broadcast_in_dim3A_36, %max3A_38 : vector<1280x1xf32>
    %rsqrt3A = math.rsqrt %max3A_39 : vector<1280x1xf32>
    %mul3A_40 = vector.broadcast %rsqrt3A : vector<1280x1xf32> to vector<1280x256xf32>
    %mul3A_41 = arith.mulf %get3A_33, %mul3A_40 : vector<1280x256xf32>
    %mul3A_42 = arith.mulf %select_n3A, %select_n3A : vector<1280x256xf32>
    %reduce_sum3A_43 = arith.constant dense<0.000000e+00> : vector<1280xf32>
    %reduce_sum3A_44 = vector.multi_reduction <add>, %mul3A_42, %reduce_sum3A_43 [1] : vector<1280x256xf32> to vector<1280xf32>
    %broadcast_in_dim3A_45 = vector.shape_cast %reduce_sum3A_44 : vector<1280xf32> to vector<1280x1xf32>
    %max3A_46 = arith.constant 1.000000e-30 : f32
    %max3A_47 = vector.broadcast %max3A_46 : f32 to vector<1280x1xf32>
    %max3A_48 = arith.maximumf %broadcast_in_dim3A_45, %max3A_47 : vector<1280x1xf32>
    %rsqrt3A_49 = math.rsqrt %max3A_48 : vector<1280x1xf32>
    %mul3A_50 = vector.broadcast %rsqrt3A_49 : vector<1280x1xf32> to vector<1280x256xf32>
    %mul3A_51 = arith.mulf %select_n3A, %mul3A_50 : vector<1280x256xf32>
    %dot_general3A = arith.constant dense<0.000000e+00> : vector<1280x1280xf32>
    %dot_general3A_52 = tpu.matmul %mul3A_41, %mul3A_51, %dot_general3A {dimension_numbers = #tpu.dot_dimension_numbers<[1], [1], [0], [0], [0, 0, 1, 0], [], []>, precision = #tpu.contract_precision<fp32>, transpose_lhs_hint = false} : vector<1280x256xf32>, vector<1280x256xf32>, vector<1280x1280xf32> -> vector<1280x1280xf32>
    %mul3A_53 = arith.constant 14.2857141 : f32
    %mul3A_54 = vector.broadcast %mul3A_53 : f32 to vector<1280x1280xf32>
    %mul3A_55 = arith.mulf %dot_general3A_52, %mul3A_54 : vector<1280x1280xf32>
    %iota3A = tpu.iota {dimensions = array<i32: 1>} : vector<1x1280xi32>
    %lt3A = arith.constant 1203 : i32
    %lt3A_56 = vector.broadcast %lt3A : i32 to vector<1x1280xi32>
    %lt3A_57 = arith.cmpi slt, %iota3A, %lt3A_56 : vector<1x1280xi32>
    %jit3A = arith.constant 0.000000e+00 : f32
    %jit3A_58 = arith.constant -1.000000e+30 : f32
    %broadcast_in_dim3A_59 = vector.broadcast %jit3A : f32 to vector<1x1280xf32>
    %broadcast_in_dim3A_60 = vector.broadcast %jit3A_58 : f32 to vector<1x1280xf32>
    %select_n3A_61 = arith.select %lt3A_57, %broadcast_in_dim3A_59, %broadcast_in_dim3A_60 : vector<1x1280xi1>, vector<1x1280xf32>
    %add3A_62 = vector.broadcast %select_n3A_61 : vector<1x1280xf32> to vector<1280x1280xf32>
    %add3A_63 = arith.addf %mul3A_55, %add3A_62 : vector<1280x1280xf32>
    %reduce_max3A = arith.constant dense<0xFF800000> : vector<1280xf32>
    %reduce_max3A_64 = vector.multi_reduction <maximumf>, %add3A_63, %reduce_max3A [1] : vector<1280x1280xf32> to vector<1280xf32>
    %broadcast_in_dim3A_65 = vector.shape_cast %reduce_max3A_64 : vector<1280xf32> to vector<1280x1xf32>
    %sub3A = vector.broadcast %broadcast_in_dim3A_65 : vector<1280x1xf32> to vector<1280x1280xf32>
    %sub3A_66 = arith.subf %add3A_63, %sub3A : vector<1280x1280xf32>
    %exp3A = math.exp %sub3A_66 : vector<1280x1280xf32>
    %reduce_sum3A_67 = arith.constant dense<0.000000e+00> : vector<1280xf32>
    %reduce_sum3A_68 = vector.multi_reduction <add>, %exp3A, %reduce_sum3A_67 [1] : vector<1280x1280xf32> to vector<1280xf32>
    %broadcast_in_dim3A_69 = vector.shape_cast %reduce_sum3A_68 : vector<1280xf32> to vector<1280x1xf32>
    %log3A = math.log %broadcast_in_dim3A_69 : vector<1280x1xf32>
    %add3A_70 = arith.addf %log3A, %broadcast_in_dim3A_65 : vector<1280x1xf32>
    %mul3A_71 = arith.mulf %mul3A_41, %mul3A_51 : vector<1280x256xf32>
    %reduce_sum3A_72 = arith.constant dense<0.000000e+00> : vector<1280xf32>
    %reduce_sum3A_73 = vector.multi_reduction <add>, %mul3A_71, %reduce_sum3A_72 [1] : vector<1280x256xf32> to vector<1280xf32>
    %broadcast_in_dim3A_74 = vector.shape_cast %reduce_sum3A_73 : vector<1280xf32> to vector<1280x1xf32>
    %mul3A_75 = arith.constant 14.2857141 : f32
    %mul3A_76 = vector.broadcast %mul3A_75 : f32 to vector<1280x1xf32>
    %mul3A_77 = arith.mulf %broadcast_in_dim3A_74, %mul3A_76 : vector<1280x1xf32>
    %sub3A_78 = arith.subf %add3A_70, %mul3A_77 : vector<1280x1xf32>
    %jit3A_79 = arith.constant 0.000000e+00 : f32
    %broadcast_in_dim3A_80 = vector.broadcast %jit3A_79 : f32 to vector<1280x1xf32>
    %select_n3A_81 = arith.select %gt3A_22, %sub3A_78, %broadcast_in_dim3A_80 : vector<1280x1xi1>, vector<1280x1xf32>
    %reduce_sum3A_82 = vector.shape_cast %select_n3A_81 : vector<1280x1xf32> to vector<1x1280x1xf32>
    %reduce_sum3A_83 = arith.constant dense<0.000000e+00> : vector<1xf32>
    %reduce_sum3A_84 = vector.multi_reduction <add>, %reduce_sum3A_82, %reduce_sum3A_83 [1, 2] : vector<1x1280x1xf32> to vector<1xf32>
    %reduce_sum3A_85 = vector.shape_cast %reduce_sum3A_84 : vector<1xf32> to vector<1x1x1xf32>
    %reduce_sum3A_86 = vector.extract %reduce_sum3A_85[0, 0, 0] : f32 from vector<1x1x1xf32>
    %jit3A_87 = arith.constant 1.000000e+00 : f32
    %jit3A_88 = arith.constant 0.000000e+00 : f32
    %broadcast_in_dim3A_89 = vector.broadcast %jit3A_87 : f32 to vector<1280x1xf32>
    %broadcast_in_dim3A_90 = vector.broadcast %jit3A_88 : f32 to vector<1280x1xf32>
    %select_n3A_91 = arith.select %gt3A_22, %broadcast_in_dim3A_89, %broadcast_in_dim3A_90 : vector<1280x1xi1>, vector<1280x1xf32>
    %reduce_sum3A_92 = vector.shape_cast %select_n3A_91 : vector<1280x1xf32> to vector<1x1280x1xf32>
    %reduce_sum3A_93 = arith.constant dense<0.000000e+00> : vector<1xf32>
    %reduce_sum3A_94 = vector.multi_reduction <add>, %reduce_sum3A_92, %reduce_sum3A_93 [1, 2] : vector<1x1280x1xf32> to vector<1xf32>
    %reduce_sum3A_95 = vector.shape_cast %reduce_sum3A_94 : vector<1xf32> to vector<1x1x1xf32>
    %reduce_sum3A_96 = vector.extract %reduce_sum3A_95[0, 0, 0] : f32 from vector<1x1x1xf32>
    %max3A_97 = arith.constant 1.000000e+00 : f32
    %max3A_98 = arith.maximumf %reduce_sum3A_96, %max3A_97 : f32
    %div3A_99 = arith.divf %reduce_sum3A_86, %max3A_98 : f32
    %swap3A = arith.constant 0 : index
    %swap3A_100 = arith.constant 0 : index
    %swap3A_101 = memref.load %arg4[%swap3A, %swap3A_100] : memref<1x1xf32, #tpu.memory_space<smem>>
    memref.store %div3A_99, %arg4[%swap3A, %swap3A_100] : memref<1x1xf32, #tpu.memory_space<smem>>
    return
  }
}

</mosaic_0001>

<sc_bundles>
// kernel: kernel.4.cloned.1.call-start
scs
__scs_entry_jumppad:
0x0: {  	(pc) =	sbr.rel $0x88, $3  }
0x1: {  	(tag) =	ssettag $0x0;
	lr =	simm.s32 $0x1  }
0x2: {  	[smem:$0x3F9D] =	sst lr;
	_ =	strace $0xD0000000  }
0x3: {  	_ = 	snop  }
0x4: {  	_ = 	snop  }
0x5: {  	_ = 	snop  }
0x6: {  	_ = 	snop  }
0x7: {  	_ = 	snop  }
__scs_overlays_trampoline_lowered:
0x8: {  	[smem:$0x3FAC] =	sst s0  }
0x9: {  	[smem:$0x3FAD] =	sst s1  }
0xa: {  	[smem:$0x3FAE] =	sst s2  }
0xb: {  	[smem:$0x3FAF] =	sst s3  }
0xc: {  	[smem:$0x3FB0] =	sst s4  }
0xd: {  	[smem:$0x3FB1] =	sst s5  }
0xe: {  	[smem:$0x3FB2] =	sst s6  }
0xf: {  	[smem:$0x3FB3] =	sst s7  }
0x10: {  	[smem:$0x3FB4] =	sst s8  }
0x11: {  	[smem:$0x3FB5] =	sst s9;
	s0 =	simm.s32 @!p0 $0x0  }
0x12: {  	s1 =	sld [smem:$0x3F9B];
	s0 =	simm.s32 @p0 $0x1  }
0x13: {  	[smem:$0x3FB6] =	sst s0;
	s0 =	simm.s32 @!p1 $0x0  }
0x14: {  	s2 =	sld [smem:$0x3F9A];
	s0 =	simm.s32 @p1 $0x1  }
0x15: {  	[smem:$0x3FB7] =	sst s0;
	s0 =	simm.s32 @!p2 $0x0  }
0x16: {  	s3 =	sld [smem:$0x3FDB];
	s0 =	simm.s32 @p2 $0x1  }
0x17: {  	s4 =	simm.s32 $0x1BF5;
	[smem:$0x3FB9] =	sst s0  }
0x18: {  	s0 =	sld [smem:$0x3F9C];
	_ =	swait.ge [sflag:s4], $0x0  }
0x19: {  	s7 =	sld [smem:$0x3F9D]  }
0x1a: {  	s8 =	sadd.s32 $0xFFFFE003, lr  }
0x1b: {  	s9 =	sadd.s32 $0xFFFFFEF7, lr;
	s5 =	simm.s32 $0xFFFFFFFF;
	p2 =	slt.u32 s8, $0xFFFFF086  }
0x1c: {  	p1 =	slt.u32 s9, $0xF7A;
	s5 =	simm.s32 @!p2 $0x0  }
0x1d: {  	s5 =	simm.s32 @p1 $0x1;
	p0 =	seq.s32 s7, s2  }
0x1e: {  	s7 =	smul.u32 @!p0 $0xF7A, s2;
	p2 =	seq.s32 @!p0 s5, $0x0  }
0x1f: {  	s9 =	smul.u32 $0xF7A, s1;
	s8 =	simm.s32 @!p0 $0x1BF5;
	p2 =	por !p2, p0  }
0x20: {  	[sflag:s8] =	ssyncset.s32 @!p0 $0xFFFFF086;
	s6 =	sadd.s32 @!p0 s3, s7;
	s7 =	simm.s32 @!p0 $0x108  }
0x21: {  	s3 =	sadd.s32 s3, s9;
	s6 =	sadd.s32 @!p0 $0x88, s6;
	s7 =	simm.s32 @p2 $0x1082  }
0x22: {  	[simem:s7], [sflag:s8] =	dma.local @!p0 [hbm:s6], $0xF7A  }
0x23: {  	s9 =	sor.u32 $0xD0000000, s2;
	s6 =	simm.s32 $0x108;
	_ =	swait.ge @!p0 [sflag:s8], $0x0  }
0x24: {  	s3 =	sadd.s32 $0x88, s3;
	s6 =	simm.s32 @!p1 $0x1082;
	[sflag:s4] =	ssyncset.s32 $0xFFFFF086  }
0x25: {  	[simem:s6], [sflag:s4] =	dma.local [hbm:s3], $0xF7A  }
0x26: {  	[smem:$0x3F9D] =	sst s1;
	(tag) =	ssettag s2;
	_ =	strace s9  }
0x27: {  	s1 =	sld [smem:$0x3FAD]  }
0x28: {  	s2 =	sld [smem:$0x3FAE]  }
0x29: {  	s4 =	sld [smem:$0x3FB0]  }
0x2a: {  	p0 =	seq.s32 s5, $0x0;
	s5 =	sld [smem:$0x3FB1]  }
0x2b: {  	s6 =	sld [smem:$0x3FB2]  }
0x2c: {  	s7 =	sld [smem:$0x3FB3]  }
0x2d: {  	s3 =	simm.s32 $0x108;
	s8 =	sld [smem:$0x3FB4]  }
0x2e: {  	s3 =	simm.s32 @!p0 $0x1082;
	s9 =	sld [smem:$0x3FB5]  }
0x2f: {  	lr =	sadd.s32 s0, s3;
	s0 =	sld [smem:$0x3FAC]  }
0x30: {  	s3 =	sld [smem:$0x3FAF]  }
0x31: {  	[smem:$0x3FB8] =	sst s10  }
0x32: {  	s10 =	sld [smem:$0x3FB6];
	_ =	sdelay $0x3  }
0x33: {  	p0 =	seq.s32 s10, $0x1;
	s10 =	sld [smem:$0x3FB8];
	_ =	sdelay $0x3  }
0x34: {  	[smem:$0x3FB8] =	sst s10  }
0x35: {  	s10 =	sld [smem:$0x3FB7];
	_ =	sdelay $0x3  }
0x36: {  	p1 =	seq.s32 s10, $0x1;
	s10 =	sld [smem:$0x3FB8];
	_ =	sdelay $0x3  }
0x37: {  	[smem:$0x3FB8] =	sst s10  }
0x38: {  	s10 =	sld [smem:$0x3FB9]  }
0x39: {  	_ = 	snop;
	(pc) =	sbr.ind lr, $3  }
0x3a: {  	_ = 	snop  }
0x3b: {  	_ = 	snop  }
0x3c: {  	p2 =	seq.s32 s10, $0x1;
	s10 =	sld [smem:$0x3FB8]  }
0x3d: {  	_ =	shalt  }
0x3e: {  	_ =	shalt  }
0x3f: {  	_ =	shalt  }
0x40: {  	_ =	shalt  }
0x41: {  	_ =	shalt  }
0x42: {  	_ =	shalt  }
0x43: {  	_ =	shalt  }
0x44: {  	_ =	shalt  }
0x45: {  	_ =	shalt  }
0x46: {  	_ =	shalt  }
0x47: {  	_ =	shalt  }
0x48: {  	_ =	shalt  }
0x49: {  	_ =	shalt  }
0x4a: {  	_ =	shalt  }
0x4b: {  	_ =	shalt  }
0x4c: {  	_ =	shalt  }
0x4d: {  	_ =	shalt  }
0x4e: {  	_ =	shalt  }
0x4f: {  	_ =	shalt  }
0x50: {  	_ =	shalt  }
0x51: {  	_ =	shalt  }
0x52: {  	_ =	shalt  }
0x53: {  	_ =	shalt  }
0x54: {  	_ =	shalt  }
0x55: {  	_ =	shalt  }
0x56: {  	_ =	shalt  }
0x57: {  	_ =	shalt  }
0x58: {  	_ =	shalt  }
0x59: {  	_ =	shalt  }
0x5a: {  	_ =	shalt  }
0x5b: {  	_ =	shalt  }
0x5c: {  	_ =	shalt  }
0x5d: {  	_ =	shalt  }
0x5e: {  	_ =	shalt  }
0x5f: {  	_ =	shalt  }
0x60: {  	_ =	shalt  }
0x61: {  	_ =	shalt  }
0x62: {  	_ =	shalt  }
0x63: {  	_ =	shalt  }
0x64: {  	_ =	shalt  }
0x65: {  	_ =	shalt  }
0x66: {  	_ =	shalt  }
0x67: {  	_ =	shalt  }
0x68: {  	_ =	shalt  }
0x69: {  	_ =	shalt  }
0x6a: {  	_ =	shalt  }
0x6b: {  	_ =	shalt  }
0x6c: {  	_ =	shalt  }
0x6d: {  	_ =	shalt  }
0x6e: {  	_ =	shalt  }
0x6f: {  	_ =	shalt  }
0x70: {  	_ =	shalt  }
0x71: {  	_ =	shalt  }
0x72: {  	_ =	shalt  }
0x73: {  	_ =	shalt  }
0x74: {  	_ =	shalt  }
0x75: {  	_ =	shalt  }
0x76: {  	_ =	shalt  }
0x77: {  	_ =	shalt  }
0x78: {  	_ =	shalt  }
0x79: {  	_ =	shalt  }
0x7a: {  	_ =	shalt  }
0x7b: {  	_ =	shalt  }
0x7c: {  	_ =	shalt  }
0x7d: {  	_ =	shalt  }
0x7e: {  	_ =	shalt  }
0x7f: {  	_ =	shalt  }
0x80: {  	_ =	shalt  }
0x81: {  	_ =	shalt  }
0x82: {  	_ =	shalt  }
0x83: {  	_ =	shalt  }
0x84: {  	_ =	shalt  }
0x85: {  	_ =	shalt  }
0x86: {  	_ =	shalt  }
0x87: {  	_ =	shalt  }
.Lfunc_end0:
.L_simem_size_0:
called_computation_lowered:
.L_overlay_start_0:
0x88: {  	s2 =	sld [smem:$0x3FD9]  }
0x89: {  	s3 =	sld [smem:$0x3FFE];
	_ =	sdelay $0x1  }
0x8a: {  	s1 =	srdreg.scid  }
0x8b: {  	s0 =	sand.u32 $0x1, s1  }
0x8c: {  	s17 =	sshll.u32 s0, $0xA;
	s2 =	sadd.s32 s3, s2  }
0x8d: {  	s2 =	sadd.s32 s2, s17  }
0x8e: {  	[smem:$0x3FC4] =	sst s2  }
0x8f: {  	_ = 	snop  }
0x90: {  	s2 =	sld [smem:$0x3FC9]  }
0x91: {  	s18 =	sld [smem:$0x3FC8];
	(tm) =	ssettm $0x1  }
0x92: {  	s4 =	sld [smem:$0x3FFB];
	_ =	sdelay $0x3  }
0x93: {  	_ =	strace s4  }
0x94: {  	s4 =	sld [smem:$0x3FFC];
	_ =	sdelay $0x3  }
0x95: {  	_ =	strace s4  }
0x96: {  	s4 =	sld [smem:$0x3FFD];
	_ =	sdelay $0x3  }
0x97: {  	_ =	strace s4  }
0x98: {  	_ =	strace $0x8FFFFFFF  }
0x99: {  	s19 =	sld [smem:$0x3FDB];
	_ =	sdelay $0x1  }
0x9a: {  	s5 =	simm.s32 $_scs_section_size  }
0x9b: {  	s6 =	simm.s32 $_size__tile_overlayer_lowered;
	s7 =	simm.s32 $_tile_overlayer_lowered  }
0x9c: {  	s22 =	simm.s32 $0x1BFF;
	s21 =	sshll.u32 s7, $0x1;
	s4 =	sadd.s32 s5, s19  }
0x9d: {  	s8 =	simm.s32 $0x0;
	s20 =	sshll.u32 s6, $0x1;
	s6 =	sadd.s32 s21, s4  }
0x9e: {  	[timem:s8], [sflag:s22] =	dma.local [hbm:s6], s20  }
0x9f: {  	_ =	swait.ge [sflag:s22], s20  }
0xa0: {  	s5 =	ssub.s32 $0x0, s20;
	[sflag:s22] =	ssyncset.done $0x0  }
0xa1: {  	[sflag:s22] =	ssyncadd.s32 s5;
	_ =	sdelay $0x1  }
0xa2: {  	s23 =	simm.s32 $0x1B8B  }
0xa3: {  	_ =	swait.ge [sflag:s23], $0x1  }
0xa4: {  	[sflag:s23] =	ssyncset.done $0x0  }
0xa5: {  	s25 =	simm.s32 $0x1B8E;
	s24 =	sld [smem:$0x3FFE];
	[sflag:s23] =	ssyncadd.s32 $0xFFFFFFFF  }
0xa6: {  	s26 =	simm.s32 $execute0_lowered;
	[smem:$0x3FD2] =	sst s25  }
0xa7: {  	s6 =	sshll.u32 s26, $0x1;
	_ =	strace $0x80000046;
	[dreg:$0x1] =	wrdreg $0xFFFFFFFF  }
0xa8: {  	s28 =	simm.s32 $_size_execute0_lowered;
	s4 =	sadd.s32 s4, s6;
	[dreg:$0x0] =	wrdreg $0x0  }
0xa9: {  	s6 =	sshll.u32 s28, $0x1;
	[dreg:$0x2] =	wrdreg s4  }
0xaa: {  	[dreg:$0x3] =	wrdreg s6  }
0xab: {  	[dreg:$0x4] =	wrdreg $0xC0  }
0xac: {  	_ =	task [dreg:s8], $0x5FFFF  }
0xad: {  	[dreg:$0x1] =	wrdreg $0xFFFFFFFF  }
0xae: {  	[dreg:$0x0] =	wrdreg $0x60  }
0xaf: {  	[dreg:$0x2] =	wrdreg s2  }
0xb0: {  	[dreg:$0x3] =	wrdreg s18  }
0xb1: {  	[dreg:$0x4] =	wrdreg s24  }
0xb2: {  	[dreg:$0x5] =	wrdreg $0x1A8000  }
0xb3: {  	[dreg:$0x6] =	wrdreg $0x9  }
0xb4: {  	_ =	task.clear_ibuf [dreg:s8], $0x7FFFF;
	_ =	strace $0x90000046  }
0xb5: {  	s29 =	simm.s32 $0x9;
	_ =	strace $0x80000048  }
0xb6: {  	_ =	swait.ge [sflag:s29], $0x1  }
0xb7: {  	[sflag:s29] =	ssyncadd.s32 $0xFFFFFFFF  }
0xb8: {  	_ =	strace $0x90000048  }
0xb9: {  	_ =	sfence  }
0xba: {  	s30 =	sld [smem:$0x0];
	_ =	sdelay $0x2  }
0xbb: {  	s31 =	sshll.u32 s1, $0xD;
	s1 =	sshrl.u32 s1, $0x2  }
0xbc: {  	s3 =	sand.u32 $0x4000, s31;
	s1 =	sadd.s32 s1, s30  }
0xbd: {  	s0 =	sor.u32 s3, s0;
	s1 =	sshll.u32 s1, $0x11  }
0xbe: {  	s0 =	sor.u32 s1, s0  }
0xbf: {  	s0 =	sadd.s32 $0x8F2B, s0  }
0xc0: {  	[sflag:s0] =	ssyncadd.remote.s32 $0x1  }
0xc1: {  	_ =	sfence.sel $0xFFFF  }
0xc2: {  	[dreg:$0x0] =	wrdreg $0xFFFFFFFF;
	(pc) =	sbr.abs _section_cstart, $3  }
0xc3: {  	[dreg:$0x1] =	wrdreg $0xFFFFFFFF  }
0xc4: {  	_ =	task.clear_ibuf [dreg:s8], $0x2FFFF;
	_ =	strace $0x9FFFFFFF  }
0xc5: {  	(tm) =	ssettm $0x7FFFFFFF  }
tec
execute0_lowered:
.L_overlay_start_1:
0x0: {  	(tag) =	ssettag $0x1  }
0x1: {  	s9 =	rddreg [dreg:$0x0]  }
0x2: {  	s10 =	rddreg [dreg:$0x1]  }
0x3: {  	s1 =	rddreg [dreg:$0x2]  }
0x4: {  	s0 =	srdreg.scid;
	s2 =	rddreg [dreg:$0x3];
	s5 =	simm.s32 $0x0  }
0x5: {  	s3 =	stileid.u32;
	s0 =	sand.u32 $0x1, s0;
	[smem:$0x7FF] =	sst s5  }
0x6: {  	s11 =	sshll.u32 s3, $0x6;
	s25 =	sshll.u32 s3, $0xE;
	s4 =	sshll.u32 s0, $0x4  }
0x7: {  	_ =	strace $0x80000047;
	s30 =	smul.u32 $0xA00, s0;
	s6 =	ssub.s32 $0x2, s0  }
0x8: {  	s8 =	sshll.u32 s0, $0xE;
	[dreg:$0x13] =	wrdreg s11;
	s0 =	sshll.u32 s0, $0xB  }
0x9: {  	s7 =	sshrl.u32 s6, $0x1;
	s11 =	sor.u32 s11, s8;
	s0 =	sadd.s32 s10, s0  }
0xa: {  	s28 =	sor.u32 $0x800, s8;
	s31 =	ssub.s32 s6, s7;
	[dreg:$0x14] =	wrdreg s0  }
0xb: {  	s6 =	sshll.u32 s11, $0x5;
	s0 =	sadd.s32 s25, s2;
	[smem:$0x786] =	sst s28  }
0xc: {  	s13 =	sadd.s32 s9, s6;
	[smem:$0x784] =	sst s0  }
0xd: {  	s12 =	sshll.u32 s3, $0xA;
	s31 =	smax.u32 s31, $0x1;
	[dreg:$0x15] =	wrdreg s13  }
0xe: {  	s6 =	sadd.s32 s12, s2;
	[smem:$0x789] =	sst s31  }
0xf: {  	s14 =	sadd.s32 $0x4000, s6;
	[dreg:$0x16] =	wrdreg s6  }
0x10: {  	s15 =	sadd.s32 $0x8000, s6;
	[dreg:$0x17] =	wrdreg s14  }
0x11: {  	s16 =	sadd.s32 $0xC000, s6;
	[dreg:$0x18] =	wrdreg s15  }
0x12: {  	s17 =	sadd.s32 $0x10000, s6;
	[dreg:$0x19] =	wrdreg s16  }
0x13: {  	s18 =	sadd.s32 $0x14000, s6;
	[dreg:$0x1a] =	wrdreg s17  }
0x14: {  	s19 =	sadd.s32 $0x18000, s6;
	[dreg:$0x1b] =	wrdreg s18  }
0x15: {  	s20 =	sadd.s32 $0x1C000, s6;
	[dreg:$0x1c] =	wrdreg s19  }
0x16: {  	s21 =	sadd.s32 $0x20000, s6;
	[dreg:$0x1d] =	wrdreg s20  }
0x17: {  	s22 =	sadd.s32 $0x24000, s6;
	[dreg:$0x1e] =	wrdreg s21  }
0x18: {  	s23 =	sadd.s32 $0x28000, s6;
	[dreg:$0x1f] =	wrdreg s22  }
0x19: {  	s24 =	sadd.s32 $0x2C000, s6;
	[smem:$0x782] =	sst s23  }
0x1a: {  	s26 =	sadd.s32 $0x30000, s6;
	[smem:$0x783] =	sst s24  }
0x1b: {  	p0 =	sne.s32 s3, $0x0;
	s2 =	sadd.s32 $0x34000, s6;
	[smem:$0x785] =	sst s26  }
0x1c: {  	s4 =	sor.u32 s3, s4;
	s3 =	sadd.s32 $0x38000, s6;
	[smem:$0x78B] =	sst s2  }
0x1d: {  	s5 =	sadd.s32 $0x80, s6;
	[smem:$0x78C] =	sst s3  }
0x1e: {  	s7 =	sadd.s32 $0x100, s6;
	[smem:$0x78E] =	sst s5  }
0x1f: {  	s9 =	sadd.s32 $0x200, s6;
	[smem:$0x78F] =	sst s7  }
0x20: {  	s10 =	sadd.s32 $0x280, s6;
	[smem:$0x791] =	sst s9  }
0x21: {  	s11 =	sadd.s32 $0x300, s6;
	[smem:$0x792] =	sst s10  }
0x22: {  	s12 =	sadd.s32 $0x380, s6;
	[smem:$0x793] =	sst s11  }
0x23: {  	s13 =	sadd.s32 $0x4080, s6;
	[smem:$0x794] =	sst s12  }
0x24: {  	s4 =	smul.u32 $0xA00, s4;
	s25 =	sadd.s32 $0x8300, s6;
	[smem:$0x795] =	sst s13  }
0x25: {  	s28 =	sadd.s32 $0xC080, s6;
	[smem:$0x7A1] =	sst s25  }
0x26: {  	s4 =	sadd.s32 s4, s1;
	s31 =	sadd.s32 $0xC200, s6;
	[smem:$0x7A3] =	sst s28  }
0x27: {  	s1 =	sadd.s32 s30, s1;
	s29 =	sadd.s32 $0xE00, s4;
	[smem:$0x7A6] =	sst s31  }
0x28: {  	s30 =	sadd.s32 $0x14E00, s1;
	[smem:$0x787] =	sst s29  }
0x29: {  	s1 =	sor.u32 $0x400, s8;
	[smem:$0x788] =	sst s30  }
0x2a: {  	s4 =	sadd.s32 $0x3C000, s6;
	[smem:$0x78A] =	sst s1  }
0x2b: {  	s8 =	sadd.s32 $0x180, s6;
	[smem:$0x78D] =	sst s4  }
0x2c: {  	s14 =	sadd.s32 $0x4100, s6;
	[smem:$0x790] =	sst s8  }
0x2d: {  	s15 =	sadd.s32 $0x4180, s6;
	[smem:$0x796] =	sst s14  }
0x2e: {  	s16 =	sadd.s32 $0x4200, s6;
	[smem:$0x797] =	sst s15  }
0x2f: {  	s17 =	sadd.s32 $0x4280, s6;
	[smem:$0x798] =	sst s16  }
0x30: {  	s18 =	sadd.s32 $0x4300, s6;
	[smem:$0x799] =	sst s17  }
0x31: {  	s19 =	sadd.s32 $0x4380, s6;
	[smem:$0x79A] =	sst s18  }
0x32: {  	s20 =	sadd.s32 $0x8080, s6;
	[smem:$0x79B] =	sst s19  }
0x33: {  	s21 =	sadd.s32 $0x8100, s6;
	[smem:$0x79C] =	sst s20  }
0x34: {  	s22 =	sadd.s32 $0x8180, s6;
	[smem:$0x79D] =	sst s21  }
0x35: {  	s23 =	sadd.s32 $0x8200, s6;
	[smem:$0x79E] =	sst s22  }
0x36: {  	s24 =	sadd.s32 $0x8280, s6;
	[smem:$0x79F] =	sst s23  }
0x37: {  	s26 =	sadd.s32 $0x8380, s6;
	[smem:$0x7A0] =	sst s24  }
0x38: {  	s2 =	sadd.s32 $0xC300, s6;
	[smem:$0x7A2] =	sst s26  }
0x39: {  	s3 =	sadd.s32 $0xC380, s6;
	[smem:$0x7A8] =	sst s2  }
0x3a: {  	s5 =	sadd.s32 $0x10100, s6;
	[smem:$0x7A9] =	sst s3  }
0x3b: {  	s7 =	sadd.s32 $0x10180, s6;
	[smem:$0x7AB] =	sst s5  }
0x3c: {  	s9 =	sadd.s32 $0x10280, s6;
	[smem:$0x7AC] =	sst s7  }
0x3d: {  	s10 =	sadd.s32 $0x10300, s6;
	[smem:$0x7AE] =	sst s9  }
0x3e: {  	s11 =	sadd.s32 $0x10380, s6;
	[smem:$0x7AF] =	sst s10  }
0x3f: {  	s12 =	sadd.s32 $0x14080, s6;
	[smem:$0x7B0] =	sst s11  }
0x40: {  	s13 =	sadd.s32 $0x14100, s6;
	[smem:$0x7B1] =	sst s12  }
0x41: {  	s25 =	sadd.s32 $0x18380, s6;
	[smem:$0x7B2] =	sst s13  }
0x42: {  	s28 =	sadd.s32 $0x1C100, s6;
	[smem:$0x7BE] =	sst s25  }
0x43: {  	s31 =	sadd.s32 $0x1C280, s6;
	[smem:$0x7C0] =	sst s28  }
0x44: {  	s29 =	sadd.s32 $0xC100, s6;
	[smem:$0x7C3] =	sst s31  }
0x45: {  	s30 =	sadd.s32 $0xC180, s6;
	[smem:$0x7A4] =	sst s29  }
0x46: {  	s1 =	sadd.s32 $0xC280, s6;
	[smem:$0x7A5] =	sst s30  }
0x47: {  	s4 =	sadd.s32 $0x10080, s6;
	[smem:$0x7A7] =	sst s1  }
0x48: {  	s8 =	sadd.s32 $0x10200, s6;
	[smem:$0x7AA] =	sst s4  }
0x49: {  	s14 =	sadd.s32 $0x14180, s6;
	[smem:$0x7AD] =	sst s8  }
0x4a: {  	s15 =	sadd.s32 $0x14200, s6;
	[smem:$0x7B3] =	sst s14  }
0x4b: {  	s16 =	sadd.s32 $0x14280, s6;
	[smem:$0x7B4] =	sst s15  }
0x4c: {  	s17 =	sadd.s32 $0x14300, s6;
	[smem:$0x7B5] =	sst s16  }
0x4d: {  	s18 =	sadd.s32 $0x14380, s6;
	[smem:$0x7B6] =	sst s17  }
0x4e: {  	s19 =	sadd.s32 $0x18080, s6;
	[smem:$0x7B7] =	sst s18  }
0x4f: {  	s20 =	sadd.s32 $0x18100, s6;
	[smem:$0x7B8] =	sst s19  }
0x50: {  	s21 =	sadd.s32 $0x18180, s6;
	[smem:$0x7B9] =	sst s20  }
0x51: {  	s22 =	sadd.s32 $0x18200, s6;
	[smem:$0x7BA] =	sst s21  }
0x52: {  	s23 =	sadd.s32 $0x18280, s6;
	[smem:$0x7BB] =	sst s22  }
0x53: {  	s24 =	sadd.s32 $0x18300, s6;
	[smem:$0x7BC] =	sst s23  }
0x54: {  	s26 =	sadd.s32 $0x1C080, s6;
	[smem:$0x7BD] =	sst s24  }
0x55: {  	s2 =	sadd.s32 $0x1C380, s6;
	[smem:$0x7BF] =	sst s26  }
0x56: {  	s3 =	sadd.s32 $0x20080, s6;
	[smem:$0x7C5] =	sst s2  }
0x57: {  	s5 =	sadd.s32 $0x20180, s6;
	[smem:$0x7C6] =	sst s3  }
0x58: {  	s7 =	sadd.s32 $0x20200, s6;
	[smem:$0x7C8] =	sst s5  }
0x59: {  	s9 =	sadd.s32 $0x20300, s6;
	[smem:$0x7C9] =	sst s7  }
0x5a: {  	s10 =	sadd.s32 $0x20380, s6;
	[smem:$0x7CB] =	sst s9  }
0x5b: {  	s11 =	sadd.s32 $0x24080, s6;
	[smem:$0x7CC] =	sst s10  }
0x5c: {  	s12 =	sadd.s32 $0x24100, s6;
	[smem:$0x7CD] =	sst s11  }
0x5d: {  	s13 =	sadd.s32 $0x24180, s6;
	[smem:$0x7CE] =	sst s12  }
0x5e: {  	s25 =	sadd.s32 $0x2C080, s6;
	[smem:$0x7CF] =	sst s13  }
0x5f: {  	s28 =	sadd.s32 $0x2C180, s6;
	[smem:$0x7DB] =	sst s25  }
0x60: {  	s31 =	sadd.s32 $0x2C300, s6;
	[smem:$0x7DD] =	sst s28  }
0x61: {  	s29 =	sadd.s32 $0x1C180, s6;
	[smem:$0x7E0] =	sst s31  }
0x62: {  	s30 =	sadd.s32 $0x1C200, s6;
	[smem:$0x7C1] =	sst s29  }
0x63: {  	s1 =	sadd.s32 $0x1C300, s6;
	[smem:$0x7C2] =	sst s30  }
0x64: {  	s4 =	sadd.s32 $0x20100, s6;
	[smem:$0x7C4] =	sst s1  }
0x65: {  	s8 =	sadd.s32 $0x20280, s6;
	[smem:$0x7C7] =	sst s4  }
0x66: {  	s14 =	sadd.s32 $0x24200, s6;
	[smem:$0x7CA] =	sst s8  }
0x67: {  	s15 =	sadd.s32 $0x24280, s6;
	[smem:$0x7D0] =	sst s14  }
0x68: {  	s16 =	sadd.s32 $0x24300, s6;
	[smem:$0x7D1] =	sst s15  }
0x69: {  	s17 =	sadd.s32 $0x24380, s6;
	[smem:$0x7D2] =	sst s16  }
0x6a: {  	s18 =	sadd.s32 $0x28080, s6;
	[smem:$0x7D3] =	sst s17  }
0x6b: {  	s19 =	sadd.s32 $0x28100, s6;
	[smem:$0x7D4] =	sst s18  }
0x6c: {  	s20 =	sadd.s32 $0x28180, s6;
	[smem:$0x7D5] =	sst s19  }
0x6d: {  	s21 =	sadd.s32 $0x28200, s6;
	[smem:$0x7D6] =	sst s20  }
0x6e: {  	s22 =	sadd.s32 $0x28280, s6;
	[smem:$0x7D7] =	sst s21  }
0x6f: {  	s23 =	sadd.s32 $0x28300, s6;
	[smem:$0x7D8] =	sst s22  }
0x70: {  	s24 =	sadd.s32 $0x28380, s6;
	[smem:$0x7D9] =	sst s23  }
0x71: {  	s26 =	sadd.s32 $0x2C100, s6;
	[smem:$0x7DA] =	sst s24  }
0x72: {  	s2 =	sadd.s32 $0x30080, s6;
	[smem:$0x7DC] =	sst s26  }
0x73: {  	s3 =	sadd.s32 $0x30100, s6;
	[smem:$0x7E2] =	sst s2  }
0x74: {  	s5 =	sadd.s32 $0x30200, s6;
	[smem:$0x7E3] =	sst s3  }
0x75: {  	s7 =	sadd.s32 $0x30280, s6;
	[smem:$0x7E5] =	sst s5  }
0x76: {  	s9 =	sadd.s32 $0x30380, s6;
	[smem:$0x7E6] =	sst s7  }
0x77: {  	s10 =	sadd.s32 $0x34080, s6;
	[smem:$0x7E8] =	sst s9  }
0x78: {  	s11 =	sadd.s32 $0x34100, s6;
	[smem:$0x7E9] =	sst s10  }
0x79: {  	s12 =	sadd.s32 $0x34180, s6;
	[smem:$0x7EA] =	sst s11  }
0x7a: {  	s13 =	sadd.s32 $0x34200, s6;
	[smem:$0x7EB] =	sst s12  }
0x7b: {  	s25 =	sadd.s32 $0x3C100, s6;
	[smem:$0x7EC] =	sst s13  }
0x7c: {  	s28 =	sadd.s32 $0x3C200, s6;
	[smem:$0x7F8] =	sst s25  }
0x7d: {  	s31 =	sadd.s32 $0x3C380, s6;
	[smem:$0x7FA] =	sst s28  }
0x7e: {  	s29 =	sadd.s32 $0x2C200, s6;
	[smem:$0x7FD] =	sst s31  }
0x7f: {  	s30 =	sadd.s32 $0x2C280, s6;
	[smem:$0x7DE] =	sst s29  }
0x80: {  	s1 =	sadd.s32 $0x2C380, s6;
	[smem:$0x7DF] =	sst s30  }
0x81: {  	s4 =	sadd.s32 $0x30180, s6;
	[smem:$0x7E1] =	sst s1  }
0x82: {  	s8 =	sadd.s32 $0x30300, s6;
	[smem:$0x7E4] =	sst s4  }
0x83: {  	s14 =	sadd.s32 $0x34280, s6;
	[smem:$0x7E7] =	sst s8  }
0x84: {  	s15 =	sadd.s32 $0x34300, s6;
	[smem:$0x7ED] =	sst s14  }
0x85: {  	s16 =	sadd.s32 $0x34380, s6;
	[smem:$0x7EE] =	sst s15  }
0x86: {  	s17 =	sadd.s32 $0x38080, s6;
	[smem:$0x7EF] =	sst s16  }
0x87: {  	s18 =	sadd.s32 $0x38100, s6;
	[smem:$0x7F0] =	sst s17  }
0x88: {  	s19 =	sadd.s32 $0x38180, s6;
	[smem:$0x7F1] =	sst s18  }
0x89: {  	s20 =	sadd.s32 $0x38200, s6;
	[smem:$0x7F2] =	sst s19  }
0x8a: {  	s21 =	sadd.s32 $0x38280, s6;
	[smem:$0x7F3] =	sst s20  }
0x8b: {  	s22 =	sadd.s32 $0x38300, s6;
	[smem:$0x7F4] =	sst s21  }
0x8c: {  	s23 =	sadd.s32 $0x38380, s6;
	[smem:$0x7F5] =	sst s22  }
0x8d: {  	s24 =	sadd.s32 $0x3C080, s6;
	[smem:$0x7F6] =	sst s23  }
0x8e: {  	s26 =	sadd.s32 $0x3C180, s6;
	[smem:$0x7F7] =	sst s24  }
0x8f: {  	[smem:$0x7F9] =	sst s26;
	s29 =	sadd.s32 $0x3C280, s6  }
0x90: {  	s30 =	sadd.s32 $0x3C300, s6;
	[smem:$0x7FB] =	sst s29  }
0x91: {  	v0 =	vimm.f32 $0.0e+00;
	v1 =	vlaneseq.u32;
	v2 =	vimm.f32 $1.000000000e+00;
	s2 =	simm.s32 $0x0;
	[smem:$0x7FC] =	sst s30  }
.LBB2_1:
0x92: {  	[smem:$0x781] =	sst s2;
	s0 =	simm.s32 $0x4840  }
0x93: {  	[tilespmem:s0+$0x30] =	vst v0  }
0x94: {  	[tilespmem:s0+$0xFFFFFFF0] =	vst v0  }
0x95: {  	[tilespmem:s0+$0xFFFFFFC0] =	vst v0  }
0x96: {  	[tilespmem:s0+$0xFFFFFFE0] =	vst v0  }
0x97: {  	[tilespmem:s0+$0x10] =	vst v0  }
0x98: {  	[tilespmem:s0+$0x20] =	vst v0  }
0x99: {  	[tilespmem:s0+$0x0] =	vst v0  }
0x9a: {  	s1 =	simm.s32 $0x9840;
	[tilespmem:s0+$0xFFFFFFD0] =	vst v0  }
0x9b: {  	[tilespmem:s1+$0xFFFFFFC0] =	vst v0  }
0x9c: {  	[tilespmem:s1+$0x30] =	vst v0  }
0x9d: {  	[tilespmem:s1+$0x20] =	vst v0  }
0x9e: {  	[tilespmem:s1+$0x10] =	vst v0  }
0x9f: {  	[tilespmem:s1+$0xFFFFFFE0] =	vst v0  }
0xa0: {  	[tilespmem:s1+$0x0] =	vst v0  }
0xa1: {  	s2 =	simm.s32 $0x0;
	[tilespmem:s1+$0xFFFFFFF0] =	vst v0  }
.LBB2_2:
0xa2: {  	s2 =	sadd.s32 $0x8, s2;
	[tilespmem:s1+$0xFFFFFFD0] =	vst v0;
	s0 =	sadd.s32 $0x80, s0;
	s1 =	sadd.s32 $0x80, s1  }
0xa3: {  	[tilespmem:s0+$0x30] =	vst v0;
	p1 =	slt.u32 s2, $0x4F8  }
0xa4: {  	[tilespmem:s0+$0xFFFFFFF0] =	vst v0  }
0xa5: {  	[tilespmem:s0+$0xFFFFFFC0] =	vst v0  }
0xa6: {  	[tilespmem:s1+$0xFFFFFFC0] =	vst v0  }
0xa7: {  	[tilespmem:s1+$0x30] =	vst v0  }
0xa8: {  	[tilespmem:s0+$0xFFFFFFE0] =	vst v0  }
0xa9: {  	[tilespmem:s0+$0x10] =	vst v0  }
0xaa: {  	[tilespmem:s0+$0x20] =	vst v0  }
0xab: {  	[tilespmem:s1+$0x20] =	vst v0  }
0xac: {  	[tilespmem:s1+$0x10] =	vst v0  }
.Ltmp0:
0xad: {  	[tilespmem:s1+$0xFFFFFFE0] =	vst v0;
	(pc) =	sbr.rel @p1 .LBB2_2-.Ltmp0, $4  }
0xae: {  	[tilespmem:s0+$0x0] =	vst v0  }
0xaf: {  	[tilespmem:s1+$0x0] =	vst v0  }
0xb0: {  	[tilespmem:s1+$0xFFFFFFF0] =	vst v0  }
0xb1: {  	[tilespmem:s0+$0xFFFFFFD0] =	vst v0  }
0xb2: {  	[tilespmem:s1+$0xFFFFFFD0] =	vst v0  }
0xb3: {  	s2 =	simm.s32 $0x0;
	s29 =	simm.s32 $0x4000;
	s0 =	rddreg [dreg:$0x14]  }
0xb4: {  	[tilespmem:s29], [sflag:$0x4] =	stream.linear.gather [hbm4b:s0+s2], $0x400, $0x38;
	[tilespmem:$0x1E800] =	vst v63  }
0xb5: {  	s31 =	simm.s32 $0xE800;
	s1 =	simm.s32 $0x0;
	s30 =	rddreg [dreg:$0x15]  }
0xb6: {  	[tilespmem:s31], [sflag:$0x2] =	stream.linear.gather [hbm4b:s30+s2], $0x4000, $0x38;
	[tilespmem:$0x1E800] =	vst v63  }
.LBB2_4:
0xb7: {  	s0 =	simm.s32 $0x4  }
0xb8: {  	_ =	swait.ge [sflag:s0], $0x400  }
0xb9: {  	[sflag:s0] =	ssyncset.done $0x0  }
0xba: {  	s2 =	simm.s32 $0x2;
	[smem:$0x77F] =	sst s1;
	[sflag:s0] =	ssyncadd.s32 $0xFFFFFC00  }
0xbb: {  	_ =	swait.ge [sflag:s2], $0x4000  }
0xbc: {  	s18 =	sld [smem:$0x78A]  }
0xbd: {  	s17 =	sshll.u32 s1, $0xB;
	s19 =	simm.s32 $0x4400  }
0xbe: {  	s16 =	simm.s32 $0x0;
	s22 =	simm.s32 $0x12800;
	[sflag:s2] =	ssyncset.done $0x0  }
0xbf: {  	s20 =	rddreg [dreg:$0x13];
	[sflag:s2] =	ssyncadd.s32 $0xFFFFC000;
	s0 =	sor.u32 s18, s17  }
0xc0: {  	s2 =	rddreg [dreg:$0x1];
	s1 =	sshrl.u32 s0, $0x3;
	s0 =	sor.u32 s20, s0  }
0xc1: {  	s21 =	rddreg [dreg:$0x0];
	s1 =	sadd.s32 s2, s1;
	s0 =	sshll.u32 s0, $0x5  }
0xc2: {  	[tilespmem:s19], [sflag:$0x5] =	stream.linear.gather [hbm4b:s1+s16], $0x400, $0x38;
	[tilespmem:$0x1E800] =	vst v63  }
0xc3: {  	s24 =	simm.s32 $0x80;
	s23 =	sand.u32 $0x3800, s16;
	s0 =	sadd.s32 s21, s0  }
0xc4: {  	[tilespmem:s22], [sflag:$0x3] =	stream.linear.gather [hbm4b:s0+s16], $0x4000, $0x38;
	[tilespmem:$0x1E800] =	vst v63  }
0xc5: {  	s1 =	sand.u32 $0x380, s24;
	s0 =	sadd.s32 $0xE800, s23  }
0xc6: {  	[smem:$0x780] =	sst s17;
	s7 =	sor.u32 s1, s0  }
0xc7: {  	v3 =	vld [tilespmem:s7+$0x0];
	_ =	sdelay $0x1  }
0xc8: {  	s5 =	simm.s32 $0x10;
	s4 =	sand.u32 $0x1C00, s16  }
0xc9: {  	s25 =	sand.u32 $0x300, s16;
	s6 =	sadd.s32 $0x16800, s4;
	s1 =	sand.u32 $0x70, s5  }
0xca: {  	s3 =	sor.u32 s25, s0;
	s10 =	sor.u32 s1, s6  }
0xcb: {  	v4 =	vld [tilespmem:s3+$0x0];
	[tilespmem:s10+$0x0] =	vst v3  }
0xcc: {  	v3 =	vld [tilespmem:s7+$0x10]  }
0xcd: {  	s26 =	simm.s32 $0x0  }
0xce: {  	s8 =	sand.u32 $0x60, s26  }
0xcf: {  	s6 =	sor.u32 s8, s6  }
0xd0: {  	[tilespmem:s6+$0x0] =	vst v4  }
0xd1: {  	v4 =	vld [tilespmem:s3+$0x10];
	[tilespmem:s10+$0x80] =	vst v3  }
0xd2: {  	v3 =	vld [tilespmem:s7+$0x20];
	_ =	sdelay $0x3  }
0xd3: {  	[tilespmem:s6+$0x80] =	vst v4  }
0xd4: {  	v4 =	vld [tilespmem:s3+$0x20];
	[tilespmem:s10+$0x100] =	vst v3  }
0xd5: {  	v3 =	vld [tilespmem:s7+$0x30];
	_ =	sdelay $0x3  }
0xd6: {  	[tilespmem:s6+$0x100] =	vst v4  }
0xd7: {  	v4 =	vld [tilespmem:s3+$0x30];
	[tilespmem:s10+$0x180] =	vst v3  }
0xd8: {  	v3 =	vld [tilespmem:s7+$0x40]  }
0xd9: {  	s17 =	simm.s32 $0x200  }
0xda: {  	s9 =	simm.s32 $0x180;
	s0 =	sand.u32 $0x3800, s17  }
0xdb: {  	s18 =	sand.u32 $0x380, s9;
	s12 =	sadd.s32 $0xE800, s0  }
0xdc: {  	s23 =	sor.u32 s18, s12;
	[tilespmem:s6+$0x180] =	vst v4  }
0xdd: {  	v4 =	vld [tilespmem:s23+$0x0];
	[tilespmem:s10+$0x200] =	vst v3  }
0xde: {  	s9 =	simm.s32 $0x100;
	v3 =	vld [tilespmem:s7+$0x50]  }
0xdf: {  	s11 =	simm.s32 $0x30;
	s30 =	sand.u32 $0x1C00, s9;
	v5 =	vld [tilespmem:s3+$0x40]  }
0xe0: {  	s14 =	sadd.s32 $0x16800, s30;
	s0 =	sand.u32 $0x70, s11  }
0xe1: {  	s13 =	sor.u32 s0, s14  }
0xe2: {  	[tilespmem:s13+$0x0] =	vst v4  }
0xe3: {  	v4 =	vld [tilespmem:s23+$0x10];
	[tilespmem:s10+$0x280] =	vst v3  }
0xe4: {  	s19 =	sand.u32 $0x7, s16;
	[tilespmem:s6+$0x200] =	vst v5;
	v3 =	vld [tilespmem:s7+$0x60]  }
0xe5: {  	s15 =	sand.u32 $0x300, s9;
	v5 =	vld [tilespmem:s3+$0x50];
	s10 =	sshll.u32 s19, $0x4  }
0xe6: {  	s31 =	sor.u32 s15, s12;
	s10 =	sadd.s32 $0x0, s10  }
0xe7: {  	v6 =	vld [tilespmem:s31+$0x0];
	s10 =	sadd.s32 $0x10, s10  }
0xe8: {  	[tilespmem:s13+$0x80] =	vst v4;
	s10 =	sor.u32 $0x300, s10  }
0xe9: {  	v4 =	vld [tilespmem:s23+$0x20];
	[tilespmem:s10+$0x16800] =	vst v3;
	s10 =	simm.s32 $0x20  }
0xea: {  	[tilespmem:s6+$0x280] =	vst v5;
	v3 =	vld [tilespmem:s7+$0x70];
	s22 =	sand.u32 $0x60, s10  }
0xeb: {  	v5 =	vld [tilespmem:s3+$0x60];
	s12 =	sor.u32 s22, s14  }
0xec: {  	s20 =	sand.u32 $0x3, s16;
	[tilespmem:s12+$0x0] =	vst v6  }
0xed: {  	s5 =	sor.u32 s5, s16;
	s6 =	sshll.u32 s20, $0x5;
	v6 =	vld [tilespmem:s31+$0x10]  }
0xee: {  	s5 =	sor.u32 $0x380, s5;
	s21 =	sadd.s32 $0x0, s6;
	[tilespmem:s13+$0x100] =	vst v4  }
0xef: {  	v4 =	vld [tilespmem:s23+$0x30];
	[tilespmem:s5+$0x16800] =	vst v3;
	s5 =	sor.u32 $0x300, s21  }
0xf0: {  	v3 =	vld [tilespmem:s7+$0x400];
	[tilespmem:s5+$0x16800] =	vst v5  }
0xf1: {  	v5 =	vld [tilespmem:s3+$0x70]  }
0xf2: {  	[tilespmem:s12+$0x80] =	vst v6  }
0xf3: {  	s24 =	sadd.s32 $0x18800, s4;
	v6 =	vld [tilespmem:s31+$0x20]  }
0xf4: {  	s2 =	sor.u32 s26, s16;
	s25 =	sor.u32 s1, s24;
	[tilespmem:s13+$0x180] =	vst v4  }
0xf5: {  	s2 =	sor.u32 $0x380, s2;
	v4 =	vld [tilespmem:s23+$0x40];
	[tilespmem:s25+$0x0] =	vst v3  }
0xf6: {  	v3 =	vld [tilespmem:s7+$0x410];
	[tilespmem:s2+$0x16800] =	vst v5  }
0xf7: {  	v5 =	vld [tilespmem:s3+$0x400]  }
0xf8: {  	[tilespmem:s12+$0x100] =	vst v6  }
0xf9: {  	s26 =	sadd.s32 $0x18880, s4;
	v6 =	vld [tilespmem:s31+$0x30]  }
0xfa: {  	s15 =	simm.s32 $0x400;
	s14 =	sor.u32 s1, s26;
	[tilespmem:s13+$0x200] =	vst v4  }
0xfb: {  	s16 =	simm.s32 $0x280;
	s5 =	sor.u32 s8, s24;
	v4 =	vld [tilespmem:s23+$0x50];
	s2 =	sand.u32 $0x3800, s15;
	[tilespmem:s14+$0x0] =	vst v3  }
0xfc: {  	s18 =	sand.u32 $0x380, s16;
	s17 =	sadd.s32 $0xE800, s2;
	v3 =	vld [tilespmem:s7+$0x420];
	[tilespmem:s5+$0x0] =	vst v5  }
0xfd: {  	s15 =	simm.s32 $0x200;
	s29 =	sor.u32 s18, s17;
	v5 =	vld [tilespmem:s3+$0x410]  }
0xfe: {  	s21 =	simm.s32 $0x2;
	s20 =	sand.u32 $0x300, s15;
	[tilespmem:s12+$0x180] =	vst v6;
	v6 =	vld [tilespmem:s29+$0x0]  }
0xff: {  	s25 =	sand.u32 $0x7, s21;
	s14 =	sadd.s32 $0x18900, s4;
	s5 =	sor.u32 s20, s17;
	v7 =	vld [tilespmem:s31+$0x40]  }
0x100: {  	s6 =	sand.u32 $0x1C00, s15;
	[tilespmem:s13+$0x280] =	vst v4;
	s19 =	sor.u32 s1, s14;
	s17 =	simm.s32 $0x50;
	v8 =	vld [tilespmem:s5+$0x0]  }
0x101: {  	s18 =	sor.u32 s8, s26;
	v4 =	vld [tilespmem:s23+$0x60];
	s24 =	sand.u32 $0x70, s17;
	[tilespmem:s19+$0x0] =	vst v3;
	s19 =	sadd.s32 $0x16800, s6  }
0x102: {  	s16 =	simm.s32 $0x40;
	v3 =	vld [tilespmem:s7+$0x430];
	[tilespmem:s18+$0x0] =	vst v5;
	s13 =	sor.u32 s24, s19;
	s18 =	sshll.u32 s25, $0x4  }
0x103: {  	s2 =	sand.u32 $0x60, s16;
	[tilespmem:s13+$0x0] =	vst v6;
	s21 =	sadd.s32 $0x100, s18  }
0x104: {  	v5 =	vld [tilespmem:s3+$0x420];
	s18 =	sor.u32 s2, s19;
	[tilespmem:s12+$0x200] =	vst v7;
	s21 =	sadd.s32 $0x10, s21  }
0x105: {  	s20 =	sadd.s32 $0x18980, s4;
	v6 =	vld [tilespmem:s29+$0x10];
	[tilespmem:s18+$0x0] =	vst v8;
	s19 =	sor.u32 $0x300, s21  }
0x106: {  	s26 =	sor.u32 s1, s20;
	[tilespmem:s19+$0x16800] =	vst v4;
	v4 =	vld [tilespmem:s5+$0x10]  }
0x107: {  	[tilespmem:s26+$0x0] =	vst v3;
	v3 =	vld [tilespmem:s31+$0x50]  }
0x108: {  	s14 =	sor.u32 s8, s14;
	v7 =	vld [tilespmem:s7+$0x440]  }
0x109: {  	[tilespmem:s14+$0x0] =	vst v5;
	v5 =	vld [tilespmem:s23+$0x70]  }
0x10a: {  	[tilespmem:s13+$0x80] =	vst v6  }
0x10b: {  	s14 =	sadd.s32 $0x18A00, s4;
	v6 =	vld [tilespmem:s3+$0x430];
	[tilespmem:s18+$0x80] =	vst v4  }
0x10c: {  	s11 =	sor.u32 s11, s9;
	s25 =	sor.u32 s1, s14;
	[tilespmem:s12+$0x280] =	vst v3;
	v3 =	vld [tilespmem:s29+$0x20]  }
0x10d: {  	s11 =	sor.u32 $0x380, s11;
	s26 =	simm.s32 $0x1;
	[tilespmem:s25+$0x0] =	vst v7;
	v7 =	vld [tilespmem:s31+$0x60]  }
0x10e: {  	s12 =	sand.u32 $0x3, s26;
	[tilespmem:s11+$0x16800] =	vst v5;
	v5 =	vld [tilespmem:s5+$0x20]  }
0x10f: {  	s21 =	sor.u32 s8, s20;
	s19 =	sshll.u32 s12, $0x5;
	v4 =	vld [tilespmem:s7+$0x450]  }
0x110: {  	s11 =	sadd.s32 $0x100, s19;
	v8 =	vld [tilespmem:s23+$0x400];
	[tilespmem:s21+$0x0] =	vst v6  }
0x111: {  	s11 =	sor.u32 $0x300, s11;
	[tilespmem:s13+$0x100] =	vst v3;
	v3 =	vld [tilespmem:s3+$0x440]  }
0x112: {  	s12 =	sadd.s32 $0x18A80, s4;
	[tilespmem:s11+$0x16800] =	vst v7;
	v6 =	vld [tilespmem:s29+$0x30]  }
0x113: {  	s25 =	sor.u32 s1, s12;
	s11 =	sadd.s32 $0x18800, s30;
	[tilespmem:s18+$0x100] =	vst v5;
	v7 =	vld [tilespmem:s31+$0x70]  }
0x114: {  	[tilespmem:s25+$0x0] =	vst v4;
	s26 =	sor.u32 s0, s11;
	v5 =	vld [tilespmem:s5+$0x30]  }
0x115: {  	s14 =	sor.u32 s8, s14;
	v4 =	vld [tilespmem:s7+$0x460];
	[tilespmem:s26+$0x0] =	vst v8  }
0x116: {  	s9 =	sor.u32 s10, s9;
	v8 =	vld [tilespmem:s23+$0x410];
	[tilespmem:s14+$0x0] =	vst v3  }
0x117: {  	s9 =	sor.u32 $0x380, s9;
	[tilespmem:s13+$0x180] =	vst v6;
	v3 =	vld [tilespmem:s3+$0x450]  }
0x118: {  	s14 =	sadd.s32 $0x18B00, s4;
	[tilespmem:s9+$0x16800] =	vst v7;
	v6 =	vld [tilespmem:s29+$0x40]  }
0x119: {  	s19 =	sadd.s32 $0x18880, s30;
	s20 =	sor.u32 s1, s14;
	[tilespmem:s18+$0x180] =	vst v5;
	v7 =	vld [tilespmem:s31+$0x400]  }
0x11a: {  	s21 =	sor.u32 s0, s19;
	[tilespmem:s20+$0x0] =	vst v4;
	v5 =	vld [tilespmem:s5+$0x40]  }
0x11b: {  	s10 =	simm.s32 $0x600;
	s25 =	sor.u32 s8, s12;
	v4 =	vld [tilespmem:s7+$0x470];
	[tilespmem:s21+$0x0] =	vst v8  }
0x11c: {  	s11 =	sor.u32 s22, s11;
	s26 =	sand.u32 $0x3800, s10;
	v8 =	vld [tilespmem:s23+$0x420];
	[tilespmem:s25+$0x0] =	vst v3  }
0x11d: {  	s9 =	simm.s32 $0x300;
	s20 =	simm.s32 $0x380;
	s7 =	sadd.s32 $0x18B80, s4;
	[tilespmem:s13+$0x200] =	vst v6;
	v3 =	vld [tilespmem:s3+$0x460]  }
0x11e: {  	s21 =	sadd.s32 $0xE800, s26;
	s4 =	sand.u32 $0x380, s20;
	s26 =	sand.u32 $0x300, s9;
	[tilespmem:s11+$0x0] =	vst v7;
	v6 =	vld [tilespmem:s29+$0x50]  }
0x11f: {  	s20 =	sadd.s32 $0x18900, s30;
	s4 =	sor.u32 s4, s21;
	s25 =	sor.u32 s1, s7;
	[tilespmem:s18+$0x200] =	vst v5;
	v7 =	vld [tilespmem:s31+$0x410]  }
0x120: {  	s21 =	sor.u32 s26, s21;
	s12 =	sor.u32 s0, s20;
	[tilespmem:s25+$0x0] =	vst v4;
	v4 =	vld [tilespmem:s4+$0x0]  }
0x121: {  	s25 =	sor.u32 s8, s14;
	[tilespmem:s12+$0x0] =	vst v8;
	v8 =	vld [tilespmem:s21+$0x0]  }
0x122: {  	s11 =	simm.s32 $0x4;
	s12 =	simm.s32 $0x70;
	v9 =	vld [tilespmem:s23+$0x430];
	[tilespmem:s25+$0x0] =	vst v3;
	s25 =	sand.u32 $0x1C00, s9  }
0x123: {  	s1 =	sand.u32 $0x7, s11;
	s26 =	sand.u32 $0x70, s12;
	[tilespmem:s13+$0x280] =	vst v6;
	v3 =	vld [tilespmem:s3+$0x470];
	s14 =	sadd.s32 $0x16800, s25  }
0x124: {  	s3 =	sor.u32 s22, s19;
	v5 =	vld [tilespmem:s29+$0x60];
	[dreg:$0x6] =	wrdreg s26;
	s13 =	sor.u32 s26, s14  }
0x125: {  	s19 =	sshll.u32 s1, $0x4;
	s1 =	simm.s32 $0x60;
	s26 =	sadd.s32 $0x18980, s30;
	v6 =	vld [tilespmem:s5+$0x50];
	[tilespmem:s13+$0x0] =	vst v4  }
0x126: {  	s19 =	sadd.s32 $0x200, s19;
	[tilespmem:s3+$0x0] =	vst v7;
	s3 =	sand.u32 $0x60, s1;
	s28 =	sor.u32 s0, s26;
	v4 =	vld [tilespmem:s4+$0x10]  }
0x127: {  	s19 =	sadd.s32 $0x10, s19;
	[tilespmem:s28+$0x0] =	vst v9;
	v7 =	vld [tilespmem:s31+$0x420];
	s14 =	sor.u32 s3, s14  }
0x128: {  	s19 =	sor.u32 $0x300, s19;
	[tilespmem:s14+$0x0] =	vst v8;
	v8 =	vld [tilespmem:s23+$0x440]  }
0x129: {  	[tilespmem:s19+$0x16800] =	vst v5;
	v5 =	vld [tilespmem:s21+$0x10]  }
0x12a: {  	s28 =	smov.u32 s3;
	[tilespmem:s18+$0x280] =	vst v6;
	v6 =	vld [tilespmem:s29+$0x70]  }
0x12b: {  	s3 =	simm.s32 $0x2;
	s19 =	sor.u32 s22, s20;
	s20 =	sadd.s32 $0x18A00, s30;
	[tilespmem:s13+$0x80] =	vst v4;
	v4 =	vld [tilespmem:s5+$0x60]  }
0x12c: {  	s18 =	sand.u32 $0x3, s3;
	s3 =	sor.u32 s0, s20;
	[tilespmem:s19+$0x0] =	vst v7;
	v7 =	vld [tilespmem:s4+$0x20]  }
0x12d: {  	s17 =	sor.u32 s17, s15;
	s18 =	sshll.u32 s18, $0x5;
	[tilespmem:s3+$0x0] =	vst v8;
	v8 =	vld [tilespmem:s31+$0x430]  }
0x12e: {  	s17 =	sor.u32 $0x380, s17;
	s18 =	sadd.s32 $0x200, s18;
	[tilespmem:s14+$0x80] =	vst v5;
	v5 =	vld [tilespmem:s23+$0x450]  }
0x12f: {  	s19 =	sor.u32 $0x300, s18;
	[tilespmem:s17+$0x16800] =	vst v6  }
0x130: {  	v6 =	vld [tilespmem:s21+$0x20];
	[tilespmem:s19+$0x16800] =	vst v4  }
0x131: {  	s26 =	sor.u32 s22, s26;
	s3 =	simm.s32 $0x3;
	v4 =	vld [tilespmem:s29+$0x400];
	s19 =	sadd.s32 $0x18A80, s30;
	[tilespmem:s13+$0x100] =	vst v7  }
0x132: {  	v9 =	vld [tilespmem:s5+$0x70];
	[tilespmem:s26+$0x0] =	vst v8;
	s26 =	sand.u32 $0x3, s3;
	s3 =	sor.u32 s0, s19  }
0x133: {  	v8 =	vld [tilespmem:s4+$0x30];
	s18 =	sshll.u32 s26, $0x5;
	s26 =	sor.u32 s8, s7;
	[tilespmem:s3+$0x0] =	vst v5  }
0x134: {  	s17 =	sadd.s32 $0x18800, s6;
	v10 =	vld [tilespmem:s31+$0x440];
	[dreg:$0x9] =	wrdreg s26  }
0x135: {  	s15 =	sor.u32 s16, s15;
	s8 =	sor.u32 s24, s17;
	s3 =	sadd.s32 $0x300, s18;
	[tilespmem:s14+$0x100] =	vst v6  }
0x136: {  	s15 =	sor.u32 $0x380, s15;
	s16 =	sor.u32 $0x300, s3;
	v11 =	vld [tilespmem:s23+$0x460];
	[tilespmem:s8+$0x0] =	vst v4  }
0x137: {  	s18 =	sor.u32 s1, s9;
	s1 =	smov.u32 s21;
	[dreg:$0xb] =	wrdreg s16  }
0x138: {  	s7 =	sor.u32 $0x380, s18;
	s26 =	sadd.s32 $0x18B00, s30;
	v7 =	vld [tilespmem:s21+$0x30];
	[tilespmem:s15+$0x16800] =	vst v9;
	s15 =	smov.u32 s22  }
0x139: {  	s16 =	simm.s32 $0x4;
	s22 =	smov.u32 s30;
	v5 =	vld [tilespmem:s29+$0x410];
	[tilespmem:s13+$0x180] =	vst v8;
	s21 =	sor.u32 s15, s20  }
0x13a: {  	s30 =	simm.s32 $0x70;
	s18 =	sor.u32 s15, s19;
	v6 =	vld [tilespmem:s5+$0x400];
	s20 =	sor.u32 s0, s26;
	[tilespmem:s21+$0x0] =	vst v10  }
0x13b: {  	s19 =	sor.u32 s2, s17;
	s17 =	sor.u32 s15, s26;
	v8 =	vld [tilespmem:s4+$0x40];
	s26 =	simm.s32 $0x6;
	[tilespmem:s20+$0x0] =	vst v11  }
0x13c: {  	s21 =	sadd.s32 $0x18880, s6;
	v4 =	vld [tilespmem:s31+$0x450];
	s20 =	simm.s32 $0x300;
	[dreg:$0xd] =	wrdreg s30  }
.LBB2_5:
0x13d: {  	[dreg:$0x11] =	wrdreg s7  }
0x13e: {  	[dreg:$0x10] =	wrdreg s25  }
0x13f: {  	[dreg:$0xf] =	wrdreg s28;
	s8 =	sand.u32 $0x3, s16;
	s30 =	sor.u32 s24, s21;
	[tilespmem:s14+$0x180] =	vst v7;
	v7 =	vld [tilespmem:s23+$0x470]  }
0x140: {  	s3 =	sor.u32 s2, s21;
	s9 =	sadd.s32 $0x100, s9;
	s10 =	sadd.s32 $0x200, s10;
	v9 =	vld [tilespmem:s1+$0x40];
	[tilespmem:s30+$0x0] =	vst v5  }
0x141: {  	s28 =	smov.u32 s24;
	s25 =	sshll.u32 s8, $0x5;
	s7 =	sand.u32 $0x3800, s10;
	[tilespmem:s19+$0x0] =	vst v6;
	v5 =	vld [tilespmem:s29+$0x420]  }
0x142: {  	s8 =	sadd.s32 $0x80, s9;
	s24 =	sadd.s32 $0xE800, s7;
	s7 =	sadd.s32 $0x18B80, s22;
	[tilespmem:s13+$0x200] =	vst v8;
	v6 =	vld [tilespmem:s5+$0x410]  }
0x143: {  	s23 =	sand.u32 $0x380, s8;
	s30 =	sand.u32 $0x300, s9;
	s8 =	sor.u32 s0, s7;
	[tilespmem:s18+$0x0] =	vst v4;
	v8 =	vld [tilespmem:s4+$0x50]  }
0x144: {  	s22 =	sadd.s32 $0x18900, s6;
	s0 =	sor.u32 s30, s24;
	s24 =	sor.u32 s23, s24;
	v4 =	vld [tilespmem:s31+$0x460];
	[tilespmem:s8+$0x0] =	vst v7  }
0x145: {  	s26 =	sadd.s32 $0x2, s26;
	s12 =	sadd.s32 $0x20, s12;
	s23 =	sor.u32 s28, s22;
	v7 =	vld [tilespmem:s24+$0x0];
	[tilespmem:s14+$0x200] =	vst v9  }
0x146: {  	s19 =	sor.u32 s2, s22;
	s30 =	sadd.s32 s25, s9;
	v9 =	vld [tilespmem:s0+$0x0];
	[tilespmem:s23+$0x0] =	vst v5;
	s23 =	smov.u32 s29  }
0x147: {  	s25 =	sor.u32 s15, s7;
	s22 =	smov.u32 s4;
	s8 =	sand.u32 $0x1C00, s9;
	[tilespmem:s3+$0x0] =	vst v6;
	v5 =	vld [tilespmem:s23+$0x430]  }
0x148: {  	s15 =	sand.u32 $0x70, s12;
	s4 =	sadd.s32 $0xFFFFFFF0, s12;
	s7 =	sadd.s32 $0x16800, s8;
	v6 =	vld [tilespmem:s1+$0x50];
	[tilespmem:s13+$0x280] =	vst v8  }
0x149: {  	s11 =	sadd.s32 $0x2, s11;
	s21 =	sand.u32 $0x60, s4;
	s13 =	sor.u32 s15, s7;
	[tilespmem:s17+$0x0] =	vst v4;
	v8 =	vld [tilespmem:s22+$0x60]  }
0x14a: {  	s29 =	sand.u32 $0x7, s11;
	s3 =	sor.u32 s21, s7;
	s7 =	rddreg [dreg:$0x9];
	v4 =	vld [tilespmem:s5+$0x420];
	[tilespmem:s13+$0x0] =	vst v7  }
0x14b: {  	s18 =	sor.u32 $0x300, s30;
	s30 =	sshll.u32 s29, $0x4;
	s29 =	sadd.s32 $0x18980, s6;
	[tilespmem:s7+$0x0] =	vst v3;
	v7 =	vld [tilespmem:s24+$0x10]  }
0x14c: {  	s4 =	sor.u32 s4, s9;
	s17 =	sadd.s32 s20, s30;
	s30 =	sor.u32 s28, s29;
	v3 =	vld [tilespmem:s31+$0x470];
	[tilespmem:s3+$0x0] =	vst v9  }
0x14d: {  	s7 =	smov.u32 s6;
	s6 =	sadd.s32 $0x10, s17;
	s17 =	sor.u32 $0x380, s4;
	[tilespmem:s30+$0x0] =	vst v5;
	v9 =	vld [tilespmem:s0+$0x10]  }
0x14e: {  	s31 =	smov.u32 s5;
	s5 =	smov.u32 s1;
	s6 =	sor.u32 $0x300, s6;
	[tilespmem:s14+$0x280] =	vst v6;
	v5 =	vld [tilespmem:s23+$0x440]  }
0x14f: {  	s4 =	smov.u32 s24;
	s1 =	smov.u32 s7;
	s24 =	smov.u32 s25;
	[tilespmem:s6+$0x16800] =	vst v8  }
0x150: {  	p1 =	slt.u32 s26, $0x3E;
	s7 =	sadd.s32 $0x18A00, s1;
	[dreg:$0x9] =	wrdreg s24;
	v6 =	vld [tilespmem:s22+$0x70];
	[tilespmem:s13+$0x80] =	vst v7  }
0x151: {  	s30 =	smov.u32 s0;
	s0 =	smov.u32 s28;
	v7 =	vld [tilespmem:s5+$0x60];
	[tilespmem:s19+$0x0] =	vst v4;
	s19 =	rddreg [dreg:$0x6]  }
0x152: {  	s14 =	sor.u32 s0, s7;
	v8 =	vld [tilespmem:s4+$0x20];
	s24 =	smov.u32 s19;
	s19 =	rddreg [dreg:$0xd]  }
0x153: {  	s25 =	rddreg [dreg:$0x10];
	v4 =	vld [tilespmem:s31+$0x430];
	s19 =	sor.u32 s19, s20;
	[tilespmem:s14+$0x0] =	vst v5;
	s14 =	smov.u32 s12  }
0x154: {  	s6 =	smov.u32 s25;
	[tilespmem:s3+$0x80] =	vst v9;
	[dreg:$0xd] =	wrdreg s14;
	s14 =	sor.u32 $0x380, s19;
	v5 =	vld [tilespmem:s23+$0x450]  }
0x155: {  	s25 =	smov.u32 s8;
	s8 =	sor.u32 s2, s7;
	s7 =	rddreg [dreg:$0xb];
	v9 =	vld [tilespmem:s30+$0x20];
	[tilespmem:s14+$0x16800] =	vst v6  }
0x156: {  	s29 =	sor.u32 s2, s29;
	s28 =	smov.u32 s21;
	s19 =	smov.u32 s15;
	[tilespmem:s7+$0x16800] =	vst v7;
	v6 =	vld [tilespmem:s22+$0x400]  }
0x157: {  	s21 =	sadd.s32 $0x18A80, s1;
	s15 =	smov.u32 s2;
	[dreg:$0x6] =	wrdreg s19;
	[tilespmem:s13+$0x100] =	vst v8;
	v8 =	vld [tilespmem:s5+$0x70]  }
0x158: {  	s19 =	rddreg [dreg:$0xf];
	s14 =	smov.u32 s3;
	s3 =	sor.u32 s0, s21;
	[tilespmem:s29+$0x0] =	vst v4;
	v10 =	vld [tilespmem:s4+$0x30]  }
0x159: {  	s29 =	smov.u32 s22;
	s22 =	smov.u32 s1;
	s1 =	sadd.s32 $0x18800, s6;
	v4 =	vld [tilespmem:s31+$0x440];
	[tilespmem:s3+$0x0] =	vst v5  }
0x15a: {  	s2 =	smov.u32 s19;
	s19 =	smov.u32 s18;
	[tilespmem:s14+$0x100] =	vst v9;
	s7 =	sor.u32 s24, s1;
	v9 =	vld [tilespmem:s23+$0x460]  }
.Ltmp1:
0x15b: {  	s18 =	sor.u32 s15, s21;
	s21 =	rddreg [dreg:$0x11];
	v7 =	vld [tilespmem:s30+$0x30];
	[tilespmem:s7+$0x0] =	vst v6;
	(pc) =	sbr.rel @p1 .LBB2_5-.Ltmp1, $4  }
0x15c: {  	[dreg:$0xb] =	wrdreg s19;
	[tilespmem:s21+$0x16800] =	vst v8;
	v5 =	vld [tilespmem:s29+$0x410]  }
0x15d: {  	s19 =	sor.u32 s2, s1;
	s1 =	smov.u32 s30;
	s30 =	sadd.s32 $0x18B00, s22;
	[tilespmem:s13+$0x180] =	vst v10;
	v6 =	vld [tilespmem:s5+$0x400]  }
0x15e: {  	s16 =	sadd.s32 $0x1, s16;
	s20 =	smov.u32 s9;
	s3 =	sor.u32 s0, s30;
	[tilespmem:s8+$0x0] =	vst v4;
	v8 =	vld [tilespmem:s4+$0x40]  }
0x15f: {  	s7 =	smov.u32 s17;
	s17 =	sor.u32 s15, s30;
	s21 =	sadd.s32 $0x18880, s6;
	v4 =	vld [tilespmem:s31+$0x450];
	[tilespmem:s3+$0x0] =	vst v9  }
0x160: {  	[tilespmem:s14+$0x180] =	vst v7  }
0x161: {  	v7 =	vld [tilespmem:s1+$0x40];
	_ =	sdelay $0x2  }
0x162: {  	[tilespmem:s13+$0x200] =	vst v8  }
0x163: {  	v8 =	vld [tilespmem:s4+$0x50]  }
0x164: {  	[tilespmem:s14+$0x200] =	vst v7  }
0x165: {  	v7 =	vld [tilespmem:s1+$0x50];
	_ =	sdelay $0x2  }
0x166: {  	s3 =	sadd.s32 $0x2, s11;
	[tilespmem:s13+$0x280] =	vst v8  }
0x167: {  	s3 =	sand.u32 $0x7, s3;
	v8 =	vld [tilespmem:s4+$0x60]  }
0x168: {  	s3 =	sshll.u32 s3, $0x4;
	[tilespmem:s14+$0x280] =	vst v7  }
0x169: {  	s3 =	sadd.s32 s20, s3;
	v7 =	vld [tilespmem:s1+$0x60]  }
0x16a: {  	s3 =	sadd.s32 $0x10, s3  }
0x16b: {  	s3 =	sor.u32 $0x300, s3  }
0x16c: {  	[tilespmem:s3+$0x16800] =	vst v8  }
0x16d: {  	s3 =	rddreg [dreg:$0xb]  }
0x16e: {  	v8 =	vld [tilespmem:s4+$0x70];
	[tilespmem:s3+$0x16800] =	vst v7  }
0x16f: {  	v7 =	vld [tilespmem:s1+$0x70]  }
0x170: {  	s3 =	rddreg [dreg:$0xd]  }
0x171: {  	s3 =	sor.u32 s3, s20  }
0x172: {  	s3 =	sor.u32 $0x380, s3  }
0x173: {  	[tilespmem:s3+$0x16800] =	vst v8  }
0x174: {  	v8 =	vld [tilespmem:s4+$0x400];
	[tilespmem:s7+$0x16800] =	vst v7  }
0x175: {  	v7 =	vld [tilespmem:s1+$0x400];
	_ =	sdelay $0x1  }
0x176: {  	s30 =	sadd.s32 $0x18800, s25;
	s9 =	rddreg [dreg:$0x6]  }
0x177: {  	[tilespmem:s19+$0x0] =	vst v6;
	s8 =	sor.u32 s9, s30  }
0x178: {  	s3 =	sor.u32 s28, s30;
	v59 =	vld [tilespmem:s5+$0x410];
	[tilespmem:s8+$0x0] =	vst v8  }
0x179: {  	s10 =	sor.u32 s24, s21;
	v58 =	vld [tilespmem:s4+$0x410];
	[tilespmem:s3+$0x0] =	vst v7  }
0x17a: {  	[tilespmem:s10+$0x0] =	vst v5;
	v7 =	vld [tilespmem:s1+$0x410]  }
0x17b: {  	v5 =	vld [tilespmem:s29+$0x420]  }
0x17c: {  	s11 =	sadd.s32 $0x18880, s25;
	s8 =	sor.u32 s2, s21  }
0x17d: {  	s12 =	sor.u32 s9, s11;
	[tilespmem:s8+$0x0] =	vst v59  }
0x17e: {  	s13 =	sadd.s32 $0x18900, s6;
	s3 =	sor.u32 s28, s11;
	v8 =	vld [tilespmem:s5+$0x420];
	[tilespmem:s12+$0x0] =	vst v58  }
0x17f: {  	s14 =	sor.u32 s24, s13;
	v6 =	vld [tilespmem:s4+$0x420];
	[tilespmem:s3+$0x0] =	vst v7  }
0x180: {  	[tilespmem:s14+$0x0] =	vst v5;
	v7 =	vld [tilespmem:s1+$0x420]  }
0x181: {  	v5 =	vld [tilespmem:s29+$0x430]  }
0x182: {  	s16 =	sadd.s32 $0x18900, s25;
	s7 =	sor.u32 s2, s13  }
0x183: {  	s19 =	sor.u32 s9, s16;
	[tilespmem:s7+$0x0] =	vst v8  }
0x184: {  	s20 =	sadd.s32 $0x18980, s6;
	s3 =	sor.u32 s28, s16;
	v8 =	vld [tilespmem:s5+$0x430];
	[tilespmem:s19+$0x0] =	vst v6  }
0x185: {  	s21 =	sor.u32 s24, s20;
	v6 =	vld [tilespmem:s4+$0x430];
	[tilespmem:s3+$0x0] =	vst v7  }
0x186: {  	[tilespmem:s21+$0x0] =	vst v5;
	v7 =	vld [tilespmem:s1+$0x430]  }
0x187: {  	v5 =	vld [tilespmem:s29+$0x440]  }
0x188: {  	s26 =	sadd.s32 $0x18980, s25;
	s7 =	sor.u32 s2, s20  }
0x189: {  	s30 =	sor.u32 s9, s26;
	[tilespmem:s7+$0x0] =	vst v8  }
0x18a: {  	s10 =	sadd.s32 $0x18A00, s6;
	s3 =	sor.u32 s28, s26;
	v8 =	vld [tilespmem:s5+$0x440];
	[tilespmem:s30+$0x0] =	vst v6  }
0x18b: {  	s11 =	sor.u32 s24, s10;
	v6 =	vld [tilespmem:s4+$0x440];
	[tilespmem:s3+$0x0] =	vst v7  }
0x18c: {  	[tilespmem:s11+$0x0] =	vst v5;
	v7 =	vld [tilespmem:s1+$0x440]  }
0x18d: {  	v5 =	vld [tilespmem:s29+$0x450]  }
0x18e: {  	s12 =	sadd.s32 $0x18A00, s25;
	s7 =	sor.u32 s2, s10  }
0x18f: {  	s13 =	sor.u32 s9, s12;
	[tilespmem:s7+$0x0] =	vst v8  }
0x190: {  	s14 =	sadd.s32 $0x18A80, s6;
	s3 =	sor.u32 s28, s12;
	v8 =	vld [tilespmem:s5+$0x450];
	[tilespmem:s13+$0x0] =	vst v6  }
0x191: {  	s16 =	sor.u32 s24, s14;
	v6 =	vld [tilespmem:s4+$0x450];
	[tilespmem:s3+$0x0] =	vst v7  }
0x192: {  	[tilespmem:s16+$0x0] =	vst v5;
	v7 =	vld [tilespmem:s1+$0x450]  }
0x193: {  	[tilespmem:s18+$0x0] =	vst v4;
	v60 =	vld [tilespmem:s29+$0x460]  }
0x194: {  	v61 =	vld [tilespmem:s31+$0x460];
	s19 =	sadd.s32 $0x18A80, s25;
	s7 =	sor.u32 s2, s14  }
0x195: {  	v9 =	vld [tilespmem:s23+$0x470];
	s20 =	sor.u32 s9, s19;
	[tilespmem:s7+$0x0] =	vst v8  }
0x196: {  	s21 =	sadd.s32 $0x18B80, s22;
	s22 =	sadd.s32 $0x18B00, s6;
	s3 =	sor.u32 s28, s19;
	v62 =	vld [tilespmem:s5+$0x460];
	[tilespmem:s20+$0x0] =	vst v6  }
0x197: {  	s23 =	sor.u32 s24, s22;
	v6 =	vld [tilespmem:s4+$0x460];
	[tilespmem:s3+$0x0] =	vst v7  }
0x198: {  	[tilespmem:s23+$0x0] =	vst v60;
	v63 =	vld [tilespmem:s1+$0x460]  }
0x199: {  	[tilespmem:s17+$0x0] =	vst v61;
	s0 =	sor.u32 s0, s21;
	v4 =	vld [tilespmem:s29+$0x470];
	s29 =	smov.u32 s2  }
0x19a: {  	[tilespmem:s0+$0x0] =	vst v9;
	s26 =	sadd.s32 $0x18B00, s25;
	s3 =	sor.u32 s29, s22  }
0x19b: {  	s30 =	sor.u32 s9, s26;
	[tilespmem:s3+$0x0] =	vst v62  }
0x19c: {  	s0 =	sor.u32 s28, s26;
	v5 =	vld [tilespmem:s31+$0x470];
	[tilespmem:s30+$0x0] =	vst v6  }
0x19d: {  	v7 =	vld [tilespmem:s5+$0x470];
	[tilespmem:s0+$0x0] =	vst v63  }
0x19e: {  	s5 =	sadd.s32 $0x18B80, s6;
	v6 =	vld [tilespmem:s4+$0x470];
	s2 =	rddreg [dreg:$0x9]  }
0x19f: {  	s6 =	sor.u32 s24, s5;
	[tilespmem:s2+$0x0] =	vst v3;
	v3 =	vld [tilespmem:s1+$0x470]  }
0x1a0: {  	s7 =	sor.u32 s15, s21;
	[tilespmem:s6+$0x0] =	vst v4  }
0x1a1: {  	s10 =	sadd.s32 $0x18B80, s25;
	s0 =	sor.u32 s29, s5;
	[tilespmem:s7+$0x0] =	vst v5  }
0x1a2: {  	s11 =	sor.u32 s9, s10;
	[tilespmem:s0+$0x0] =	vst v7  }
0x1a3: {  	s1 =	sor.u32 s28, s10;
	[tilespmem:s11+$0x0] =	vst v6  }
0x1a4: {  	[tilespmem:s1+$0x0] =	vst v3  }
0x1a5: {  	s0 =	rddreg [dreg:$0x16]  }
0x1a6: {  	s12 =	simm.s32 $0x16800;
	s13 =	sld [smem:$0x78E]  }
0x1a7: {  	[spmem:s0] =	stream.linear.scatter [tilespmem:s12], [sflag:$0x1], $0x80, $0x38;
	[tilespmem:$0x1E800] =	vst v63  }
0x1a8: {  	s14 =	simm.s32 $0x16C00;
	s15 =	sld [smem:$0x78F]  }
0x1a9: {  	[spmem:s13] =	stream.linear.scatter [tilespmem:s14], [sflag:$0x1], $0x80, $0x38;
	[tilespmem:$0x1E800] =	vst v63  }
0x1aa: {  	s16 =	simm.s32 $0x17000;
	s17 =	sld [smem:$0x790]  }
0x1ab: {  	[spmem:s15] =	stream.linear.scatter [tilespmem:s16], [sflag:$0x1], $0x80, $0x38;
	[tilespmem:$0x1E800] =	vst v63  }
0x1ac: {  	s18 =	simm.s32 $0x17400;
	s19 =	sld [smem:$0x791]  }
0x1ad: {  	[spmem:s17] =	stream.linear.scatter [tilespmem:s18], [sflag:$0x1], $0x80, $0x38;
	[tilespmem:$0x1E800] =	vst v63  }
0x1ae: {  	s20 =	simm.s32 $0x17800;
	s21 =	sld [smem:$0x792]  }
0x1af: {  	[spmem:s19] =	stream.linear.scatter [tilespmem:s20], [sflag:$0x1], $0x80, $0x38;
	[tilespmem:$0x1E800] =	vst v63  }
0x1b0: {  	s22 =	simm.s32 $0x17C00;
	s23 =	sld [smem:$0x793]  }
0x1b1: {  	[spmem:s21] =	stream.linear.scatter [tilespmem:s22], [sflag:$0x1], $0x80, $0x38;
	[tilespmem:$0x1E800] =	vst v63  }
0x1b2: {  	s24 =	simm.s32 $0x18000;
	s25 =	sld [smem:$0x794]  }
0x1b3: {  	[spmem:s23] =	stream.linear.scatter [tilespmem:s24], [sflag:$0x1], $0x80, $0x38;
	[tilespmem:$0x1E800] =	vst v63  }
0x1b4: {  	s26 =	simm.s32 $0x18400;
	s28 =	rddreg [dreg:$0x17]  }
0x1b5: {  	[spmem:s25] =	stream.linear.scatter [tilespmem:s26], [sflag:$0x1], $0x80, $0x38;
	[tilespmem:$0x1E800] =	vst v63  }
0x1b6: {  	s29 =	simm.s32 $0x16880;
	s30 =	sld [smem:$0x795]  }
0x1b7: {  	[spmem:s28] =	stream.linear.scatter [tilespmem:s29], [sflag:$0x1], $0x80, $0x38;
	[tilespmem:$0x1E800] =	vst v63  }
0x1b8: {  	s31 =	simm.s32 $0x16C80;
	s1 =	sld [smem:$0x796]  }
0x1b9: {  	[spmem:s30] =	stream.linear.scatter [tilespmem:s31], [sflag:$0x1], $0x80, $0x38;
	[tilespmem:$0x1E800] =	vst v63  }
0x1ba: {  	s2 =	simm.s32 $0x17080;
	s3 =	sld [smem:$0x797]  }
0x1bb: {  	[spmem:s1] =	stream.linear.scatter [tilespmem:s2], [sflag:$0x1], $0x80, $0x38;
	[tilespmem:$0x1E800] =	vst v63  }
0x1bc: {  	s4 =	simm.s32 $0x17480;
	s5 =	sld [smem:$0x798]  }
0x1bd: {  	[spmem:s3] =	stream.linear.scatter [tilespmem:s4], [sflag:$0x1], $0x80, $0x38;
	[tilespmem:$0x1E800] =	vst v63  }
0x1be: {  	s6 =	simm.s32 $0x17880;
	s7 =	sld [smem:$0x799]  }
0x1bf: {  	[spmem:s5] =	stream.linear.scatter [tilespmem:s6], [sflag:$0x1], $0x80, $0x38;
	[tilespmem:$0x1E800] =	vst v63  }
0x1c0: {  	s8 =	simm.s32 $0x17C80;
	s9 =	sld [smem:$0x79A]  }
0x1c1: {  	[spmem:s7] =	stream.linear.scatter [tilespmem:s8], [sflag:$0x1], $0x80, $0x38;
	[tilespmem:$0x1E800] =	vst v63  }
0x1c2: {  	s10 =	simm.s32 $0x18080;
	s11 =	sld [smem:$0x79B]  }
0x1c3: {  	[spmem:s9] =	stream.linear.scatter [tilespmem:s10], [sflag:$0x1], $0x80, $0x38;
	[tilespmem:$0x1E800] =	vst v63  }
0x1c4: {  	s12 =	simm.s32 $0x18480;
	s13 =	rddreg [dreg:$0x18]  }
0x1c5: {  	[spmem:s11] =	stream.linear.scatter [tilespmem:s12], [sflag:$0x1], $0x80, $0x38;
	[tilespmem:$0x1E800] =	vst v63  }
0x1c6: {  	s14 =	simm.s32 $0x16900;
	s15 =	sld [smem:$0x79C]  }
0x1c7: {  	[spmem:s13] =	stream.linear.scatter [tilespmem:s14], [sflag:$0x1], $0x80, $0x38;
	[tilespmem:$0x1E800] =	vst v63  }
0x1c8: {  	s16 =	simm.s32 $0x16D00;
	s17 =	sld [smem:$0x79D]  }
0x1c9: {  	[spmem:s15] =	stream.linear.scatter [tilespmem:s16], [sflag:$0x1], $0x80, $0x38;
	[tilespmem:$0x1E800] =	vst v63  }
0x1ca: {  	s18 =	simm.s32 $0x17100;
	s19 =	sld [smem:$0x79E]  }
0x1cb: {  	[spmem:s17] =	stream.linear.scatter [tilespmem:s18], [sflag:$0x1], $0x80, $0x38;
	[tilespmem:$0x1E800] =	vst v63  }
0x1cc: {  	s20 =	simm.s32 $0x17500;
	s21 =	sld [smem:$0x79F]  }
0x1cd: {  	[spmem:s19] =	stream.linear.scatter [tilespmem:s20], [sflag:$0x1], $0x80, $0x38;
	[tilespmem:$0x1E800] =	vst v63  }
0x1ce: {  	s22 =	simm.s32 $0x17900;
	s23 =	sld [smem:$0x7A0]  }
0x1cf: {  	[spmem:s21] =	stream.linear.scatter [tilespmem:s22], [sflag:$0x1], $0x80, $0x38;
	[tilespmem:$0x1E800] =	vst v63  }
0x1d0: {  	s24 =	simm.s32 $0x17D00;
	s25 =	sld [smem:$0x7A1]  }
0x1d1: {  	[spmem:s23] =	stream.linear.scatter [tilespmem:s24], [sflag:$0x1], $0x80, $0x38;
	[tilespmem:$0x1E800] =	vst v63  }
0x1d2: {  	s26 =	simm.s32 $0x18100;
	s28 =	sld [smem:$0x7A2]  }
0x1d3: {  	[spmem:s25] =	stream.linear.scatter [tilespmem:s26], [sflag:$0x1], $0x80, $0x38;
	[tilespmem:$0x1E800] =	vst v63  }
0x1d4: {  	s29 =	simm.s32 $0x18500;
	s30 =	rddreg [dreg:$0x19]  }
0x1d5: {  	[spmem:s28] =	stream.linear.scatter [tilespmem:s29], [sflag:$0x1], $0x80, $0x38;
	[tilespmem:$0x1E800] =	vst v63  }
0x1d6: {  	s31 =	simm.s32 $0x16980;
	s1 =	sld [smem:$0x7A3]  }
0x1d7: {  	[spmem:s30] =	stream.linear.scatter [tilespmem:s31], [sflag:$0x1], $0x80, $0x38;
	[tilespmem:$0x1E800] =	vst v63  }
0x1d8: {  	s2 =	simm.s32 $0x16D80;
	s3 =	sld [smem:$0x7A4]  }
0x1d9: {  	[spmem:s1] =	stream.linear.scatter [tilespmem:s2], [sflag:$0x1], $0x80, $0x38;
	[tilespmem:$0x1E800] =	vst v63  }
0x1da: {  	s4 =	simm.s32 $0x17180;
	s5 =	sld [smem:$0x7A5]  }
0x1db: {  	[spmem:s3] =	stream.linear.scatter [tilespmem:s4], [sflag:$0x1], $0x80, $0x38;
	[tilespmem:$0x1E800] =	vst v63  }
0x1dc: {  	s6 =	simm.s32 $0x17580;
	s7 =	sld [smem:$0x7A6]  }
0x1dd: {  	[spmem:s5] =	stream.linear.scatter [tilespmem:s6], [sflag:$0x1], $0x80, $0x38;
	[tilespmem:$0x1E800] =	vst v63  }
0x1de: {  	s8 =	simm.s32 $0x17980;
	s9 =	sld [smem:$0x7A7]  }
0x1df: {  	[spmem:s7] =	stream.linear.scatter [tilespmem:s8], [sflag:$0x1], $0x80, $0x38;
	[tilespmem:$0x1E800] =	vst v63  }
0x1e0: {  	s10 =	simm.s32 $0x17D80;
	s11 =	sld [smem:$0x7A8]  }
0x1e1: {  	[spmem:s9] =	stream.linear.scatter [tilespmem:s10], [sflag:$0x1], $0x80, $0x38;
	[tilespmem:$0x1E800] =	vst v63  }
0x1e2: {  	s12 =	simm.s32 $0x18180;
	s13 =	sld [smem:$0x7A9]  }
0x1e3: {  	[spmem:s11] =	stream.linear.scatter [tilespmem:s12], [sflag:$0x1], $0x80, $0x38;
	[tilespmem:$0x1E800] =	vst v63  }
0x1e4: {  	s14 =	simm.s32 $0x18580;
	s15 =	rddreg [dreg:$0x1a]  }
0x1e5: {  	[spmem:s13] =	stream.linear.scatter [tilespmem:s14], [sflag:$0x1], $0x80, $0x38;
	[tilespmem:$0x1E800] =	vst v63  }
0x1e6: {  	s16 =	simm.s32 $0x16A00;
	s17 =	sld [smem:$0x7AA]  }
0x1e7: {  	[spmem:s15] =	stream.linear.scatter [tilespmem:s16], [sflag:$0x1], $0x80, $0x38;
	[tilespmem:$0x1E800] =	vst v63  }
0x1e8: {  	s18 =	simm.s32 $0x16E00;
	s19 =	sld [smem:$0x7AB]  }
0x1e9: {  	[spmem:s17] =	stream.linear.scatter [tilespmem:s18], [sflag:$0x1], $0x80, $0x38;
	[tilespmem:$0x1E800] =	vst v63  }
0x1ea: {  	s20 =	simm.s32 $0x17200;
	s21 =	sld [smem:$0x7AC]  }
0x1eb: {  	[spmem:s19] =	stream.linear.scatter [tilespmem:s20], [sflag:$0x1], $0x80, $0x38;
	[tilespmem:$0x1E800] =	vst v63  }
0x1ec: {  	s22 =	simm.s32 $0x17600;
	s23 =	sld [smem:$0x7AD]  }
0x1ed: {  	[spmem:s21] =	stream.linear.scatter [tilespmem:s22], [sflag:$0x1], $0x80, $0x38;
	[tilespmem:$0x1E800] =	vst v63  }
0x1ee: {  	s24 =	simm.s32 $0x17A00;
	s25 =	sld [smem:$0x7AE]  }
0x1ef: {  	[spmem:s23] =	stream.linear.scatter [tilespmem:s24], [sflag:$0x1], $0x80, $0x38;
	[tilespmem:$0x1E800] =	vst v63  }
0x1f0: {  	s26 =	simm.s32 $0x17E00;
	s28 =	sld [smem:$0x7AF]  }
0x1f1: {  	[spmem:s25] =	stream.linear.scatter [tilespmem:s26], [sflag:$0x1], $0x80, $0x38;
	[tilespmem:$0x1E800] =	vst v63  }
0x1f2: {  	s29 =	simm.s32 $0x18200;
	s30 =	sld [smem:$0x7B0]  }
0x1f3: {  	[spmem:s28] =	stream.linear.scatter [tilespmem:s29], [sflag:$0x1], $0x80, $0x38;
	[tilespmem:$0x1E800] =	vst v63  }
0x1f4: {  	s31 =	simm.s32 $0x18600;
	s1 =	rddreg [dreg:$0x1b]  }
0x1f5: {  	[spmem:s30] =	stream.linear.scatter [tilespmem:s31], [sflag:$0x1], $0x80, $0x38;
	[tilespmem:$0x1E800] =	vst v63  }
0x1f6: {  	s2 =	simm.s32 $0x16A80;
	s3 =	sld [smem:$0x7B1]  }
0x1f7: {  	[spmem:s1] =	stream.linear.scatter [tilespmem:s2], [sflag:$0x1], $0x80, $0x38;
	[tilespmem:$0x1E800] =	vst v63  }
0x1f8: {  	s4 =	simm.s32 $0x16E80;
	s5 =	sld [smem:$0x7B2]  }
0x1f9: {  	[spmem:s3] =	stream.linear.scatter [tilespmem:s4], [sflag:$0x1], $0x80, $0x38;
	[tilespmem:$0x1E800] =	vst v63  }
0x1fa: {  	s6 =	simm.s32 $0x17280;
	s7 =	sld [smem:$0x7B3]  }
0x1fb: {  	[spmem:s5] =	stream.linear.scatter [tilespmem:s6], [sflag:$0x1], $0x80, $0x38;
	[tilespmem:$0x1E800] =	vst v63  }
0x1fc: {  	s8 =	simm.s32 $0x17680;
	s9 =	sld [smem:$0x7B4]  }
0x1fd: {  	[spmem:s7] =	stream.linear.scatter [tilespmem:s8], [sflag:$0x1], $0x80, $0x38;
	[tilespmem:$0x1E800] =	vst v63  }
0x1fe: {  	s10 =	simm.s32 $0x17A80;
	s11 =	sld [smem:$0x7B5]  }
0x1ff: {  	[spmem:s9] =	stream.linear.scatter [tilespmem:s10], [sflag:$0x1], $0x80, $0x38;
	[tilespmem:$0x1E800] =	vst v63  }
0x200: {  	s12 =	simm.s32 $0x17E80;
	s13 =	sld [smem:$0x7B6]  }
0x201: {  	[spmem:s11] =	stream.linear.scatter [tilespmem:s12], [sflag:$0x1], $0x80, $0x38;
	[tilespmem:$0x1E800] =	vst v63  }
0x202: {  	s14 =	simm.s32 $0x18280;
	s15 =	sld [smem:$0x7B7]  }
0x203: {  	[spmem:s13] =	stream.linear.scatter [tilespmem:s14], [sflag:$0x1], $0x80, $0x38;
	[tilespmem:$0x1E800] =	vst v63  }
0x204: {  	s16 =	simm.s32 $0x18680;
	s17 =	rddreg [dreg:$0x1c]  }
0x205: {  	[spmem:s15] =	stream.linear.scatter [tilespmem:s16], [sflag:$0x1], $0x80, $0x38;
	[tilespmem:$0x1E800] =	vst v63  }
0x206: {  	s18 =	simm.s32 $0x16B00;
	s19 =	sld [smem:$0x7B8]  }
0x207: {  	[spmem:s17] =	stream.linear.scatter [tilespmem:s18], [sflag:$0x1], $0x80, $0x38;
	[tilespmem:$0x1E800] =	vst v63  }
0x208: {  	s20 =	simm.s32 $0x16F00;
	s21 =	sld [smem:$0x7B9]  }
0x209: {  	[spmem:s19] =	stream.linear.scatter [tilespmem:s20], [sflag:$0x1], $0x80, $0x38;
	[tilespmem:$0x1E800] =	vst v63  }
0x20a: {  	s22 =	simm.s32 $0x17300;
	s23 =	sld [smem:$0x7BA]  }
0x20b: {  	[spmem:s21] =	stream.linear.scatter [tilespmem:s22], [sflag:$0x1], $0x80, $0x38;
	[tilespmem:$0x1E800] =	vst v63  }
0x20c: {  	s24 =	simm.s32 $0x17700;
	s25 =	sld [smem:$0x7BB]  }
0x20d: {  	[spmem:s23] =	stream.linear.scatter [tilespmem:s24], [sflag:$0x1], $0x80, $0x38;
	[tilespmem:$0x1E800] =	vst v63  }
0x20e: {  	s26 =	simm.s32 $0x17B00;
	s28 =	sld [smem:$0x7BC]  }
0x20f: {  	[spmem:s25] =	stream.linear.scatter [tilespmem:s26], [sflag:$0x1], $0x80, $0x38;
	[tilespmem:$0x1E800] =	vst v63  }
0x210: {  	s29 =	simm.s32 $0x17F00;
	s30 =	sld [smem:$0x7BD]  }
0x211: {  	[spmem:s28] =	stream.linear.scatter [tilespmem:s29], [sflag:$0x1], $0x80, $0x38;
	[tilespmem:$0x1E800] =	vst v63  }
0x212: {  	s31 =	simm.s32 $0x18300;
	s1 =	sld [smem:$0x7BE]  }
0x213: {  	[spmem:s30] =	stream.linear.scatter [tilespmem:s31], [sflag:$0x1], $0x80, $0x38;
	[tilespmem:$0x1E800] =	vst v63  }
0x214: {  	s2 =	simm.s32 $0x18700;
	s3 =	rddreg [dreg:$0x1d]  }
0x215: {  	[spmem:s1] =	stream.linear.scatter [tilespmem:s2], [sflag:$0x1], $0x80, $0x38;
	[tilespmem:$0x1E800] =	vst v63  }
0x216: {  	s4 =	simm.s32 $0x16B80;
	s5 =	sld [smem:$0x7BF]  }
0x217: {  	[spmem:s3] =	stream.linear.scatter [tilespmem:s4], [sflag:$0x1], $0x80, $0x38;
	[tilespmem:$0x1E800] =	vst v63  }
0x218: {  	s6 =	simm.s32 $0x16F80;
	s7 =	sld [smem:$0x7C0]  }
0x219: {  	[spmem:s5] =	stream.linear.scatter [tilespmem:s6], [sflag:$0x1], $0x80, $0x38;
	[tilespmem:$0x1E800] =	vst v63  }
0x21a: {  	s8 =	simm.s32 $0x17380;
	s9 =	sld [smem:$0x7C1]  }
0x21b: {  	[spmem:s7] =	stream.linear.scatter [tilespmem:s8], [sflag:$0x1], $0x80, $0x38;
	[tilespmem:$0x1E800] =	vst v63  }
0x21c: {  	s10 =	simm.s32 $0x17780;
	s11 =	sld [smem:$0x7C2]  }
0x21d: {  	[spmem:s9] =	stream.linear.scatter [tilespmem:s10], [sflag:$0x1], $0x80, $0x38;
	[tilespmem:$0x1E800] =	vst v63  }
0x21e: {  	s12 =	simm.s32 $0x17B80;
	s13 =	sld [smem:$0x7C3]  }
0x21f: {  	[spmem:s11] =	stream.linear.scatter [tilespmem:s12], [sflag:$0x1], $0x80, $0x38;
	[tilespmem:$0x1E800] =	vst v63  }
0x220: {  	s14 =	simm.s32 $0x17F80;
	s15 =	sld [smem:$0x7C4]  }
0x221: {  	[spmem:s13] =	stream.linear.scatter [tilespmem:s14], [sflag:$0x1], $0x80, $0x38;
	[tilespmem:$0x1E800] =	vst v63  }
0x222: {  	s16 =	simm.s32 $0x18380;
	s17 =	sld [smem:$0x7C5]  }
0x223: {  	[spmem:s15] =	stream.linear.scatter [tilespmem:s16], [sflag:$0x1], $0x80, $0x38;
	[tilespmem:$0x1E800] =	vst v63  }
0x224: {  	s18 =	simm.s32 $0x18780;
	s19 =	rddreg [dreg:$0x1e]  }
0x225: {  	[spmem:s17] =	stream.linear.scatter [tilespmem:s18], [sflag:$0x1], $0x80, $0x38;
	[tilespmem:$0x1E800] =	vst v63  }
0x226: {  	s20 =	simm.s32 $0x18800;
	s21 =	sld [smem:$0x7C6]  }
0x227: {  	[spmem:s19] =	stream.linear.scatter [tilespmem:s20], [sflag:$0x1], $0x80, $0x38;
	[tilespmem:$0x1E800] =	vst v63  }
0x228: {  	s22 =	simm.s32 $0x18C00;
	s23 =	sld [smem:$0x7C7]  }
0x229: {  	[spmem:s21] =	stream.linear.scatter [tilespmem:s22], [sflag:$0x1], $0x80, $0x38;
	[tilespmem:$0x1E800] =	vst v63  }
0x22a: {  	s24 =	simm.s32 $0x19000;
	s25 =	sld [smem:$0x7C8]  }
0x22b: {  	[spmem:s23] =	stream.linear.scatter [tilespmem:s24], [sflag:$0x1], $0x80, $0x38;
	[tilespmem:$0x1E800] =	vst v63  }
0x22c: {  	s26 =	simm.s32 $0x19400;
	s28 =	sld [smem:$0x7C9]  }
0x22d: {  	[spmem:s25] =	stream.linear.scatter [tilespmem:s26], [sflag:$0x1], $0x80, $0x38;
	[tilespmem:$0x1E800] =	vst v63  }
0x22e: {  	s29 =	simm.s32 $0x19800;
	s30 =	sld [smem:$0x7CA]  }
0x22f: {  	[spmem:s28] =	stream.linear.scatter [tilespmem:s29], [sflag:$0x1], $0x80, $0x38;
	[tilespmem:$0x1E800] =	vst v63  }
0x230: {  	s31 =	simm.s32 $0x19C00;
	s1 =	sld [smem:$0x7CB]  }
0x231: {  	[spmem:s30] =	stream.linear.scatter [tilespmem:s31], [sflag:$0x1], $0x80, $0x38;
	[tilespmem:$0x1E800] =	vst v63  }
0x232: {  	s2 =	simm.s32 $0x1A000;
	s3 =	sld [smem:$0x7CC]  }
0x233: {  	[spmem:s1] =	stream.linear.scatter [tilespmem:s2], [sflag:$0x1], $0x80, $0x38;
	[tilespmem:$0x1E800] =	vst v63  }
0x234: {  	s4 =	simm.s32 $0x1A400;
	s5 =	rddreg [dreg:$0x1f]  }
0x235: {  	[spmem:s3] =	stream.linear.scatter [tilespmem:s4], [sflag:$0x1], $0x80, $0x38;
	[tilespmem:$0x1E800] =	vst v63  }
0x236: {  	s6 =	simm.s32 $0x18880;
	s7 =	sld [smem:$0x7CD]  }
0x237: {  	[spmem:s5] =	stream.linear.scatter [tilespmem:s6], [sflag:$0x1], $0x80, $0x38;
	[tilespmem:$0x1E800] =	vst v63  }
0x238: {  	s8 =	simm.s32 $0x18C80;
	s9 =	sld [smem:$0x7CE]  }
0x239: {  	[spmem:s7] =	stream.linear.scatter [tilespmem:s8], [sflag:$0x1], $0x80, $0x38;
	[tilespmem:$0x1E800] =	vst v63  }
0x23a: {  	s10 =	simm.s32 $0x19080;
	s11 =	sld [smem:$0x7CF]  }
0x23b: {  	[spmem:s9] =	stream.linear.scatter [tilespmem:s10], [sflag:$0x1], $0x80, $0x38;
	[tilespmem:$0x1E800] =	vst v63  }
0x23c: {  	s12 =	simm.s32 $0x19480;
	s13 =	sld [smem:$0x7D0]  }
0x23d: {  	[spmem:s11] =	stream.linear.scatter [tilespmem:s12], [sflag:$0x1], $0x80, $0x38;
	[tilespmem:$0x1E800] =	vst v63  }
0x23e: {  	s14 =	simm.s32 $0x19880;
	s15 =	sld [smem:$0x7D1]  }
0x23f: {  	[spmem:s13] =	stream.linear.scatter [tilespmem:s14], [sflag:$0x1], $0x80, $0x38;
	[tilespmem:$0x1E800] =	vst v63  }
0x240: {  	s16 =	simm.s32 $0x19C80;
	s17 =	sld [smem:$0x7D2]  }
0x241: {  	[spmem:s15] =	stream.linear.scatter [tilespmem:s16], [sflag:$0x1], $0x80, $0x38;
	[tilespmem:$0x1E800] =	vst v63  }
0x242: {  	s18 =	simm.s32 $0x1A080;
	s19 =	sld [smem:$0x7D3]  }
0x243: {  	[spmem:s17] =	stream.linear.scatter [tilespmem:s18], [sflag:$0x1], $0x80, $0x38;
	[tilespmem:$0x1E800] =	vst v63  }
0x244: {  	s20 =	simm.s32 $0x1A480;
	s21 =	sld [smem:$0x782]  }
0x245: {  	[spmem:s19] =	stream.linear.scatter [tilespmem:s20], [sflag:$0x1], $0x80, $0x38;
	[tilespmem:$0x1E800] =	vst v63  }
0x246: {  	s22 =	simm.s32 $0x18900;
	s23 =	sld [smem:$0x7D4]  }
0x247: {  	[spmem:s21] =	stream.linear.scatter [tilespmem:s22], [sflag:$0x1], $0x80, $0x38;
	[tilespmem:$0x1E800] =	vst v63  }
0x248: {  	s24 =	simm.s32 $0x18D00;
	s25 =	sld [smem:$0x7D5]  }
0x249: {  	[spmem:s23] =	stream.linear.scatter [tilespmem:s24], [sflag:$0x1], $0x80, $0x38;
	[tilespmem:$0x1E800] =	vst v63  }
0x24a: {  	s26 =	simm.s32 $0x19100;
	s28 =	sld [smem:$0x7D6]  }
0x24b: {  	[spmem:s25] =	stream.linear.scatter [tilespmem:s26], [sflag:$0x1], $0x80, $0x38;
	[tilespmem:$0x1E800] =	vst v63  }
0x24c: {  	s29 =	simm.s32 $0x19500;
	s30 =	sld [smem:$0x7D7]  }
0x24d: {  	[spmem:s28] =	stream.linear.scatter [tilespmem:s29], [sflag:$0x1], $0x80, $0x38;
	[tilespmem:$0x1E800] =	vst v63  }
0x24e: {  	s31 =	simm.s32 $0x19900;
	s1 =	sld [smem:$0x7D8]  }
0x24f: {  	[spmem:s30] =	stream.linear.scatter [tilespmem:s31], [sflag:$0x1], $0x80, $0x38;
	[tilespmem:$0x1E800] =	vst v63  }
0x250: {  	s2 =	simm.s32 $0x19D00;
	s3 =	sld [smem:$0x7D9]  }
0x251: {  	[spmem:s1] =	stream.linear.scatter [tilespmem:s2], [sflag:$0x1], $0x80, $0x38;
	[tilespmem:$0x1E800] =	vst v63  }
0x252: {  	s4 =	simm.s32 $0x1A100;
	s5 =	sld [smem:$0x7DA]  }
0x253: {  	[spmem:s3] =	stream.linear.scatter [tilespmem:s4], [sflag:$0x1], $0x80, $0x38;
	[tilespmem:$0x1E800] =	vst v63  }
0x254: {  	s6 =	simm.s32 $0x1A500;
	s7 =	sld [smem:$0x783]  }
0x255: {  	[spmem:s5] =	stream.linear.scatter [tilespmem:s6], [sflag:$0x1], $0x80, $0x38;
	[tilespmem:$0x1E800] =	vst v63  }
0x256: {  	s8 =	simm.s32 $0x18980;
	s9 =	sld [smem:$0x7DB]  }
0x257: {  	[spmem:s7] =	stream.linear.scatter [tilespmem:s8], [sflag:$0x1], $0x80, $0x38;
	[tilespmem:$0x1E800] =	vst v63  }
0x258: {  	s10 =	simm.s32 $0x18D80;
	s11 =	sld [smem:$0x7DC]  }
0x259: {  	[spmem:s9] =	stream.linear.scatter [tilespmem:s10], [sflag:$0x1], $0x80, $0x38;
	[tilespmem:$0x1E800] =	vst v63  }
0x25a: {  	s12 =	simm.s32 $0x19180;
	s13 =	sld [smem:$0x7DD]  }
0x25b: {  	[spmem:s11] =	stream.linear.scatter [tilespmem:s12], [sflag:$0x1], $0x80, $0x38;
	[tilespmem:$0x1E800] =	vst v63  }
0x25c: {  	s14 =	simm.s32 $0x19580;
	s15 =	sld [smem:$0x7DE]  }
0x25d: {  	[spmem:s13] =	stream.linear.scatter [tilespmem:s14], [sflag:$0x1], $0x80, $0x38;
	[tilespmem:$0x1E800] =	vst v63  }
0x25e: {  	s16 =	simm.s32 $0x19980;
	s17 =	sld [smem:$0x7DF]  }
0x25f: {  	[spmem:s15] =	stream.linear.scatter [tilespmem:s16], [sflag:$0x1], $0x80, $0x38;
	[tilespmem:$0x1E800] =	vst v63  }
0x260: {  	s18 =	simm.s32 $0x19D80;
	s19 =	sld [smem:$0x7E0]  }
0x261: {  	[spmem:s17] =	stream.linear.scatter [tilespmem:s18], [sflag:$0x1], $0x80, $0x38;
	[tilespmem:$0x1E800] =	vst v63  }
0x262: {  	s20 =	simm.s32 $0x1A180;
	s21 =	sld [smem:$0x7E1]  }
0x263: {  	[spmem:s19] =	stream.linear.scatter [tilespmem:s20], [sflag:$0x1], $0x80, $0x38;
	[tilespmem:$0x1E800] =	vst v63  }
0x264: {  	s22 =	simm.s32 $0x1A580;
	s23 =	sld [smem:$0x785]  }
0x265: {  	[spmem:s21] =	stream.linear.scatter [tilespmem:s22], [sflag:$0x1], $0x80, $0x38;
	[tilespmem:$0x1E800] =	vst v63  }
0x266: {  	s24 =	simm.s32 $0x18A00;
	s25 =	sld [smem:$0x7E2]  }
0x267: {  	[spmem:s23] =	stream.linear.scatter [tilespmem:s24], [sflag:$0x1], $0x80, $0x38;
	[tilespmem:$0x1E800] =	vst v63  }
0x268: {  	s26 =	simm.s32 $0x18E00;
	s28 =	sld [smem:$0x7E3]  }
0x269: {  	[spmem:s25] =	stream.linear.scatter [tilespmem:s26], [sflag:$0x1], $0x80, $0x38;
	[tilespmem:$0x1E800] =	vst v63  }
0x26a: {  	s29 =	simm.s32 $0x19200;
	s30 =	sld [smem:$0x7E4]  }
0x26b: {  	[spmem:s28] =	stream.linear.scatter [tilespmem:s29], [sflag:$0x1], $0x80, $0x38;
	[tilespmem:$0x1E800] =	vst v63  }
0x26c: {  	s31 =	simm.s32 $0x19600;
	s1 =	sld [smem:$0x7E5]  }
0x26d: {  	[spmem:s30] =	stream.linear.scatter [tilespmem:s31], [sflag:$0x1], $0x80, $0x38;
	[tilespmem:$0x1E800] =	vst v63  }
0x26e: {  	s2 =	simm.s32 $0x19A00;
	s3 =	sld [smem:$0x7E6]  }
0x26f: {  	[spmem:s1] =	stream.linear.scatter [tilespmem:s2], [sflag:$0x1], $0x80, $0x38;
	[tilespmem:$0x1E800] =	vst v63  }
0x270: {  	s4 =	simm.s32 $0x19E00;
	s5 =	sld [smem:$0x7E7]  }
0x271: {  	[spmem:s3] =	stream.linear.scatter [tilespmem:s4], [sflag:$0x1], $0x80, $0x38;
	[tilespmem:$0x1E800] =	vst v63  }
0x272: {  	s6 =	simm.s32 $0x1A200;
	s7 =	sld [smem:$0x7E8]  }
0x273: {  	[spmem:s5] =	stream.linear.scatter [tilespmem:s6], [sflag:$0x1], $0x80, $0x38;
	[tilespmem:$0x1E800] =	vst v63  }
0x274: {  	s8 =	simm.s32 $0x1A600;
	s9 =	sld [smem:$0x78B]  }
0x275: {  	[spmem:s7] =	stream.linear.scatter [tilespmem:s8], [sflag:$0x1], $0x80, $0x38;
	[tilespmem:$0x1E800] =	vst v63  }
0x276: {  	s10 =	simm.s32 $0x18A80;
	s11 =	sld [smem:$0x7E9]  }
0x277: {  	[spmem:s9] =	stream.linear.scatter [tilespmem:s10], [sflag:$0x1], $0x80, $0x38;
	[tilespmem:$0x1E800] =	vst v63  }
0x278: {  	s12 =	simm.s32 $0x18E80;
	s13 =	sld [smem:$0x7EA]  }
0x279: {  	[spmem:s11] =	stream.linear.scatter [tilespmem:s12], [sflag:$0x1], $0x80, $0x38;
	[tilespmem:$0x1E800] =	vst v63  }
0x27a: {  	s14 =	simm.s32 $0x19280;
	s15 =	sld [smem:$0x7EB]  }
0x27b: {  	[spmem:s13] =	stream.linear.scatter [tilespmem:s14], [sflag:$0x1], $0x80, $0x38;
	[tilespmem:$0x1E800] =	vst v63  }
0x27c: {  	s16 =	simm.s32 $0x19680;
	s17 =	sld [smem:$0x7EC]  }
0x27d: {  	[spmem:s15] =	stream.linear.scatter [tilespmem:s16], [sflag:$0x1], $0x80, $0x38;
	[tilespmem:$0x1E800] =	vst v63  }
0x27e: {  	s18 =	simm.s32 $0x19A80;
	s19 =	sld [smem:$0x7ED]  }
0x27f: {  	[spmem:s17] =	stream.linear.scatter [tilespmem:s18], [sflag:$0x1], $0x80, $0x38;
	[tilespmem:$0x1E800] =	vst v63  }
0x280: {  	s20 =	simm.s32 $0x19E80;
	s21 =	sld [smem:$0x7EE]  }
0x281: {  	[spmem:s19] =	stream.linear.scatter [tilespmem:s20], [sflag:$0x1], $0x80, $0x38;
	[tilespmem:$0x1E800] =	vst v63  }
0x282: {  	s22 =	simm.s32 $0x1A280;
	s23 =	sld [smem:$0x7EF]  }
0x283: {  	[spmem:s21] =	stream.linear.scatter [tilespmem:s22], [sflag:$0x1], $0x80, $0x38;
	[tilespmem:$0x1E800] =	vst v63  }
0x284: {  	s24 =	simm.s32 $0x1A680;
	s25 =	sld [smem:$0x78C]  }
0x285: {  	[spmem:s23] =	stream.linear.scatter [tilespmem:s24], [sflag:$0x1], $0x80, $0x38;
	[tilespmem:$0x1E800] =	vst v63  }
0x286: {  	s26 =	simm.s32 $0x18B00;
	s28 =	sld [smem:$0x7F0]  }
0x287: {  	[spmem:s25] =	stream.linear.scatter [tilespmem:s26], [sflag:$0x1], $0x80, $0x38;
	[tilespmem:$0x1E800] =	vst v63  }
0x288: {  	s29 =	simm.s32 $0x18F00;
	s30 =	sld [smem:$0x7F1]  }
0x289: {  	[spmem:s28] =	stream.linear.scatter [tilespmem:s29], [sflag:$0x1], $0x80, $0x38;
	[tilespmem:$0x1E800] =	vst v63  }
0x28a: {  	s31 =	simm.s32 $0x19300;
	s1 =	sld [smem:$0x7F2]  }
0x28b: {  	[spmem:s30] =	stream.linear.scatter [tilespmem:s31], [sflag:$0x1], $0x80, $0x38;
	[tilespmem:$0x1E800] =	vst v63  }
0x28c: {  	s2 =	simm.s32 $0x19700;
	s3 =	sld [smem:$0x7F3]  }
0x28d: {  	[spmem:s1] =	stream.linear.scatter [tilespmem:s2], [sflag:$0x1], $0x80, $0x38;
	[tilespmem:$0x1E800] =	vst v63  }
0x28e: {  	s4 =	simm.s32 $0x19B00;
	s5 =	sld [smem:$0x7F4]  }
0x28f: {  	[spmem:s3] =	stream.linear.scatter [tilespmem:s4], [sflag:$0x1], $0x80, $0x38;
	[tilespmem:$0x1E800] =	vst v63  }
0x290: {  	s6 =	simm.s32 $0x19F00;
	s7 =	sld [smem:$0x7F5]  }
0x291: {  	[spmem:s5] =	stream.linear.scatter [tilespmem:s6], [sflag:$0x1], $0x80, $0x38;
	[tilespmem:$0x1E800] =	vst v63  }
0x292: {  	s8 =	simm.s32 $0x1A300;
	s9 =	sld [smem:$0x7F6]  }
0x293: {  	[spmem:s7] =	stream.linear.scatter [tilespmem:s8], [sflag:$0x1], $0x80, $0x38;
	[tilespmem:$0x1E800] =	vst v63  }
0x294: {  	s10 =	simm.s32 $0x1A700;
	s11 =	sld [smem:$0x78D]  }
0x295: {  	[spmem:s9] =	stream.linear.scatter [tilespmem:s10], [sflag:$0x1], $0x80, $0x38;
	[tilespmem:$0x1E800] =	vst v63  }
0x296: {  	s12 =	simm.s32 $0x18B80;
	s13 =	sld [smem:$0x7F7]  }
0x297: {  	[spmem:s11] =	stream.linear.scatter [tilespmem:s12], [sflag:$0x1], $0x80, $0x38;
	[tilespmem:$0x1E800] =	vst v63  }
0x298: {  	s14 =	simm.s32 $0x18F80;
	s15 =	sld [smem:$0x7F8]  }
0x299: {  	[spmem:s13] =	stream.linear.scatter [tilespmem:s14], [sflag:$0x1], $0x80, $0x38;
	[tilespmem:$0x1E800] =	vst v63  }
0x29a: {  	s16 =	simm.s32 $0x19380;
	s17 =	sld [smem:$0x7F9]  }
0x29b: {  	[spmem:s15] =	stream.linear.scatter [tilespmem:s16], [sflag:$0x1], $0x80, $0x38;
	[tilespmem:$0x1E800] =	vst v63  }
0x29c: {  	s18 =	simm.s32 $0x19780;
	s19 =	sld [smem:$0x7FA]  }
0x29d: {  	[spmem:s17] =	stream.linear.scatter [tilespmem:s18], [sflag:$0x1], $0x80, $0x38;
	[tilespmem:$0x1E800] =	vst v63  }
0x29e: {  	s20 =	simm.s32 $0x19B80;
	s21 =	sld [smem:$0x7FB]  }
0x29f: {  	[spmem:s19] =	stream.linear.scatter [tilespmem:s20], [sflag:$0x1], $0x80, $0x38;
	[tilespmem:$0x1E800] =	vst v63  }
0x2a0: {  	s22 =	simm.s32 $0x19F80;
	s23 =	sld [smem:$0x7FC]  }
0x2a1: {  	[spmem:s21] =	stream.linear.scatter [tilespmem:s22], [sflag:$0x1], $0x80, $0x38;
	[tilespmem:$0x1E800] =	vst v63  }
0x2a2: {  	s24 =	simm.s32 $0x1A380;
	s25 =	sld [smem:$0x7FD]  }
0x2a3: {  	[spmem:s23] =	stream.linear.scatter [tilespmem:s24], [sflag:$0x1], $0x80, $0x38;
	[tilespmem:$0x1E800] =	vst v63  }
0x2a4: {  	s26 =	simm.s32 $0x1A780;
	s28 =	simm.s32 $0x1  }
0x2a5: {  	[spmem:s25] =	stream.linear.scatter [tilespmem:s26], [sflag:$0x1], $0x80, $0x38;
	[tilespmem:$0x1E800] =	vst v63  }
0x2a6: {  	_ =	swait.ge [sflag:s28], $0x400  }
0x2a7: {  	[sflag:s28] =	ssyncset.done $0x0  }
0x2a8: {  	[sflag:s28] =	ssyncadd.s32 $0xFFFFFC00  }
0x2a9: {  	_ =	swait.ge [sflag:s28], $0x400  }
0x2aa: {  	[sflag:s28] =	ssyncset.done $0x0  }
0x2ab: {  	[sflag:s28] =	ssyncadd.s32 $0xFFFFFC00  }
0x2ac: {  	_ =	swait.ge [sflag:s28], $0x400  }
0x2ad: {  	[sflag:s28] =	ssyncset.done $0x0  }
0x2ae: {  	[sflag:s28] =	ssyncadd.s32 $0xFFFFFC00  }
0x2af: {  	_ =	swait.ge [sflag:s28], $0x400  }
0x2b0: {  	[sflag:s28] =	ssyncset.done $0x0  }
0x2b1: {  	[sflag:s28] =	ssyncadd.s32 $0xFFFFFC00  }
0x2b2: {  	_ =	swait.ge [sflag:s28], $0x400  }
0x2b3: {  	[sflag:s28] =	ssyncset.done $0x0  }
0x2b4: {  	[sflag:s28] =	ssyncadd.s32 $0xFFFFFC00  }
0x2b5: {  	_ =	swait.ge [sflag:s28], $0x400  }
0x2b6: {  	[sflag:s28] =	ssyncset.done $0x0  }
0x2b7: {  	[sflag:s28] =	ssyncadd.s32 $0xFFFFFC00  }
0x2b8: {  	_ =	swait.ge [sflag:s28], $0x400  }
0x2b9: {  	[sflag:s28] =	ssyncset.done $0x0  }
0x2ba: {  	[sflag:s28] =	ssyncadd.s32 $0xFFFFFC00  }
0x2bb: {  	_ =	swait.ge [sflag:s28], $0x400  }
0x2bc: {  	[sflag:s28] =	ssyncset.done $0x0  }
0x2bd: {  	[sflag:s28] =	ssyncadd.s32 $0xFFFFFC00  }
0x2be: {  	_ =	swait.ge [sflag:s28], $0x400  }
0x2bf: {  	[sflag:s28] =	ssyncset.done $0x0  }
0x2c0: {  	[sflag:s28] =	ssyncadd.s32 $0xFFFFFC00  }
0x2c1: {  	_ =	swait.ge [sflag:s28], $0x400  }
0x2c2: {  	[sflag:s28] =	ssyncset.done $0x0  }
0x2c3: {  	[sflag:s28] =	ssyncadd.s32 $0xFFFFFC00  }
0x2c4: {  	_ =	swait.ge [sflag:s28], $0x400  }
0x2c5: {  	[sflag:s28] =	ssyncset.done $0x0  }
0x2c6: {  	[sflag:s28] =	ssyncadd.s32 $0xFFFFFC00  }
0x2c7: {  	_ =	swait.ge [sflag:s28], $0x400  }
0x2c8: {  	[sflag:s28] =	ssyncset.done $0x0  }
0x2c9: {  	[sflag:s28] =	ssyncadd.s32 $0xFFFFFC00  }
0x2ca: {  	_ =	swait.ge [sflag:s28], $0x400  }
0x2cb: {  	[sflag:s28] =	ssyncset.done $0x0  }
0x2cc: {  	[sflag:s28] =	ssyncadd.s32 $0xFFFFFC00  }
0x2cd: {  	_ =	swait.ge [sflag:s28], $0x400  }
0x2ce: {  	[sflag:s28] =	ssyncset.done $0x0  }
0x2cf: {  	[sflag:s28] =	ssyncadd.s32 $0xFFFFFC00  }
0x2d0: {  	_ =	swait.ge [sflag:s28], $0x400  }
0x2d1: {  	[sflag:s28] =	ssyncset.done $0x0  }
0x2d2: {  	[sflag:s28] =	ssyncadd.s32 $0xFFFFFC00  }
0x2d3: {  	_ =	swait.ge [sflag:s28], $0x400  }
0x2d4: {  	[sflag:s28] =	ssyncset.done $0x0  }
0x2d5: {  	[sflag:s28] =	ssyncadd.s32 $0xFFFFFC00  }
0x2d6: {  	[bflag:$0x0] =	sbarrier.arrive $0xFFFF  }
0x2d7: {  	s30 =	sld [smem:$0x784];
	_ =	sdelay $0x1  }
.Ltmp2:
0x2d8: {  	s29 =	simm.s32 $0x0;
	s31 =	simm.s32 $0x6;
	(pc) =	sbr.rel @p0 .LBB2_10-.Ltmp2, $4  }
0x2d9: {  	[tilespmem:s29], [sflag:$0x6] =	stream.linear.gather [spmem:s30], $0x4000, $0x38;
	[tilespmem:$0x1E800] =	vst v63  }
0x2da: {  	_ =	swait.ge [sflag:s31], $0x4000  }
0x2db: {  	[sflag:s31] =	ssyncset.done $0x0  }
0x2dc: {  	s6 =	simm.s32 $0x4800;
	[sflag:s31] =	ssyncadd.s32 $0xFFFFC000  }
0x2dd: {  	s1 =	simm.s32 $0x4020  }
0x2de: {  	v4 =	vld [tilespmem:s1+$0xFFFFFFF0]  }
0x2df: {  	v3 =	vld [tilespmem:s1+$0x10];
	_ =	sdelay $0x1  }
0x2e0: {  	v6 =	vld [tilespmem:s1+$0x0];
	_ =	sdelay $0x1  }
0x2e1: {  	v7 =	vshll.u32 v4, $0x4;
	v4 =	vld [tilespmem:s1+$0xFFFFFFE0]  }
0x2e2: {  	v3 =	vshll.u32 v3, $0x4  }
0x2e3: {  	v5 =	vor.u32 v1, v3  }
0x2e4: {  	s0 =	simm.s32 $0x0;
	s2 =	simm.s32 $0x9800;
	v6 =	vshll.u32 v6, $0x4;
	s1 =	simm.s32 $0x4060;
	v3 =	vor.u32 v1, v7  }
.LBB2_8:
0x2e5: {  	v7 =	vld [tilespmem:s1+$0x10];
	s0 =	sadd.s32 $0x4, s0;
	v6 =	vor.u32 v1, v6  }
0x2e6: {  	v8 =	vld [tilespmem:s1+$0xFFFFFFF0];
	p1 =	slt.u32 s0, $0x3C;
	v4 =	vshll.u32 v4, $0x4  }
0x2e7: {  	v9 =	vld [tilespmem:s1+$0x0];
	v10 =	vor.u32 v1, v4  }
.Ltmp3:
0x2e8: {  	[tilespmem:v5+s2+$0x0] =	vst.idx.add.f32.msk $0xffff, v2;
	(pc) =	sbr.rel @p1 .LBB2_8-.Ltmp3, $4  }
0x2e9: {  	v4 =	vld [tilespmem:s1+$0xFFFFFFE0]  }
0x2ea: {  	v5 =	vshll.u32 v7, $0x4;
	[tilespmem:v3+s2+$0x0] =	vst.idx.add.f32.msk $0xffff, v2  }
0x2eb: {  	v3 =	vshll.u32 v8, $0x4;
	v5 =	vor.u32 v1, v5;
	[tilespmem:v6+s2+$0x0] =	vst.idx.add.f32.msk $0xffff, v2  }
0x2ec: {  	s1 =	sadd.s32 $0x40, s1;
	v3 =	vor.u32 v1, v3;
	v6 =	vshll.u32 v9, $0x4;
	[tilespmem:v10+s2+$0x0] =	vst.idx.add.f32.msk $0xffff, v2  }
0x2ed: {  	_ = 	snop  }
0x2ee: {  	v6 =	vor.u32 v1, v6;
	v4 =	vshll.u32 v4, $0x4  }
0x2ef: {  	v4 =	vor.u32 v1, v4;
	_ =	sdelay $0x1  }
0x2f0: {  	[tilespmem:v5+s2+$0x0] =	vst.idx.add.f32.msk $0xffff, v2  }
0x2f1: {  	[tilespmem:v3+s2+$0x0] =	vst.idx.add.f32.msk $0xffff, v2  }
0x2f2: {  	[tilespmem:v6+s2+$0x0] =	vst.idx.add.f32.msk $0xffff, v2  }
0x2f3: {  	[tilespmem:v4+s2+$0x0] =	vst.idx.add.f32.msk $0xffff, v2  }
.LBB2_10:
0x2f4: {  	s0 =	simm.s32 $0x0  }
0x2f5: {  	v3 =	vld [tilespmem:s0+$0x4000];
	_ =	sdelay $0x4  }
0x2f6: {  	v6 =	vshll.u32 v3, $0x4  }
0x2f7: {  	v3 =	vbroadcast v6, $0x0  }
0x2f8: {  	s3 =	simm.s32 $0x80  }
0x2f9: {  	v4 =	vld [tilespmem:s3+$0xFFFFFF80];
	v3 =	vor.u32 v1, v3;
	_ =	sdelay $0x3  }
0x2fa: {  	v5 =	vbroadcast v6, $0x1  }
0x2fb: {  	[tilespmem:v3+s6+$0x0] =	vst.idx.add.f32.msk $0xffff, v4  }
0x2fc: {  	v4 =	vor.u32 v1, v5;
	v3 =	vld [tilespmem:s3+$0xFFFFFF90];
	_ =	sdelay $0x3  }
0x2fd: {  	v5 =	vbroadcast v6, $0x2  }
0x2fe: {  	[tilespmem:v4+s6+$0x0] =	vst.idx.add.f32.msk $0xffff, v3  }
0x2ff: {  	v4 =	vor.u32 v1, v5;
	v3 =	vld [tilespmem:s3+$0xFFFFFFA0];
	_ =	sdelay $0x3  }
0x300: {  	v5 =	vbroadcast v6, $0x3  }
0x301: {  	[tilespmem:v4+s6+$0x0] =	vst.idx.add.f32.msk $0xffff, v3  }
0x302: {  	v4 =	vor.u32 v1, v5;
	v3 =	vld [tilespmem:s3+$0xFFFFFFB0];
	_ =	sdelay $0x3  }
0x303: {  	v5 =	vbroadcast v6, $0x4  }
0x304: {  	[tilespmem:v4+s6+$0x0] =	vst.idx.add.f32.msk $0xffff, v3  }
0x305: {  	s31 =	simm.s32 $0x10;
	v4 =	vor.u32 v1, v5;
	v3 =	vld [tilespmem:s3+$0xFFFFFFC0]  }
0x306: {  	v5 =	vld [tilespmem:s31+$0x4000];
	_ =	sdelay $0x2  }
0x307: {  	v7 =	vbroadcast v6, $0x5  }
0x308: {  	[tilespmem:v4+s6+$0x0] =	vst.idx.add.f32.msk $0xffff, v3  }
0x309: {  	v3 =	vshll.u32 v5, $0x4;
	v5 =	vor.u32 v1, v7;
	v4 =	vld [tilespmem:s3+$0xFFFFFFD0]  }
0x30a: {  	v7 =	vbroadcast v3, $0x0  }
0x30b: {  	s0 =	simm.s32 $0x180  }
0x30c: {  	v8 =	vld [tilespmem:s0+$0xFFFFFF80];
	v7 =	vor.u32 v1, v7  }
0x30d: {  	v9 =	vbroadcast v6, $0x6  }
0x30e: {  	[tilespmem:v5+s6+$0x0] =	vst.idx.add.f32.msk $0xffff, v4  }
0x30f: {  	v5 =	vor.u32 v1, v9;
	v4 =	vld [tilespmem:s3+$0xFFFFFFE0]  }
0x310: {  	v9 =	vbroadcast v3, $0x1  }
0x311: {  	[tilespmem:v7+s6+$0x0] =	vst.idx.add.f32.msk $0xffff, v8  }
0x312: {  	v8 =	vor.u32 v1, v9;
	v7 =	vld [tilespmem:s0+$0xFFFFFF90]  }
0x313: {  	v9 =	vbroadcast v6, $0x7  }
0x314: {  	[tilespmem:v5+s6+$0x0] =	vst.idx.add.f32.msk $0xffff, v4  }
0x315: {  	s1 =	simm.s32 $0x20;
	v5 =	vor.u32 v1, v9;
	v4 =	vld [tilespmem:s3+$0xFFFFFFF0]  }
0x316: {  	v10 =	vbroadcast v3, $0x2;
	v9 =	vld [tilespmem:s1+$0x4000]  }
0x317: {  	[tilespmem:v8+s6+$0x0] =	vst.idx.add.f32.msk $0xffff, v7  }
0x318: {  	v8 =	vor.u32 v1, v10;
	v7 =	vld [tilespmem:s0+$0xFFFFFFA0]  }
0x319: {  	v10 =	vbroadcast v6, $0x8  }
0x31a: {  	[tilespmem:v5+s6+$0x0] =	vst.idx.add.f32.msk $0xffff, v4  }
0x31b: {  	v10 =	vor.u32 v1, v10;
	v5 =	vld [tilespmem:s3+$0x0]  }
0x31c: {  	v11 =	vbroadcast v3, $0x3  }
0x31d: {  	v4 =	vshll.u32 v9, $0x4;
	[tilespmem:v8+s6+$0x0] =	vst.idx.add.f32.msk $0xffff, v7  }
0x31e: {  	s1 =	simm.s32 $0x280;
	v9 =	vor.u32 v1, v11;
	v7 =	vbroadcast v4, $0x0;
	v8 =	vld [tilespmem:s0+$0xFFFFFFB0]  }
0x31f: {  	v12 =	vbroadcast v6, $0x9;
	v11 =	vld [tilespmem:s1+$0xFFFFFF80]  }
0x320: {  	v7 =	vor.u32 v1, v7;
	[tilespmem:v10+s6+$0x0] =	vst.idx.add.f32.msk $0xffff, v5  }
0x321: {  	v10 =	vor.u32 v1, v12;
	v5 =	vld [tilespmem:s3+$0x10]  }
0x322: {  	v55 =	vbroadcast v3, $0x4  }
0x323: {  	[tilespmem:v9+s6+$0x0] =	vst.idx.add.f32.msk $0xffff, v8  }
0x324: {  	v9 =	vor.u32 v1, v55;
	v8 =	vld [tilespmem:s0+$0xFFFFFFC0]  }
0x325: {  	[tilespmem:v7+s6+$0x0] =	vst.idx.add.f32.msk $0xffff, v11;
	v7 =	vbroadcast v6, $0xA  }
0x326: {  	[tilespmem:v10+s6+$0x0] =	vst.idx.add.f32.msk $0xffff, v5  }
0x327: {  	v7 =	vor.u32 v1, v7;
	v5 =	vbroadcast v4, $0x1;
	v10 =	vld [tilespmem:s3+$0x20]  }
0x328: {  	v56 =	vbroadcast v3, $0x5;
	v11 =	vld [tilespmem:s1+$0xFFFFFF90]  }
0x329: {  	[tilespmem:v9+s6+$0x0] =	vst.idx.add.f32.msk $0xffff, v8;
	v5 =	vor.u32 v1, v5  }
0x32a: {  	s2 =	simm.s32 $0x30;
	v9 =	vor.u32 v1, v56;
	v8 =	vld [tilespmem:s0+$0xFFFFFFD0]  }
0x32b: {  	v57 =	vld [tilespmem:s2+$0x4000];
	v13 =	vbroadcast v6, $0xB  }
0x32c: {  	[tilespmem:v7+s6+$0x0] =	vst.idx.add.f32.msk $0xffff, v10  }
0x32d: {  	v10 =	vor.u32 v1, v13;
	v7 =	vld [tilespmem:s3+$0x30]  }
0x32e: {  	[tilespmem:v5+s6+$0x0] =	vst.idx.add.f32.msk $0xffff, v11;
	v5 =	vbroadcast v3, $0x6  }
0x32f: {  	[tilespmem:v9+s6+$0x0] =	vst.idx.add.f32.msk $0xffff, v8  }
0x330: {  	v8 =	vbroadcast v4, $0x2;
	v9 =	vld [tilespmem:s0+$0xFFFFFFE0];
	v11 =	vor.u32 v1, v5  }
0x331: {  	v58 =	vld [tilespmem:s1+$0xFFFFFFA0];
	v5 =	vbroadcast v6, $0xC  }
0x332: {  	v8 =	vor.u32 v1, v8;
	[tilespmem:v10+s6+$0x0] =	vst.idx.add.f32.msk $0xffff, v7  }
0x333: {  	s2 =	simm.s32 $0x380;
	v10 =	vor.u32 v1, v5;
	v7 =	vld [tilespmem:s3+$0x40]  }
0x334: {  	v14 =	vld [tilespmem:s2+$0xFFFFFF80];
	v15 =	vbroadcast v3, $0x7  }
0x335: {  	v5 =	vshll.u32 v57, $0x4;
	[tilespmem:v11+s6+$0x0] =	vst.idx.add.f32.msk $0xffff, v9  }
0x336: {  	v59 =	vor.u32 v1, v15;
	v9 =	vbroadcast v5, $0x0;
	v11 =	vld [tilespmem:s0+$0xFFFFFFF0]  }
0x337: {  	[tilespmem:v8+s6+$0x0] =	vst.idx.add.f32.msk $0xffff, v58;
	v8 =	vbroadcast v6, $0xD  }
0x338: {  	v9 =	vor.u32 v1, v9;
	[tilespmem:v10+s6+$0x0] =	vst.idx.add.f32.msk $0xffff, v7  }
0x339: {  	v8 =	vor.u32 v1, v8;
	v10 =	vld [tilespmem:s3+$0x50]  }
0x33a: {  	v13 =	vld [tilespmem:s1+$0xFFFFFFB0];
	v7 =	vbroadcast v4, $0x3  }
0x33b: {  	v60 =	vbroadcast v3, $0x8;
	[tilespmem:v59+s6+$0x0] =	vst.idx.add.f32.msk $0xffff, v11  }
0x33c: {  	v7 =	vor.u32 v1, v7;
	v11 =	vld [tilespmem:s0+$0x0]  }
0x33d: {  	v61 =	vor.u32 v1, v60;
	[tilespmem:v9+s6+$0x0] =	vst.idx.add.f32.msk $0xffff, v14;
	v9 =	vbroadcast v6, $0xE  }
0x33e: {  	[tilespmem:v8+s6+$0x0] =	vst.idx.add.f32.msk $0xffff, v10  }
0x33f: {  	v9 =	vor.u32 v1, v9;
	v62 =	vld [tilespmem:s3+$0x60];
	_ =	sdelay $0x1  }
0x340: {  	[tilespmem:v7+s6+$0x0] =	vst.idx.add.f32.msk $0xffff, v13  }
0x341: {  	v7 =	vbroadcast v3, $0x9;
	[tilespmem:v61+s6+$0x0] =	vst.idx.add.f32.msk $0xffff, v11  }
0x342: {  	v8 =	vld [tilespmem:s0+$0x10]  }
0x343: {  	v11 =	vbroadcast v4, $0x4;
	[tilespmem:v9+s6+$0x0] =	vst.idx.add.f32.msk $0xffff, v62;
	v9 =	vor.u32 v1, v7  }
0x344: {  	v63 =	vbroadcast v6, $0xF  }
0x345: {  	v10 =	vld [tilespmem:s1+$0xFFFFFFC0];
	v11 =	vor.u32 v1, v11  }
0x346: {  	s4 =	simm.s32 $0x100;
	v7 =	vor.u32 v1, v63;
	v6 =	vld [tilespmem:s3+$0x70]  }
.LBB2_11:
0x347: {  	p1 =	sne.s32 s4, $0xFC0;
	v12 =	vld [tilespmem:s2+$0xFFFFFF90];
	v13 =	vbroadcast v3, $0xA;
	s3 =	smov.u32 s2  }
0x348: {  	[tilespmem:v9+s6+$0x0] =	vst.idx.add.f32.msk $0xffff, v8  }
0x349: {  	v8 =	vbroadcast v5, $0x1;
	v9 =	vld [tilespmem:s0+$0x20];
	v13 =	vor.u32 v1, v13  }
0x34a: {  	[tilespmem:v11+s6+$0x0] =	vst.idx.add.f32.msk $0xffff, v10;
	v10 =	vbroadcast v4, $0x5  }
0x34b: {  	v8 =	vor.u32 v1, v8;
	[tilespmem:v7+s6+$0x0] =	vst.idx.add.f32.msk $0xffff, v6  }
0x34c: {  	s5 =	sshra.s32 s4, $0x2;
	v6 =	vld [tilespmem:s1+$0xFFFFFFD0];
	v7 =	vor.u32 v1, v10  }
0x34d: {  	v11 =	vbroadcast v3, $0xB;
	v10 =	vld [tilespmem:s5+$0x4000]  }
0x34e: {  	[tilespmem:v13+s6+$0x0] =	vst.idx.add.f32.msk $0xffff, v9  }
0x34f: {  	v11 =	vor.u32 v1, v11;
	v9 =	vld [tilespmem:s0+$0x30]  }
0x350: {  	[tilespmem:v8+s6+$0x0] =	vst.idx.add.f32.msk $0xffff, v12;
	v8 =	vbroadcast v4, $0x6  }
0x351: {  	[tilespmem:v7+s6+$0x0] =	vst.idx.add.f32.msk $0xffff, v6  }
0x352: {  	v6 =	vbroadcast v5, $0x2;
	v7 =	vld [tilespmem:s1+$0xFFFFFFE0];
	v8 =	vor.u32 v1, v8  }
0x353: {  	v13 =	vbroadcast v3, $0xC;
	v12 =	vld [tilespmem:s2+$0xFFFFFFA0]  }
0x354: {  	v6 =	vor.u32 v1, v6;
	[tilespmem:v11+s6+$0x0] =	vst.idx.add.f32.msk $0xffff, v9  }
0x355: {  	s2 =	sadd.s32 $0x100, s2;
	v11 =	vor.u32 v1, v13;
	v9 =	vld [tilespmem:s0+$0x40]  }
0x356: {  	v14 =	vbroadcast v4, $0x7;
	v13 =	vld [tilespmem:s2+$0xFFFFFF80]  }
0x357: {  	v15 =	vshll.u32 v10, $0x4;
	[tilespmem:v8+s6+$0x0] =	vst.idx.add.f32.msk $0xffff, v7  }
0x358: {  	v10 =	vor.u32 v1, v14;
	v7 =	vbroadcast v15, $0x0;
	v8 =	vld [tilespmem:s1+$0xFFFFFFF0]  }
0x359: {  	[tilespmem:v6+s6+$0x0] =	vst.idx.add.f32.msk $0xffff, v12;
	v6 =	vbroadcast v3, $0xD  }
0x35a: {  	v7 =	vor.u32 v1, v7;
	[tilespmem:v11+s6+$0x0] =	vst.idx.add.f32.msk $0xffff, v9  }
0x35b: {  	v9 =	vbroadcast v5, $0x3;
	v11 =	vld [tilespmem:s0+$0x50];
	v6 =	vor.u32 v1, v6  }
0x35c: {  	v14 =	vbroadcast v4, $0x8;
	v12 =	vld [tilespmem:s3+$0xFFFFFFB0]  }
0x35d: {  	v9 =	vor.u32 v1, v9;
	[tilespmem:v10+s6+$0x0] =	vst.idx.add.f32.msk $0xffff, v8  }
0x35e: {  	v10 =	vor.u32 v1, v14;
	v8 =	vld [tilespmem:s1+$0x0]  }
0x35f: {  	[tilespmem:v7+s6+$0x0] =	vst.idx.add.f32.msk $0xffff, v13;
	v7 =	vbroadcast v3, $0xE  }
0x360: {  	[tilespmem:v6+s6+$0x0] =	vst.idx.add.f32.msk $0xffff, v11  }
0x361: {  	v6 =	vld [tilespmem:s0+$0x60];
	v7 =	vor.u32 v1, v7  }
0x362: {  	[tilespmem:v9+s6+$0x0] =	vst.idx.add.f32.msk $0xffff, v12;
	v9 =	vbroadcast v4, $0x9  }
.Ltmp4:
0x363: {  	[tilespmem:v10+s6+$0x0] =	vst.idx.add.f32.msk $0xffff, v8;
	(pc) =	sbr.rel @p1 .LBB2_11-.Ltmp4, $4  }
0x364: {  	v11 =	vbroadcast v5, $0x4;
	v8 =	vld [tilespmem:s1+$0x10];
	v9 =	vor.u32 v1, v9  }
0x365: {  	v12 =	vbroadcast v3, $0xF;
	v3 =	vmovc v4;
	v4 =	vmov v5;
	v5 =	vmov v15;
	v10 =	vld [tilespmem:s3+$0xFFFFFFC0]  }
0x366: {  	v11 =	vor.u32 v1, v11;
	[tilespmem:v7+s6+$0x0] =	vst.idx.add.f32.msk $0xffff, v6  }
0x367: {  	s4 =	sadd.s32 $0x40, s4;
	v7 =	vor.u32 v1, v12;
	v6 =	vld [tilespmem:s0+$0x70];
	s0 =	smov.u32 s1;
	s1 =	smov.u32 s3  }
0x368: {  	v12 =	vbroadcast v5, $0x1;
	_ =	sdelay $0x1  }
0x369: {  	v13 =	vld [tilespmem:s2+$0xFFFFFF90];
	v12 =	vor.u32 v1, v12;
	_ =	sdelay $0x3  }
0x36a: {  	v14 =	vbroadcast v5, $0x2  }
0x36b: {  	[tilespmem:v12+s6+$0x0] =	vst.idx.add.f32.msk $0xffff, v13  }
0x36c: {  	v30 =	vor.u32 v1, v14;
	v12 =	vld [tilespmem:s2+$0xFFFFFFA0];
	_ =	sdelay $0x3  }
0x36d: {  	v31 =	vbroadcast v5, $0x3  }
0x36e: {  	[tilespmem:v30+s6+$0x0] =	vst.idx.add.f32.msk $0xffff, v12  }
0x36f: {  	v32 =	vor.u32 v1, v31;
	v12 =	vld [tilespmem:s2+$0xFFFFFFB0];
	_ =	sdelay $0x3  }
0x370: {  	v33 =	vbroadcast v5, $0x4  }
0x371: {  	[tilespmem:v32+s6+$0x0] =	vst.idx.add.f32.msk $0xffff, v12  }
0x372: {  	v34 =	vor.u32 v1, v33;
	v12 =	vld [tilespmem:s2+$0xFFFFFFC0];
	_ =	sdelay $0x1  }
0x373: {  	v35 =	vbroadcast v4, $0x5  }
0x374: {  	[tilespmem:v11+s6+$0x0] =	vst.idx.add.f32.msk $0xffff, v10  }
0x375: {  	v36 =	vbroadcast v5, $0x5;
	v11 =	vor.u32 v1, v35;
	v10 =	vld [tilespmem:s1+$0xFFFFFFD0]  }
0x376: {  	[tilespmem:v34+s6+$0x0] =	vst.idx.add.f32.msk $0xffff, v12  }
0x377: {  	v37 =	vor.u32 v1, v36;
	v12 =	vld [tilespmem:s2+$0xFFFFFFD0];
	_ =	sdelay $0x1  }
0x378: {  	v38 =	vbroadcast v4, $0x6  }
0x379: {  	[tilespmem:v11+s6+$0x0] =	vst.idx.add.f32.msk $0xffff, v10  }
0x37a: {  	v39 =	vbroadcast v5, $0x6;
	v11 =	vor.u32 v1, v38;
	v10 =	vld [tilespmem:s1+$0xFFFFFFE0]  }
0x37b: {  	[tilespmem:v37+s6+$0x0] =	vst.idx.add.f32.msk $0xffff, v12  }
0x37c: {  	v40 =	vor.u32 v1, v39;
	v12 =	vld [tilespmem:s2+$0xFFFFFFE0];
	_ =	sdelay $0x1  }
0x37d: {  	v41 =	vbroadcast v4, $0x7  }
0x37e: {  	[tilespmem:v11+s6+$0x0] =	vst.idx.add.f32.msk $0xffff, v10  }
0x37f: {  	v42 =	vbroadcast v5, $0x7;
	v11 =	vor.u32 v1, v41;
	v10 =	vld [tilespmem:s1+$0xFFFFFFF0]  }
0x380: {  	[tilespmem:v40+s6+$0x0] =	vst.idx.add.f32.msk $0xffff, v12  }
0x381: {  	v43 =	vor.u32 v1, v42;
	v12 =	vld [tilespmem:s2+$0xFFFFFFF0];
	_ =	sdelay $0x1  }
0x382: {  	v44 =	vbroadcast v4, $0x8  }
0x383: {  	[tilespmem:v11+s6+$0x0] =	vst.idx.add.f32.msk $0xffff, v10  }
0x384: {  	v45 =	vbroadcast v5, $0x8;
	v11 =	vor.u32 v1, v44;
	v10 =	vld [tilespmem:s1+$0x0]  }
0x385: {  	[tilespmem:v43+s6+$0x0] =	vst.idx.add.f32.msk $0xffff, v12  }
0x386: {  	v46 =	vor.u32 v1, v45;
	v12 =	vld [tilespmem:s2+$0x0];
	_ =	sdelay $0x1  }
0x387: {  	v47 =	vbroadcast v4, $0x9  }
0x388: {  	[tilespmem:v11+s6+$0x0] =	vst.idx.add.f32.msk $0xffff, v10  }
0x389: {  	v48 =	vbroadcast v5, $0x9;
	v11 =	vor.u32 v1, v47;
	v10 =	vld [tilespmem:s1+$0x10]  }
0x38a: {  	[tilespmem:v46+s6+$0x0] =	vst.idx.add.f32.msk $0xffff, v12  }
0x38b: {  	v49 =	vbroadcast v3, $0xA;
	v14 =	vor.u32 v1, v48;
	v13 =	vld [tilespmem:s2+$0x10]  }
0x38c: {  	[tilespmem:v9+s6+$0x0] =	vst.idx.add.f32.msk $0xffff, v8  }
0x38d: {  	v50 =	vbroadcast v4, $0xA;
	v8 =	vld [tilespmem:s0+$0x20];
	v9 =	vor.u32 v1, v49  }
0x38e: {  	[tilespmem:v11+s6+$0x0] =	vst.idx.add.f32.msk $0xffff, v10  }
0x38f: {  	v51 =	vbroadcast v5, $0xA;
	v11 =	vor.u32 v1, v50;
	v10 =	vld [tilespmem:s1+$0x20]  }
0x390: {  	[tilespmem:v14+s6+$0x0] =	vst.idx.add.f32.msk $0xffff, v13  }
0x391: {  	v52 =	vbroadcast v3, $0xB;
	v12 =	vor.u32 v1, v51;
	v14 =	vld [tilespmem:s2+$0x20]  }
0x392: {  	[tilespmem:v9+s6+$0x0] =	vst.idx.add.f32.msk $0xffff, v8  }
0x393: {  	v53 =	vbroadcast v4, $0xB;
	v9 =	vor.u32 v1, v52;
	v8 =	vld [tilespmem:s0+$0x30]  }
0x394: {  	[tilespmem:v11+s6+$0x0] =	vst.idx.add.f32.msk $0xffff, v10  }
0x395: {  	v54 =	vbroadcast v5, $0xB;
	v11 =	vor.u32 v1, v53;
	v10 =	vld [tilespmem:s1+$0x30]  }
0x396: {  	[tilespmem:v12+s6+$0x0] =	vst.idx.add.f32.msk $0xffff, v14  }
0x397: {  	v55 =	vbroadcast v3, $0xC;
	v13 =	vor.u32 v1, v54;
	v14 =	vld [tilespmem:s2+$0x30]  }
0x398: {  	[tilespmem:v9+s6+$0x0] =	vst.idx.add.f32.msk $0xffff, v8  }
0x399: {  	v56 =	vbroadcast v4, $0xC;
	v9 =	vor.u32 v1, v55;
	v8 =	vld [tilespmem:s0+$0x40]  }
0x39a: {  	[tilespmem:v11+s6+$0x0] =	vst.idx.add.f32.msk $0xffff, v10  }
0x39b: {  	v57 =	vbroadcast v5, $0xC;
	v11 =	vor.u32 v1, v56;
	v10 =	vld [tilespmem:s1+$0x40]  }
0x39c: {  	[tilespmem:v13+s6+$0x0] =	vst.idx.add.f32.msk $0xffff, v14  }
0x39d: {  	v58 =	vbroadcast v3, $0xD;
	v12 =	vor.u32 v1, v57;
	v14 =	vld [tilespmem:s2+$0x40]  }
0x39e: {  	[tilespmem:v9+s6+$0x0] =	vst.idx.add.f32.msk $0xffff, v8  }
0x39f: {  	v59 =	vbroadcast v4, $0xD;
	v9 =	vor.u32 v1, v58;
	v8 =	vld [tilespmem:s0+$0x50]  }
0x3a0: {  	[tilespmem:v11+s6+$0x0] =	vst.idx.add.f32.msk $0xffff, v10  }
0x3a1: {  	v60 =	vbroadcast v5, $0xD;
	v11 =	vor.u32 v1, v59;
	v10 =	vld [tilespmem:s1+$0x50]  }
0x3a2: {  	[tilespmem:v12+s6+$0x0] =	vst.idx.add.f32.msk $0xffff, v14  }
0x3a3: {  	v61 =	vbroadcast v3, $0xE;
	v13 =	vor.u32 v1, v60;
	v14 =	vld [tilespmem:s2+$0x50]  }
0x3a4: {  	[tilespmem:v9+s6+$0x0] =	vst.idx.add.f32.msk $0xffff, v8  }
0x3a5: {  	v62 =	vbroadcast v4, $0xE;
	v9 =	vor.u32 v1, v61;
	v8 =	vld [tilespmem:s0+$0x60]  }
0x3a6: {  	[tilespmem:v11+s6+$0x0] =	vst.idx.add.f32.msk $0xffff, v10  }
0x3a7: {  	v63 =	vbroadcast v5, $0xE;
	v11 =	vor.u32 v1, v62;
	v10 =	vld [tilespmem:s1+$0x60]  }
0x3a8: {  	[tilespmem:v13+s6+$0x0] =	vst.idx.add.f32.msk $0xffff, v14  }
0x3a9: {  	v12 =	vor.u32 v1, v63;
	v13 =	vld [tilespmem:s2+$0x60]  }
0x3aa: {  	[tilespmem:v9+s6+$0x0] =	vst.idx.add.f32.msk $0xffff, v8  }
0x3ab: {  	v3 =	vbroadcast v3, $0xF;
	v8 =	vld [tilespmem:s0+$0x70]  }
0x3ac: {  	v4 =	vbroadcast v4, $0xF;
	[tilespmem:v11+s6+$0x0] =	vst.idx.add.f32.msk $0xffff, v10  }
0x3ad: {  	v5 =	vbroadcast v5, $0xF;
	v3 =	vor.u32 v1, v3;
	v9 =	vld [tilespmem:s1+$0x70]  }
0x3ae: {  	v4 =	vor.u32 v1, v4;
	[tilespmem:v12+s6+$0x0] =	vst.idx.add.f32.msk $0xffff, v13  }
0x3af: {  	v5 =	vor.u32 v1, v5;
	v10 =	vld [tilespmem:s2+$0x70];
	_ =	sdelay $0x1  }
0x3b0: {  	[tilespmem:v7+s6+$0x0] =	vst.idx.add.f32.msk $0xffff, v6  }
0x3b1: {  	[tilespmem:v3+s6+$0x0] =	vst.idx.add.f32.msk $0xffff, v8  }
0x3b2: {  	[tilespmem:v4+s6+$0x0] =	vst.idx.add.f32.msk $0xffff, v9  }
0x3b3: {  	[tilespmem:v5+s6+$0x0] =	vst.idx.add.f32.msk $0xffff, v10  }
0x3b4: {  	s22 =	simm.s32 $0x5;
	[bflag:$0x0] =	sbarrier.arrive $0xFFFF  }
0x3b5: {  	_ =	swait.ge [sflag:s22], $0x400  }
0x3b6: {  	[sflag:s22] =	ssyncset.done $0x0  }
0x3b7: {  	s23 =	simm.s32 $0x3;
	[sflag:s22] =	ssyncadd.s32 $0xFFFFFC00  }
0x3b8: {  	_ =	swait.ge [sflag:s23], $0x4000  }
0x3b9: {  	s24 =	sld [smem:$0x77F]  }
0x3ba: {  	s0 =	sld [smem:$0x786]  }
0x3bb: {  	s2 =	sld [smem:$0x780];
	_ =	sdelay $0x1  }
0x3bc: {  	[sflag:s23] =	ssyncset.done $0x0;
	p1 =	seq.s32 s24, $0x7  }
0x3bd: {  	[sflag:s23] =	ssyncadd.s32 $0xFFFFC000;
	s0 =	sadd.s32 @!p1 s2, s0  }
0x3be: {  	s2 =	rddreg [dreg:$0x1];
	s1 =	sshrl.u32 @!p1 s0, $0x3  }
0x3bf: {  	s3 =	simm.s32 @!p1 $0x4000;
	s1 =	sadd.s32 @!p1 s2, s1;
	s2 =	simm.s32 @!p1 $0x0  }
0x3c0: {  	[tilespmem:s3], [sflag:$0x4] =	stream.linear.gather @!p1 [hbm4b:s1+s2], $0x400, $0x38;
	[tilespmem:$0x1E800] =	vst v63  }
0x3c1: {  	s1 =	rddreg [dreg:$0x13]  }
0x3c2: {  	s0 =	sor.u32 @!p1 s1, s0  }
0x3c3: {  	s1 =	rddreg [dreg:$0x0];
	s0 =	sshll.u32 @!p1 s0, $0x5  }
0x3c4: {  	s0 =	sadd.s32 @!p1 s1, s0;
	s1 =	simm.s32 @!p1 $0xE800  }
0x3c5: {  	[tilespmem:s1], [sflag:$0x2] =	stream.linear.gather @!p1 [hbm4b:s0+s2], $0x4000, $0x38;
	[tilespmem:$0x1E800] =	vst v63  }
0x3c6: {  	s2 =	simm.s32 $0x0  }
0x3c7: {  	s26 =	simm.s32 $0x80;
	s25 =	sand.u32 $0x3800, s2  }
0x3c8: {  	s1 =	sand.u32 $0x380, s26;
	s0 =	sadd.s32 $0x12800, s25  }
0x3c9: {  	s7 =	sor.u32 s1, s0  }
0x3ca: {  	v3 =	vld [tilespmem:s7+$0x0];
	_ =	sdelay $0x1  }
0x3cb: {  	s29 =	simm.s32 $0x10;
	s4 =	sand.u32 $0x1C00, s2  }
0x3cc: {  	s9 =	sadd.s32 $0x16800, s4;
	s1 =	sand.u32 $0x70, s29  }
0x3cd: {  	s10 =	sor.u32 s1, s9  }
0x3ce: {  	[tilespmem:s10+$0x0] =	vst v3  }
0x3cf: {  	s14 =	sand.u32 $0x300, s2;
	v3 =	vld [tilespmem:s7+$0x10]  }
0x3d0: {  	s3 =	sor.u32 s14, s0  }
0x3d1: {  	v4 =	vld [tilespmem:s3+$0x0];
	_ =	sdelay $0x1  }
0x3d2: {  	s5 =	simm.s32 $0x0  }
0x3d3: {  	s8 =	sand.u32 $0x60, s5;
	[tilespmem:s10+$0x80] =	vst v3  }
0x3d4: {  	s13 =	sor.u32 s8, s9;
	v3 =	vld [tilespmem:s7+$0x20]  }
0x3d5: {  	[tilespmem:s13+$0x0] =	vst v4  }
0x3d6: {  	v4 =	vld [tilespmem:s3+$0x10];
	_ =	sdelay $0x2  }
0x3d7: {  	[tilespmem:s10+$0x100] =	vst v3  }
0x3d8: {  	v3 =	vld [tilespmem:s7+$0x30]  }
0x3d9: {  	[tilespmem:s13+$0x80] =	vst v4  }
0x3da: {  	v4 =	vld [tilespmem:s3+$0x20];
	_ =	sdelay $0x2  }
0x3db: {  	[tilespmem:s10+$0x180] =	vst v3  }
0x3dc: {  	v3 =	vld [tilespmem:s7+$0x40]  }
0x3dd: {  	[tilespmem:s13+$0x100] =	vst v4  }
0x3de: {  	v4 =	vld [tilespmem:s3+$0x30]  }
0x3df: {  	s15 =	simm.s32 $0x200  }
0x3e0: {  	s16 =	simm.s32 $0x180;
	s0 =	sand.u32 $0x3800, s15  }
0x3e1: {  	s17 =	sand.u32 $0x380, s16;
	s14 =	sadd.s32 $0x12800, s0;
	[tilespmem:s10+$0x200] =	vst v3  }
0x3e2: {  	s23 =	sor.u32 s17, s14;
	v3 =	vld [tilespmem:s7+$0x50]  }
0x3e3: {  	[tilespmem:s13+$0x180] =	vst v4;
	v4 =	vld [tilespmem:s23+$0x0]  }
0x3e4: {  	s9 =	simm.s32 $0x100;
	v5 =	vld [tilespmem:s3+$0x40]  }
0x3e5: {  	s11 =	simm.s32 $0x30;
	s24 =	sand.u32 $0x1C00, s9  }
0x3e6: {  	s0 =	sand.u32 $0x70, s11;
	s15 =	sadd.s32 $0x16800, s24  }
0x3e7: {  	s12 =	sor.u32 s0, s15;
	[tilespmem:s10+$0x280] =	vst v3  }
0x3e8: {  	s18 =	sand.u32 $0x7, s2;
	[tilespmem:s12+$0x0] =	vst v4;
	v3 =	vld [tilespmem:s7+$0x60]  }
0x3e9: {  	[tilespmem:s13+$0x200] =	vst v5;
	v4 =	vld [tilespmem:s23+$0x10];
	s10 =	sshll.u32 s18, $0x4  }
0x3ea: {  	s16 =	sand.u32 $0x300, s9;
	v5 =	vld [tilespmem:s3+$0x50];
	s10 =	sadd.s32 $0x0, s10  }
0x3eb: {  	s30 =	sor.u32 s16, s14;
	s10 =	sadd.s32 $0x10, s10  }
0x3ec: {  	v6 =	vld [tilespmem:s30+$0x0];
	s10 =	sor.u32 $0x300, s10  }
0x3ed: {  	[tilespmem:s10+$0x16800] =	vst v3  }
0x3ee: {  	[tilespmem:s12+$0x80] =	vst v4;
	s10 =	simm.s32 $0x20;
	v3 =	vld [tilespmem:s7+$0x70]  }
0x3ef: {  	[tilespmem:s13+$0x280] =	vst v5;
	v4 =	vld [tilespmem:s23+$0x20];
	s22 =	sand.u32 $0x60, s10  }
0x3f0: {  	v5 =	vld [tilespmem:s3+$0x60];
	s13 =	sor.u32 s22, s15  }
0x3f1: {  	s6 =	sor.u32 s29, s2;
	s19 =	sand.u32 $0x3, s2;
	[tilespmem:s13+$0x0] =	vst v6  }
0x3f2: {  	s6 =	sor.u32 $0x380, s6;
	s14 =	sshll.u32 s19, $0x5;
	v6 =	vld [tilespmem:s30+$0x10]  }
0x3f3: {  	s20 =	sadd.s32 $0x0, s14;
	[tilespmem:s6+$0x16800] =	vst v3  }
0x3f4: {  	[tilespmem:s12+$0x100] =	vst v4;
	s6 =	sor.u32 $0x300, s20;
	v3 =	vld [tilespmem:s7+$0x400]  }
0x3f5: {  	v4 =	vld [tilespmem:s23+$0x30];
	[tilespmem:s6+$0x16800] =	vst v5  }
0x3f6: {  	v5 =	vld [tilespmem:s3+$0x70]  }
0x3f7: {  	s21 =	sadd.s32 $0x18800, s4;
	[tilespmem:s13+$0x80] =	vst v6  }
0x3f8: {  	s25 =	sor.u32 s1, s21;
	v6 =	vld [tilespmem:s30+$0x20]  }
0x3f9: {  	s2 =	sor.u32 s5, s2;
	[tilespmem:s25+$0x0] =	vst v3  }
0x3fa: {  	s2 =	sor.u32 $0x380, s2;
	[tilespmem:s12+$0x180] =	vst v4;
	v3 =	vld [tilespmem:s7+$0x410]  }
0x3fb: {  	v4 =	vld [tilespmem:s23+$0x40];
	[tilespmem:s2+$0x16800] =	vst v5  }
0x3fc: {  	v5 =	vld [tilespmem:s3+$0x400]  }
0x3fd: {  	s26 =	sadd.s32 $0x18880, s4;
	[tilespmem:s13+$0x100] =	vst v6  }
0x3fe: {  	s29 =	sor.u32 s1, s26;
	v6 =	vld [tilespmem:s30+$0x30]  }
0x3ff: {  	s14 =	simm.s32 $0x400;
	[tilespmem:s29+$0x0] =	vst v3  }
0x400: {  	s15 =	simm.s32 $0x280;
	s6 =	sor.u32 s8, s21;
	[tilespmem:s12+$0x200] =	vst v4;
	s2 =	sand.u32 $0x3800, s14;
	v3 =	vld [tilespmem:s7+$0x420]  }
0x401: {  	s18 =	sand.u32 $0x380, s15;
	v4 =	vld [tilespmem:s23+$0x50];
	s16 =	sadd.s32 $0x12800, s2;
	[tilespmem:s6+$0x0] =	vst v5  }
0x402: {  	s14 =	simm.s32 $0x200;
	s28 =	sor.u32 s18, s16;
	v5 =	vld [tilespmem:s3+$0x410]  }
0x403: {  	s20 =	sand.u32 $0x300, s14;
	s18 =	sadd.s32 $0x18900, s4;
	[tilespmem:s13+$0x180] =	vst v6;
	v6 =	vld [tilespmem:s28+$0x0]  }
0x404: {  	s5 =	sor.u32 s20, s16;
	s19 =	sor.u32 s1, s18;
	v7 =	vld [tilespmem:s30+$0x40]  }
0x405: {  	s17 =	sor.u32 s8, s26;
	s16 =	simm.s32 $0x50;
	v8 =	vld [tilespmem:s5+$0x0];
	s6 =	sand.u32 $0x1C00, s14;
	[tilespmem:s19+$0x0] =	vst v3  }
0x406: {  	s21 =	simm.s32 $0x2;
	s20 =	sand.u32 $0x70, s16;
	[tilespmem:s12+$0x280] =	vst v4;
	s19 =	sadd.s32 $0x16800, s6;
	v3 =	vld [tilespmem:s7+$0x430]  }
0x407: {  	s15 =	simm.s32 $0x40;
	s25 =	sand.u32 $0x7, s21;
	v4 =	vld [tilespmem:s23+$0x60];
	[tilespmem:s17+$0x0] =	vst v5;
	s12 =	sor.u32 s20, s19  }
0x408: {  	s2 =	sand.u32 $0x60, s15;
	s17 =	sshll.u32 s25, $0x4;
	[tilespmem:s12+$0x0] =	vst v6  }
0x409: {  	s25 =	sadd.s32 $0x18980, s4;
	v5 =	vld [tilespmem:s3+$0x420];
	s21 =	sadd.s32 $0x100, s17;
	s17 =	sor.u32 s2, s19;
	[tilespmem:s13+$0x200] =	vst v7  }
0x40a: {  	s26 =	sor.u32 s1, s25;
	v6 =	vld [tilespmem:s28+$0x10];
	s29 =	sadd.s32 $0x10, s21;
	[tilespmem:s17+$0x0] =	vst v8  }
0x40b: {  	s19 =	sor.u32 $0x300, s29;
	[tilespmem:s26+$0x0] =	vst v3;
	v3 =	vld [tilespmem:s30+$0x50]  }
0x40c: {  	[tilespmem:s19+$0x16800] =	vst v4;
	v4 =	vld [tilespmem:s5+$0x10]  }
0x40d: {  	s18 =	sor.u32 s8, s18;
	v7 =	vld [tilespmem:s7+$0x440]  }
0x40e: {  	v8 =	vld [tilespmem:s23+$0x70];
	[tilespmem:s18+$0x0] =	vst v5  }
0x40f: {  	[tilespmem:s12+$0x80] =	vst v6;
	v5 =	vld [tilespmem:s3+$0x430]  }
0x410: {  	s18 =	sadd.s32 $0x18A00, s4;
	[tilespmem:s13+$0x280] =	vst v3;
	v3 =	vld [tilespmem:s28+$0x20]  }
0x411: {  	s11 =	sor.u32 s11, s9;
	s26 =	simm.s32 $0x1;
	s21 =	sor.u32 s1, s18;
	[tilespmem:s17+$0x80] =	vst v4;
	v6 =	vld [tilespmem:s30+$0x60]  }
0x412: {  	s11 =	sor.u32 $0x380, s11;
	s13 =	sand.u32 $0x3, s26;
	[tilespmem:s21+$0x0] =	vst v7  }
0x413: {  	s29 =	sor.u32 s8, s25;
	[tilespmem:s11+$0x16800] =	vst v8;
	s13 =	sshll.u32 s13, $0x5;
	v4 =	vld [tilespmem:s7+$0x450]  }
0x414: {  	v8 =	vld [tilespmem:s23+$0x400];
	s13 =	sadd.s32 $0x100, s13;
	[tilespmem:s29+$0x0] =	vst v5  }
0x415: {  	s11 =	sor.u32 $0x300, s13;
	[tilespmem:s12+$0x100] =	vst v3;
	v3 =	vld [tilespmem:s3+$0x440]  }
0x416: {  	s19 =	sadd.s32 $0x18A80, s4;
	[tilespmem:s11+$0x16800] =	vst v6;
	v5 =	vld [tilespmem:s28+$0x30]  }
0x417: {  	s25 =	sadd.s32 $0x18800, s24;
	s21 =	sor.u32 s1, s19;
	v6 =	vld [tilespmem:s30+$0x70]  }
0x418: {  	s26 =	sor.u32 s0, s25;
	v7 =	vld [tilespmem:s5+$0x20];
	[tilespmem:s21+$0x0] =	vst v4  }
0x419: {  	s18 =	sor.u32 s8, s18;
	[tilespmem:s26+$0x0] =	vst v8;
	v4 =	vld [tilespmem:s7+$0x460]  }
0x41a: {  	s9 =	sor.u32 s10, s9;
	v8 =	vld [tilespmem:s23+$0x410];
	[tilespmem:s18+$0x0] =	vst v3  }
0x41b: {  	s9 =	sor.u32 $0x380, s9;
	[tilespmem:s12+$0x180] =	vst v5;
	v3 =	vld [tilespmem:s3+$0x450]  }
0x41c: {  	s11 =	sadd.s32 $0x18B00, s4;
	[tilespmem:s9+$0x16800] =	vst v6;
	v5 =	vld [tilespmem:s28+$0x40]  }
0x41d: {  	[tilespmem:s17+$0x100] =	vst v7;
	s29 =	sor.u32 s1, s11;
	s18 =	sadd.s32 $0x18880, s24;
	v6 =	vld [tilespmem:s30+$0x400]  }
0x41e: {  	v7 =	vld [tilespmem:s5+$0x30];
	s10 =	sor.u32 s0, s18;
	[tilespmem:s29+$0x0] =	vst v4  }
0x41f: {  	s21 =	sor.u32 s8, s19;
	[tilespmem:s10+$0x0] =	vst v8;
	v4 =	vld [tilespmem:s7+$0x470]  }
0x420: {  	s10 =	simm.s32 $0x600;
	v8 =	vld [tilespmem:s23+$0x420];
	[tilespmem:s21+$0x0] =	vst v3  }
0x421: {  	s25 =	sor.u32 s22, s25;
	s26 =	sand.u32 $0x3800, s10;
	s29 =	simm.s32 $0x380;
	[tilespmem:s12+$0x200] =	vst v5;
	v3 =	vld [tilespmem:s3+$0x460]  }
0x422: {  	s7 =	sadd.s32 $0x18B80, s4;
	[tilespmem:s25+$0x0] =	vst v6;
	s25 =	sadd.s32 $0x12800, s26;
	s26 =	sand.u32 $0x380, s29;
	v5 =	vld [tilespmem:s28+$0x50]  }
0x423: {  	[tilespmem:s17+$0x180] =	vst v7;
	s1 =	sor.u32 s1, s7;
	s4 =	sor.u32 s26, s25;
	s26 =	sadd.s32 $0x18900, s24  }
0x424: {  	s9 =	simm.s32 $0x300;
	v7 =	vld [tilespmem:s5+$0x40];
	[tilespmem:s1+$0x0] =	vst v4;
	s29 =	sor.u32 s0, s26  }
0x425: {  	s11 =	sor.u32 s8, s11;
	s19 =	sand.u32 $0x300, s9;
	v6 =	vld [tilespmem:s30+$0x410];
	[tilespmem:s29+$0x0] =	vst v8  }
0x426: {  	s21 =	sor.u32 s19, s25;
	v4 =	vld [tilespmem:s4+$0x0];
	[tilespmem:s11+$0x0] =	vst v3  }
0x427: {  	s1 =	sand.u32 $0x1C00, s9;
	v9 =	vld [tilespmem:s21+$0x0];
	[tilespmem:s12+$0x280] =	vst v5  }
0x428: {  	s25 =	simm.s32 $0x70;
	v8 =	vld [tilespmem:s23+$0x430];
	[dreg:$0x5] =	wrdreg s1  }
0x429: {  	s13 =	sadd.s32 $0x16800, s1;
	s19 =	sand.u32 $0x70, s25;
	v3 =	vld [tilespmem:s3+$0x470];
	[tilespmem:s17+$0x200] =	vst v7  }
0x42a: {  	s11 =	simm.s32 $0x4;
	s12 =	sor.u32 s19, s13;
	v5 =	vld [tilespmem:s28+$0x60];
	[dreg:$0x7] =	wrdreg s19  }
0x42b: {  	s29 =	sor.u32 s22, s18;
	s1 =	sadd.s32 $0x18980, s24;
	s19 =	sand.u32 $0x7, s11;
	[tilespmem:s12+$0x0] =	vst v4  }
0x42c: {  	s31 =	sor.u32 s0, s1;
	v7 =	vld [tilespmem:s5+$0x50];
	s18 =	sshll.u32 s19, $0x4;
	s19 =	simm.s32 $0x60;
	[tilespmem:s29+$0x0] =	vst v6  }
0x42d: {  	[tilespmem:s31+$0x0] =	vst v8;
	v4 =	vld [tilespmem:s4+$0x10];
	s18 =	sadd.s32 $0x200, s18;
	s29 =	sand.u32 $0x60, s19  }
0x42e: {  	v6 =	vld [tilespmem:s30+$0x420];
	[dreg:$0x8] =	wrdreg s29;
	s13 =	sor.u32 s29, s13;
	s18 =	sadd.s32 $0x10, s18  }
0x42f: {  	[tilespmem:s13+$0x0] =	vst v9;
	s18 =	sor.u32 $0x300, s18;
	v8 =	vld [tilespmem:s23+$0x440]  }
0x430: {  	[tilespmem:s18+$0x16800] =	vst v5;
	v5 =	vld [tilespmem:s21+$0x10]  }
0x431: {  	[tilespmem:s17+$0x280] =	vst v7;
	v7 =	vld [tilespmem:s28+$0x70]  }
0x432: {  	s3 =	simm.s32 $0x2;
	s29 =	sor.u32 s22, s26;
	s26 =	sadd.s32 $0x18A00, s24;
	[tilespmem:s12+$0x80] =	vst v4;
	v4 =	vld [tilespmem:s5+$0x60]  }
0x433: {  	[tilespmem:s29+$0x0] =	vst v6;
	s29 =	sand.u32 $0x3, s3;
	s3 =	sor.u32 s0, s26;
	v6 =	vld [tilespmem:s4+$0x20]  }
0x434: {  	s16 =	sor.u32 s16, s14;
	s17 =	sshll.u32 s29, $0x5;
	[tilespmem:s3+$0x0] =	vst v8;
	v8 =	vld [tilespmem:s30+$0x430]  }
0x435: {  	s16 =	sor.u32 $0x380, s16;
	s17 =	sadd.s32 $0x200, s17;
	[tilespmem:s13+$0x80] =	vst v5;
	v5 =	vld [tilespmem:s23+$0x450]  }
0x436: {  	s18 =	sor.u32 $0x300, s17;
	[tilespmem:s16+$0x16800] =	vst v7  }
0x437: {  	v7 =	vld [tilespmem:s21+$0x20];
	[tilespmem:s18+$0x16800] =	vst v4  }
0x438: {  	s29 =	sor.u32 s22, s1;
	v4 =	vld [tilespmem:s28+$0x400];
	s18 =	sadd.s32 $0x18A80, s24;
	[tilespmem:s12+$0x100] =	vst v6  }
0x439: {  	s1 =	simm.s32 $0x3;
	v6 =	vld [tilespmem:s5+$0x70];
	[tilespmem:s29+$0x0] =	vst v8;
	s29 =	sor.u32 s0, s18  }
0x43a: {  	s3 =	sand.u32 $0x3, s1;
	s17 =	sor.u32 s8, s7;
	v8 =	vld [tilespmem:s4+$0x30];
	[tilespmem:s29+$0x0] =	vst v5  }
0x43b: {  	s1 =	sshll.u32 s3, $0x5;
	s16 =	sadd.s32 $0x18800, s6;
	v9 =	vld [tilespmem:s30+$0x440];
	[dreg:$0xa] =	wrdreg s17  }
0x43c: {  	s29 =	sadd.s32 $0x300, s1;
	s1 =	sor.u32 s20, s16;
	[tilespmem:s13+$0x100] =	vst v7  }
0x43d: {  	s14 =	sor.u32 s15, s14;
	s3 =	sor.u32 $0x300, s29;
	v10 =	vld [tilespmem:s23+$0x460];
	[tilespmem:s1+$0x0] =	vst v4  }
0x43e: {  	s14 =	sor.u32 $0x380, s14;
	s31 =	sadd.s32 $0x18880, s6;
	[dreg:$0xc] =	wrdreg s3  }
0x43f: {  	s7 =	sor.u32 s19, s9;
	s8 =	sor.u32 s22, s26;
	s26 =	simm.s32 $0x6;
	v7 =	vld [tilespmem:s21+$0x30];
	[tilespmem:s14+$0x16800] =	vst v6  }
0x440: {  	s18 =	sor.u32 s22, s18;
	s1 =	smov.u32 s21;
	v5 =	vld [tilespmem:s28+$0x410];
	s21 =	sadd.s32 $0x18B00, s24;
	[tilespmem:s12+$0x180] =	vst v8  }
0x441: {  	s14 =	smov.u32 s22;
	v6 =	vld [tilespmem:s5+$0x400];
	s15 =	sor.u32 s22, s21;
	[tilespmem:s8+$0x0] =	vst v9;
	s22 =	sor.u32 s0, s21  }
0x442: {  	s7 =	sor.u32 $0x380, s7;
	s19 =	sor.u32 s2, s16;
	s29 =	simm.s32 $0x70;
	v8 =	vld [tilespmem:s4+$0x40];
	[tilespmem:s22+$0x0] =	vst v10  }
0x443: {  	s16 =	simm.s32 $0x4;
	s17 =	simm.s32 $0x300;
	v4 =	vld [tilespmem:s30+$0x450];
	[dreg:$0xe] =	wrdreg s29  }
.LBB2_13:
0x444: {  	[dreg:$0x12] =	wrdreg s7;
	s21 =	sand.u32 $0x3, s16  }
0x445: {  	s3 =	sor.u32 s2, s31;
	s31 =	sor.u32 s20, s31;
	s9 =	sadd.s32 $0x100, s9;
	[tilespmem:s13+$0x180] =	vst v7;
	v7 =	vld [tilespmem:s23+$0x470]  }
0x446: {  	s10 =	sadd.s32 $0x200, s10;
	s25 =	sadd.s32 $0x20, s25;
	s11 =	sadd.s32 $0x2, s11;
	v9 =	vld [tilespmem:s1+$0x40];
	[tilespmem:s31+$0x0] =	vst v5  }
0x447: {  	s21 =	sshll.u32 s21, $0x5;
	s29 =	sand.u32 $0x3800, s10;
	s8 =	sadd.s32 $0x80, s9;
	[tilespmem:s19+$0x0] =	vst v6;
	v5 =	vld [tilespmem:s28+$0x420]  }
0x448: {  	s22 =	sadd.s32 $0x12800, s29;
	s29 =	sadd.s32 $0x18B80, s24;
	s23 =	sand.u32 $0x380, s8;
	[tilespmem:s12+$0x200] =	vst v8;
	v6 =	vld [tilespmem:s5+$0x410]  }
0x449: {  	s8 =	sadd.s32 $0x18900, s6;
	s31 =	sand.u32 $0x300, s9;
	s7 =	sor.u32 s0, s29;
	[tilespmem:s18+$0x0] =	vst v4;
	v8 =	vld [tilespmem:s4+$0x50]  }
0x44a: {  	s24 =	sor.u32 s23, s22;
	s19 =	sor.u32 s2, s8;
	s23 =	sor.u32 s20, s8;
	v4 =	vld [tilespmem:s30+$0x460];
	[tilespmem:s7+$0x0] =	vst v7  }
0x44b: {  	s8 =	sand.u32 $0x1C00, s9;
	s0 =	sor.u32 s31, s22;
	s22 =	sadd.s32 s21, s9;
	v7 =	vld [tilespmem:s24+$0x0];
	[tilespmem:s13+$0x200] =	vst v9  }
0x44c: {  	s21 =	sor.u32 s14, s29;
	s14 =	sand.u32 $0x70, s25;
	v9 =	vld [tilespmem:s0+$0x0];
	[tilespmem:s23+$0x0] =	vst v5;
	s23 =	smov.u32 s28  }
0x44d: {  	s18 =	sor.u32 $0x300, s22;
	s22 =	smov.u32 s4;
	s4 =	sadd.s32 $0xFFFFFFF0, s25;
	[tilespmem:s3+$0x0] =	vst v6;
	v5 =	vld [tilespmem:s23+$0x430]  }
0x44e: {  	s31 =	sand.u32 $0x60, s4;
	s7 =	sadd.s32 $0x16800, s8;
	s28 =	sand.u32 $0x7, s11;
	v6 =	vld [tilespmem:s1+$0x50];
	[tilespmem:s12+$0x280] =	vst v8  }
0x44f: {  	s3 =	sor.u32 s31, s7;
	s12 =	sor.u32 s14, s7;
	[tilespmem:s15+$0x0] =	vst v4;
	s7 =	rddreg [dreg:$0xa];
	v8 =	vld [tilespmem:s22+$0x60]  }
0x450: {  	s29 =	sshll.u32 s28, $0x4;
	s28 =	sadd.s32 $0x18980, s6;
	v4 =	vld [tilespmem:s5+$0x420];
	[tilespmem:s7+$0x0] =	vst v3  }
0x451: {  	s4 =	sor.u32 s4, s9;
	s15 =	sadd.s32 s17, s29;
	s29 =	sor.u32 s20, s28;
	v3 =	vld [tilespmem:s30+$0x470];
	[tilespmem:s12+$0x0] =	vst v7  }
0x452: {  	s7 =	smov.u32 s6;
	s6 =	sadd.s32 $0x10, s15;
	s15 =	sor.u32 $0x380, s4;
	v7 =	vld [tilespmem:s24+$0x10];
	[tilespmem:s3+$0x0] =	vst v9  }
0x453: {  	s4 =	smov.u32 s24;
	s6 =	sor.u32 $0x300, s6;
	s24 =	smov.u32 s7;
	[tilespmem:s29+$0x0] =	vst v5;
	v9 =	vld [tilespmem:s0+$0x10]  }
0x454: {  	s7 =	smov.u32 s8;
	[tilespmem:s13+$0x280] =	vst v6;
	s13 =	smov.u32 s21;
	s21 =	rddreg [dreg:$0x5];
	v5 =	vld [tilespmem:s23+$0x440]  }
0x455: {  	s30 =	smov.u32 s5;
	s5 =	smov.u32 s1;
	[dreg:$0x5] =	wrdreg s7;
	[tilespmem:s6+$0x16800] =	vst v8  }
0x456: {  	s29 =	smov.u32 s0;
	s1 =	sadd.s32 $0x18A00, s24;
	[dreg:$0xa] =	wrdreg s13;
	v6 =	vld [tilespmem:s22+$0x70]  }
0x457: {  	s0 =	smov.u32 s20;
	s6 =	smov.u32 s21;
	s21 =	rddreg [dreg:$0xe];
	[tilespmem:s12+$0x80] =	vst v7;
	v7 =	vld [tilespmem:s5+$0x60]  }
0x458: {  	s13 =	sor.u32 s0, s1;
	s7 =	sor.u32 s21, s17;
	s21 =	smov.u32 s25;
	[tilespmem:s19+$0x0] =	vst v4;
	v8 =	vld [tilespmem:s4+$0x20]  }
0x459: {  	[dreg:$0xe] =	wrdreg s21;
	v4 =	vld [tilespmem:s30+$0x430];
	[tilespmem:s13+$0x0] =	vst v5  }
0x45a: {  	s8 =	sor.u32 s2, s1;
	s1 =	sor.u32 $0x380, s7;
	s7 =	rddreg [dreg:$0xc];
	[tilespmem:s3+$0x80] =	vst v9;
	v5 =	vld [tilespmem:s23+$0x450]  }
0x45b: {  	s26 =	sadd.s32 $0x2, s26;
	s28 =	sor.u32 s2, s28;
	s19 =	rddreg [dreg:$0x7];
	v9 =	vld [tilespmem:s29+$0x20];
	[tilespmem:s1+$0x16800] =	vst v6  }
0x45c: {  	s21 =	rddreg [dreg:$0x8];
	s20 =	smov.u32 s19;
	s19 =	smov.u32 s14;
	v6 =	vld [tilespmem:s22+$0x400];
	[tilespmem:s7+$0x16800] =	vst v7  }
0x45d: {  	s14 =	smov.u32 s2;
	s2 =	smov.u32 s21;
	s21 =	sadd.s32 $0x18A80, s24;
	[tilespmem:s12+$0x100] =	vst v8;
	v8 =	vld [tilespmem:s5+$0x70]  }
0x45e: {  	s13 =	smov.u32 s3;
	s3 =	sor.u32 s0, s21;
	s1 =	smov.u32 s31;
	[tilespmem:s28+$0x0] =	vst v4;
	v10 =	vld [tilespmem:s4+$0x30]  }
0x45f: {  	p1 =	slt.u32 s26, $0x3E;
	[dreg:$0x8] =	wrdreg s1;
	s1 =	sadd.s32 $0x18800, s6;
	v4 =	vld [tilespmem:s30+$0x440];
	[tilespmem:s3+$0x0] =	vst v5  }
0x460: {  	[dreg:$0x7] =	wrdreg s19;
	s19 =	smov.u32 s18;
	s7 =	sor.u32 s20, s1;
	[tilespmem:s13+$0x100] =	vst v9;
	v9 =	vld [tilespmem:s23+$0x460]  }
.Ltmp5:
0x461: {  	s18 =	sor.u32 s14, s21;
	s21 =	rddreg [dreg:$0x12];
	v7 =	vld [tilespmem:s29+$0x30];
	[tilespmem:s7+$0x0] =	vst v6;
	(pc) =	sbr.rel @p1 .LBB2_13-.Ltmp5, $4  }
0x462: {  	s16 =	sadd.s32 $0x1, s16;
	[dreg:$0xc] =	wrdreg s19;
	v5 =	vld [tilespmem:s22+$0x410];
	[tilespmem:s21+$0x16800] =	vst v8  }
0x463: {  	s19 =	sor.u32 s2, s1;
	s1 =	smov.u32 s29;
	s29 =	sadd.s32 $0x18B00, s24;
	[tilespmem:s12+$0x180] =	vst v10;
	v6 =	vld [tilespmem:s5+$0x400]  }
0x464: {  	s17 =	smov.u32 s9;
	s31 =	sadd.s32 $0x18880, s6;
	s3 =	sor.u32 s0, s29;
	[tilespmem:s8+$0x0] =	vst v4;
	v8 =	vld [tilespmem:s4+$0x40]  }
0x465: {  	s28 =	smov.u32 s22;
	s7 =	smov.u32 s15;
	s15 =	sor.u32 s14, s29;
	v4 =	vld [tilespmem:s30+$0x450];
	[tilespmem:s3+$0x0] =	vst v9  }
0x466: {  	[tilespmem:s13+$0x180] =	vst v7  }
0x467: {  	v7 =	vld [tilespmem:s1+$0x40];
	_ =	sdelay $0x2  }
0x468: {  	[tilespmem:s12+$0x200] =	vst v8  }
0x469: {  	v8 =	vld [tilespmem:s4+$0x50]  }
0x46a: {  	[tilespmem:s13+$0x200] =	vst v7  }
0x46b: {  	v7 =	vld [tilespmem:s1+$0x50];
	_ =	sdelay $0x2  }
0x46c: {  	s3 =	sadd.s32 $0x2, s11;
	[tilespmem:s12+$0x280] =	vst v8  }
0x46d: {  	s3 =	sand.u32 $0x7, s3;
	v8 =	vld [tilespmem:s4+$0x60]  }
0x46e: {  	s3 =	sshll.u32 s3, $0x4;
	[tilespmem:s13+$0x280] =	vst v7  }
0x46f: {  	s3 =	sadd.s32 s17, s3;
	v7 =	vld [tilespmem:s1+$0x60]  }
0x470: {  	s3 =	sadd.s32 $0x10, s3  }
0x471: {  	s3 =	sor.u32 $0x300, s3  }
0x472: {  	[tilespmem:s3+$0x16800] =	vst v8  }
0x473: {  	v8 =	vld [tilespmem:s4+$0x70];
	s3 =	rddreg [dreg:$0xc]  }
0x474: {  	[tilespmem:s3+$0x16800] =	vst v7  }
0x475: {  	v7 =	vld [tilespmem:s1+$0x70];
	s3 =	rddreg [dreg:$0xe]  }
0x476: {  	s3 =	sor.u32 s3, s17  }
0x477: {  	s3 =	sor.u32 $0x380, s3  }
0x478: {  	[tilespmem:s3+$0x16800] =	vst v8  }
0x479: {  	v8 =	vld [tilespmem:s4+$0x400]  }
0x47a: {  	[tilespmem:s7+$0x16800] =	vst v7  }
0x47b: {  	s9 =	rddreg [dreg:$0x5]  }
0x47c: {  	v7 =	vld [tilespmem:s1+$0x400];
	s10 =	rddreg [dreg:$0x7];
	s26 =	sadd.s32 $0x18800, s9  }
0x47d: {  	[tilespmem:s19+$0x0] =	vst v6;
	s29 =	sor.u32 s10, s26  }
0x47e: {  	[tilespmem:s29+$0x0] =	vst v8  }
0x47f: {  	s11 =	rddreg [dreg:$0x8]  }
0x480: {  	v59 =	vld [tilespmem:s5+$0x410];
	s3 =	sor.u32 s11, s26  }
0x481: {  	v58 =	vld [tilespmem:s4+$0x410];
	[tilespmem:s3+$0x0] =	vst v7  }
0x482: {  	v7 =	vld [tilespmem:s1+$0x410]  }
0x483: {  	s8 =	sor.u32 s20, s31  }
0x484: {  	s12 =	sadd.s32 $0x18880, s9;
	[tilespmem:s8+$0x0] =	vst v5;
	s8 =	sor.u32 s2, s31  }
0x485: {  	s13 =	sor.u32 s10, s12;
	v5 =	vld [tilespmem:s28+$0x420];
	[tilespmem:s8+$0x0] =	vst v59  }
0x486: {  	s3 =	sor.u32 s11, s12;
	v8 =	vld [tilespmem:s5+$0x420];
	[tilespmem:s13+$0x0] =	vst v58  }
0x487: {  	v6 =	vld [tilespmem:s4+$0x420];
	[tilespmem:s3+$0x0] =	vst v7  }
0x488: {  	s16 =	sadd.s32 $0x18900, s6;
	v7 =	vld [tilespmem:s1+$0x420]  }
0x489: {  	s17 =	sor.u32 s20, s16  }
0x48a: {  	s7 =	sor.u32 s2, s16;
	s19 =	sadd.s32 $0x18900, s9;
	[tilespmem:s17+$0x0] =	vst v5  }
0x48b: {  	s21 =	sor.u32 s10, s19;
	v5 =	vld [tilespmem:s28+$0x430];
	[tilespmem:s7+$0x0] =	vst v8  }
0x48c: {  	s3 =	sor.u32 s11, s19;
	v8 =	vld [tilespmem:s5+$0x430];
	[tilespmem:s21+$0x0] =	vst v6  }
0x48d: {  	v6 =	vld [tilespmem:s4+$0x430];
	[tilespmem:s3+$0x0] =	vst v7  }
0x48e: {  	s22 =	sadd.s32 $0x18980, s6;
	v7 =	vld [tilespmem:s1+$0x430]  }
0x48f: {  	s25 =	sor.u32 s20, s22  }
0x490: {  	s26 =	sadd.s32 $0x18980, s9;
	s7 =	sor.u32 s2, s22;
	[tilespmem:s25+$0x0] =	vst v5  }
0x491: {  	s29 =	sor.u32 s10, s26;
	v5 =	vld [tilespmem:s28+$0x440];
	[tilespmem:s7+$0x0] =	vst v8  }
0x492: {  	s3 =	sor.u32 s11, s26;
	v8 =	vld [tilespmem:s5+$0x440];
	[tilespmem:s29+$0x0] =	vst v6  }
0x493: {  	v6 =	vld [tilespmem:s4+$0x440];
	[tilespmem:s3+$0x0] =	vst v7  }
0x494: {  	s31 =	sadd.s32 $0x18A00, s6;
	v7 =	vld [tilespmem:s1+$0x440]  }
0x495: {  	s12 =	sor.u32 s20, s31  }
0x496: {  	s13 =	sadd.s32 $0x18A00, s9;
	s7 =	sor.u32 s2, s31;
	[tilespmem:s12+$0x0] =	vst v5  }
0x497: {  	s16 =	sor.u32 s10, s13;
	v5 =	vld [tilespmem:s28+$0x450];
	[tilespmem:s7+$0x0] =	vst v8  }
0x498: {  	s3 =	sor.u32 s11, s13;
	v8 =	vld [tilespmem:s5+$0x450];
	[tilespmem:s16+$0x0] =	vst v6  }
0x499: {  	v6 =	vld [tilespmem:s4+$0x450];
	[tilespmem:s3+$0x0] =	vst v7  }
0x49a: {  	s17 =	sadd.s32 $0x18A80, s6;
	v7 =	vld [tilespmem:s1+$0x450]  }
0x49b: {  	v9 =	vld [tilespmem:s23+$0x470];
	[tilespmem:s18+$0x0] =	vst v4;
	s19 =	sor.u32 s20, s17  }
0x49c: {  	v61 =	vld [tilespmem:s30+$0x460];
	s21 =	sadd.s32 $0x18A80, s9;
	s7 =	sor.u32 s2, s17;
	[tilespmem:s19+$0x0] =	vst v5  }
0x49d: {  	s22 =	sor.u32 s10, s21;
	v60 =	vld [tilespmem:s28+$0x460];
	[tilespmem:s7+$0x0] =	vst v8  }
0x49e: {  	s23 =	sadd.s32 $0x18B80, s24;
	s3 =	sor.u32 s11, s21;
	v62 =	vld [tilespmem:s5+$0x460];
	[tilespmem:s22+$0x0] =	vst v6  }
0x49f: {  	s0 =	sor.u32 s0, s23;
	v6 =	vld [tilespmem:s4+$0x460];
	[tilespmem:s3+$0x0] =	vst v7  }
0x4a0: {  	s24 =	sadd.s32 $0x18B00, s6;
	[tilespmem:s0+$0x0] =	vst v9;
	v63 =	vld [tilespmem:s1+$0x460]  }
0x4a1: {  	[tilespmem:s15+$0x0] =	vst v61;
	s25 =	sor.u32 s20, s24;
	s29 =	smov.u32 s2  }
0x4a2: {  	s26 =	sadd.s32 $0x18B00, s9;
	[tilespmem:s25+$0x0] =	vst v60;
	s3 =	sor.u32 s29, s24  }
0x4a3: {  	s31 =	sor.u32 s10, s26;
	v4 =	vld [tilespmem:s28+$0x470];
	[tilespmem:s3+$0x0] =	vst v62  }
0x4a4: {  	s0 =	sor.u32 s11, s26;
	v5 =	vld [tilespmem:s30+$0x470];
	[tilespmem:s31+$0x0] =	vst v6  }
0x4a5: {  	v7 =	vld [tilespmem:s5+$0x470];
	[tilespmem:s0+$0x0] =	vst v63  }
0x4a6: {  	s5 =	sadd.s32 $0x18B80, s6;
	v6 =	vld [tilespmem:s4+$0x470];
	s2 =	rddreg [dreg:$0xa]  }
0x4a7: {  	s6 =	sor.u32 s20, s5;
	[tilespmem:s2+$0x0] =	vst v3;
	v3 =	vld [tilespmem:s1+$0x470]  }
0x4a8: {  	s7 =	sor.u32 s14, s23;
	[tilespmem:s6+$0x0] =	vst v4  }
0x4a9: {  	s9 =	sadd.s32 $0x18B80, s9;
	s0 =	sor.u32 s29, s5;
	[tilespmem:s7+$0x0] =	vst v5  }
0x4aa: {  	s10 =	sor.u32 s10, s9;
	[tilespmem:s0+$0x0] =	vst v7  }
0x4ab: {  	s1 =	sor.u32 s11, s9;
	[tilespmem:s10+$0x0] =	vst v6  }
0x4ac: {  	[tilespmem:s1+$0x0] =	vst v3  }
0x4ad: {  	s0 =	rddreg [dreg:$0x16]  }
0x4ae: {  	s12 =	simm.s32 $0x16800;
	s13 =	sld [smem:$0x78E]  }
0x4af: {  	[spmem:s0] =	stream.linear.scatter [tilespmem:s12], [sflag:$0x1], $0x80, $0x38;
	[tilespmem:$0x1E800] =	vst v63  }
0x4b0: {  	s14 =	simm.s32 $0x16C00;
	s15 =	sld [smem:$0x78F]  }
0x4b1: {  	[spmem:s13] =	stream.linear.scatter [tilespmem:s14], [sflag:$0x1], $0x80, $0x38;
	[tilespmem:$0x1E800] =	vst v63  }
0x4b2: {  	s16 =	simm.s32 $0x17000;
	s17 =	sld [smem:$0x790]  }
0x4b3: {  	[spmem:s15] =	stream.linear.scatter [tilespmem:s16], [sflag:$0x1], $0x80, $0x38;
	[tilespmem:$0x1E800] =	vst v63  }
0x4b4: {  	s18 =	simm.s32 $0x17400;
	s19 =	sld [smem:$0x791]  }
0x4b5: {  	[spmem:s17] =	stream.linear.scatter [tilespmem:s18], [sflag:$0x1], $0x80, $0x38;
	[tilespmem:$0x1E800] =	vst v63  }
0x4b6: {  	s20 =	simm.s32 $0x17800;
	s21 =	sld [smem:$0x792]  }
0x4b7: {  	[spmem:s19] =	stream.linear.scatter [tilespmem:s20], [sflag:$0x1], $0x80, $0x38;
	[tilespmem:$0x1E800] =	vst v63  }
0x4b8: {  	s22 =	simm.s32 $0x17C00;
	s23 =	sld [smem:$0x793]  }
0x4b9: {  	[spmem:s21] =	stream.linear.scatter [tilespmem:s22], [sflag:$0x1], $0x80, $0x38;
	[tilespmem:$0x1E800] =	vst v63  }
0x4ba: {  	s24 =	simm.s32 $0x18000;
	s25 =	sld [smem:$0x794]  }
0x4bb: {  	[spmem:s23] =	stream.linear.scatter [tilespmem:s24], [sflag:$0x1], $0x80, $0x38;
	[tilespmem:$0x1E800] =	vst v63  }
0x4bc: {  	s26 =	simm.s32 $0x18400;
	s28 =	rddreg [dreg:$0x17]  }
0x4bd: {  	[spmem:s25] =	stream.linear.scatter [tilespmem:s26], [sflag:$0x1], $0x80, $0x38;
	[tilespmem:$0x1E800] =	vst v63  }
0x4be: {  	s29 =	simm.s32 $0x16880;
	s30 =	sld [smem:$0x795]  }
0x4bf: {  	[spmem:s28] =	stream.linear.scatter [tilespmem:s29], [sflag:$0x1], $0x80, $0x38;
	[tilespmem:$0x1E800] =	vst v63  }
0x4c0: {  	s31 =	simm.s32 $0x16C80;
	s1 =	sld [smem:$0x796]  }
0x4c1: {  	[spmem:s30] =	stream.linear.scatter [tilespmem:s31], [sflag:$0x1], $0x80, $0x38;
	[tilespmem:$0x1E800] =	vst v63  }
0x4c2: {  	s2 =	simm.s32 $0x17080;
	s3 =	sld [smem:$0x797]  }
0x4c3: {  	[spmem:s1] =	stream.linear.scatter [tilespmem:s2], [sflag:$0x1], $0x80, $0x38;
	[tilespmem:$0x1E800] =	vst v63  }
0x4c4: {  	s4 =	simm.s32 $0x17480;
	s5 =	sld [smem:$0x798]  }
0x4c5: {  	[spmem:s3] =	stream.linear.scatter [tilespmem:s4], [sflag:$0x1], $0x80, $0x38;
	[tilespmem:$0x1E800] =	vst v63  }
0x4c6: {  	s6 =	simm.s32 $0x17880;
	s7 =	sld [smem:$0x799]  }
0x4c7: {  	[spmem:s5] =	stream.linear.scatter [tilespmem:s6], [sflag:$0x1], $0x80, $0x38;
	[tilespmem:$0x1E800] =	vst v63  }
0x4c8: {  	s8 =	simm.s32 $0x17C80;
	s9 =	sld [smem:$0x79A]  }
0x4c9: {  	[spmem:s7] =	stream.linear.scatter [tilespmem:s8], [sflag:$0x1], $0x80, $0x38;
	[tilespmem:$0x1E800] =	vst v63  }
0x4ca: {  	s10 =	simm.s32 $0x18080;
	s11 =	sld [smem:$0x79B]  }
0x4cb: {  	[spmem:s9] =	stream.linear.scatter [tilespmem:s10], [sflag:$0x1], $0x80, $0x38;
	[tilespmem:$0x1E800] =	vst v63  }
0x4cc: {  	s12 =	simm.s32 $0x18480;
	s13 =	rddreg [dreg:$0x18]  }
0x4cd: {  	[spmem:s11] =	stream.linear.scatter [tilespmem:s12], [sflag:$0x1], $0x80, $0x38;
	[tilespmem:$0x1E800] =	vst v63  }
0x4ce: {  	s14 =	simm.s32 $0x16900;
	s15 =	sld [smem:$0x79C]  }
0x4cf: {  	[spmem:s13] =	stream.linear.scatter [tilespmem:s14], [sflag:$0x1], $0x80, $0x38;
	[tilespmem:$0x1E800] =	vst v63  }
0x4d0: {  	s16 =	simm.s32 $0x16D00;
	s17 =	sld [smem:$0x79D]  }
0x4d1: {  	[spmem:s15] =	stream.linear.scatter [tilespmem:s16], [sflag:$0x1], $0x80, $0x38;
	[tilespmem:$0x1E800] =	vst v63  }
0x4d2: {  	s18 =	simm.s32 $0x17100;
	s19 =	sld [smem:$0x79E]  }
0x4d3: {  	[spmem:s17] =	stream.linear.scatter [tilespmem:s18], [sflag:$0x1], $0x80, $0x38;
	[tilespmem:$0x1E800] =	vst v63  }
0x4d4: {  	s20 =	simm.s32 $0x17500;
	s21 =	sld [smem:$0x79F]  }
0x4d5: {  	[spmem:s19] =	stream.linear.scatter [tilespmem:s20], [sflag:$0x1], $0x80, $0x38;
	[tilespmem:$0x1E800] =	vst v63  }
0x4d6: {  	s22 =	simm.s32 $0x17900;
	s23 =	sld [smem:$0x7A0]  }
0x4d7: {  	[spmem:s21] =	stream.linear.scatter [tilespmem:s22], [sflag:$0x1], $0x80, $0x38;
	[tilespmem:$0x1E800] =	vst v63  }
0x4d8: {  	s24 =	simm.s32 $0x17D00;
	s25 =	sld [smem:$0x7A1]  }
0x4d9: {  	[spmem:s23] =	stream.linear.scatter [tilespmem:s24], [sflag:$0x1], $0x80, $0x38;
	[tilespmem:$0x1E800] =	vst v63  }
0x4da: {  	s26 =	simm.s32 $0x18100;
	s28 =	sld [smem:$0x7A2]  }
0x4db: {  	[spmem:s25] =	stream.linear.scatter [tilespmem:s26], [sflag:$0x1], $0x80, $0x38;
	[tilespmem:$0x1E800] =	vst v63  }
0x4dc: {  	s29 =	simm.s32 $0x18500;
	s30 =	rddreg [dreg:$0x19]  }
0x4dd: {  	[spmem:s28] =	stream.linear.scatter [tilespmem:s29], [sflag:$0x1], $0x80, $0x38;
	[tilespmem:$0x1E800] =	vst v63  }
0x4de: {  	s31 =	simm.s32 $0x16980;
	s1 =	sld [smem:$0x7A3]  }
0x4df: {  	[spmem:s30] =	stream.linear.scatter [tilespmem:s31], [sflag:$0x1], $0x80, $0x38;
	[tilespmem:$0x1E800] =	vst v63  }
0x4e0: {  	s2 =	simm.s32 $0x16D80;
	s3 =	sld [smem:$0x7A4]  }
0x4e1: {  	[spmem:s1] =	stream.linear.scatter [tilespmem:s2], [sflag:$0x1], $0x80, $0x38;
	[tilespmem:$0x1E800] =	vst v63  }
0x4e2: {  	s4 =	simm.s32 $0x17180;
	s5 =	sld [smem:$0x7A5]  }
0x4e3: {  	[spmem:s3] =	stream.linear.scatter [tilespmem:s4], [sflag:$0x1], $0x80, $0x38;
	[tilespmem:$0x1E800] =	vst v63  }
0x4e4: {  	s6 =	simm.s32 $0x17580;
	s7 =	sld [smem:$0x7A6]  }
0x4e5: {  	[spmem:s5] =	stream.linear.scatter [tilespmem:s6], [sflag:$0x1], $0x80, $0x38;
	[tilespmem:$0x1E800] =	vst v63  }
0x4e6: {  	s8 =	simm.s32 $0x17980;
	s9 =	sld [smem:$0x7A7]  }
0x4e7: {  	[spmem:s7] =	stream.linear.scatter [tilespmem:s8], [sflag:$0x1], $0x80, $0x38;
	[tilespmem:$0x1E800] =	vst v63  }
0x4e8: {  	s10 =	simm.s32 $0x17D80;
	s11 =	sld [smem:$0x7A8]  }
0x4e9: {  	[spmem:s9] =	stream.linear.scatter [tilespmem:s10], [sflag:$0x1], $0x80, $0x38;
	[tilespmem:$0x1E800] =	vst v63  }
0x4ea: {  	s12 =	simm.s32 $0x18180;
	s13 =	sld [smem:$0x7A9]  }
0x4eb: {  	[spmem:s11] =	stream.linear.scatter [tilespmem:s12], [sflag:$0x1], $0x80, $0x38;
	[tilespmem:$0x1E800] =	vst v63  }
0x4ec: {  	s14 =	simm.s32 $0x18580;
	s15 =	rddreg [dreg:$0x1a]  }
0x4ed: {  	[spmem:s13] =	stream.linear.scatter [tilespmem:s14], [sflag:$0x1], $0x80, $0x38;
	[tilespmem:$0x1E800] =	vst v63  }
0x4ee: {  	s16 =	simm.s32 $0x16A00;
	s17 =	sld [smem:$0x7AA]  }
0x4ef: {  	[spmem:s15] =	stream.linear.scatter [tilespmem:s16], [sflag:$0x1], $0x80, $0x38;
	[tilespmem:$0x1E800] =	vst v63  }
0x4f0: {  	s18 =	simm.s32 $0x16E00;
	s19 =	sld [smem:$0x7AB]  }
0x4f1: {  	[spmem:s17] =	stream.linear.scatter [tilespmem:s18], [sflag:$0x1], $0x80, $0x38;
	[tilespmem:$0x1E800] =	vst v63  }
0x4f2: {  	s20 =	simm.s32 $0x17200;
	s21 =	sld [smem:$0x7AC]  }
0x4f3: {  	[spmem:s19] =	stream.linear.scatter [tilespmem:s20], [sflag:$0x1], $0x80, $0x38;
	[tilespmem:$0x1E800] =	vst v63  }
0x4f4: {  	s22 =	simm.s32 $0x17600;
	s23 =	sld [smem:$0x7AD]  }
0x4f5: {  	[spmem:s21] =	stream.linear.scatter [tilespmem:s22], [sflag:$0x1], $0x80, $0x38;
	[tilespmem:$0x1E800] =	vst v63  }
0x4f6: {  	s24 =	simm.s32 $0x17A00;
	s25 =	sld [smem:$0x7AE]  }
0x4f7: {  	[spmem:s23] =	stream.linear.scatter [tilespmem:s24], [sflag:$0x1], $0x80, $0x38;
	[tilespmem:$0x1E800] =	vst v63  }
0x4f8: {  	s26 =	simm.s32 $0x17E00;
	s28 =	sld [smem:$0x7AF]  }
0x4f9: {  	[spmem:s25] =	stream.linear.scatter [tilespmem:s26], [sflag:$0x1], $0x80, $0x38;
	[tilespmem:$0x1E800] =	vst v63  }
0x4fa: {  	s29 =	simm.s32 $0x18200;
	s30 =	sld [smem:$0x7B0]  }
0x4fb: {  	[spmem:s28] =	stream.linear.scatter [tilespmem:s29], [sflag:$0x1], $0x80, $0x38;
	[tilespmem:$0x1E800] =	vst v63  }
0x4fc: {  	s31 =	simm.s32 $0x18600;
	s1 =	rddreg [dreg:$0x1b]  }
0x4fd: {  	[spmem:s30] =	stream.linear.scatter [tilespmem:s31], [sflag:$0x1], $0x80, $0x38;
	[tilespmem:$0x1E800] =	vst v63  }
0x4fe: {  	s2 =	simm.s32 $0x16A80;
	s3 =	sld [smem:$0x7B1]  }
0x4ff: {  	[spmem:s1] =	stream.linear.scatter [tilespmem:s2], [sflag:$0x1], $0x80, $0x38;
	[tilespmem:$0x1E800] =	vst v63  }
0x500: {  	s4 =	simm.s32 $0x16E80;
	s5 =	sld [smem:$0x7B2]  }
0x501: {  	[spmem:s3] =	stream.linear.scatter [tilespmem:s4], [sflag:$0x1], $0x80, $0x38;
	[tilespmem:$0x1E800] =	vst v63  }
0x502: {  	s6 =	simm.s32 $0x17280;
	s7 =	sld [smem:$0x7B3]  }
0x503: {  	[spmem:s5] =	stream.linear.scatter [tilespmem:s6], [sflag:$0x1], $0x80, $0x38;
	[tilespmem:$0x1E800] =	vst v63  }
0x504: {  	s8 =	simm.s32 $0x17680;
	s9 =	sld [smem:$0x7B4]  }
0x505: {  	[spmem:s7] =	stream.linear.scatter [tilespmem:s8], [sflag:$0x1], $0x80, $0x38;
	[tilespmem:$0x1E800] =	vst v63  }
0x506: {  	s10 =	simm.s32 $0x17A80;
	s11 =	sld [smem:$0x7B5]  }
0x507: {  	[spmem:s9] =	stream.linear.scatter [tilespmem:s10], [sflag:$0x1], $0x80, $0x38;
	[tilespmem:$0x1E800] =	vst v63  }
0x508: {  	s12 =	simm.s32 $0x17E80;
	s13 =	sld [smem:$0x7B6]  }
0x509: {  	[spmem:s11] =	stream.linear.scatter [tilespmem:s12], [sflag:$0x1], $0x80, $0x38;
	[tilespmem:$0x1E800] =	vst v63  }
0x50a: {  	s14 =	simm.s32 $0x18280;
	s15 =	sld [smem:$0x7B7]  }
0x50b: {  	[spmem:s13] =	stream.linear.scatter [tilespmem:s14], [sflag:$0x1], $0x80, $0x38;
	[tilespmem:$0x1E800] =	vst v63  }
0x50c: {  	s16 =	simm.s32 $0x18680;
	s17 =	rddreg [dreg:$0x1c]  }
0x50d: {  	[spmem:s15] =	stream.linear.scatter [tilespmem:s16], [sflag:$0x1], $0x80, $0x38;
	[tilespmem:$0x1E800] =	vst v63  }
0x50e: {  	s18 =	simm.s32 $0x16B00;
	s19 =	sld [smem:$0x7B8]  }
0x50f: {  	[spmem:s17] =	stream.linear.scatter [tilespmem:s18], [sflag:$0x1], $0x80, $0x38;
	[tilespmem:$0x1E800] =	vst v63  }
0x510: {  	s20 =	simm.s32 $0x16F00;
	s21 =	sld [smem:$0x7B9]  }
0x511: {  	[spmem:s19] =	stream.linear.scatter [tilespmem:s20], [sflag:$0x1], $0x80, $0x38;
	[tilespmem:$0x1E800] =	vst v63  }
0x512: {  	s22 =	simm.s32 $0x17300;
	s23 =	sld [smem:$0x7BA]  }
0x513: {  	[spmem:s21] =	stream.linear.scatter [tilespmem:s22], [sflag:$0x1], $0x80, $0x38;
	[tilespmem:$0x1E800] =	vst v63  }
0x514: {  	s24 =	simm.s32 $0x17700;
	s25 =	sld [smem:$0x7BB]  }
0x515: {  	[spmem:s23] =	stream.linear.scatter [tilespmem:s24], [sflag:$0x1], $0x80, $0x38;
	[tilespmem:$0x1E800] =	vst v63  }
0x516: {  	s26 =	simm.s32 $0x17B00;
	s28 =	sld [smem:$0x7BC]  }
0x517: {  	[spmem:s25] =	stream.linear.scatter [tilespmem:s26], [sflag:$0x1], $0x80, $0x38;
	[tilespmem:$0x1E800] =	vst v63  }
0x518: {  	s29 =	simm.s32 $0x17F00;
	s30 =	sld [smem:$0x7BD]  }
0x519: {  	[spmem:s28] =	stream.linear.scatter [tilespmem:s29], [sflag:$0x1], $0x80, $0x38;
	[tilespmem:$0x1E800] =	vst v63  }
0x51a: {  	s31 =	simm.s32 $0x18300;
	s1 =	sld [smem:$0x7BE]  }
0x51b: {  	[spmem:s30] =	stream.linear.scatter [tilespmem:s31], [sflag:$0x1], $0x80, $0x38;
	[tilespmem:$0x1E800] =	vst v63  }
0x51c: {  	s2 =	simm.s32 $0x18700;
	s3 =	rddreg [dreg:$0x1d]  }
0x51d: {  	[spmem:s1] =	stream.linear.scatter [tilespmem:s2], [sflag:$0x1], $0x80, $0x38;
	[tilespmem:$0x1E800] =	vst v63  }
0x51e: {  	s4 =	simm.s32 $0x16B80;
	s5 =	sld [smem:$0x7BF]  }
0x51f: {  	[spmem:s3] =	stream.linear.scatter [tilespmem:s4], [sflag:$0x1], $0x80, $0x38;
	[tilespmem:$0x1E800] =	vst v63  }
0x520: {  	s6 =	simm.s32 $0x16F80;
	s7 =	sld [smem:$0x7C0]  }
0x521: {  	[spmem:s5] =	stream.linear.scatter [tilespmem:s6], [sflag:$0x1], $0x80, $0x38;
	[tilespmem:$0x1E800] =	vst v63  }
0x522: {  	s8 =	simm.s32 $0x17380;
	s9 =	sld [smem:$0x7C1]  }
0x523: {  	[spmem:s7] =	stream.linear.scatter [tilespmem:s8], [sflag:$0x1], $0x80, $0x38;
	[tilespmem:$0x1E800] =	vst v63  }
0x524: {  	s10 =	simm.s32 $0x17780;
	s11 =	sld [smem:$0x7C2]  }
0x525: {  	[spmem:s9] =	stream.linear.scatter [tilespmem:s10], [sflag:$0x1], $0x80, $0x38;
	[tilespmem:$0x1E800] =	vst v63  }
0x526: {  	s12 =	simm.s32 $0x17B80;
	s13 =	sld [smem:$0x7C3]  }
0x527: {  	[spmem:s11] =	stream.linear.scatter [tilespmem:s12], [sflag:$0x1], $0x80, $0x38;
	[tilespmem:$0x1E800] =	vst v63  }
0x528: {  	s14 =	simm.s32 $0x17F80;
	s15 =	sld [smem:$0x7C4]  }
0x529: {  	[spmem:s13] =	stream.linear.scatter [tilespmem:s14], [sflag:$0x1], $0x80, $0x38;
	[tilespmem:$0x1E800] =	vst v63  }
0x52a: {  	s16 =	simm.s32 $0x18380;
	s17 =	sld [smem:$0x7C5]  }
0x52b: {  	[spmem:s15] =	stream.linear.scatter [tilespmem:s16], [sflag:$0x1], $0x80, $0x38;
	[tilespmem:$0x1E800] =	vst v63  }
0x52c: {  	s18 =	simm.s32 $0x18780;
	s19 =	rddreg [dreg:$0x1e]  }
0x52d: {  	[spmem:s17] =	stream.linear.scatter [tilespmem:s18], [sflag:$0x1], $0x80, $0x38;
	[tilespmem:$0x1E800] =	vst v63  }
0x52e: {  	s20 =	simm.s32 $0x18800;
	s21 =	sld [smem:$0x7C6]  }
0x52f: {  	[spmem:s19] =	stream.linear.scatter [tilespmem:s20], [sflag:$0x1], $0x80, $0x38;
	[tilespmem:$0x1E800] =	vst v63  }
0x530: {  	s22 =	simm.s32 $0x18C00;
	s23 =	sld [smem:$0x7C7]  }
0x531: {  	[spmem:s21] =	stream.linear.scatter [tilespmem:s22], [sflag:$0x1], $0x80, $0x38;
	[tilespmem:$0x1E800] =	vst v63  }
0x532: {  	s24 =	simm.s32 $0x19000;
	s25 =	sld [smem:$0x7C8]  }
0x533: {  	[spmem:s23] =	stream.linear.scatter [tilespmem:s24], [sflag:$0x1], $0x80, $0x38;
	[tilespmem:$0x1E800] =	vst v63  }
0x534: {  	s26 =	simm.s32 $0x19400;
	s28 =	sld [smem:$0x7C9]  }
0x535: {  	[spmem:s25] =	stream.linear.scatter [tilespmem:s26], [sflag:$0x1], $0x80, $0x38;
	[tilespmem:$0x1E800] =	vst v63  }
0x536: {  	s29 =	simm.s32 $0x19800;
	s30 =	sld [smem:$0x7CA]  }
0x537: {  	[spmem:s28] =	stream.linear.scatter [tilespmem:s29], [sflag:$0x1], $0x80, $0x38;
	[tilespmem:$0x1E800] =	vst v63  }
0x538: {  	s31 =	simm.s32 $0x19C00;
	s1 =	sld [smem:$0x7CB]  }
0x539: {  	[spmem:s30] =	stream.linear.scatter [tilespmem:s31], [sflag:$0x1], $0x80, $0x38;
	[tilespmem:$0x1E800] =	vst v63  }
0x53a: {  	s2 =	simm.s32 $0x1A000;
	s3 =	sld [smem:$0x7CC]  }
0x53b: {  	[spmem:s1] =	stream.linear.scatter [tilespmem:s2], [sflag:$0x1], $0x80, $0x38;
	[tilespmem:$0x1E800] =	vst v63  }
0x53c: {  	s4 =	simm.s32 $0x1A400;
	s5 =	rddreg [dreg:$0x1f]  }
0x53d: {  	[spmem:s3] =	stream.linear.scatter [tilespmem:s4], [sflag:$0x1], $0x80, $0x38;
	[tilespmem:$0x1E800] =	vst v63  }
0x53e: {  	s6 =	simm.s32 $0x18880;
	s7 =	sld [smem:$0x7CD]  }
0x53f: {  	[spmem:s5] =	stream.linear.scatter [tilespmem:s6], [sflag:$0x1], $0x80, $0x38;
	[tilespmem:$0x1E800] =	vst v63  }
0x540: {  	s8 =	simm.s32 $0x18C80;
	s9 =	sld [smem:$0x7CE]  }
0x541: {  	[spmem:s7] =	stream.linear.scatter [tilespmem:s8], [sflag:$0x1], $0x80, $0x38;
	[tilespmem:$0x1E800] =	vst v63  }
0x542: {  	s10 =	simm.s32 $0x19080;
	s11 =	sld [smem:$0x7CF]  }
0x543: {  	[spmem:s9] =	stream.linear.scatter [tilespmem:s10], [sflag:$0x1], $0x80, $0x38;
	[tilespmem:$0x1E800] =	vst v63  }
0x544: {  	s12 =	simm.s32 $0x19480;
	s13 =	sld [smem:$0x7D0]  }
0x545: {  	[spmem:s11] =	stream.linear.scatter [tilespmem:s12], [sflag:$0x1], $0x80, $0x38;
	[tilespmem:$0x1E800] =	vst v63  }
0x546: {  	s14 =	simm.s32 $0x19880;
	s15 =	sld [smem:$0x7D1]  }
0x547: {  	[spmem:s13] =	stream.linear.scatter [tilespmem:s14], [sflag:$0x1], $0x80, $0x38;
	[tilespmem:$0x1E800] =	vst v63  }
0x548: {  	s16 =	simm.s32 $0x19C80;
	s17 =	sld [smem:$0x7D2]  }
0x549: {  	[spmem:s15] =	stream.linear.scatter [tilespmem:s16], [sflag:$0x1], $0x80, $0x38;
	[tilespmem:$0x1E800] =	vst v63  }
0x54a: {  	s18 =	simm.s32 $0x1A080;
	s19 =	sld [smem:$0x7D3]  }
0x54b: {  	[spmem:s17] =	stream.linear.scatter [tilespmem:s18], [sflag:$0x1], $0x80, $0x38;
	[tilespmem:$0x1E800] =	vst v63  }
0x54c: {  	s20 =	simm.s32 $0x1A480;
	s21 =	sld [smem:$0x782]  }
0x54d: {  	[spmem:s19] =	stream.linear.scatter [tilespmem:s20], [sflag:$0x1], $0x80, $0x38;
	[tilespmem:$0x1E800] =	vst v63  }
0x54e: {  	s22 =	simm.s32 $0x18900;
	s23 =	sld [smem:$0x7D4]  }
0x54f: {  	[spmem:s21] =	stream.linear.scatter [tilespmem:s22], [sflag:$0x1], $0x80, $0x38;
	[tilespmem:$0x1E800] =	vst v63  }
0x550: {  	s24 =	simm.s32 $0x18D00;
	s25 =	sld [smem:$0x7D5]  }
0x551: {  	[spmem:s23] =	stream.linear.scatter [tilespmem:s24], [sflag:$0x1], $0x80, $0x38;
	[tilespmem:$0x1E800] =	vst v63  }
0x552: {  	s26 =	simm.s32 $0x19100;
	s28 =	sld [smem:$0x7D6]  }
0x553: {  	[spmem:s25] =	stream.linear.scatter [tilespmem:s26], [sflag:$0x1], $0x80, $0x38;
	[tilespmem:$0x1E800] =	vst v63  }
0x554: {  	s29 =	simm.s32 $0x19500;
	s30 =	sld [smem:$0x7D7]  }
0x555: {  	[spmem:s28] =	stream.linear.scatter [tilespmem:s29], [sflag:$0x1], $0x80, $0x38;
	[tilespmem:$0x1E800] =	vst v63  }
0x556: {  	s31 =	simm.s32 $0x19900;
	s1 =	sld [smem:$0x7D8]  }
0x557: {  	[spmem:s30] =	stream.linear.scatter [tilespmem:s31], [sflag:$0x1], $0x80, $0x38;
	[tilespmem:$0x1E800] =	vst v63  }
0x558: {  	s2 =	simm.s32 $0x19D00;
	s3 =	sld [smem:$0x7D9]  }
0x559: {  	[spmem:s1] =	stream.linear.scatter [tilespmem:s2], [sflag:$0x1], $0x80, $0x38;
	[tilespmem:$0x1E800] =	vst v63  }
0x55a: {  	s4 =	simm.s32 $0x1A100;
	s5 =	sld [smem:$0x7DA]  }
0x55b: {  	[spmem:s3] =	stream.linear.scatter [tilespmem:s4], [sflag:$0x1], $0x80, $0x38;
	[tilespmem:$0x1E800] =	vst v63  }
0x55c: {  	s6 =	simm.s32 $0x1A500;
	s7 =	sld [smem:$0x783]  }
0x55d: {  	[spmem:s5] =	stream.linear.scatter [tilespmem:s6], [sflag:$0x1], $0x80, $0x38;
	[tilespmem:$0x1E800] =	vst v63  }
0x55e: {  	s8 =	simm.s32 $0x18980;
	s9 =	sld [smem:$0x7DB]  }
0x55f: {  	[spmem:s7] =	stream.linear.scatter [tilespmem:s8], [sflag:$0x1], $0x80, $0x38;
	[tilespmem:$0x1E800] =	vst v63  }
0x560: {  	s10 =	simm.s32 $0x18D80;
	s11 =	sld [smem:$0x7DC]  }
0x561: {  	[spmem:s9] =	stream.linear.scatter [tilespmem:s10], [sflag:$0x1], $0x80, $0x38;
	[tilespmem:$0x1E800] =	vst v63  }
0x562: {  	s12 =	simm.s32 $0x19180;
	s13 =	sld [smem:$0x7DD]  }
0x563: {  	[spmem:s11] =	stream.linear.scatter [tilespmem:s12], [sflag:$0x1], $0x80, $0x38;
	[tilespmem:$0x1E800] =	vst v63  }
0x564: {  	s14 =	simm.s32 $0x19580;
	s15 =	sld [smem:$0x7DE]  }
0x565: {  	[spmem:s13] =	stream.linear.scatter [tilespmem:s14], [sflag:$0x1], $0x80, $0x38;
	[tilespmem:$0x1E800] =	vst v63  }
0x566: {  	s16 =	simm.s32 $0x19980;
	s17 =	sld [smem:$0x7DF]  }
0x567: {  	[spmem:s15] =	stream.linear.scatter [tilespmem:s16], [sflag:$0x1], $0x80, $0x38;
	[tilespmem:$0x1E800] =	vst v63  }
0x568: {  	s18 =	simm.s32 $0x19D80;
	s19 =	sld [smem:$0x7E0]  }
0x569: {  	[spmem:s17] =	stream.linear.scatter [tilespmem:s18], [sflag:$0x1], $0x80, $0x38;
	[tilespmem:$0x1E800] =	vst v63  }
0x56a: {  	s20 =	simm.s32 $0x1A180;
	s21 =	sld [smem:$0x7E1]  }
0x56b: {  	[spmem:s19] =	stream.linear.scatter [tilespmem:s20], [sflag:$0x1], $0x80, $0x38;
	[tilespmem:$0x1E800] =	vst v63  }
0x56c: {  	s22 =	simm.s32 $0x1A580;
	s23 =	sld [smem:$0x785]  }
0x56d: {  	[spmem:s21] =	stream.linear.scatter [tilespmem:s22], [sflag:$0x1], $0x80, $0x38;
	[tilespmem:$0x1E800] =	vst v63  }
0x56e: {  	s24 =	simm.s32 $0x18A00;
	s25 =	sld [smem:$0x7E2]  }
0x56f: {  	[spmem:s23] =	stream.linear.scatter [tilespmem:s24], [sflag:$0x1], $0x80, $0x38;
	[tilespmem:$0x1E800] =	vst v63  }
0x570: {  	s26 =	simm.s32 $0x18E00;
	s28 =	sld [smem:$0x7E3]  }
0x571: {  	[spmem:s25] =	stream.linear.scatter [tilespmem:s26], [sflag:$0x1], $0x80, $0x38;
	[tilespmem:$0x1E800] =	vst v63  }
0x572: {  	s29 =	simm.s32 $0x19200;
	s30 =	sld [smem:$0x7E4]  }
0x573: {  	[spmem:s28] =	stream.linear.scatter [tilespmem:s29], [sflag:$0x1], $0x80, $0x38;
	[tilespmem:$0x1E800] =	vst v63  }
0x574: {  	s31 =	simm.s32 $0x19600;
	s1 =	sld [smem:$0x7E5]  }
0x575: {  	[spmem:s30] =	stream.linear.scatter [tilespmem:s31], [sflag:$0x1], $0x80, $0x38;
	[tilespmem:$0x1E800] =	vst v63  }
0x576: {  	s2 =	simm.s32 $0x19A00;
	s3 =	sld [smem:$0x7E6]  }
0x577: {  	[spmem:s1] =	stream.linear.scatter [tilespmem:s2], [sflag:$0x1], $0x80, $0x38;
	[tilespmem:$0x1E800] =	vst v63  }
0x578: {  	s4 =	simm.s32 $0x19E00;
	s5 =	sld [smem:$0x7E7]  }
0x579: {  	[spmem:s3] =	stream.linear.scatter [tilespmem:s4], [sflag:$0x1], $0x80, $0x38;
	[tilespmem:$0x1E800] =	vst v63  }
0x57a: {  	s6 =	simm.s32 $0x1A200;
	s7 =	sld [smem:$0x7E8]  }
0x57b: {  	[spmem:s5] =	stream.linear.scatter [tilespmem:s6], [sflag:$0x1], $0x80, $0x38;
	[tilespmem:$0x1E800] =	vst v63  }
0x57c: {  	s8 =	simm.s32 $0x1A600;
	s9 =	sld [smem:$0x78B]  }
0x57d: {  	[spmem:s7] =	stream.linear.scatter [tilespmem:s8], [sflag:$0x1], $0x80, $0x38;
	[tilespmem:$0x1E800] =	vst v63  }
0x57e: {  	s10 =	simm.s32 $0x18A80;
	s11 =	sld [smem:$0x7E9]  }
0x57f: {  	[spmem:s9] =	stream.linear.scatter [tilespmem:s10], [sflag:$0x1], $0x80, $0x38;
	[tilespmem:$0x1E800] =	vst v63  }
0x580: {  	s12 =	simm.s32 $0x18E80;
	s13 =	sld [smem:$0x7EA]  }
0x581: {  	[spmem:s11] =	stream.linear.scatter [tilespmem:s12], [sflag:$0x1], $0x80, $0x38;
	[tilespmem:$0x1E800] =	vst v63  }
0x582: {  	s14 =	simm.s32 $0x19280;
	s15 =	sld [smem:$0x7EB]  }
0x583: {  	[spmem:s13] =	stream.linear.scatter [tilespmem:s14], [sflag:$0x1], $0x80, $0x38;
	[tilespmem:$0x1E800] =	vst v63  }
0x584: {  	s16 =	simm.s32 $0x19680;
	s17 =	sld [smem:$0x7EC]  }
0x585: {  	[spmem:s15] =	stream.linear.scatter [tilespmem:s16], [sflag:$0x1], $0x80, $0x38;
	[tilespmem:$0x1E800] =	vst v63  }
0x586: {  	s18 =	simm.s32 $0x19A80;
	s19 =	sld [smem:$0x7ED]  }
0x587: {  	[spmem:s17] =	stream.linear.scatter [tilespmem:s18], [sflag:$0x1], $0x80, $0x38;
	[tilespmem:$0x1E800] =	vst v63  }
0x588: {  	s20 =	simm.s32 $0x19E80;
	s21 =	sld [smem:$0x7EE]  }
0x589: {  	[spmem:s19] =	stream.linear.scatter [tilespmem:s20], [sflag:$0x1], $0x80, $0x38;
	[tilespmem:$0x1E800] =	vst v63  }
0x58a: {  	s22 =	simm.s32 $0x1A280;
	s23 =	sld [smem:$0x7EF]  }
0x58b: {  	[spmem:s21] =	stream.linear.scatter [tilespmem:s22], [sflag:$0x1], $0x80, $0x38;
	[tilespmem:$0x1E800] =	vst v63  }
0x58c: {  	s24 =	simm.s32 $0x1A680;
	s25 =	sld [smem:$0x78C]  }
0x58d: {  	[spmem:s23] =	stream.linear.scatter [tilespmem:s24], [sflag:$0x1], $0x80, $0x38;
	[tilespmem:$0x1E800] =	vst v63  }
0x58e: {  	s26 =	simm.s32 $0x18B00;
	s28 =	sld [smem:$0x7F0]  }
0x58f: {  	[spmem:s25] =	stream.linear.scatter [tilespmem:s26], [sflag:$0x1], $0x80, $0x38;
	[tilespmem:$0x1E800] =	vst v63  }
0x590: {  	s29 =	simm.s32 $0x18F00;
	s30 =	sld [smem:$0x7F1]  }
0x591: {  	[spmem:s28] =	stream.linear.scatter [tilespmem:s29], [sflag:$0x1], $0x80, $0x38;
	[tilespmem:$0x1E800] =	vst v63  }
0x592: {  	s31 =	simm.s32 $0x19300;
	s1 =	sld [smem:$0x7F2]  }
0x593: {  	[spmem:s30] =	stream.linear.scatter [tilespmem:s31], [sflag:$0x1], $0x80, $0x38;
	[tilespmem:$0x1E800] =	vst v63  }
0x594: {  	s2 =	simm.s32 $0x19700;
	s3 =	sld [smem:$0x7F3]  }
0x595: {  	[spmem:s1] =	stream.linear.scatter [tilespmem:s2], [sflag:$0x1], $0x80, $0x38;
	[tilespmem:$0x1E800] =	vst v63  }
0x596: {  	s4 =	simm.s32 $0x19B00;
	s5 =	sld [smem:$0x7F4]  }
0x597: {  	[spmem:s3] =	stream.linear.scatter [tilespmem:s4], [sflag:$0x1], $0x80, $0x38;
	[tilespmem:$0x1E800] =	vst v63  }
0x598: {  	s6 =	simm.s32 $0x19F00;
	s7 =	sld [smem:$0x7F5]  }
0x599: {  	[spmem:s5] =	stream.linear.scatter [tilespmem:s6], [sflag:$0x1], $0x80, $0x38;
	[tilespmem:$0x1E800] =	vst v63  }
0x59a: {  	s8 =	simm.s32 $0x1A300;
	s9 =	sld [smem:$0x7F6]  }
0x59b: {  	[spmem:s7] =	stream.linear.scatter [tilespmem:s8], [sflag:$0x1], $0x80, $0x38;
	[tilespmem:$0x1E800] =	vst v63  }
0x59c: {  	s10 =	simm.s32 $0x1A700;
	s11 =	sld [smem:$0x78D]  }
0x59d: {  	[spmem:s9] =	stream.linear.scatter [tilespmem:s10], [sflag:$0x1], $0x80, $0x38;
	[tilespmem:$0x1E800] =	vst v63  }
0x59e: {  	s12 =	simm.s32 $0x18B80;
	s13 =	sld [smem:$0x7F7]  }
0x59f: {  	[spmem:s11] =	stream.linear.scatter [tilespmem:s12], [sflag:$0x1], $0x80, $0x38;
	[tilespmem:$0x1E800] =	vst v63  }
0x5a0: {  	s14 =	simm.s32 $0x18F80;
	s15 =	sld [smem:$0x7F8]  }
0x5a1: {  	[spmem:s13] =	stream.linear.scatter [tilespmem:s14], [sflag:$0x1], $0x80, $0x38;
	[tilespmem:$0x1E800] =	vst v63  }
0x5a2: {  	s16 =	simm.s32 $0x19380;
	s17 =	sld [smem:$0x7F9]  }
0x5a3: {  	[spmem:s15] =	stream.linear.scatter [tilespmem:s16], [sflag:$0x1], $0x80, $0x38;
	[tilespmem:$0x1E800] =	vst v63  }
0x5a4: {  	s18 =	simm.s32 $0x19780;
	s19 =	sld [smem:$0x7FA]  }
0x5a5: {  	[spmem:s17] =	stream.linear.scatter [tilespmem:s18], [sflag:$0x1], $0x80, $0x38;
	[tilespmem:$0x1E800] =	vst v63  }
0x5a6: {  	s20 =	simm.s32 $0x19B80;
	s21 =	sld [smem:$0x7FB]  }
0x5a7: {  	[spmem:s19] =	stream.linear.scatter [tilespmem:s20], [sflag:$0x1], $0x80, $0x38;
	[tilespmem:$0x1E800] =	vst v63  }
0x5a8: {  	s22 =	simm.s32 $0x19F80;
	s23 =	sld [smem:$0x7FC]  }
0x5a9: {  	[spmem:s21] =	stream.linear.scatter [tilespmem:s22], [sflag:$0x1], $0x80, $0x38;
	[tilespmem:$0x1E800] =	vst v63  }
0x5aa: {  	s24 =	simm.s32 $0x1A380;
	s25 =	sld [smem:$0x7FD]  }
0x5ab: {  	[spmem:s23] =	stream.linear.scatter [tilespmem:s24], [sflag:$0x1], $0x80, $0x38;
	[tilespmem:$0x1E800] =	vst v63  }
0x5ac: {  	s26 =	simm.s32 $0x1A780;
	s28 =	simm.s32 $0x1  }
0x5ad: {  	[spmem:s25] =	stream.linear.scatter [tilespmem:s26], [sflag:$0x1], $0x80, $0x38;
	[tilespmem:$0x1E800] =	vst v63  }
0x5ae: {  	_ =	swait.ge [sflag:s28], $0x400  }
0x5af: {  	[sflag:s28] =	ssyncset.done $0x0  }
0x5b0: {  	[sflag:s28] =	ssyncadd.s32 $0xFFFFFC00  }
0x5b1: {  	_ =	swait.ge [sflag:s28], $0x400  }
0x5b2: {  	[sflag:s28] =	ssyncset.done $0x0  }
0x5b3: {  	[sflag:s28] =	ssyncadd.s32 $0xFFFFFC00  }
0x5b4: {  	_ =	swait.ge [sflag:s28], $0x400  }
0x5b5: {  	[sflag:s28] =	ssyncset.done $0x0  }
0x5b6: {  	[sflag:s28] =	ssyncadd.s32 $0xFFFFFC00  }
0x5b7: {  	_ =	swait.ge [sflag:s28], $0x400  }
0x5b8: {  	[sflag:s28] =	ssyncset.done $0x0  }
0x5b9: {  	[sflag:s28] =	ssyncadd.s32 $0xFFFFFC00  }
0x5ba: {  	_ =	swait.ge [sflag:s28], $0x400  }
0x5bb: {  	[sflag:s28] =	ssyncset.done $0x0  }
0x5bc: {  	[sflag:s28] =	ssyncadd.s32 $0xFFFFFC00  }
0x5bd: {  	_ =	swait.ge [sflag:s28], $0x400  }
0x5be: {  	[sflag:s28] =	ssyncset.done $0x0  }
0x5bf: {  	[sflag:s28] =	ssyncadd.s32 $0xFFFFFC00  }
0x5c0: {  	_ =	swait.ge [sflag:s28], $0x400  }
0x5c1: {  	[sflag:s28] =	ssyncset.done $0x0  }
0x5c2: {  	[sflag:s28] =	ssyncadd.s32 $0xFFFFFC00  }
0x5c3: {  	_ =	swait.ge [sflag:s28], $0x400  }
0x5c4: {  	[sflag:s28] =	ssyncset.done $0x0  }
0x5c5: {  	[sflag:s28] =	ssyncadd.s32 $0xFFFFFC00  }
0x5c6: {  	_ =	swait.ge [sflag:s28], $0x400  }
0x5c7: {  	[sflag:s28] =	ssyncset.done $0x0  }
0x5c8: {  	[sflag:s28] =	ssyncadd.s32 $0xFFFFFC00  }
0x5c9: {  	_ =	swait.ge [sflag:s28], $0x400  }
0x5ca: {  	[sflag:s28] =	ssyncset.done $0x0  }
0x5cb: {  	[sflag:s28] =	ssyncadd.s32 $0xFFFFFC00  }
0x5cc: {  	_ =	swait.ge [sflag:s28], $0x400  }
0x5cd: {  	[sflag:s28] =	ssyncset.done $0x0  }
0x5ce: {  	[sflag:s28] =	ssyncadd.s32 $0xFFFFFC00  }
0x5cf: {  	_ =	swait.ge [sflag:s28], $0x400  }
0x5d0: {  	[sflag:s28] =	ssyncset.done $0x0  }
0x5d1: {  	[sflag:s28] =	ssyncadd.s32 $0xFFFFFC00  }
0x5d2: {  	_ =	swait.ge [sflag:s28], $0x400  }
0x5d3: {  	[sflag:s28] =	ssyncset.done $0x0  }
0x5d4: {  	[sflag:s28] =	ssyncadd.s32 $0xFFFFFC00  }
0x5d5: {  	_ =	swait.ge [sflag:s28], $0x400  }
0x5d6: {  	[sflag:s28] =	ssyncset.done $0x0  }
0x5d7: {  	[sflag:s28] =	ssyncadd.s32 $0xFFFFFC00  }
0x5d8: {  	_ =	swait.ge [sflag:s28], $0x400  }
0x5d9: {  	[sflag:s28] =	ssyncset.done $0x0  }
0x5da: {  	[sflag:s28] =	ssyncadd.s32 $0xFFFFFC00  }
0x5db: {  	_ =	swait.ge [sflag:s28], $0x400  }
0x5dc: {  	[sflag:s28] =	ssyncset.done $0x0  }
0x5dd: {  	[sflag:s28] =	ssyncadd.s32 $0xFFFFFC00  }
0x5de: {  	[bflag:$0x0] =	sbarrier.arrive $0xFFFF  }
0x5df: {  	s30 =	sld [smem:$0x784];
	_ =	sdelay $0x1  }
.Ltmp6:
0x5e0: {  	s29 =	simm.s32 $0x0;
	s31 =	simm.s32 $0x6;
	(pc) =	sbr.rel @p0 .LBB2_18-.Ltmp6, $4  }
0x5e1: {  	[tilespmem:s29], [sflag:$0x6] =	stream.linear.gather [spmem:s30], $0x4000, $0x38;
	[tilespmem:$0x1E800] =	vst v63  }
0x5e2: {  	_ =	swait.ge [sflag:s31], $0x4000  }
0x5e3: {  	[sflag:s31] =	ssyncset.done $0x0  }
0x5e4: {  	s6 =	simm.s32 $0x4800;
	[sflag:s31] =	ssyncadd.s32 $0xFFFFC000  }
0x5e5: {  	s1 =	simm.s32 $0x4420  }
0x5e6: {  	v4 =	vld [tilespmem:s1+$0xFFFFFFF0]  }
0x5e7: {  	v3 =	vld [tilespmem:s1+$0x10];
	_ =	sdelay $0x1  }
0x5e8: {  	v6 =	vld [tilespmem:s1+$0x0];
	_ =	sdelay $0x1  }
0x5e9: {  	v7 =	vshll.u32 v4, $0x4;
	v4 =	vld [tilespmem:s1+$0xFFFFFFE0]  }
0x5ea: {  	v3 =	vshll.u32 v3, $0x4  }
0x5eb: {  	v5 =	vor.u32 v1, v3  }
0x5ec: {  	s0 =	simm.s32 $0x0;
	s2 =	simm.s32 $0x9800;
	v6 =	vshll.u32 v6, $0x4;
	s1 =	simm.s32 $0x4460;
	v3 =	vor.u32 v1, v7  }
.LBB2_16:
0x5ed: {  	v7 =	vld [tilespmem:s1+$0x10];
	s0 =	sadd.s32 $0x4, s0;
	v6 =	vor.u32 v1, v6  }
0x5ee: {  	v8 =	vld [tilespmem:s1+$0xFFFFFFF0];
	p1 =	slt.u32 s0, $0x3C;
	v4 =	vshll.u32 v4, $0x4  }
0x5ef: {  	v9 =	vld [tilespmem:s1+$0x0];
	v10 =	vor.u32 v1, v4  }
.Ltmp7:
0x5f0: {  	[tilespmem:v5+s2+$0x0] =	vst.idx.add.f32.msk $0xffff, v2;
	(pc) =	sbr.rel @p1 .LBB2_16-.Ltmp7, $4  }
0x5f1: {  	v4 =	vld [tilespmem:s1+$0xFFFFFFE0]  }
0x5f2: {  	v5 =	vshll.u32 v7, $0x4;
	[tilespmem:v3+s2+$0x0] =	vst.idx.add.f32.msk $0xffff, v2  }
0x5f3: {  	v3 =	vshll.u32 v8, $0x4;
	v5 =	vor.u32 v1, v5;
	[tilespmem:v6+s2+$0x0] =	vst.idx.add.f32.msk $0xffff, v2  }
0x5f4: {  	s1 =	sadd.s32 $0x40, s1;
	v3 =	vor.u32 v1, v3;
	v6 =	vshll.u32 v9, $0x4;
	[tilespmem:v10+s2+$0x0] =	vst.idx.add.f32.msk $0xffff, v2  }
0x5f5: {  	_ = 	snop  }
0x5f6: {  	v6 =	vor.u32 v1, v6;
	v4 =	vshll.u32 v4, $0x4  }
0x5f7: {  	v4 =	vor.u32 v1, v4;
	_ =	sdelay $0x1  }
0x5f8: {  	[tilespmem:v5+s2+$0x0] =	vst.idx.add.f32.msk $0xffff, v2  }
0x5f9: {  	[tilespmem:v3+s2+$0x0] =	vst.idx.add.f32.msk $0xffff, v2  }
0x5fa: {  	[tilespmem:v6+s2+$0x0] =	vst.idx.add.f32.msk $0xffff, v2  }
0x5fb: {  	[tilespmem:v4+s2+$0x0] =	vst.idx.add.f32.msk $0xffff, v2  }
.LBB2_18:
0x5fc: {  	s0 =	simm.s32 $0x0  }
0x5fd: {  	v3 =	vld [tilespmem:s0+$0x4400];
	_ =	sdelay $0x4  }
0x5fe: {  	v6 =	vshll.u32 v3, $0x4  }
0x5ff: {  	v3 =	vbroadcast v6, $0x0  }
0x600: {  	s3 =	simm.s32 $0x80  }
0x601: {  	v4 =	vld [tilespmem:s3+$0xFFFFFF80];
	v3 =	vor.u32 v1, v3;
	_ =	sdelay $0x3  }
0x602: {  	v5 =	vbroadcast v6, $0x1  }
0x603: {  	[tilespmem:v3+s6+$0x0] =	vst.idx.add.f32.msk $0xffff, v4  }
0x604: {  	v4 =	vor.u32 v1, v5;
	v3 =	vld [tilespmem:s3+$0xFFFFFF90];
	_ =	sdelay $0x3  }
0x605: {  	v5 =	vbroadcast v6, $0x2  }
0x606: {  	[tilespmem:v4+s6+$0x0] =	vst.idx.add.f32.msk $0xffff, v3  }
0x607: {  	v4 =	vor.u32 v1, v5;
	v3 =	vld [tilespmem:s3+$0xFFFFFFA0];
	_ =	sdelay $0x3  }
0x608: {  	v5 =	vbroadcast v6, $0x3  }
0x609: {  	[tilespmem:v4+s6+$0x0] =	vst.idx.add.f32.msk $0xffff, v3  }
0x60a: {  	v4 =	vor.u32 v1, v5;
	v3 =	vld [tilespmem:s3+$0xFFFFFFB0];
	_ =	sdelay $0x3  }
0x60b: {  	v5 =	vbroadcast v6, $0x4  }
0x60c: {  	[tilespmem:v4+s6+$0x0] =	vst.idx.add.f32.msk $0xffff, v3  }
0x60d: {  	s31 =	simm.s32 $0x10;
	v4 =	vor.u32 v1, v5;
	v3 =	vld [tilespmem:s3+$0xFFFFFFC0]  }
0x60e: {  	v5 =	vld [tilespmem:s31+$0x4400];
	_ =	sdelay $0x2  }
0x60f: {  	v7 =	vbroadcast v6, $0x5  }
0x610: {  	[tilespmem:v4+s6+$0x0] =	vst.idx.add.f32.msk $0xffff, v3  }
0x611: {  	v3 =	vshll.u32 v5, $0x4;
	v5 =	vor.u32 v1, v7;
	v4 =	vld [tilespmem:s3+$0xFFFFFFD0]  }
0x612: {  	v7 =	vbroadcast v3, $0x0  }
0x613: {  	s0 =	simm.s32 $0x180  }
0x614: {  	v8 =	vld [tilespmem:s0+$0xFFFFFF80];
	v7 =	vor.u32 v1, v7  }
0x615: {  	v9 =	vbroadcast v6, $0x6  }
0x616: {  	[tilespmem:v5+s6+$0x0] =	vst.idx.add.f32.msk $0xffff, v4  }
0x617: {  	v5 =	vor.u32 v1, v9;
	v4 =	vld [tilespmem:s3+$0xFFFFFFE0]  }
0x618: {  	v9 =	vbroadcast v3, $0x1  }
0x619: {  	[tilespmem:v7+s6+$0x0] =	vst.idx.add.f32.msk $0xffff, v8  }
0x61a: {  	v8 =	vor.u32 v1, v9;
	v7 =	vld [tilespmem:s0+$0xFFFFFF90]  }
0x61b: {  	v9 =	vbroadcast v6, $0x7  }
0x61c: {  	[tilespmem:v5+s6+$0x0] =	vst.idx.add.f32.msk $0xffff, v4  }
0x61d: {  	s1 =	simm.s32 $0x20;
	v5 =	vor.u32 v1, v9;
	v4 =	vld [tilespmem:s3+$0xFFFFFFF0]  }
0x61e: {  	v10 =	vbroadcast v3, $0x2;
	v9 =	vld [tilespmem:s1+$0x4400]  }
0x61f: {  	[tilespmem:v8+s6+$0x0] =	vst.idx.add.f32.msk $0xffff, v7  }
0x620: {  	v8 =	vor.u32 v1, v10;
	v7 =	vld [tilespmem:s0+$0xFFFFFFA0]  }
0x621: {  	v10 =	vbroadcast v6, $0x8  }
0x622: {  	[tilespmem:v5+s6+$0x0] =	vst.idx.add.f32.msk $0xffff, v4  }
0x623: {  	v10 =	vor.u32 v1, v10;
	v5 =	vld [tilespmem:s3+$0x0]  }
0x624: {  	v11 =	vbroadcast v3, $0x3  }
0x625: {  	v4 =	vshll.u32 v9, $0x4;
	[tilespmem:v8+s6+$0x0] =	vst.idx.add.f32.msk $0xffff, v7  }
0x626: {  	s1 =	simm.s32 $0x280;
	v9 =	vor.u32 v1, v11;
	v7 =	vbroadcast v4, $0x0;
	v8 =	vld [tilespmem:s0+$0xFFFFFFB0]  }
0x627: {  	v12 =	vbroadcast v6, $0x9;
	v11 =	vld [tilespmem:s1+$0xFFFFFF80]  }
0x628: {  	v7 =	vor.u32 v1, v7;
	[tilespmem:v10+s6+$0x0] =	vst.idx.add.f32.msk $0xffff, v5  }
0x629: {  	v10 =	vor.u32 v1, v12;
	v5 =	vld [tilespmem:s3+$0x10]  }
0x62a: {  	v55 =	vbroadcast v3, $0x4  }
0x62b: {  	[tilespmem:v9+s6+$0x0] =	vst.idx.add.f32.msk $0xffff, v8  }
0x62c: {  	v9 =	vor.u32 v1, v55;
	v8 =	vld [tilespmem:s0+$0xFFFFFFC0]  }
0x62d: {  	[tilespmem:v7+s6+$0x0] =	vst.idx.add.f32.msk $0xffff, v11;
	v7 =	vbroadcast v6, $0xA  }
0x62e: {  	[tilespmem:v10+s6+$0x0] =	vst.idx.add.f32.msk $0xffff, v5  }
0x62f: {  	v7 =	vor.u32 v1, v7;
	v5 =	vbroadcast v4, $0x1;
	v10 =	vld [tilespmem:s3+$0x20]  }
0x630: {  	v56 =	vbroadcast v3, $0x5;
	v11 =	vld [tilespmem:s1+$0xFFFFFF90]  }
0x631: {  	[tilespmem:v9+s6+$0x0] =	vst.idx.add.f32.msk $0xffff, v8;
	v5 =	vor.u32 v1, v5  }
0x632: {  	s2 =	simm.s32 $0x30;
	v9 =	vor.u32 v1, v56;
	v8 =	vld [tilespmem:s0+$0xFFFFFFD0]  }
0x633: {  	v57 =	vld [tilespmem:s2+$0x4400];
	v13 =	vbroadcast v6, $0xB  }
0x634: {  	[tilespmem:v7+s6+$0x0] =	vst.idx.add.f32.msk $0xffff, v10  }
0x635: {  	v10 =	vor.u32 v1, v13;
	v7 =	vld [tilespmem:s3+$0x30]  }
0x636: {  	[tilespmem:v5+s6+$0x0] =	vst.idx.add.f32.msk $0xffff, v11;
	v5 =	vbroadcast v3, $0x6  }
0x637: {  	[tilespmem:v9+s6+$0x0] =	vst.idx.add.f32.msk $0xffff, v8  }
0x638: {  	v8 =	vbroadcast v4, $0x2;
	v9 =	vld [tilespmem:s0+$0xFFFFFFE0];
	v11 =	vor.u32 v1, v5  }
0x639: {  	v58 =	vld [tilespmem:s1+$0xFFFFFFA0];
	v5 =	vbroadcast v6, $0xC  }
0x63a: {  	v8 =	vor.u32 v1, v8;
	[tilespmem:v10+s6+$0x0] =	vst.idx.add.f32.msk $0xffff, v7  }
0x63b: {  	s2 =	simm.s32 $0x380;
	v10 =	vor.u32 v1, v5;
	v7 =	vld [tilespmem:s3+$0x40]  }
0x63c: {  	v14 =	vld [tilespmem:s2+$0xFFFFFF80];
	v15 =	vbroadcast v3, $0x7  }
0x63d: {  	v5 =	vshll.u32 v57, $0x4;
	[tilespmem:v11+s6+$0x0] =	vst.idx.add.f32.msk $0xffff, v9  }
0x63e: {  	v59 =	vor.u32 v1, v15;
	v9 =	vbroadcast v5, $0x0;
	v11 =	vld [tilespmem:s0+$0xFFFFFFF0]  }
0x63f: {  	[tilespmem:v8+s6+$0x0] =	vst.idx.add.f32.msk $0xffff, v58;
	v8 =	vbroadcast v6, $0xD  }
0x640: {  	v9 =	vor.u32 v1, v9;
	[tilespmem:v10+s6+$0x0] =	vst.idx.add.f32.msk $0xffff, v7  }
0x641: {  	v8 =	vor.u32 v1, v8;
	v10 =	vld [tilespmem:s3+$0x50]  }
0x642: {  	v13 =	vld [tilespmem:s1+$0xFFFFFFB0];
	v7 =	vbroadcast v4, $0x3  }
0x643: {  	v60 =	vbroadcast v3, $0x8;
	[tilespmem:v59+s6+$0x0] =	vst.idx.add.f32.msk $0xffff, v11  }
0x644: {  	v7 =	vor.u32 v1, v7;
	v11 =	vld [tilespmem:s0+$0x0]  }
0x645: {  	v61 =	vor.u32 v1, v60;
	[tilespmem:v9+s6+$0x0] =	vst.idx.add.f32.msk $0xffff, v14;
	v9 =	vbroadcast v6, $0xE  }
0x646: {  	[tilespmem:v8+s6+$0x0] =	vst.idx.add.f32.msk $0xffff, v10  }
0x647: {  	v9 =	vor.u32 v1, v9;
	v62 =	vld [tilespmem:s3+$0x60];
	_ =	sdelay $0x1  }
0x648: {  	[tilespmem:v7+s6+$0x0] =	vst.idx.add.f32.msk $0xffff, v13  }
0x649: {  	v7 =	vbroadcast v3, $0x9;
	[tilespmem:v61+s6+$0x0] =	vst.idx.add.f32.msk $0xffff, v11  }
0x64a: {  	v8 =	vld [tilespmem:s0+$0x10]  }
0x64b: {  	v11 =	vbroadcast v4, $0x4;
	[tilespmem:v9+s6+$0x0] =	vst.idx.add.f32.msk $0xffff, v62;
	v9 =	vor.u32 v1, v7  }
0x64c: {  	v63 =	vbroadcast v6, $0xF  }
0x64d: {  	v10 =	vld [tilespmem:s1+$0xFFFFFFC0];
	v11 =	vor.u32 v1, v11  }
0x64e: {  	s4 =	simm.s32 $0x100;
	v7 =	vor.u32 v1, v63;
	v6 =	vld [tilespmem:s3+$0x70]  }
.LBB2_19:
0x64f: {  	p1 =	sne.s32 s4, $0xFC0;
	v12 =	vld [tilespmem:s2+$0xFFFFFF90];
	v13 =	vbroadcast v3, $0xA;
	s3 =	smov.u32 s2  }
0x650: {  	[tilespmem:v9+s6+$0x0] =	vst.idx.add.f32.msk $0xffff, v8  }
0x651: {  	v8 =	vbroadcast v5, $0x1;
	v9 =	vld [tilespmem:s0+$0x20];
	v13 =	vor.u32 v1, v13  }
0x652: {  	[tilespmem:v11+s6+$0x0] =	vst.idx.add.f32.msk $0xffff, v10;
	v10 =	vbroadcast v4, $0x5  }
0x653: {  	v8 =	vor.u32 v1, v8;
	[tilespmem:v7+s6+$0x0] =	vst.idx.add.f32.msk $0xffff, v6  }
0x654: {  	s5 =	sshra.s32 s4, $0x2;
	v6 =	vld [tilespmem:s1+$0xFFFFFFD0];
	v7 =	vor.u32 v1, v10  }
0x655: {  	v11 =	vbroadcast v3, $0xB;
	v10 =	vld [tilespmem:s5+$0x4400]  }
0x656: {  	[tilespmem:v13+s6+$0x0] =	vst.idx.add.f32.msk $0xffff, v9  }
0x657: {  	v11 =	vor.u32 v1, v11;
	v9 =	vld [tilespmem:s0+$0x30]  }
0x658: {  	[tilespmem:v8+s6+$0x0] =	vst.idx.add.f32.msk $0xffff, v12;
	v8 =	vbroadcast v4, $0x6  }
0x659: {  	[tilespmem:v7+s6+$0x0] =	vst.idx.add.f32.msk $0xffff, v6  }
0x65a: {  	v6 =	vbroadcast v5, $0x2;
	v7 =	vld [tilespmem:s1+$0xFFFFFFE0];
	v8 =	vor.u32 v1, v8  }
0x65b: {  	v13 =	vbroadcast v3, $0xC;
	v12 =	vld [tilespmem:s2+$0xFFFFFFA0]  }
0x65c: {  	v6 =	vor.u32 v1, v6;
	[tilespmem:v11+s6+$0x0] =	vst.idx.add.f32.msk $0xffff, v9  }
0x65d: {  	s2 =	sadd.s32 $0x100, s2;
	v11 =	vor.u32 v1, v13;
	v9 =	vld [tilespmem:s0+$0x40]  }
0x65e: {  	v14 =	vbroadcast v4, $0x7;
	v13 =	vld [tilespmem:s2+$0xFFFFFF80]  }
0x65f: {  	v15 =	vshll.u32 v10, $0x4;
	[tilespmem:v8+s6+$0x0] =	vst.idx.add.f32.msk $0xffff, v7  }
0x660: {  	v10 =	vor.u32 v1, v14;
	v7 =	vbroadcast v15, $0x0;
	v8 =	vld [tilespmem:s1+$0xFFFFFFF0]  }
0x661: {  	[tilespmem:v6+s6+$0x0] =	vst.idx.add.f32.msk $0xffff, v12;
	v6 =	vbroadcast v3, $0xD  }
0x662: {  	v7 =	vor.u32 v1, v7;
	[tilespmem:v11+s6+$0x0] =	vst.idx.add.f32.msk $0xffff, v9  }
0x663: {  	v9 =	vbroadcast v5, $0x3;
	v11 =	vld [tilespmem:s0+$0x50];
	v6 =	vor.u32 v1, v6  }
0x664: {  	v14 =	vbroadcast v4, $0x8;
	v12 =	vld [tilespmem:s3+$0xFFFFFFB0]  }
0x665: {  	v9 =	vor.u32 v1, v9;
	[tilespmem:v10+s6+$0x0] =	vst.idx.add.f32.msk $0xffff, v8  }
0x666: {  	v10 =	vor.u32 v1, v14;
	v8 =	vld [tilespmem:s1+$0x0]  }
0x667: {  	[tilespmem:v7+s6+$0x0] =	vst.idx.add.f32.msk $0xffff, v13;
	v7 =	vbroadcast v3, $0xE  }
0x668: {  	[tilespmem:v6+s6+$0x0] =	vst.idx.add.f32.msk $0xffff, v11  }
0x669: {  	v6 =	vld [tilespmem:s0+$0x60];
	v7 =	vor.u32 v1, v7  }
0x66a: {  	[tilespmem:v9+s6+$0x0] =	vst.idx.add.f32.msk $0xffff, v12;
	v9 =	vbroadcast v4, $0x9  }
.Ltmp8:
0x66b: {  	[tilespmem:v10+s6+$0x0] =	vst.idx.add.f32.msk $0xffff, v8;
	(pc) =	sbr.rel @p1 .LBB2_19-.Ltmp8, $4  }
0x66c: {  	v11 =	vbroadcast v5, $0x4;
	v8 =	vld [tilespmem:s1+$0x10];
	v9 =	vor.u32 v1, v9  }
0x66d: {  	v12 =	vbroadcast v3, $0xF;
	v3 =	vmovc v4;
	v4 =	vmov v5;
	v5 =	vmov v15;
	v10 =	vld [tilespmem:s3+$0xFFFFFFC0]  }
0x66e: {  	v11 =	vor.u32 v1, v11;
	[tilespmem:v7+s6+$0x0] =	vst.idx.add.f32.msk $0xffff, v6  }
0x66f: {  	s4 =	sadd.s32 $0x40, s4;
	v7 =	vor.u32 v1, v12;
	v6 =	vld [tilespmem:s0+$0x70];
	s0 =	smov.u32 s1;
	s1 =	smov.u32 s3  }
0x670: {  	v12 =	vbroadcast v5, $0x1;
	_ =	sdelay $0x1  }
0x671: {  	v13 =	vld [tilespmem:s2+$0xFFFFFF90];
	v12 =	vor.u32 v1, v12;
	_ =	sdelay $0x3  }
0x672: {  	v14 =	vbroadcast v5, $0x2  }
0x673: {  	[tilespmem:v12+s6+$0x0] =	vst.idx.add.f32.msk $0xffff, v13  }
0x674: {  	v59 =	vor.u32 v1, v14;
	v12 =	vld [tilespmem:s2+$0xFFFFFFA0];
	_ =	sdelay $0x3  }
0x675: {  	v60 =	vbroadcast v5, $0x3  }
0x676: {  	[tilespmem:v59+s6+$0x0] =	vst.idx.add.f32.msk $0xffff, v12  }
0x677: {  	v61 =	vor.u32 v1, v60;
	v12 =	vld [tilespmem:s2+$0xFFFFFFB0];
	_ =	sdelay $0x1  }
0x678: {  	v16 =	vbroadcast v4, $0x5  }
0x679: {  	[tilespmem:v11+s6+$0x0] =	vst.idx.add.f32.msk $0xffff, v10  }
0x67a: {  	v62 =	vbroadcast v5, $0x4;
	v17 =	vor.u32 v1, v16;
	v10 =	vld [tilespmem:s1+$0xFFFFFFD0]  }
0x67b: {  	[tilespmem:v61+s6+$0x0] =	vst.idx.add.f32.msk $0xffff, v12  }
0x67c: {  	v63 =	vor.u32 v1, v62;
	v12 =	vld [tilespmem:s2+$0xFFFFFFC0];
	_ =	sdelay $0x1  }
0x67d: {  	v20 =	vbroadcast v4, $0x6  }
0x67e: {  	[tilespmem:v17+s6+$0x0] =	vst.idx.add.f32.msk $0xffff, v10  }
0x67f: {  	v18 =	vbroadcast v5, $0x5;
	v21 =	vor.u32 v1, v20;
	v10 =	vld [tilespmem:s1+$0xFFFFFFE0]  }
0x680: {  	[tilespmem:v63+s6+$0x0] =	vst.idx.add.f32.msk $0xffff, v12  }
0x681: {  	v19 =	vor.u32 v1, v18;
	v12 =	vld [tilespmem:s2+$0xFFFFFFD0];
	_ =	sdelay $0x1  }
0x682: {  	v24 =	vbroadcast v4, $0x7  }
0x683: {  	[tilespmem:v21+s6+$0x0] =	vst.idx.add.f32.msk $0xffff, v10  }
0x684: {  	v22 =	vbroadcast v5, $0x6;
	v25 =	vor.u32 v1, v24;
	v10 =	vld [tilespmem:s1+$0xFFFFFFF0]  }
0x685: {  	[tilespmem:v19+s6+$0x0] =	vst.idx.add.f32.msk $0xffff, v12  }
0x686: {  	v23 =	vor.u32 v1, v22;
	v12 =	vld [tilespmem:s2+$0xFFFFFFE0];
	_ =	sdelay $0x1  }
0x687: {  	v28 =	vbroadcast v4, $0x8  }
0x688: {  	[tilespmem:v25+s6+$0x0] =	vst.idx.add.f32.msk $0xffff, v10  }
0x689: {  	v26 =	vbroadcast v5, $0x7;
	v29 =	vor.u32 v1, v28;
	v10 =	vld [tilespmem:s1+$0x0]  }
0x68a: {  	[tilespmem:v23+s6+$0x0] =	vst.idx.add.f32.msk $0xffff, v12  }
0x68b: {  	v27 =	vor.u32 v1, v26;
	v12 =	vld [tilespmem:s2+$0xFFFFFFF0];
	_ =	sdelay $0x1  }
0x68c: {  	v32 =	vbroadcast v4, $0x9  }
0x68d: {  	[tilespmem:v29+s6+$0x0] =	vst.idx.add.f32.msk $0xffff, v10  }
0x68e: {  	v30 =	vbroadcast v5, $0x8;
	v33 =	vor.u32 v1, v32;
	v10 =	vld [tilespmem:s1+$0x10]  }
0x68f: {  	[tilespmem:v27+s6+$0x0] =	vst.idx.add.f32.msk $0xffff, v12  }
0x690: {  	v35 =	vbroadcast v3, $0xA;
	v31 =	vor.u32 v1, v30;
	v12 =	vld [tilespmem:s2+$0x0]  }
0x691: {  	[tilespmem:v9+s6+$0x0] =	vst.idx.add.f32.msk $0xffff, v8  }
0x692: {  	v37 =	vbroadcast v4, $0xA;
	v8 =	vld [tilespmem:s0+$0x20];
	v36 =	vor.u32 v1, v35  }
0x693: {  	[tilespmem:v33+s6+$0x0] =	vst.idx.add.f32.msk $0xffff, v10  }
0x694: {  	v34 =	vbroadcast v5, $0x9;
	v38 =	vor.u32 v1, v37;
	v10 =	vld [tilespmem:s1+$0x20]  }
0x695: {  	[tilespmem:v31+s6+$0x0] =	vst.idx.add.f32.msk $0xffff, v12  }
0x696: {  	v40 =	vbroadcast v3, $0xB;
	v14 =	vor.u32 v1, v34;
	v13 =	vld [tilespmem:s2+$0x10]  }
0x697: {  	[tilespmem:v36+s6+$0x0] =	vst.idx.add.f32.msk $0xffff, v8  }
0x698: {  	v42 =	vbroadcast v4, $0xB;
	v41 =	vor.u32 v1, v40;
	v8 =	vld [tilespmem:s0+$0x30]  }
0x699: {  	[tilespmem:v38+s6+$0x0] =	vst.idx.add.f32.msk $0xffff, v10  }
0x69a: {  	v39 =	vbroadcast v5, $0xA;
	v43 =	vor.u32 v1, v42;
	v10 =	vld [tilespmem:s1+$0x30]  }
0x69b: {  	[tilespmem:v14+s6+$0x0] =	vst.idx.add.f32.msk $0xffff, v13  }
0x69c: {  	v45 =	vbroadcast v3, $0xC;
	v12 =	vor.u32 v1, v39;
	v14 =	vld [tilespmem:s2+$0x20]  }
0x69d: {  	[tilespmem:v41+s6+$0x0] =	vst.idx.add.f32.msk $0xffff, v8  }
0x69e: {  	v47 =	vbroadcast v4, $0xC;
	v46 =	vor.u32 v1, v45;
	v8 =	vld [tilespmem:s0+$0x40]  }
0x69f: {  	[tilespmem:v43+s6+$0x0] =	vst.idx.add.f32.msk $0xffff, v10  }
0x6a0: {  	v44 =	vbroadcast v5, $0xB;
	v48 =	vor.u32 v1, v47;
	v10 =	vld [tilespmem:s1+$0x40]  }
0x6a1: {  	[tilespmem:v12+s6+$0x0] =	vst.idx.add.f32.msk $0xffff, v14  }
0x6a2: {  	v50 =	vbroadcast v3, $0xD;
	v13 =	vor.u32 v1, v44;
	v14 =	vld [tilespmem:s2+$0x30]  }
0x6a3: {  	[tilespmem:v46+s6+$0x0] =	vst.idx.add.f32.msk $0xffff, v8  }
0x6a4: {  	v52 =	vbroadcast v4, $0xD;
	v51 =	vor.u32 v1, v50;
	v8 =	vld [tilespmem:s0+$0x50]  }
0x6a5: {  	[tilespmem:v48+s6+$0x0] =	vst.idx.add.f32.msk $0xffff, v10  }
0x6a6: {  	v49 =	vbroadcast v5, $0xC;
	v53 =	vor.u32 v1, v52;
	v10 =	vld [tilespmem:s1+$0x50]  }
0x6a7: {  	[tilespmem:v13+s6+$0x0] =	vst.idx.add.f32.msk $0xffff, v14  }
0x6a8: {  	v55 =	vbroadcast v3, $0xE;
	v12 =	vor.u32 v1, v49;
	v14 =	vld [tilespmem:s2+$0x40]  }
0x6a9: {  	[tilespmem:v51+s6+$0x0] =	vst.idx.add.f32.msk $0xffff, v8  }
0x6aa: {  	v57 =	vbroadcast v4, $0xE;
	v56 =	vor.u32 v1, v55;
	v8 =	vld [tilespmem:s0+$0x60]  }
0x6ab: {  	[tilespmem:v53+s6+$0x0] =	vst.idx.add.f32.msk $0xffff, v10  }
0x6ac: {  	v54 =	vbroadcast v5, $0xD;
	v58 =	vor.u32 v1, v57;
	v10 =	vld [tilespmem:s1+$0x60]  }
0x6ad: {  	[tilespmem:v12+s6+$0x0] =	vst.idx.add.f32.msk $0xffff, v14  }
0x6ae: {  	v13 =	vor.u32 v1, v54;
	v14 =	vld [tilespmem:s2+$0x50]  }
0x6af: {  	[tilespmem:v56+s6+$0x0] =	vst.idx.add.f32.msk $0xffff, v8  }
0x6b0: {  	v3 =	vbroadcast v3, $0xF;
	v8 =	vld [tilespmem:s0+$0x70]  }
0x6b1: {  	v60 =	vbroadcast v4, $0xF;
	[tilespmem:v58+s6+$0x0] =	vst.idx.add.f32.msk $0xffff, v10  }
0x6b2: {  	v3 =	vor.u32 v1, v3;
	v59 =	vbroadcast v5, $0xE;
	v61 =	vld [tilespmem:s1+$0x70]  }
0x6b3: {  	v4 =	vor.u32 v1, v60;
	[tilespmem:v13+s6+$0x0] =	vst.idx.add.f32.msk $0xffff, v14  }
0x6b4: {  	v12 =	vor.u32 v1, v59;
	v13 =	vld [tilespmem:s2+$0x60];
	_ =	sdelay $0x1  }
0x6b5: {  	[tilespmem:v7+s6+$0x0] =	vst.idx.add.f32.msk $0xffff, v6  }
0x6b6: {  	[tilespmem:v3+s6+$0x0] =	vst.idx.add.f32.msk $0xffff, v8  }
0x6b7: {  	[tilespmem:v4+s6+$0x0] =	vst.idx.add.f32.msk $0xffff, v61  }
0x6b8: {  	[tilespmem:v12+s6+$0x0] =	vst.idx.add.f32.msk $0xffff, v13  }
0x6b9: {  	v62 =	vbroadcast v5, $0xF;
	s31 =	sld [smem:$0x77F];
	_ =	sdelay $0x1  }
0x6ba: {  	v5 =	vor.u32 v1, v62;
	v63 =	vld [tilespmem:s2+$0x70]  }
0x6bb: {  	s1 =	sadd.s32 $0x1, s31  }
0x6bc: {  	p1 =	sne.s32 s1, $0x8  }
.Ltmp9:
0x6bd: {  	_ = 	snop;
	(pc) =	sbr.rel @p1 .LBB2_4-.Ltmp9, $3  }
0x6be: {  	_ = 	snop  }
0x6bf: {  	[tilespmem:v5+s6+$0x0] =	vst.idx.add.f32.msk $0xffff, v63  }
0x6c0: {  	[bflag:$0x0] =	sbarrier.arrive $0xFFFF;
	_ =	sdelay $0x1  }
0x6c1: {  	s1 =	sld [smem:$0x787];
	_ =	sdelay $0x1  }
0x6c2: {  	s0 =	simm.s32 $0x0;
	s29 =	simm.s32 $0x6  }
0x6c3: {  	[hbm4b:s1+s0] =	stream.linear.scatter [tilespmem:s6], [sflag:$0x6], $0x5000, $0x38;
	[tilespmem:$0x1E800] =	vst v63  }
0x6c4: {  	_ =	swait.ge [sflag:s29], $0x5000  }
0x6c5: {  	s2 =	sld [smem:$0x788]  }
0x6c6: {  	[sflag:s29] =	ssyncset.done $0x0  }
0x6c7: {  	s0 =	simm.s32 @!p0 $0x0;
	s1 =	simm.s32 @!p0 $0x9800;
	[sflag:s29] =	ssyncadd.s32 $0xFFFFB000  }
0x6c8: {  	[hbm4b:s2+s0] =	stream.linear.scatter @!p0 [tilespmem:s1], [sflag:$0x6], $0x5000, $0x38;
	[tilespmem:$0x1E800] =	vst v63  }
0x6c9: {  	s0 =	simm.s32 @!p0 $0x6  }
0x6ca: {  	_ =	swait.ge @!p0 [sflag:s0], $0x5000  }
0x6cb: {  	s30 =	sld [smem:$0x781]  }
0x6cc: {  	s31 =	sld [smem:$0x789];
	_ =	sdelay $0x1  }
0x6cd: {  	s2 =	sadd.s32 $0x1, s30  }
0x6ce: {  	p1 =	sne.s32 s2, s31  }
.Ltmp10:
0x6cf: {  	_ = 	snop;
	(pc) =	sbr.rel @p1 .LBB2_1-.Ltmp10, $3  }
0x6d0: {  	_ =	sdelay $0x1  }
0x6d1: {  	[sflag:s0] =	ssyncset.done @!p0 $0x0  }
0x6d2: {  	[sflag:s0] =	ssyncadd.s32 @!p0 $0xFFFFB000  }
0x6d3: {  	_ =	sfence.sel $0x180000  }
0x6d4: {  	[bflag:$0x0] =	sbarrier.arrive $0xFFFF  }
0x6d5: {  	_ =	strace $0x90000047  }
0x6d6: {  	[bflag:$0x2] =	sbarrier.arrive $0xFFFF  }
0x6d7: {  	s0 =	rddreg [dreg:$0x4]  }
0x6d8: {  	s0 =	sadd.s32 @!p0 $0x100000, s0  }
0x6d9: {  	[sflag:s0] =	ssyncadd.tile.s32 @!p0 $0x1;
	_ =	shalt  }
.Lfunc_end2:
_tile_overlayer_lowered:
.L_overlay_start_2:
0x6da: {  	(tag) =	ssettag $0x2  }
0x6db: {  	s0 =	rddreg [dreg:$0x0];
	s2 =	stileid.u32  }
0x6dc: {  	s1 =	rddreg [dreg:$0x1];
	p0 =	sne.s32 s2, $0x0  }
0x6dd: {  	s3 =	rddreg [dreg:$0x2];
	[bflag:$0x3] =	sbarrier.arrive $0xFFFF;
	s2 =	simm.s32 @!p0 $0x1C06  }
0x6de: {  	[timem:s3], [sflag:s2] =	dma.local @!p0 [hbm:s0], s1  }
0x6df: {  	s0 =	simm.s32 @!p0 $0x6  }
0x6e0: {  	_ =	swait.ge @!p0 [sflag:s0], s1  }
0x6e1: {  	s1 =	ssub.s32 @!p0 $0x0, s1;
	[sflag:s0] =	ssyncset.done @!p0 $0x0  }
0x6e2: {  	[sflag:s0] =	ssyncadd.s32 @!p0 s1  }
0x6e3: {  	[bflag:$0x3] =	sbarrier.arrive $0xFFFF  }
0x6e4: {  	_ =	shalt  }

</sc_bundles>
